<compile_context>
chip_gen: v7x
topology: tpu7x:2x2x1
jax: 0.10.2.dev20260603
libtpu: 0.0.44.dev20260713+nightly
codegen_flags: <defaults>
</compile_context>

<pallas_src>
import functools

import jax
import jax.numpy as jnp
from jax import lax
from jax.experimental import pallas as pl
from jax.experimental.pallas import tpu as pltpu
from jax.experimental.pallas import tpu_sc as plsc

NC = 2
NS = 16
NW = NC * NS

QUARTER = 16384


def _combine_body(sym_ref, pos_ref, t_ref):
    t_ref[...] = jnp.transpose(pos_ref[...] + sym_ref[...])


def _combine_tables(sym_padded, pos):
    return pl.pallas_call(
        _combine_body,
        out_shape=jax.ShapeDtypeStruct(pos.shape[::-1], pos.dtype),
    )(sym_padded, pos)


def _sc_embed(tt, idx1, dist1, b, l, d):
    v = tt.shape[1]
    b_per_w = b // NW

    mesh = plsc.VectorSubcoreMesh(
        core_axis_name="c", subcore_axis_name="s", num_cores=NC,
        num_subcores=NS)

    @functools.partial(
        pl.kernel,
        out_type=jax.ShapeDtypeStruct((b * l * d,), jnp.float32),
        mesh=mesh,
        compiler_params=pltpu.CompilerParams(needs_layout_passes=False,
                                             use_tc_tiling_on_sc=False),
        scratch_types=[
            pltpu.VMEM((d, v), jnp.float32),
            pltpu.VMEM((2, l), jnp.int32),
            pltpu.VMEM((2, l), jnp.float32),
            pltpu.VMEM((2, QUARTER), jnp.float32),
            pltpu.SemaphoreType.DMA,
            pltpu.SemaphoreType.DMA,
            pltpu.SemaphoreType.DMA,
        ],
    )
    def run(tt_hbm, idx_hbm, dist_hbm, out_hbm, tt_v, idx_v, dist_v, buf_v,
            in_sem, o_sem0, o_sem1):
        wid = lax.axis_index("s") * NC + lax.axis_index("c")
        base = wid * b_per_w
        o_sems = (o_sem0, o_sem1)

        pltpu.sync_copy(tt_hbm, tt_v)

        def start_fetch(bi, s):
            off = pl.multiple_of((base + bi) * l, l)
            pltpu.async_copy(idx_hbm.at[pl.ds(off, l)], idx_v.at[s], in_sem)
            pltpu.async_copy(dist_hbm.at[pl.ds(off, l)], dist_v.at[s],
                             in_sem)

        def wait_fetch(s):
            pltpu.make_async_copy(idx_hbm.at[pl.ds(0, l)], idx_v.at[s],
                                  in_sem).wait()
            pltpu.make_async_copy(dist_hbm.at[pl.ds(0, l)], dist_v.at[s],
                                  in_sem).wait()

        def quarter_compute(s, q, bslot):
            d_base = q * 16
            with_dist = (d_base + 16 == d)

            @plsc.parallel_loop(0, l // 16, step=1, unroll=2)
            def j_body(j):
                jo = pl.multiple_of(j * 16, 16)
                idx_vec = idx_v[s, pl.ds(jo, 16)]
                lt = j // 8
                k = j - lt * 8
                base_j = lt * 1024 + k * 16
                for d8l in range(16):
                    dd = d_base + d8l
                    val = plsc.load_gather(
                        tt_v, [jnp.full((16,), dd, jnp.int32), idx_vec])
                    if with_dist and d8l == 15:
                        val = val + dist_v[s, pl.ds(jo, 16)]
                    boff = pl.multiple_of(
                        base_j + (d8l // 8) * 8192 + (d8l % 8) * 128, 16)
                    buf_v[bslot, pl.ds(boff, 16)] = val

        def start_out(bi, q, bslot):
            off = pl.multiple_of((base + bi) * (l * d) + q * QUARTER, QUARTER)
            pltpu.async_copy(buf_v.at[bslot],
                             out_hbm.at[pl.ds(off, QUARTER)], o_sems[bslot])

        def wait_out(bslot):
            pltpu.make_async_copy(buf_v.at[bslot],
                                  out_hbm.at[pl.ds(0, QUARTER)],
                                  o_sems[bslot]).wait()

        n_q = d // 16

        def b_body(i, _):
            for bb in range(2):
                bi = 2 * i + bb
                wait_fetch(bb)

                @pl.when(bi + 1 < b_per_w)
                def _():
                    start_fetch(bi + 1, 1 - bb)

                for q in range(n_q):
                    step = bb * n_q + q
                    bslot = step % 2
                    if step >= 2:
                        wait_out(bslot)
                    else:
                        @pl.when(i > 0)
                        def _():
                            wait_out(bslot)

                    quarter_compute(bb, q, bslot)
                    start_out(bi, q, bslot)
            return 0

        start_fetch(0, 0)
        lax.fori_loop(0, b_per_w // 2, b_body, 0)
        wait_out(0)
        wait_out(1)

    return run(tt, idx1, dist1)


def kernel(used_symbols, distribution, symbol_embeddings, positional_embeddings):
    b, l = used_symbols.shape
    v, dm1 = symbol_embeddings.shape
    d = dm1 + 1

    sym_padded = jnp.pad(symbol_embeddings, ((0, 0), (0, 1)))
    tt = _combine_tables(sym_padded, positional_embeddings)

    idx1 = used_symbols.astype(jnp.int32).reshape(b * l)
    dist1 = distribution.reshape(b * l)
    flat = _sc_embed(tt, idx1, dist1, b, l, d)

    out5 = flat.reshape(b, d // 8, l // 128, 8, 128)
    return out5.transpose(0, 2, 4, 1, 3).reshape(b, l, d)

# --- scband reference (transcript-rebuilt; emitter-appended) ---
"""Pipeline reference for scband-direct-probability-distribution-embedder-40475771798147 (READ-ONLY COPY).

The authoritative reference and input builder live on the scoring server;
editing this copy changes nothing except your own understanding.
"""

import jax, jax.numpy as jnp
import numpy as np

N_SYMBOLS = 1023
N_EMBED = 64
B = 1024
L = N_SYMBOLS + 1
INIT_STD = 0.02


def setup_inputs(seed: int = 0) -> dict:
    key = jax.random.key(seed)
    k1, k2, k3, k4 = jax.random.split(key, 4)
    used_symbols = jax.random.randint(k1, (B, L), 0, N_SYMBOLS + 1, dtype=jnp.int64 if jax.config.jax_enable_x64 else jnp.int32)
    distribution = jax.random.uniform(k2, (B, L), dtype=jnp.float32)
    symbol_embeddings = INIT_STD * jax.random.normal(k3, (N_SYMBOLS + 1, N_EMBED - 1), dtype=jnp.float32)
    positional_embeddings = INIT_STD * jax.random.normal(k4, (N_SYMBOLS + 1, N_EMBED), dtype=jnp.float32)
    return {
        "used_symbols": used_symbols,
        "distribution": distribution,
        "symbol_embeddings": symbol_embeddings,
        "positional_embeddings": positional_embeddings,
    }


def reference(used_symbols, distribution, symbol_embeddings, positional_embeddings):
    # x = positional_embeddings[used_symbols] -> [B, L, n_embed]
    x = jnp.take(positional_embeddings, used_symbols, axis=0)
    # last embedding channel accumulates the probability value
    x = x.at[:, :, -1].add(distribution)
    # first n_embed-1 channels accumulate the symbol embedding
    x = x.at[:, :, :-1].add(jnp.take(symbol_embeddings, used_symbols, axis=0))
    return x

if __name__ == "__main__":
    import jax
    _d = setup_inputs()
    print(jax.jit(kernel)(*tuple(_d.values())))

</pallas_src>

<mosaic_0001>
#map = affine_map<(d0, d1) -> (0, 0)>
#map1 = affine_map<(d0, d1) -> (0)>
module attributes {stable_mosaic.version = 14 : i64} {
  func.func @run(%arg0: i32, %arg1: i32, %arg2: memref<64x1024xf32, #tpu.memory_space<hbm>>, %arg3: memref<1048576xi32, #tpu.memory_space<hbm>>, %arg4: memref<1048576xf32, #tpu.memory_space<hbm>>, %arg5: memref<67108864xf32, #tpu.memory_space<hbm>>, %arg6: memref<64x1024xf32, #tpu.memory_space<vmem>>, %arg7: memref<2x1024xi32, #tpu.memory_space<vmem>>, %arg8: memref<2x1024xf32, #tpu.memory_space<vmem>>, %arg9: memref<2x16384xf32, #tpu.memory_space<vmem>>, %arg10: memref<!tpu.dma_semaphore, #tpu.memory_space<semaphore_mem>>, %arg11: memref<!tpu.dma_semaphore, #tpu.memory_space<semaphore_mem>>, %arg12: memref<!tpu.dma_semaphore, #tpu.memory_space<semaphore_mem>>) attributes {dimension_semantics = [#tpu.dimension_semantics<core_parallel>, #tpu.dimension_semantics<subcore_parallel>], iteration_bounds = array<i64: 2, 16>, scalar_prefetch = 0 : i64, scratch_operands = 7 : i64, tpu.core_type = #tpu.core_type<sc_vector_subcore>, window_params = [{transform_indices = #map}, {transform_indices = #map1}, {transform_indices = #map1}, {transform_indices = #map1}]} {
    %mul3A = arith.constant 2 : i32
    %mul3A_0 = arith.muli %arg1, %mul3A : i32
    %add3A = arith.addi %mul3A_0, %arg0 : i32
    %mul3A_1 = arith.constant 32 : i32
    %mul3A_2 = arith.muli %add3A, %mul3A_1 : i32
    "tpu.region"() ({
      %run_scoped3A = tpu.sem_alloc : memref<!tpu.dma_semaphore, #tpu.memory_space<semaphore_mem>>
      tpu.enqueue_dma source(%arg2 : memref<64x1024xf32, #tpu.memory_space<hbm>>) target(%arg6 : memref<64x1024xf32, #tpu.memory_space<vmem>>) target_semaphore(%run_scoped3A : memref<!tpu.dma_semaphore, #tpu.memory_space<semaphore_mem>>)
      tpu.wait_dma2 semaphore(%run_scoped3A : memref<!tpu.dma_semaphore, #tpu.memory_space<semaphore_mem>>) src(%arg2 : memref<64x1024xf32, #tpu.memory_space<hbm>>) dst(%arg6 : memref<64x1024xf32, #tpu.memory_space<vmem>>)
      tpu.yield
    }) : () -> ()
    %add3A_3 = arith.constant 0 : i32
    %add3A_4 = arith.addi %mul3A_2, %add3A_3 : i32
    %mul3A_5 = arith.constant 1024 : i32
    %mul3A_6 = arith.muli %add3A_4, %mul3A_5 : i32
    %multiple_of3A = tpu.assume_multiple %mul3A_6, 1024 : i32
    %dma_start3A = arith.constant 0 : i32
    %dma_start3A_7 = arith.constant 0 : i32
    %dma_start3A_8 = tpu.memref_slice %arg7[%dma_start3A, %dma_start3A_7] : memref<2x1024xi32, #tpu.memory_space<vmem>> -> memref<1x1024xi32, #tpu.memory_space<vmem>>
    %dma_start3A_9 = tpu.memref_squeeze %dma_start3A_8 : memref<1x1024xi32, #tpu.memory_space<vmem>> -> memref<1024xi32, #tpu.memory_space<vmem>>
    %dma_start3A_10 = tpu.memref_slice %arg3[%multiple_of3A] : memref<1048576xi32, #tpu.memory_space<hbm>> -> memref<1024xi32, #tpu.memory_space<hbm>>
    %dma_start3A_11 = arith.constant 0 : i32
    %dma_start3A_12 = tpu.memref_slice %arg7[%dma_start3A, %dma_start3A_11] : memref<2x1024xi32, #tpu.memory_space<vmem>> -> memref<1x1024xi32, #tpu.memory_space<vmem>>
    %dma_start3A_13 = tpu.memref_squeeze %dma_start3A_12 : memref<1x1024xi32, #tpu.memory_space<vmem>> -> memref<1024xi32, #tpu.memory_space<vmem>>
    %dma_start3A_14 = tpu.memref_slice %arg3[%multiple_of3A] : memref<1048576xi32, #tpu.memory_space<hbm>> -> memref<1024xi32, #tpu.memory_space<hbm>>
    tpu.enqueue_dma source(%dma_start3A_14 : memref<1024xi32, #tpu.memory_space<hbm>>) target(%dma_start3A_13 : memref<1024xi32, #tpu.memory_space<vmem>>) target_semaphore(%arg10 : memref<!tpu.dma_semaphore, #tpu.memory_space<semaphore_mem>>)
    %dma_start3A_15 = arith.constant 0 : i32
    %dma_start3A_16 = arith.constant 0 : i32
    %dma_start3A_17 = tpu.memref_slice %arg8[%dma_start3A_15, %dma_start3A_16] : memref<2x1024xf32, #tpu.memory_space<vmem>> -> memref<1x1024xf32, #tpu.memory_space<vmem>>
    %dma_start3A_18 = tpu.memref_squeeze %dma_start3A_17 : memref<1x1024xf32, #tpu.memory_space<vmem>> -> memref<1024xf32, #tpu.memory_space<vmem>>
    %dma_start3A_19 = tpu.memref_slice %arg4[%multiple_of3A] : memref<1048576xf32, #tpu.memory_space<hbm>> -> memref<1024xf32, #tpu.memory_space<hbm>>
    %dma_start3A_20 = arith.constant 0 : i32
    %dma_start3A_21 = tpu.memref_slice %arg8[%dma_start3A_15, %dma_start3A_20] : memref<2x1024xf32, #tpu.memory_space<vmem>> -> memref<1x1024xf32, #tpu.memory_space<vmem>>
    %dma_start3A_22 = tpu.memref_squeeze %dma_start3A_21 : memref<1x1024xf32, #tpu.memory_space<vmem>> -> memref<1024xf32, #tpu.memory_space<vmem>>
    %dma_start3A_23 = tpu.memref_slice %arg4[%multiple_of3A] : memref<1048576xf32, #tpu.memory_space<hbm>> -> memref<1024xf32, #tpu.memory_space<hbm>>
    tpu.enqueue_dma source(%dma_start3A_23 : memref<1024xf32, #tpu.memory_space<hbm>>) target(%dma_start3A_22 : memref<1024xf32, #tpu.memory_space<vmem>>) target_semaphore(%arg10 : memref<!tpu.dma_semaphore, #tpu.memory_space<semaphore_mem>>)
    %scan3A = arith.constant 0 : i32
    %scan3A_24 = arith.constant 0 : i32
    %scan3A_25 = arith.constant 16 : i32
    %scan3A_26 = arith.addi %scan3A_24, %scan3A_25 : i32
    %scan3A_27 = arith.constant 1 : i32
    %scan3A_28 = scf.for %scan3A_51 = %scan3A_24 to %scan3A_26 step %scan3A_27 iter_args(%scan3A_52 = %scan3A) -> (i32)  : i32 {
      %mul3A_53 = arith.constant 2 : i32
      %mul3A_54 = arith.muli %mul3A_53, %scan3A_51 : i32
      %add3A_55 = arith.constant 0 : i32
      %add3A_56 = arith.addi %mul3A_54, %add3A_55 : i32
      %dma_wait3A_57 = arith.constant 0 : i32
      %dma_wait3A_58 = arith.constant 0 : i32
      %dma_wait3A_59 = tpu.memref_slice %arg7[%dma_wait3A_57, %dma_wait3A_58] : memref<2x1024xi32, #tpu.memory_space<vmem>> -> memref<1x1024xi32, #tpu.memory_space<vmem>>
      %dma_wait3A_60 = tpu.memref_squeeze %dma_wait3A_59 : memref<1x1024xi32, #tpu.memory_space<vmem>> -> memref<1024xi32, #tpu.memory_space<vmem>>
      %dma_wait3A_61 = arith.constant 0 : i32
      %dma_wait3A_62 = tpu.memref_slice %arg3[%dma_wait3A_61] : memref<1048576xi32, #tpu.memory_space<hbm>> -> memref<1024xi32, #tpu.memory_space<hbm>>
      %dma_wait3A_63 = arith.constant 0 : i32
      %dma_wait3A_64 = tpu.memref_slice %arg7[%dma_wait3A_57, %dma_wait3A_63] : memref<2x1024xi32, #tpu.memory_space<vmem>> -> memref<1x1024xi32, #tpu.memory_space<vmem>>
      %dma_wait3A_65 = tpu.memref_squeeze %dma_wait3A_64 : memref<1x1024xi32, #tpu.memory_space<vmem>> -> memref<1024xi32, #tpu.memory_space<vmem>>
      %dma_wait3A_66 = arith.constant 0 : i32
      %dma_wait3A_67 = tpu.memref_slice %arg3[%dma_wait3A_66] : memref<1048576xi32, #tpu.memory_space<hbm>> -> memref<1024xi32, #tpu.memory_space<hbm>>
      tpu.wait_dma2 semaphore(%arg10 : memref<!tpu.dma_semaphore, #tpu.memory_space<semaphore_mem>>) src(%dma_wait3A_67 : memref<1024xi32, #tpu.memory_space<hbm>>) dst(%dma_wait3A_65 : memref<1024xi32, #tpu.memory_space<vmem>>)
      %dma_wait3A_68 = arith.constant 0 : i32
      %dma_wait3A_69 = arith.constant 0 : i32
      %dma_wait3A_70 = tpu.memref_slice %arg8[%dma_wait3A_68, %dma_wait3A_69] : memref<2x1024xf32, #tpu.memory_space<vmem>> -> memref<1x1024xf32, #tpu.memory_space<vmem>>
      %dma_wait3A_71 = tpu.memref_squeeze %dma_wait3A_70 : memref<1x1024xf32, #tpu.memory_space<vmem>> -> memref<1024xf32, #tpu.memory_space<vmem>>
      %dma_wait3A_72 = arith.constant 0 : i32
      %dma_wait3A_73 = tpu.memref_slice %arg4[%dma_wait3A_72] : memref<1048576xf32, #tpu.memory_space<hbm>> -> memref<1024xf32, #tpu.memory_space<hbm>>
      %dma_wait3A_74 = arith.constant 0 : i32
      %dma_wait3A_75 = tpu.memref_slice %arg8[%dma_wait3A_68, %dma_wait3A_74] : memref<2x1024xf32, #tpu.memory_space<vmem>> -> memref<1x1024xf32, #tpu.memory_space<vmem>>
      %dma_wait3A_76 = tpu.memref_squeeze %dma_wait3A_75 : memref<1x1024xf32, #tpu.memory_space<vmem>> -> memref<1024xf32, #tpu.memory_space<vmem>>
      %dma_wait3A_77 = arith.constant 0 : i32
      %dma_wait3A_78 = tpu.memref_slice %arg4[%dma_wait3A_77] : memref<1048576xf32, #tpu.memory_space<hbm>> -> memref<1024xf32, #tpu.memory_space<hbm>>
      tpu.wait_dma2 semaphore(%arg10 : memref<!tpu.dma_semaphore, #tpu.memory_space<semaphore_mem>>) src(%dma_wait3A_78 : memref<1024xf32, #tpu.memory_space<hbm>>) dst(%dma_wait3A_76 : memref<1024xf32, #tpu.memory_space<vmem>>)
      %add3A_79 = arith.constant 1 : i32
      %add3A_80 = arith.addi %add3A_56, %add3A_79 : i32
      %lt3A = arith.constant 32 : i32
      %lt3A_81 = arith.cmpi slt, %add3A_80, %lt3A : i32
      %convert_element_type3A = arith.extui %lt3A_81 : i1 to i32
      %cond3A = arith.constant 0 : i32
      %cond3A_82 = arith.cmpi ne, %convert_element_type3A, %cond3A : i32
      scf.if %cond3A_82 {
        %add3A_335 = arith.constant 1 : i32
        %add3A_336 = arith.addi %add3A_56, %add3A_335 : i32
        %add3A_337 = arith.addi %mul3A_2, %add3A_336 : i32
        %mul3A_338 = arith.constant 1024 : i32
        %mul3A_339 = arith.muli %add3A_337, %mul3A_338 : i32
        %multiple_of3A_340 = tpu.assume_multiple %mul3A_339, 1024 : i32
        %dma_start3A_341 = arith.constant 1 : i32
        %dma_start3A_342 = arith.constant 0 : i32
        %dma_start3A_343 = tpu.memref_slice %arg7[%dma_start3A_341, %dma_start3A_342] : memref<2x1024xi32, #tpu.memory_space<vmem>> -> memref<1x1024xi32, #tpu.memory_space<vmem>>
        %dma_start3A_344 = tpu.memref_squeeze %dma_start3A_343 : memref<1x1024xi32, #tpu.memory_space<vmem>> -> memref<1024xi32, #tpu.memory_space<vmem>>
        %dma_start3A_345 = tpu.memref_slice %arg3[%multiple_of3A_340] : memref<1048576xi32, #tpu.memory_space<hbm>> -> memref<1024xi32, #tpu.memory_space<hbm>>
        %dma_start3A_346 = arith.constant 0 : i32
        %dma_start3A_347 = tpu.memref_slice %arg7[%dma_start3A_341, %dma_start3A_346] : memref<2x1024xi32, #tpu.memory_space<vmem>> -> memref<1x1024xi32, #tpu.memory_space<vmem>>
        %dma_start3A_348 = tpu.memref_squeeze %dma_start3A_347 : memref<1x1024xi32, #tpu.memory_space<vmem>> -> memref<1024xi32, #tpu.memory_space<vmem>>
        %dma_start3A_349 = tpu.memref_slice %arg3[%multiple_of3A_340] : memref<1048576xi32, #tpu.memory_space<hbm>> -> memref<1024xi32, #tpu.memory_space<hbm>>
        tpu.enqueue_dma source(%dma_start3A_349 : memref<1024xi32, #tpu.memory_space<hbm>>) target(%dma_start3A_348 : memref<1024xi32, #tpu.memory_space<vmem>>) target_semaphore(%arg10 : memref<!tpu.dma_semaphore, #tpu.memory_space<semaphore_mem>>)
        %dma_start3A_350 = arith.constant 1 : i32
        %dma_start3A_351 = arith.constant 0 : i32
        %dma_start3A_352 = tpu.memref_slice %arg8[%dma_start3A_350, %dma_start3A_351] : memref<2x1024xf32, #tpu.memory_space<vmem>> -> memref<1x1024xf32, #tpu.memory_space<vmem>>
        %dma_start3A_353 = tpu.memref_squeeze %dma_start3A_352 : memref<1x1024xf32, #tpu.memory_space<vmem>> -> memref<1024xf32, #tpu.memory_space<vmem>>
        %dma_start3A_354 = tpu.memref_slice %arg4[%multiple_of3A_340] : memref<1048576xf32, #tpu.memory_space<hbm>> -> memref<1024xf32, #tpu.memory_space<hbm>>
        %dma_start3A_355 = arith.constant 0 : i32
        %dma_start3A_356 = tpu.memref_slice %arg8[%dma_start3A_350, %dma_start3A_355] : memref<2x1024xf32, #tpu.memory_space<vmem>> -> memref<1x1024xf32, #tpu.memory_space<vmem>>
        %dma_start3A_357 = tpu.memref_squeeze %dma_start3A_356 : memref<1x1024xf32, #tpu.memory_space<vmem>> -> memref<1024xf32, #tpu.memory_space<vmem>>
        %dma_start3A_358 = tpu.memref_slice %arg4[%multiple_of3A_340] : memref<1048576xf32, #tpu.memory_space<hbm>> -> memref<1024xf32, #tpu.memory_space<hbm>>
        tpu.enqueue_dma source(%dma_start3A_358 : memref<1024xf32, #tpu.memory_space<hbm>>) target(%dma_start3A_357 : memref<1024xf32, #tpu.memory_space<vmem>>) target_semaphore(%arg10 : memref<!tpu.dma_semaphore, #tpu.memory_space<semaphore_mem>>)
      } else {
      }
      %gt3A = arith.constant 0 : i32
      %gt3A_83 = arith.cmpi sgt, %scan3A_51, %gt3A : i32
      %convert_element_type3A_84 = arith.extui %gt3A_83 : i1 to i32
      %cond3A_85 = arith.constant 0 : i32
      %cond3A_86 = arith.cmpi ne, %convert_element_type3A_84, %cond3A_85 : i32
      scf.if %cond3A_86 {
        %dma_wait3A_335 = arith.constant 0 : i32
        %dma_wait3A_336 = arith.constant 0 : i32
        %dma_wait3A_337 = tpu.memref_slice %arg9[%dma_wait3A_335, %dma_wait3A_336] : memref<2x16384xf32, #tpu.memory_space<vmem>> -> memref<1x16384xf32, #tpu.memory_space<vmem>>
        %dma_wait3A_338 = tpu.memref_squeeze %dma_wait3A_337 : memref<1x16384xf32, #tpu.memory_space<vmem>> -> memref<16384xf32, #tpu.memory_space<vmem>>
        %dma_wait3A_339 = arith.constant 0 : i32
        %dma_wait3A_340 = tpu.memref_slice %arg5[%dma_wait3A_339] : memref<67108864xf32, #tpu.memory_space<hbm>> -> memref<16384xf32, #tpu.memory_space<hbm>>
        %dma_wait3A_341 = arith.constant 0 : i32
        %dma_wait3A_342 = tpu.memref_slice %arg5[%dma_wait3A_341] : memref<67108864xf32, #tpu.memory_space<hbm>> -> memref<16384xf32, #tpu.memory_space<hbm>>
        %dma_wait3A_343 = arith.constant 0 : i32
        %dma_wait3A_344 = tpu.memref_slice %arg9[%dma_wait3A_335, %dma_wait3A_343] : memref<2x16384xf32, #tpu.memory_space<vmem>> -> memref<1x16384xf32, #tpu.memory_space<vmem>>
        %dma_wait3A_345 = tpu.memref_squeeze %dma_wait3A_344 : memref<1x16384xf32, #tpu.memory_space<vmem>> -> memref<16384xf32, #tpu.memory_space<vmem>>
        tpu.wait_dma2 semaphore(%arg11 : memref<!tpu.dma_semaphore, #tpu.memory_space<semaphore_mem>>) src(%dma_wait3A_345 : memref<16384xf32, #tpu.memory_space<vmem>>) dst(%dma_wait3A_342 : memref<16384xf32, #tpu.memory_space<hbm>>)
      } else {
      }
      %parallel_loop3A = arith.constant 0 : i32
      %parallel_loop3A_87 = arith.constant 64 : i32
      %parallel_loop3A_88 = arith.constant 1 : i32
      scf.for %parallel_loop3A_335 = %parallel_loop3A to %parallel_loop3A_87 step %parallel_loop3A_88  : i32 {
        %parallel_loop3A_336 = arith.constant 16 : i32
        %parallel_loop3A_337 = arith.muli %parallel_loop3A_335, %parallel_loop3A_336 : i32
        %parallel_loop3A_338 = tpu.assume_multiple %parallel_loop3A_337, 16 : i32
        %parallel_loop3A_339 = arith.constant 0 : i32
        %parallel_loop3A_340 = arith.index_cast %parallel_loop3A_339 : i32 to index
        %parallel_loop3A_341 = arith.index_cast %parallel_loop3A_338 : i32 to index
        %parallel_loop3A_342 = tpu.vector_load %arg7[%parallel_loop3A_340, %parallel_loop3A_341] {strides = array<i32>} : memref<2x1024xi32, #tpu.memory_space<vmem>>, vector<16xi32>,
        %parallel_loop3A_343 = arith.constant 8 : i32
        %parallel_loop3A_344 = arith.divsi %parallel_loop3A_335, %parallel_loop3A_343 : i32
        %parallel_loop3A_345 = arith.constant 0 : i32
        %parallel_loop3A_346 = arith.cmpi sgt, %parallel_loop3A_335, %parallel_loop3A_345 : i32
        %parallel_loop3A_347 = arith.extui %parallel_loop3A_346 : i1 to i32
        %parallel_loop3A_348 = arith.constant 0 : i32
        %parallel_loop3A_349 = arith.cmpi slt, %parallel_loop3A_335, %parallel_loop3A_348 : i32
        %parallel_loop3A_350 = arith.extui %parallel_loop3A_349 : i1 to i32
        %parallel_loop3A_351 = arith.subi %parallel_loop3A_347, %parallel_loop3A_350 : i32
        %parallel_loop3A_352 = arith.constant 0 : i32
        %parallel_loop3A_353 = arith.cmpi sgt, %parallel_loop3A_343, %parallel_loop3A_352 : i32
        %parallel_loop3A_354 = arith.extui %parallel_loop3A_353 : i1 to i32
        %parallel_loop3A_355 = arith.constant 0 : i32
        %parallel_loop3A_356 = arith.cmpi slt, %parallel_loop3A_343, %parallel_loop3A_355 : i32
        %parallel_loop3A_357 = arith.extui %parallel_loop3A_356 : i1 to i32
        %parallel_loop3A_358 = arith.subi %parallel_loop3A_354, %parallel_loop3A_357 : i32
        %parallel_loop3A_359 = arith.cmpi ne, %parallel_loop3A_351, %parallel_loop3A_358 : i32
        %parallel_loop3A_360 = arith.remsi %parallel_loop3A_335, %parallel_loop3A_343 : i32
        %parallel_loop3A_361 = arith.constant 0 : i32
        %parallel_loop3A_362 = arith.cmpi ne, %parallel_loop3A_360, %parallel_loop3A_361 : i32
        %parallel_loop3A_363 = arith.andi %parallel_loop3A_359, %parallel_loop3A_362 : i1
        %parallel_loop3A_364 = arith.constant 1 : i32
        %parallel_loop3A_365 = arith.subi %parallel_loop3A_344, %parallel_loop3A_364 : i32
        %parallel_loop3A_366 = arith.select %parallel_loop3A_363, %parallel_loop3A_365, %parallel_loop3A_344 : i32
        %parallel_loop3A_367 = arith.constant 8 : i32
        %parallel_loop3A_368 = arith.muli %parallel_loop3A_366, %parallel_loop3A_367 : i32
        %parallel_loop3A_369 = arith.subi %parallel_loop3A_335, %parallel_loop3A_368 : i32
        %parallel_loop3A_370 = arith.constant 1024 : i32
        %parallel_loop3A_371 = arith.muli %parallel_loop3A_366, %parallel_loop3A_370 : i32
        %parallel_loop3A_372 = arith.constant 16 : i32
        %parallel_loop3A_373 = arith.muli %parallel_loop3A_369, %parallel_loop3A_372 : i32
        %parallel_loop3A_374 = arith.addi %parallel_loop3A_371, %parallel_loop3A_373 : i32
        %parallel_loop3A_375 = arith.constant 0 : i32
        %parallel_loop3A_376 = vector.broadcast %parallel_loop3A_375 : i32 to vector<16xi32>
        %parallel_loop3A_377 = tpu.vector_load_idx %arg6[%parallel_loop3A_376, %parallel_loop3A_342] : memref<64x1024xf32, #tpu.memory_space<vmem>>[vector<16xi32>, vector<16xi32>], vector<16xf32>,
        %parallel_loop3A_378 = arith.constant 0 : i32
        %parallel_loop3A_379 = arith.addi %parallel_loop3A_374, %parallel_loop3A_378 : i32
        %parallel_loop3A_380 = arith.constant 0 : i32
        %parallel_loop3A_381 = arith.addi %parallel_loop3A_379, %parallel_loop3A_380 : i32
        %parallel_loop3A_382 = tpu.assume_multiple %parallel_loop3A_381, 16 : i32
        %parallel_loop3A_383 = arith.constant 0 : i32
        %parallel_loop3A_384 = arith.index_cast %parallel_loop3A_383 : i32 to index
        %parallel_loop3A_385 = arith.index_cast %parallel_loop3A_382 : i32 to index
        %parallel_loop3A_386 = tpu.vector_load %arg9[%parallel_loop3A_384, %parallel_loop3A_385] {strides = array<i32>} : memref<2x16384xf32, #tpu.memory_space<vmem>>, vector<16xf32>,
        tpu.vector_store %arg9[%parallel_loop3A_384, %parallel_loop3A_385], %parallel_loop3A_377 {strides = array<i32>} : memref<2x16384xf32, #tpu.memory_space<vmem>>, vector<16xf32>,
        %parallel_loop3A_387 = arith.constant 1 : i32
        %parallel_loop3A_388 = vector.broadcast %parallel_loop3A_387 : i32 to vector<16xi32>
        %parallel_loop3A_389 = tpu.vector_load_idx %arg6[%parallel_loop3A_388, %parallel_loop3A_342] : memref<64x1024xf32, #tpu.memory_space<vmem>>[vector<16xi32>, vector<16xi32>], vector<16xf32>,
        %parallel_loop3A_390 = arith.constant 0 : i32
        %parallel_loop3A_391 = arith.addi %parallel_loop3A_374, %parallel_loop3A_390 : i32
        %parallel_loop3A_392 = arith.constant 128 : i32
        %parallel_loop3A_393 = arith.addi %parallel_loop3A_391, %parallel_loop3A_392 : i32
        %parallel_loop3A_394 = tpu.assume_multiple %parallel_loop3A_393, 16 : i32
        %parallel_loop3A_395 = arith.constant 0 : i32
        %parallel_loop3A_396 = arith.index_cast %parallel_loop3A_395 : i32 to index
        %parallel_loop3A_397 = arith.index_cast %parallel_loop3A_394 : i32 to index
        %parallel_loop3A_398 = tpu.vector_load %arg9[%parallel_loop3A_396, %parallel_loop3A_397] {strides = array<i32>} : memref<2x16384xf32, #tpu.memory_space<vmem>>, vector<16xf32>,
        tpu.vector_store %arg9[%parallel_loop3A_396, %parallel_loop3A_397], %parallel_loop3A_389 {strides = array<i32>} : memref<2x16384xf32, #tpu.memory_space<vmem>>, vector<16xf32>,
        %parallel_loop3A_399 = arith.constant 2 : i32
        %parallel_loop3A_400 = vector.broadcast %parallel_loop3A_399 : i32 to vector<16xi32>
        %parallel_loop3A_401 = tpu.vector_load_idx %arg6[%parallel_loop3A_400, %parallel_loop3A_342] : memref<64x1024xf32, #tpu.memory_space<vmem>>[vector<16xi32>, vector<16xi32>], vector<16xf32>,
        %parallel_loop3A_402 = arith.constant 0 : i32
        %parallel_loop3A_403 = arith.addi %parallel_loop3A_374, %parallel_loop3A_402 : i32
        %parallel_loop3A_404 = arith.constant 256 : i32
        %parallel_loop3A_405 = arith.addi %parallel_loop3A_403, %parallel_loop3A_404 : i32
        %parallel_loop3A_406 = tpu.assume_multiple %parallel_loop3A_405, 16 : i32
        %parallel_loop3A_407 = arith.constant 0 : i32
        %parallel_loop3A_408 = arith.index_cast %parallel_loop3A_407 : i32 to index
        %parallel_loop3A_409 = arith.index_cast %parallel_loop3A_406 : i32 to index
        %parallel_loop3A_410 = tpu.vector_load %arg9[%parallel_loop3A_408, %parallel_loop3A_409] {strides = array<i32>} : memref<2x16384xf32, #tpu.memory_space<vmem>>, vector<16xf32>,
        tpu.vector_store %arg9[%parallel_loop3A_408, %parallel_loop3A_409], %parallel_loop3A_401 {strides = array<i32>} : memref<2x16384xf32, #tpu.memory_space<vmem>>, vector<16xf32>,
        %parallel_loop3A_411 = arith.constant 3 : i32
        %parallel_loop3A_412 = vector.broadcast %parallel_loop3A_411 : i32 to vector<16xi32>
        %parallel_loop3A_413 = tpu.vector_load_idx %arg6[%parallel_loop3A_412, %parallel_loop3A_342] : memref<64x1024xf32, #tpu.memory_space<vmem>>[vector<16xi32>, vector<16xi32>], vector<16xf32>,
        %parallel_loop3A_414 = arith.constant 0 : i32
        %parallel_loop3A_415 = arith.addi %parallel_loop3A_374, %parallel_loop3A_414 : i32
        %parallel_loop3A_416 = arith.constant 384 : i32
        %parallel_loop3A_417 = arith.addi %parallel_loop3A_415, %parallel_loop3A_416 : i32
        %parallel_loop3A_418 = tpu.assume_multiple %parallel_loop3A_417, 16 : i32
        %parallel_loop3A_419 = arith.constant 0 : i32
        %parallel_loop3A_420 = arith.index_cast %parallel_loop3A_419 : i32 to index
        %parallel_loop3A_421 = arith.index_cast %parallel_loop3A_418 : i32 to index
        %parallel_loop3A_422 = tpu.vector_load %arg9[%parallel_loop3A_420, %parallel_loop3A_421] {strides = array<i32>} : memref<2x16384xf32, #tpu.memory_space<vmem>>, vector<16xf32>,
        tpu.vector_store %arg9[%parallel_loop3A_420, %parallel_loop3A_421], %parallel_loop3A_413 {strides = array<i32>} : memref<2x16384xf32, #tpu.memory_space<vmem>>, vector<16xf32>,
        %parallel_loop3A_423 = arith.constant 4 : i32
        %parallel_loop3A_424 = vector.broadcast %parallel_loop3A_423 : i32 to vector<16xi32>
        %parallel_loop3A_425 = tpu.vector_load_idx %arg6[%parallel_loop3A_424, %parallel_loop3A_342] : memref<64x1024xf32, #tpu.memory_space<vmem>>[vector<16xi32>, vector<16xi32>], vector<16xf32>,
        %parallel_loop3A_426 = arith.constant 0 : i32
        %parallel_loop3A_427 = arith.addi %parallel_loop3A_374, %parallel_loop3A_426 : i32
        %parallel_loop3A_428 = arith.constant 512 : i32
        %parallel_loop3A_429 = arith.addi %parallel_loop3A_427, %parallel_loop3A_428 : i32
        %parallel_loop3A_430 = tpu.assume_multiple %parallel_loop3A_429, 16 : i32
        %parallel_loop3A_431 = arith.constant 0 : i32
        %parallel_loop3A_432 = arith.index_cast %parallel_loop3A_431 : i32 to index
        %parallel_loop3A_433 = arith.index_cast %parallel_loop3A_430 : i32 to index
        %parallel_loop3A_434 = tpu.vector_load %arg9[%parallel_loop3A_432, %parallel_loop3A_433] {strides = array<i32>} : memref<2x16384xf32, #tpu.memory_space<vmem>>, vector<16xf32>,
        tpu.vector_store %arg9[%parallel_loop3A_432, %parallel_loop3A_433], %parallel_loop3A_425 {strides = array<i32>} : memref<2x16384xf32, #tpu.memory_space<vmem>>, vector<16xf32>,
        %parallel_loop3A_435 = arith.constant 5 : i32
        %parallel_loop3A_436 = vector.broadcast %parallel_loop3A_435 : i32 to vector<16xi32>
        %parallel_loop3A_437 = tpu.vector_load_idx %arg6[%parallel_loop3A_436, %parallel_loop3A_342] : memref<64x1024xf32, #tpu.memory_space<vmem>>[vector<16xi32>, vector<16xi32>], vector<16xf32>,
        %parallel_loop3A_438 = arith.constant 0 : i32
        %parallel_loop3A_439 = arith.addi %parallel_loop3A_374, %parallel_loop3A_438 : i32
        %parallel_loop3A_440 = arith.constant 640 : i32
        %parallel_loop3A_441 = arith.addi %parallel_loop3A_439, %parallel_loop3A_440 : i32
        %parallel_loop3A_442 = tpu.assume_multiple %parallel_loop3A_441, 16 : i32
        %parallel_loop3A_443 = arith.constant 0 : i32
        %parallel_loop3A_444 = arith.index_cast %parallel_loop3A_443 : i32 to index
        %parallel_loop3A_445 = arith.index_cast %parallel_loop3A_442 : i32 to index
        %parallel_loop3A_446 = tpu.vector_load %arg9[%parallel_loop3A_444, %parallel_loop3A_445] {strides = array<i32>} : memref<2x16384xf32, #tpu.memory_space<vmem>>, vector<16xf32>,
        tpu.vector_store %arg9[%parallel_loop3A_444, %parallel_loop3A_445], %parallel_loop3A_437 {strides = array<i32>} : memref<2x16384xf32, #tpu.memory_space<vmem>>, vector<16xf32>,
        %parallel_loop3A_447 = arith.constant 6 : i32
        %parallel_loop3A_448 = vector.broadcast %parallel_loop3A_447 : i32 to vector<16xi32>
        %parallel_loop3A_449 = tpu.vector_load_idx %arg6[%parallel_loop3A_448, %parallel_loop3A_342] : memref<64x1024xf32, #tpu.memory_space<vmem>>[vector<16xi32>, vector<16xi32>], vector<16xf32>,
        %parallel_loop3A_450 = arith.constant 0 : i32
        %parallel_loop3A_451 = arith.addi %parallel_loop3A_374, %parallel_loop3A_450 : i32
        %parallel_loop3A_452 = arith.constant 768 : i32
        %parallel_loop3A_453 = arith.addi %parallel_loop3A_451, %parallel_loop3A_452 : i32
        %parallel_loop3A_454 = tpu.assume_multiple %parallel_loop3A_453, 16 : i32
        %parallel_loop3A_455 = arith.constant 0 : i32
        %parallel_loop3A_456 = arith.index_cast %parallel_loop3A_455 : i32 to index
        %parallel_loop3A_457 = arith.index_cast %parallel_loop3A_454 : i32 to index
        %parallel_loop3A_458 = tpu.vector_load %arg9[%parallel_loop3A_456, %parallel_loop3A_457] {strides = array<i32>} : memref<2x16384xf32, #tpu.memory_space<vmem>>, vector<16xf32>,
        tpu.vector_store %arg9[%parallel_loop3A_456, %parallel_loop3A_457], %parallel_loop3A_449 {strides = array<i32>} : memref<2x16384xf32, #tpu.memory_space<vmem>>, vector<16xf32>,
        %parallel_loop3A_459 = arith.constant 7 : i32
        %parallel_loop3A_460 = vector.broadcast %parallel_loop3A_459 : i32 to vector<16xi32>
        %parallel_loop3A_461 = tpu.vector_load_idx %arg6[%parallel_loop3A_460, %parallel_loop3A_342] : memref<64x1024xf32, #tpu.memory_space<vmem>>[vector<16xi32>, vector<16xi32>], vector<16xf32>,
        %parallel_loop3A_462 = arith.constant 0 : i32
        %parallel_loop3A_463 = arith.addi %parallel_loop3A_374, %parallel_loop3A_462 : i32
        %parallel_loop3A_464 = arith.constant 896 : i32
        %parallel_loop3A_465 = arith.addi %parallel_loop3A_463, %parallel_loop3A_464 : i32
        %parallel_loop3A_466 = tpu.assume_multiple %parallel_loop3A_465, 16 : i32
        %parallel_loop3A_467 = arith.constant 0 : i32
        %parallel_loop3A_468 = arith.index_cast %parallel_loop3A_467 : i32 to index
        %parallel_loop3A_469 = arith.index_cast %parallel_loop3A_466 : i32 to index
        %parallel_loop3A_470 = tpu.vector_load %arg9[%parallel_loop3A_468, %parallel_loop3A_469] {strides = array<i32>} : memref<2x16384xf32, #tpu.memory_space<vmem>>, vector<16xf32>,
        tpu.vector_store %arg9[%parallel_loop3A_468, %parallel_loop3A_469], %parallel_loop3A_461 {strides = array<i32>} : memref<2x16384xf32, #tpu.memory_space<vmem>>, vector<16xf32>,
        %parallel_loop3A_471 = arith.constant 8 : i32
        %parallel_loop3A_472 = vector.broadcast %parallel_loop3A_471 : i32 to vector<16xi32>
        %parallel_loop3A_473 = tpu.vector_load_idx %arg6[%parallel_loop3A_472, %parallel_loop3A_342] : memref<64x1024xf32, #tpu.memory_space<vmem>>[vector<16xi32>, vector<16xi32>], vector<16xf32>,
        %parallel_loop3A_474 = arith.constant 8192 : i32
        %parallel_loop3A_475 = arith.addi %parallel_loop3A_374, %parallel_loop3A_474 : i32
        %parallel_loop3A_476 = arith.constant 0 : i32
        %parallel_loop3A_477 = arith.addi %parallel_loop3A_475, %parallel_loop3A_476 : i32
        %parallel_loop3A_478 = tpu.assume_multiple %parallel_loop3A_477, 16 : i32
        %parallel_loop3A_479 = arith.constant 0 : i32
        %parallel_loop3A_480 = arith.index_cast %parallel_loop3A_479 : i32 to index
        %parallel_loop3A_481 = arith.index_cast %parallel_loop3A_478 : i32 to index
        %parallel_loop3A_482 = tpu.vector_load %arg9[%parallel_loop3A_480, %parallel_loop3A_481] {strides = array<i32>} : memref<2x16384xf32, #tpu.memory_space<vmem>>, vector<16xf32>,
        tpu.vector_store %arg9[%parallel_loop3A_480, %parallel_loop3A_481], %parallel_loop3A_473 {strides = array<i32>} : memref<2x16384xf32, #tpu.memory_space<vmem>>, vector<16xf32>,
        %parallel_loop3A_483 = arith.constant 9 : i32
        %parallel_loop3A_484 = vector.broadcast %parallel_loop3A_483 : i32 to vector<16xi32>
        %parallel_loop3A_485 = tpu.vector_load_idx %arg6[%parallel_loop3A_484, %parallel_loop3A_342] : memref<64x1024xf32, #tpu.memory_space<vmem>>[vector<16xi32>, vector<16xi32>], vector<16xf32>,
        %parallel_loop3A_486 = arith.constant 8192 : i32
        %parallel_loop3A_487 = arith.addi %parallel_loop3A_374, %parallel_loop3A_486 : i32
        %parallel_loop3A_488 = arith.constant 128 : i32
        %parallel_loop3A_489 = arith.addi %parallel_loop3A_487, %parallel_loop3A_488 : i32
        %parallel_loop3A_490 = tpu.assume_multiple %parallel_loop3A_489, 16 : i32
        %parallel_loop3A_491 = arith.constant 0 : i32
        %parallel_loop3A_492 = arith.index_cast %parallel_loop3A_491 : i32 to index
        %parallel_loop3A_493 = arith.index_cast %parallel_loop3A_490 : i32 to index
        %parallel_loop3A_494 = tpu.vector_load %arg9[%parallel_loop3A_492, %parallel_loop3A_493] {strides = array<i32>} : memref<2x16384xf32, #tpu.memory_space<vmem>>, vector<16xf32>,
        tpu.vector_store %arg9[%parallel_loop3A_492, %parallel_loop3A_493], %parallel_loop3A_485 {strides = array<i32>} : memref<2x16384xf32, #tpu.memory_space<vmem>>, vector<16xf32>,
        %parallel_loop3A_495 = arith.constant 10 : i32
        %parallel_loop3A_496 = vector.broadcast %parallel_loop3A_495 : i32 to vector<16xi32>
        %parallel_loop3A_497 = tpu.vector_load_idx %arg6[%parallel_loop3A_496, %parallel_loop3A_342] : memref<64x1024xf32, #tpu.memory_space<vmem>>[vector<16xi32>, vector<16xi32>], vector<16xf32>,
        %parallel_loop3A_498 = arith.constant 8192 : i32
        %parallel_loop3A_499 = arith.addi %parallel_loop3A_374, %parallel_loop3A_498 : i32
        %parallel_loop3A_500 = arith.constant 256 : i32
        %parallel_loop3A_501 = arith.addi %parallel_loop3A_499, %parallel_loop3A_500 : i32
        %parallel_loop3A_502 = tpu.assume_multiple %parallel_loop3A_501, 16 : i32
        %parallel_loop3A_503 = arith.constant 0 : i32
        %parallel_loop3A_504 = arith.index_cast %parallel_loop3A_503 : i32 to index
        %parallel_loop3A_505 = arith.index_cast %parallel_loop3A_502 : i32 to index
        %parallel_loop3A_506 = tpu.vector_load %arg9[%parallel_loop3A_504, %parallel_loop3A_505] {strides = array<i32>} : memref<2x16384xf32, #tpu.memory_space<vmem>>, vector<16xf32>,
        tpu.vector_store %arg9[%parallel_loop3A_504, %parallel_loop3A_505], %parallel_loop3A_497 {strides = array<i32>} : memref<2x16384xf32, #tpu.memory_space<vmem>>, vector<16xf32>,
        %parallel_loop3A_507 = arith.constant 11 : i32
        %parallel_loop3A_508 = vector.broadcast %parallel_loop3A_507 : i32 to vector<16xi32>
        %parallel_loop3A_509 = tpu.vector_load_idx %arg6[%parallel_loop3A_508, %parallel_loop3A_342] : memref<64x1024xf32, #tpu.memory_space<vmem>>[vector<16xi32>, vector<16xi32>], vector<16xf32>,
        %parallel_loop3A_510 = arith.constant 8192 : i32
        %parallel_loop3A_511 = arith.addi %parallel_loop3A_374, %parallel_loop3A_510 : i32
        %parallel_loop3A_512 = arith.constant 384 : i32
        %parallel_loop3A_513 = arith.addi %parallel_loop3A_511, %parallel_loop3A_512 : i32
        %parallel_loop3A_514 = tpu.assume_multiple %parallel_loop3A_513, 16 : i32
        %parallel_loop3A_515 = arith.constant 0 : i32
        %parallel_loop3A_516 = arith.index_cast %parallel_loop3A_515 : i32 to index
        %parallel_loop3A_517 = arith.index_cast %parallel_loop3A_514 : i32 to index
        %parallel_loop3A_518 = tpu.vector_load %arg9[%parallel_loop3A_516, %parallel_loop3A_517] {strides = array<i32>} : memref<2x16384xf32, #tpu.memory_space<vmem>>, vector<16xf32>,
        tpu.vector_store %arg9[%parallel_loop3A_516, %parallel_loop3A_517], %parallel_loop3A_509 {strides = array<i32>} : memref<2x16384xf32, #tpu.memory_space<vmem>>, vector<16xf32>,
        %parallel_loop3A_519 = arith.constant 12 : i32
        %parallel_loop3A_520 = vector.broadcast %parallel_loop3A_519 : i32 to vector<16xi32>
        %parallel_loop3A_521 = tpu.vector_load_idx %arg6[%parallel_loop3A_520, %parallel_loop3A_342] : memref<64x1024xf32, #tpu.memory_space<vmem>>[vector<16xi32>, vector<16xi32>], vector<16xf32>,
        %parallel_loop3A_522 = arith.constant 8192 : i32
        %parallel_loop3A_523 = arith.addi %parallel_loop3A_374, %parallel_loop3A_522 : i32
        %parallel_loop3A_524 = arith.constant 512 : i32
        %parallel_loop3A_525 = arith.addi %parallel_loop3A_523, %parallel_loop3A_524 : i32
        %parallel_loop3A_526 = tpu.assume_multiple %parallel_loop3A_525, 16 : i32
        %parallel_loop3A_527 = arith.constant 0 : i32
        %parallel_loop3A_528 = arith.index_cast %parallel_loop3A_527 : i32 to index
        %parallel_loop3A_529 = arith.index_cast %parallel_loop3A_526 : i32 to index
        %parallel_loop3A_530 = tpu.vector_load %arg9[%parallel_loop3A_528, %parallel_loop3A_529] {strides = array<i32>} : memref<2x16384xf32, #tpu.memory_space<vmem>>, vector<16xf32>,
        tpu.vector_store %arg9[%parallel_loop3A_528, %parallel_loop3A_529], %parallel_loop3A_521 {strides = array<i32>} : memref<2x16384xf32, #tpu.memory_space<vmem>>, vector<16xf32>,
        %parallel_loop3A_531 = arith.constant 13 : i32
        %parallel_loop3A_532 = vector.broadcast %parallel_loop3A_531 : i32 to vector<16xi32>
        %parallel_loop3A_533 = tpu.vector_load_idx %arg6[%parallel_loop3A_532, %parallel_loop3A_342] : memref<64x1024xf32, #tpu.memory_space<vmem>>[vector<16xi32>, vector<16xi32>], vector<16xf32>,
        %parallel_loop3A_534 = arith.constant 8192 : i32
        %parallel_loop3A_535 = arith.addi %parallel_loop3A_374, %parallel_loop3A_534 : i32
        %parallel_loop3A_536 = arith.constant 640 : i32
        %parallel_loop3A_537 = arith.addi %parallel_loop3A_535, %parallel_loop3A_536 : i32
        %parallel_loop3A_538 = tpu.assume_multiple %parallel_loop3A_537, 16 : i32
        %parallel_loop3A_539 = arith.constant 0 : i32
        %parallel_loop3A_540 = arith.index_cast %parallel_loop3A_539 : i32 to index
        %parallel_loop3A_541 = arith.index_cast %parallel_loop3A_538 : i32 to index
        %parallel_loop3A_542 = tpu.vector_load %arg9[%parallel_loop3A_540, %parallel_loop3A_541] {strides = array<i32>} : memref<2x16384xf32, #tpu.memory_space<vmem>>, vector<16xf32>,
        tpu.vector_store %arg9[%parallel_loop3A_540, %parallel_loop3A_541], %parallel_loop3A_533 {strides = array<i32>} : memref<2x16384xf32, #tpu.memory_space<vmem>>, vector<16xf32>,
        %parallel_loop3A_543 = arith.constant 14 : i32
        %parallel_loop3A_544 = vector.broadcast %parallel_loop3A_543 : i32 to vector<16xi32>
        %parallel_loop3A_545 = tpu.vector_load_idx %arg6[%parallel_loop3A_544, %parallel_loop3A_342] : memref<64x1024xf32, #tpu.memory_space<vmem>>[vector<16xi32>, vector<16xi32>], vector<16xf32>,
        %parallel_loop3A_546 = arith.constant 8192 : i32
        %parallel_loop3A_547 = arith.addi %parallel_loop3A_374, %parallel_loop3A_546 : i32
        %parallel_loop3A_548 = arith.constant 768 : i32
        %parallel_loop3A_549 = arith.addi %parallel_loop3A_547, %parallel_loop3A_548 : i32
        %parallel_loop3A_550 = tpu.assume_multiple %parallel_loop3A_549, 16 : i32
        %parallel_loop3A_551 = arith.constant 0 : i32
        %parallel_loop3A_552 = arith.index_cast %parallel_loop3A_551 : i32 to index
        %parallel_loop3A_553 = arith.index_cast %parallel_loop3A_550 : i32 to index
        %parallel_loop3A_554 = tpu.vector_load %arg9[%parallel_loop3A_552, %parallel_loop3A_553] {strides = array<i32>} : memref<2x16384xf32, #tpu.memory_space<vmem>>, vector<16xf32>,
        tpu.vector_store %arg9[%parallel_loop3A_552, %parallel_loop3A_553], %parallel_loop3A_545 {strides = array<i32>} : memref<2x16384xf32, #tpu.memory_space<vmem>>, vector<16xf32>,
        %parallel_loop3A_555 = arith.constant 15 : i32
        %parallel_loop3A_556 = vector.broadcast %parallel_loop3A_555 : i32 to vector<16xi32>
        %parallel_loop3A_557 = tpu.vector_load_idx %arg6[%parallel_loop3A_556, %parallel_loop3A_342] : memref<64x1024xf32, #tpu.memory_space<vmem>>[vector<16xi32>, vector<16xi32>], vector<16xf32>,
        %parallel_loop3A_558 = arith.constant 8192 : i32
        %parallel_loop3A_559 = arith.addi %parallel_loop3A_374, %parallel_loop3A_558 : i32
        %parallel_loop3A_560 = arith.constant 896 : i32
        %parallel_loop3A_561 = arith.addi %parallel_loop3A_559, %parallel_loop3A_560 : i32
        %parallel_loop3A_562 = tpu.assume_multiple %parallel_loop3A_561, 16 : i32
        %parallel_loop3A_563 = arith.constant 0 : i32
        %parallel_loop3A_564 = arith.index_cast %parallel_loop3A_563 : i32 to index
        %parallel_loop3A_565 = arith.index_cast %parallel_loop3A_562 : i32 to index
        %parallel_loop3A_566 = tpu.vector_load %arg9[%parallel_loop3A_564, %parallel_loop3A_565] {strides = array<i32>} : memref<2x16384xf32, #tpu.memory_space<vmem>>, vector<16xf32>,
        tpu.vector_store %arg9[%parallel_loop3A_564, %parallel_loop3A_565], %parallel_loop3A_557 {strides = array<i32>} : memref<2x16384xf32, #tpu.memory_space<vmem>>, vector<16xf32>,
      } {sc.loop_unroll_factor = 2 : i64, sc.parallel_access}
      %add3A_89 = arith.addi %mul3A_2, %add3A_56 : i32
      %mul3A_90 = arith.constant 65536 : i32
      %mul3A_91 = arith.muli %add3A_89, %mul3A_90 : i32
      %add3A_92 = arith.constant 0 : i32
      %add3A_93 = arith.addi %mul3A_91, %add3A_92 : i32
      %multiple_of3A_94 = tpu.assume_multiple %add3A_93, 16384 : i32
      %dma_start3A_95 = arith.constant 0 : i32
      %dma_start3A_96 = arith.constant 0 : i32
      %dma_start3A_97 = tpu.memref_slice %arg9[%dma_start3A_95, %dma_start3A_96] : memref<2x16384xf32, #tpu.memory_space<vmem>> -> memref<1x16384xf32, #tpu.memory_space<vmem>>
      %dma_start3A_98 = tpu.memref_squeeze %dma_start3A_97 : memref<1x16384xf32, #tpu.memory_space<vmem>> -> memref<16384xf32, #tpu.memory_space<vmem>>
      %dma_start3A_99 = tpu.memref_slice %arg5[%multiple_of3A_94] : memref<67108864xf32, #tpu.memory_space<hbm>> -> memref<16384xf32, #tpu.memory_space<hbm>>
      %dma_start3A_100 = tpu.memref_slice %arg5[%multiple_of3A_94] : memref<67108864xf32, #tpu.memory_space<hbm>> -> memref<16384xf32, #tpu.memory_space<hbm>>
      %dma_start3A_101 = arith.constant 0 : i32
      %dma_start3A_102 = tpu.memref_slice %arg9[%dma_start3A_95, %dma_start3A_101] : memref<2x16384xf32, #tpu.memory_space<vmem>> -> memref<1x16384xf32, #tpu.memory_space<vmem>>
      %dma_start3A_103 = tpu.memref_squeeze %dma_start3A_102 : memref<1x16384xf32, #tpu.memory_space<vmem>> -> memref<16384xf32, #tpu.memory_space<vmem>>
      tpu.enqueue_dma source(%dma_start3A_103 : memref<16384xf32, #tpu.memory_space<vmem>>) target(%dma_start3A_100 : memref<16384xf32, #tpu.memory_space<hbm>>) target_semaphore(%arg11 : memref<!tpu.dma_semaphore, #tpu.memory_space<semaphore_mem>>)
      %gt3A_104 = arith.constant 0 : i32
      %gt3A_105 = arith.cmpi sgt, %scan3A_51, %gt3A_104 : i32
      %convert_element_type3A_106 = arith.extui %gt3A_105 : i1 to i32
      %cond3A_107 = arith.constant 0 : i32
      %cond3A_108 = arith.cmpi ne, %convert_element_type3A_106, %cond3A_107 : i32
      scf.if %cond3A_108 {
        %dma_wait3A_335 = arith.constant 1 : i32
        %dma_wait3A_336 = arith.constant 0 : i32
        %dma_wait3A_337 = tpu.memref_slice %arg9[%dma_wait3A_335, %dma_wait3A_336] : memref<2x16384xf32, #tpu.memory_space<vmem>> -> memref<1x16384xf32, #tpu.memory_space<vmem>>
        %dma_wait3A_338 = tpu.memref_squeeze %dma_wait3A_337 : memref<1x16384xf32, #tpu.memory_space<vmem>> -> memref<16384xf32, #tpu.memory_space<vmem>>
        %dma_wait3A_339 = arith.constant 0 : i32
        %dma_wait3A_340 = tpu.memref_slice %arg5[%dma_wait3A_339] : memref<67108864xf32, #tpu.memory_space<hbm>> -> memref<16384xf32, #tpu.memory_space<hbm>>
        %dma_wait3A_341 = arith.constant 0 : i32
        %dma_wait3A_342 = tpu.memref_slice %arg5[%dma_wait3A_341] : memref<67108864xf32, #tpu.memory_space<hbm>> -> memref<16384xf32, #tpu.memory_space<hbm>>
        %dma_wait3A_343 = arith.constant 0 : i32
        %dma_wait3A_344 = tpu.memref_slice %arg9[%dma_wait3A_335, %dma_wait3A_343] : memref<2x16384xf32, #tpu.memory_space<vmem>> -> memref<1x16384xf32, #tpu.memory_space<vmem>>
        %dma_wait3A_345 = tpu.memref_squeeze %dma_wait3A_344 : memref<1x16384xf32, #tpu.memory_space<vmem>> -> memref<16384xf32, #tpu.memory_space<vmem>>
        tpu.wait_dma2 semaphore(%arg12 : memref<!tpu.dma_semaphore, #tpu.memory_space<semaphore_mem>>) src(%dma_wait3A_345 : memref<16384xf32, #tpu.memory_space<vmem>>) dst(%dma_wait3A_342 : memref<16384xf32, #tpu.memory_space<hbm>>)
      } else {
      }
      %parallel_loop3A_109 = arith.constant 0 : i32
      %parallel_loop3A_110 = arith.constant 64 : i32
      %parallel_loop3A_111 = arith.constant 1 : i32
      scf.for %parallel_loop3A_335 = %parallel_loop3A_109 to %parallel_loop3A_110 step %parallel_loop3A_111  : i32 {
        %parallel_loop3A_336 = arith.constant 16 : i32
        %parallel_loop3A_337 = arith.muli %parallel_loop3A_335, %parallel_loop3A_336 : i32
        %parallel_loop3A_338 = tpu.assume_multiple %parallel_loop3A_337, 16 : i32
        %parallel_loop3A_339 = arith.constant 0 : i32
        %parallel_loop3A_340 = arith.index_cast %parallel_loop3A_339 : i32 to index
        %parallel_loop3A_341 = arith.index_cast %parallel_loop3A_338 : i32 to index
        %parallel_loop3A_342 = tpu.vector_load %arg7[%parallel_loop3A_340, %parallel_loop3A_341] {strides = array<i32>} : memref<2x1024xi32, #tpu.memory_space<vmem>>, vector<16xi32>,
        %parallel_loop3A_343 = arith.constant 8 : i32
        %parallel_loop3A_344 = arith.divsi %parallel_loop3A_335, %parallel_loop3A_343 : i32
        %parallel_loop3A_345 = arith.constant 0 : i32
        %parallel_loop3A_346 = arith.cmpi sgt, %parallel_loop3A_335, %parallel_loop3A_345 : i32
        %parallel_loop3A_347 = arith.extui %parallel_loop3A_346 : i1 to i32
        %parallel_loop3A_348 = arith.constant 0 : i32
        %parallel_loop3A_349 = arith.cmpi slt, %parallel_loop3A_335, %parallel_loop3A_348 : i32
        %parallel_loop3A_350 = arith.extui %parallel_loop3A_349 : i1 to i32
        %parallel_loop3A_351 = arith.subi %parallel_loop3A_347, %parallel_loop3A_350 : i32
        %parallel_loop3A_352 = arith.constant 0 : i32
        %parallel_loop3A_353 = arith.cmpi sgt, %parallel_loop3A_343, %parallel_loop3A_352 : i32
        %parallel_loop3A_354 = arith.extui %parallel_loop3A_353 : i1 to i32
        %parallel_loop3A_355 = arith.constant 0 : i32
        %parallel_loop3A_356 = arith.cmpi slt, %parallel_loop3A_343, %parallel_loop3A_355 : i32
        %parallel_loop3A_357 = arith.extui %parallel_loop3A_356 : i1 to i32
        %parallel_loop3A_358 = arith.subi %parallel_loop3A_354, %parallel_loop3A_357 : i32
        %parallel_loop3A_359 = arith.cmpi ne, %parallel_loop3A_351, %parallel_loop3A_358 : i32
        %parallel_loop3A_360 = arith.remsi %parallel_loop3A_335, %parallel_loop3A_343 : i32
        %parallel_loop3A_361 = arith.constant 0 : i32
        %parallel_loop3A_362 = arith.cmpi ne, %parallel_loop3A_360, %parallel_loop3A_361 : i32
        %parallel_loop3A_363 = arith.andi %parallel_loop3A_359, %parallel_loop3A_362 : i1
        %parallel_loop3A_364 = arith.constant 1 : i32
        %parallel_loop3A_365 = arith.subi %parallel_loop3A_344, %parallel_loop3A_364 : i32
        %parallel_loop3A_366 = arith.select %parallel_loop3A_363, %parallel_loop3A_365, %parallel_loop3A_344 : i32
        %parallel_loop3A_367 = arith.constant 8 : i32
        %parallel_loop3A_368 = arith.muli %parallel_loop3A_366, %parallel_loop3A_367 : i32
        %parallel_loop3A_369 = arith.subi %parallel_loop3A_335, %parallel_loop3A_368 : i32
        %parallel_loop3A_370 = arith.constant 1024 : i32
        %parallel_loop3A_371 = arith.muli %parallel_loop3A_366, %parallel_loop3A_370 : i32
        %parallel_loop3A_372 = arith.constant 16 : i32
        %parallel_loop3A_373 = arith.muli %parallel_loop3A_369, %parallel_loop3A_372 : i32
        %parallel_loop3A_374 = arith.addi %parallel_loop3A_371, %parallel_loop3A_373 : i32
        %parallel_loop3A_375 = arith.constant 16 : i32
        %parallel_loop3A_376 = vector.broadcast %parallel_loop3A_375 : i32 to vector<16xi32>
        %parallel_loop3A_377 = tpu.vector_load_idx %arg6[%parallel_loop3A_376, %parallel_loop3A_342] : memref<64x1024xf32, #tpu.memory_space<vmem>>[vector<16xi32>, vector<16xi32>], vector<16xf32>,
        %parallel_loop3A_378 = arith.constant 0 : i32
        %parallel_loop3A_379 = arith.addi %parallel_loop3A_374, %parallel_loop3A_378 : i32
        %parallel_loop3A_380 = arith.constant 0 : i32
        %parallel_loop3A_381 = arith.addi %parallel_loop3A_379, %parallel_loop3A_380 : i32
        %parallel_loop3A_382 = tpu.assume_multiple %parallel_loop3A_381, 16 : i32
        %parallel_loop3A_383 = arith.constant 1 : i32
        %parallel_loop3A_384 = arith.index_cast %parallel_loop3A_383 : i32 to index
        %parallel_loop3A_385 = arith.index_cast %parallel_loop3A_382 : i32 to index
        %parallel_loop3A_386 = tpu.vector_load %arg9[%parallel_loop3A_384, %parallel_loop3A_385] {strides = array<i32>} : memref<2x16384xf32, #tpu.memory_space<vmem>>, vector<16xf32>,
        tpu.vector_store %arg9[%parallel_loop3A_384, %parallel_loop3A_385], %parallel_loop3A_377 {strides = array<i32>} : memref<2x16384xf32, #tpu.memory_space<vmem>>, vector<16xf32>,
        %parallel_loop3A_387 = arith.constant 17 : i32
        %parallel_loop3A_388 = vector.broadcast %parallel_loop3A_387 : i32 to vector<16xi32>
        %parallel_loop3A_389 = tpu.vector_load_idx %arg6[%parallel_loop3A_388, %parallel_loop3A_342] : memref<64x1024xf32, #tpu.memory_space<vmem>>[vector<16xi32>, vector<16xi32>], vector<16xf32>,
        %parallel_loop3A_390 = arith.constant 0 : i32
        %parallel_loop3A_391 = arith.addi %parallel_loop3A_374, %parallel_loop3A_390 : i32
        %parallel_loop3A_392 = arith.constant 128 : i32
        %parallel_loop3A_393 = arith.addi %parallel_loop3A_391, %parallel_loop3A_392 : i32
        %parallel_loop3A_394 = tpu.assume_multiple %parallel_loop3A_393, 16 : i32
        %parallel_loop3A_395 = arith.constant 1 : i32
        %parallel_loop3A_396 = arith.index_cast %parallel_loop3A_395 : i32 to index
        %parallel_loop3A_397 = arith.index_cast %parallel_loop3A_394 : i32 to index
        %parallel_loop3A_398 = tpu.vector_load %arg9[%parallel_loop3A_396, %parallel_loop3A_397] {strides = array<i32>} : memref<2x16384xf32, #tpu.memory_space<vmem>>, vector<16xf32>,
        tpu.vector_store %arg9[%parallel_loop3A_396, %parallel_loop3A_397], %parallel_loop3A_389 {strides = array<i32>} : memref<2x16384xf32, #tpu.memory_space<vmem>>, vector<16xf32>,
        %parallel_loop3A_399 = arith.constant 18 : i32
        %parallel_loop3A_400 = vector.broadcast %parallel_loop3A_399 : i32 to vector<16xi32>
        %parallel_loop3A_401 = tpu.vector_load_idx %arg6[%parallel_loop3A_400, %parallel_loop3A_342] : memref<64x1024xf32, #tpu.memory_space<vmem>>[vector<16xi32>, vector<16xi32>], vector<16xf32>,
        %parallel_loop3A_402 = arith.constant 0 : i32
        %parallel_loop3A_403 = arith.addi %parallel_loop3A_374, %parallel_loop3A_402 : i32
        %parallel_loop3A_404 = arith.constant 256 : i32
        %parallel_loop3A_405 = arith.addi %parallel_loop3A_403, %parallel_loop3A_404 : i32
        %parallel_loop3A_406 = tpu.assume_multiple %parallel_loop3A_405, 16 : i32
        %parallel_loop3A_407 = arith.constant 1 : i32
        %parallel_loop3A_408 = arith.index_cast %parallel_loop3A_407 : i32 to index
        %parallel_loop3A_409 = arith.index_cast %parallel_loop3A_406 : i32 to index
        %parallel_loop3A_410 = tpu.vector_load %arg9[%parallel_loop3A_408, %parallel_loop3A_409] {strides = array<i32>} : memref<2x16384xf32, #tpu.memory_space<vmem>>, vector<16xf32>,
        tpu.vector_store %arg9[%parallel_loop3A_408, %parallel_loop3A_409], %parallel_loop3A_401 {strides = array<i32>} : memref<2x16384xf32, #tpu.memory_space<vmem>>, vector<16xf32>,
        %parallel_loop3A_411 = arith.constant 19 : i32
        %parallel_loop3A_412 = vector.broadcast %parallel_loop3A_411 : i32 to vector<16xi32>
        %parallel_loop3A_413 = tpu.vector_load_idx %arg6[%parallel_loop3A_412, %parallel_loop3A_342] : memref<64x1024xf32, #tpu.memory_space<vmem>>[vector<16xi32>, vector<16xi32>], vector<16xf32>,
        %parallel_loop3A_414 = arith.constant 0 : i32
        %parallel_loop3A_415 = arith.addi %parallel_loop3A_374, %parallel_loop3A_414 : i32
        %parallel_loop3A_416 = arith.constant 384 : i32
        %parallel_loop3A_417 = arith.addi %parallel_loop3A_415, %parallel_loop3A_416 : i32
        %parallel_loop3A_418 = tpu.assume_multiple %parallel_loop3A_417, 16 : i32
        %parallel_loop3A_419 = arith.constant 1 : i32
        %parallel_loop3A_420 = arith.index_cast %parallel_loop3A_419 : i32 to index
        %parallel_loop3A_421 = arith.index_cast %parallel_loop3A_418 : i32 to index
        %parallel_loop3A_422 = tpu.vector_load %arg9[%parallel_loop3A_420, %parallel_loop3A_421] {strides = array<i32>} : memref<2x16384xf32, #tpu.memory_space<vmem>>, vector<16xf32>,
        tpu.vector_store %arg9[%parallel_loop3A_420, %parallel_loop3A_421], %parallel_loop3A_413 {strides = array<i32>} : memref<2x16384xf32, #tpu.memory_space<vmem>>, vector<16xf32>,
        %parallel_loop3A_423 = arith.constant 20 : i32
        %parallel_loop3A_424 = vector.broadcast %parallel_loop3A_423 : i32 to vector<16xi32>
        %parallel_loop3A_425 = tpu.vector_load_idx %arg6[%parallel_loop3A_424, %parallel_loop3A_342] : memref<64x1024xf32, #tpu.memory_space<vmem>>[vector<16xi32>, vector<16xi32>], vector<16xf32>,
        %parallel_loop3A_426 = arith.constant 0 : i32
        %parallel_loop3A_427 = arith.addi %parallel_loop3A_374, %parallel_loop3A_426 : i32
        %parallel_loop3A_428 = arith.constant 512 : i32
        %parallel_loop3A_429 = arith.addi %parallel_loop3A_427, %parallel_loop3A_428 : i32
        %parallel_loop3A_430 = tpu.assume_multiple %parallel_loop3A_429, 16 : i32
        %parallel_loop3A_431 = arith.constant 1 : i32
        %parallel_loop3A_432 = arith.index_cast %parallel_loop3A_431 : i32 to index
        %parallel_loop3A_433 = arith.index_cast %parallel_loop3A_430 : i32 to index
        %parallel_loop3A_434 = tpu.vector_load %arg9[%parallel_loop3A_432, %parallel_loop3A_433] {strides = array<i32>} : memref<2x16384xf32, #tpu.memory_space<vmem>>, vector<16xf32>,
        tpu.vector_store %arg9[%parallel_loop3A_432, %parallel_loop3A_433], %parallel_loop3A_425 {strides = array<i32>} : memref<2x16384xf32, #tpu.memory_space<vmem>>, vector<16xf32>,
        %parallel_loop3A_435 = arith.constant 21 : i32
        %parallel_loop3A_436 = vector.broadcast %parallel_loop3A_435 : i32 to vector<16xi32>
        %parallel_loop3A_437 = tpu.vector_load_idx %arg6[%parallel_loop3A_436, %parallel_loop3A_342] : memref<64x1024xf32, #tpu.memory_space<vmem>>[vector<16xi32>, vector<16xi32>], vector<16xf32>,
        %parallel_loop3A_438 = arith.constant 0 : i32
        %parallel_loop3A_439 = arith.addi %parallel_loop3A_374, %parallel_loop3A_438 : i32
        %parallel_loop3A_440 = arith.constant 640 : i32
        %parallel_loop3A_441 = arith.addi %parallel_loop3A_439, %parallel_loop3A_440 : i32
        %parallel_loop3A_442 = tpu.assume_multiple %parallel_loop3A_441, 16 : i32
        %parallel_loop3A_443 = arith.constant 1 : i32
        %parallel_loop3A_444 = arith.index_cast %parallel_loop3A_443 : i32 to index
        %parallel_loop3A_445 = arith.index_cast %parallel_loop3A_442 : i32 to index
        %parallel_loop3A_446 = tpu.vector_load %arg9[%parallel_loop3A_444, %parallel_loop3A_445] {strides = array<i32>} : memref<2x16384xf32, #tpu.memory_space<vmem>>, vector<16xf32>,
        tpu.vector_store %arg9[%parallel_loop3A_444, %parallel_loop3A_445], %parallel_loop3A_437 {strides = array<i32>} : memref<2x16384xf32, #tpu.memory_space<vmem>>, vector<16xf32>,
        %parallel_loop3A_447 = arith.constant 22 : i32
        %parallel_loop3A_448 = vector.broadcast %parallel_loop3A_447 : i32 to vector<16xi32>
        %parallel_loop3A_449 = tpu.vector_load_idx %arg6[%parallel_loop3A_448, %parallel_loop3A_342] : memref<64x1024xf32, #tpu.memory_space<vmem>>[vector<16xi32>, vector<16xi32>], vector<16xf32>,
        %parallel_loop3A_450 = arith.constant 0 : i32
        %parallel_loop3A_451 = arith.addi %parallel_loop3A_374, %parallel_loop3A_450 : i32
        %parallel_loop3A_452 = arith.constant 768 : i32
        %parallel_loop3A_453 = arith.addi %parallel_loop3A_451, %parallel_loop3A_452 : i32
        %parallel_loop3A_454 = tpu.assume_multiple %parallel_loop3A_453, 16 : i32
        %parallel_loop3A_455 = arith.constant 1 : i32
        %parallel_loop3A_456 = arith.index_cast %parallel_loop3A_455 : i32 to index
        %parallel_loop3A_457 = arith.index_cast %parallel_loop3A_454 : i32 to index
        %parallel_loop3A_458 = tpu.vector_load %arg9[%parallel_loop3A_456, %parallel_loop3A_457] {strides = array<i32>} : memref<2x16384xf32, #tpu.memory_space<vmem>>, vector<16xf32>,
        tpu.vector_store %arg9[%parallel_loop3A_456, %parallel_loop3A_457], %parallel_loop3A_449 {strides = array<i32>} : memref<2x16384xf32, #tpu.memory_space<vmem>>, vector<16xf32>,
        %parallel_loop3A_459 = arith.constant 23 : i32
        %parallel_loop3A_460 = vector.broadcast %parallel_loop3A_459 : i32 to vector<16xi32>
        %parallel_loop3A_461 = tpu.vector_load_idx %arg6[%parallel_loop3A_460, %parallel_loop3A_342] : memref<64x1024xf32, #tpu.memory_space<vmem>>[vector<16xi32>, vector<16xi32>], vector<16xf32>,
        %parallel_loop3A_462 = arith.constant 0 : i32
        %parallel_loop3A_463 = arith.addi %parallel_loop3A_374, %parallel_loop3A_462 : i32
        %parallel_loop3A_464 = arith.constant 896 : i32
        %parallel_loop3A_465 = arith.addi %parallel_loop3A_463, %parallel_loop3A_464 : i32
        %parallel_loop3A_466 = tpu.assume_multiple %parallel_loop3A_465, 16 : i32
        %parallel_loop3A_467 = arith.constant 1 : i32
        %parallel_loop3A_468 = arith.index_cast %parallel_loop3A_467 : i32 to index
        %parallel_loop3A_469 = arith.index_cast %parallel_loop3A_466 : i32 to index
        %parallel_loop3A_470 = tpu.vector_load %arg9[%parallel_loop3A_468, %parallel_loop3A_469] {strides = array<i32>} : memref<2x16384xf32, #tpu.memory_space<vmem>>, vector<16xf32>,
        tpu.vector_store %arg9[%parallel_loop3A_468, %parallel_loop3A_469], %parallel_loop3A_461 {strides = array<i32>} : memref<2x16384xf32, #tpu.memory_space<vmem>>, vector<16xf32>,
        %parallel_loop3A_471 = arith.constant 24 : i32
        %parallel_loop3A_472 = vector.broadcast %parallel_loop3A_471 : i32 to vector<16xi32>
        %parallel_loop3A_473 = tpu.vector_load_idx %arg6[%parallel_loop3A_472, %parallel_loop3A_342] : memref<64x1024xf32, #tpu.memory_space<vmem>>[vector<16xi32>, vector<16xi32>], vector<16xf32>,
        %parallel_loop3A_474 = arith.constant 8192 : i32
        %parallel_loop3A_475 = arith.addi %parallel_loop3A_374, %parallel_loop3A_474 : i32
        %parallel_loop3A_476 = arith.constant 0 : i32
        %parallel_loop3A_477 = arith.addi %parallel_loop3A_475, %parallel_loop3A_476 : i32
        %parallel_loop3A_478 = tpu.assume_multiple %parallel_loop3A_477, 16 : i32
        %parallel_loop3A_479 = arith.constant 1 : i32
        %parallel_loop3A_480 = arith.index_cast %parallel_loop3A_479 : i32 to index
        %parallel_loop3A_481 = arith.index_cast %parallel_loop3A_478 : i32 to index
        %parallel_loop3A_482 = tpu.vector_load %arg9[%parallel_loop3A_480, %parallel_loop3A_481] {strides = array<i32>} : memref<2x16384xf32, #tpu.memory_space<vmem>>, vector<16xf32>,
        tpu.vector_store %arg9[%parallel_loop3A_480, %parallel_loop3A_481], %parallel_loop3A_473 {strides = array<i32>} : memref<2x16384xf32, #tpu.memory_space<vmem>>, vector<16xf32>,
        %parallel_loop3A_483 = arith.constant 25 : i32
        %parallel_loop3A_484 = vector.broadcast %parallel_loop3A_483 : i32 to vector<16xi32>
        %parallel_loop3A_485 = tpu.vector_load_idx %arg6[%parallel_loop3A_484, %parallel_loop3A_342] : memref<64x1024xf32, #tpu.memory_space<vmem>>[vector<16xi32>, vector<16xi32>], vector<16xf32>,
        %parallel_loop3A_486 = arith.constant 8192 : i32
        %parallel_loop3A_487 = arith.addi %parallel_loop3A_374, %parallel_loop3A_486 : i32
        %parallel_loop3A_488 = arith.constant 128 : i32
        %parallel_loop3A_489 = arith.addi %parallel_loop3A_487, %parallel_loop3A_488 : i32
        %parallel_loop3A_490 = tpu.assume_multiple %parallel_loop3A_489, 16 : i32
        %parallel_loop3A_491 = arith.constant 1 : i32
        %parallel_loop3A_492 = arith.index_cast %parallel_loop3A_491 : i32 to index
        %parallel_loop3A_493 = arith.index_cast %parallel_loop3A_490 : i32 to index
        %parallel_loop3A_494 = tpu.vector_load %arg9[%parallel_loop3A_492, %parallel_loop3A_493] {strides = array<i32>} : memref<2x16384xf32, #tpu.memory_space<vmem>>, vector<16xf32>,
        tpu.vector_store %arg9[%parallel_loop3A_492, %parallel_loop3A_493], %parallel_loop3A_485 {strides = array<i32>} : memref<2x16384xf32, #tpu.memory_space<vmem>>, vector<16xf32>,
        %parallel_loop3A_495 = arith.constant 26 : i32
        %parallel_loop3A_496 = vector.broadcast %parallel_loop3A_495 : i32 to vector<16xi32>
        %parallel_loop3A_497 = tpu.vector_load_idx %arg6[%parallel_loop3A_496, %parallel_loop3A_342] : memref<64x1024xf32, #tpu.memory_space<vmem>>[vector<16xi32>, vector<16xi32>], vector<16xf32>,
        %parallel_loop3A_498 = arith.constant 8192 : i32
        %parallel_loop3A_499 = arith.addi %parallel_loop3A_374, %parallel_loop3A_498 : i32
        %parallel_loop3A_500 = arith.constant 256 : i32
        %parallel_loop3A_501 = arith.addi %parallel_loop3A_499, %parallel_loop3A_500 : i32
        %parallel_loop3A_502 = tpu.assume_multiple %parallel_loop3A_501, 16 : i32
        %parallel_loop3A_503 = arith.constant 1 : i32
        %parallel_loop3A_504 = arith.index_cast %parallel_loop3A_503 : i32 to index
        %parallel_loop3A_505 = arith.index_cast %parallel_loop3A_502 : i32 to index
        %parallel_loop3A_506 = tpu.vector_load %arg9[%parallel_loop3A_504, %parallel_loop3A_505] {strides = array<i32>} : memref<2x16384xf32, #tpu.memory_space<vmem>>, vector<16xf32>,
        tpu.vector_store %arg9[%parallel_loop3A_504, %parallel_loop3A_505], %parallel_loop3A_497 {strides = array<i32>} : memref<2x16384xf32, #tpu.memory_space<vmem>>, vector<16xf32>,
        %parallel_loop3A_507 = arith.constant 27 : i32
        %parallel_loop3A_508 = vector.broadcast %parallel_loop3A_507 : i32 to vector<16xi32>
        %parallel_loop3A_509 = tpu.vector_load_idx %arg6[%parallel_loop3A_508, %parallel_loop3A_342] : memref<64x1024xf32, #tpu.memory_space<vmem>>[vector<16xi32>, vector<16xi32>], vector<16xf32>,
        %parallel_loop3A_510 = arith.constant 8192 : i32
        %parallel_loop3A_511 = arith.addi %parallel_loop3A_374, %parallel_loop3A_510 : i32
        %parallel_loop3A_512 = arith.constant 384 : i32
        %parallel_loop3A_513 = arith.addi %parallel_loop3A_511, %parallel_loop3A_512 : i32
        %parallel_loop3A_514 = tpu.assume_multiple %parallel_loop3A_513, 16 : i32
        %parallel_loop3A_515 = arith.constant 1 : i32
        %parallel_loop3A_516 = arith.index_cast %parallel_loop3A_515 : i32 to index
        %parallel_loop3A_517 = arith.index_cast %parallel_loop3A_514 : i32 to index
        %parallel_loop3A_518 = tpu.vector_load %arg9[%parallel_loop3A_516, %parallel_loop3A_517] {strides = array<i32>} : memref<2x16384xf32, #tpu.memory_space<vmem>>, vector<16xf32>,
        tpu.vector_store %arg9[%parallel_loop3A_516, %parallel_loop3A_517], %parallel_loop3A_509 {strides = array<i32>} : memref<2x16384xf32, #tpu.memory_space<vmem>>, vector<16xf32>,
        %parallel_loop3A_519 = arith.constant 28 : i32
        %parallel_loop3A_520 = vector.broadcast %parallel_loop3A_519 : i32 to vector<16xi32>
        %parallel_loop3A_521 = tpu.vector_load_idx %arg6[%parallel_loop3A_520, %parallel_loop3A_342] : memref<64x1024xf32, #tpu.memory_space<vmem>>[vector<16xi32>, vector<16xi32>], vector<16xf32>,
        %parallel_loop3A_522 = arith.constant 8192 : i32
        %parallel_loop3A_523 = arith.addi %parallel_loop3A_374, %parallel_loop3A_522 : i32
        %parallel_loop3A_524 = arith.constant 512 : i32
        %parallel_loop3A_525 = arith.addi %parallel_loop3A_523, %parallel_loop3A_524 : i32
        %parallel_loop3A_526 = tpu.assume_multiple %parallel_loop3A_525, 16 : i32
        %parallel_loop3A_527 = arith.constant 1 : i32
        %parallel_loop3A_528 = arith.index_cast %parallel_loop3A_527 : i32 to index
        %parallel_loop3A_529 = arith.index_cast %parallel_loop3A_526 : i32 to index
        %parallel_loop3A_530 = tpu.vector_load %arg9[%parallel_loop3A_528, %parallel_loop3A_529] {strides = array<i32>} : memref<2x16384xf32, #tpu.memory_space<vmem>>, vector<16xf32>,
        tpu.vector_store %arg9[%parallel_loop3A_528, %parallel_loop3A_529], %parallel_loop3A_521 {strides = array<i32>} : memref<2x16384xf32, #tpu.memory_space<vmem>>, vector<16xf32>,
        %parallel_loop3A_531 = arith.constant 29 : i32
        %parallel_loop3A_532 = vector.broadcast %parallel_loop3A_531 : i32 to vector<16xi32>
        %parallel_loop3A_533 = tpu.vector_load_idx %arg6[%parallel_loop3A_532, %parallel_loop3A_342] : memref<64x1024xf32, #tpu.memory_space<vmem>>[vector<16xi32>, vector<16xi32>], vector<16xf32>,
        %parallel_loop3A_534 = arith.constant 8192 : i32
        %parallel_loop3A_535 = arith.addi %parallel_loop3A_374, %parallel_loop3A_534 : i32
        %parallel_loop3A_536 = arith.constant 640 : i32
        %parallel_loop3A_537 = arith.addi %parallel_loop3A_535, %parallel_loop3A_536 : i32
        %parallel_loop3A_538 = tpu.assume_multiple %parallel_loop3A_537, 16 : i32
        %parallel_loop3A_539 = arith.constant 1 : i32
        %parallel_loop3A_540 = arith.index_cast %parallel_loop3A_539 : i32 to index
        %parallel_loop3A_541 = arith.index_cast %parallel_loop3A_538 : i32 to index
        %parallel_loop3A_542 = tpu.vector_load %arg9[%parallel_loop3A_540, %parallel_loop3A_541] {strides = array<i32>} : memref<2x16384xf32, #tpu.memory_space<vmem>>, vector<16xf32>,
        tpu.vector_store %arg9[%parallel_loop3A_540, %parallel_loop3A_541], %parallel_loop3A_533 {strides = array<i32>} : memref<2x16384xf32, #tpu.memory_space<vmem>>, vector<16xf32>,
        %parallel_loop3A_543 = arith.constant 30 : i32
        %parallel_loop3A_544 = vector.broadcast %parallel_loop3A_543 : i32 to vector<16xi32>
        %parallel_loop3A_545 = tpu.vector_load_idx %arg6[%parallel_loop3A_544, %parallel_loop3A_342] : memref<64x1024xf32, #tpu.memory_space<vmem>>[vector<16xi32>, vector<16xi32>], vector<16xf32>,
        %parallel_loop3A_546 = arith.constant 8192 : i32
        %parallel_loop3A_547 = arith.addi %parallel_loop3A_374, %parallel_loop3A_546 : i32
        %parallel_loop3A_548 = arith.constant 768 : i32
        %parallel_loop3A_549 = arith.addi %parallel_loop3A_547, %parallel_loop3A_548 : i32
        %parallel_loop3A_550 = tpu.assume_multiple %parallel_loop3A_549, 16 : i32
        %parallel_loop3A_551 = arith.constant 1 : i32
        %parallel_loop3A_552 = arith.index_cast %parallel_loop3A_551 : i32 to index
        %parallel_loop3A_553 = arith.index_cast %parallel_loop3A_550 : i32 to index
        %parallel_loop3A_554 = tpu.vector_load %arg9[%parallel_loop3A_552, %parallel_loop3A_553] {strides = array<i32>} : memref<2x16384xf32, #tpu.memory_space<vmem>>, vector<16xf32>,
        tpu.vector_store %arg9[%parallel_loop3A_552, %parallel_loop3A_553], %parallel_loop3A_545 {strides = array<i32>} : memref<2x16384xf32, #tpu.memory_space<vmem>>, vector<16xf32>,
        %parallel_loop3A_555 = arith.constant 31 : i32
        %parallel_loop3A_556 = vector.broadcast %parallel_loop3A_555 : i32 to vector<16xi32>
        %parallel_loop3A_557 = tpu.vector_load_idx %arg6[%parallel_loop3A_556, %parallel_loop3A_342] : memref<64x1024xf32, #tpu.memory_space<vmem>>[vector<16xi32>, vector<16xi32>], vector<16xf32>,
        %parallel_loop3A_558 = arith.constant 8192 : i32
        %parallel_loop3A_559 = arith.addi %parallel_loop3A_374, %parallel_loop3A_558 : i32
        %parallel_loop3A_560 = arith.constant 896 : i32
        %parallel_loop3A_561 = arith.addi %parallel_loop3A_559, %parallel_loop3A_560 : i32
        %parallel_loop3A_562 = tpu.assume_multiple %parallel_loop3A_561, 16 : i32
        %parallel_loop3A_563 = arith.constant 1 : i32
        %parallel_loop3A_564 = arith.index_cast %parallel_loop3A_563 : i32 to index
        %parallel_loop3A_565 = arith.index_cast %parallel_loop3A_562 : i32 to index
        %parallel_loop3A_566 = tpu.vector_load %arg9[%parallel_loop3A_564, %parallel_loop3A_565] {strides = array<i32>} : memref<2x16384xf32, #tpu.memory_space<vmem>>, vector<16xf32>,
        tpu.vector_store %arg9[%parallel_loop3A_564, %parallel_loop3A_565], %parallel_loop3A_557 {strides = array<i32>} : memref<2x16384xf32, #tpu.memory_space<vmem>>, vector<16xf32>,
      } {sc.loop_unroll_factor = 2 : i64, sc.parallel_access}
      %add3A_112 = arith.addi %mul3A_2, %add3A_56 : i32
      %mul3A_113 = arith.constant 65536 : i32
      %mul3A_114 = arith.muli %add3A_112, %mul3A_113 : i32
      %add3A_115 = arith.constant 16384 : i32
      %add3A_116 = arith.addi %mul3A_114, %add3A_115 : i32
      %multiple_of3A_117 = tpu.assume_multiple %add3A_116, 16384 : i32
      %dma_start3A_118 = arith.constant 1 : i32
      %dma_start3A_119 = arith.constant 0 : i32
      %dma_start3A_120 = tpu.memref_slice %arg9[%dma_start3A_118, %dma_start3A_119] : memref<2x16384xf32, #tpu.memory_space<vmem>> -> memref<1x16384xf32, #tpu.memory_space<vmem>>
      %dma_start3A_121 = tpu.memref_squeeze %dma_start3A_120 : memref<1x16384xf32, #tpu.memory_space<vmem>> -> memref<16384xf32, #tpu.memory_space<vmem>>
      %dma_start3A_122 = tpu.memref_slice %arg5[%multiple_of3A_117] : memref<67108864xf32, #tpu.memory_space<hbm>> -> memref<16384xf32, #tpu.memory_space<hbm>>
      %dma_start3A_123 = tpu.memref_slice %arg5[%multiple_of3A_117] : memref<67108864xf32, #tpu.memory_space<hbm>> -> memref<16384xf32, #tpu.memory_space<hbm>>
      %dma_start3A_124 = arith.constant 0 : i32
      %dma_start3A_125 = tpu.memref_slice %arg9[%dma_start3A_118, %dma_start3A_124] : memref<2x16384xf32, #tpu.memory_space<vmem>> -> memref<1x16384xf32, #tpu.memory_space<vmem>>
      %dma_start3A_126 = tpu.memref_squeeze %dma_start3A_125 : memref<1x16384xf32, #tpu.memory_space<vmem>> -> memref<16384xf32, #tpu.memory_space<vmem>>
      tpu.enqueue_dma source(%dma_start3A_126 : memref<16384xf32, #tpu.memory_space<vmem>>) target(%dma_start3A_123 : memref<16384xf32, #tpu.memory_space<hbm>>) target_semaphore(%arg12 : memref<!tpu.dma_semaphore, #tpu.memory_space<semaphore_mem>>)
      %dma_wait3A_127 = arith.constant 0 : i32
      %dma_wait3A_128 = arith.constant 0 : i32
      %dma_wait3A_129 = tpu.memref_slice %arg9[%dma_wait3A_127, %dma_wait3A_128] : memref<2x16384xf32, #tpu.memory_space<vmem>> -> memref<1x16384xf32, #tpu.memory_space<vmem>>
      %dma_wait3A_130 = tpu.memref_squeeze %dma_wait3A_129 : memref<1x16384xf32, #tpu.memory_space<vmem>> -> memref<16384xf32, #tpu.memory_space<vmem>>
      %dma_wait3A_131 = arith.constant 0 : i32
      %dma_wait3A_132 = tpu.memref_slice %arg5[%dma_wait3A_131] : memref<67108864xf32, #tpu.memory_space<hbm>> -> memref<16384xf32, #tpu.memory_space<hbm>>
      %dma_wait3A_133 = arith.constant 0 : i32
      %dma_wait3A_134 = tpu.memref_slice %arg5[%dma_wait3A_133] : memref<67108864xf32, #tpu.memory_space<hbm>> -> memref<16384xf32, #tpu.memory_space<hbm>>
      %dma_wait3A_135 = arith.constant 0 : i32
      %dma_wait3A_136 = tpu.memref_slice %arg9[%dma_wait3A_127, %dma_wait3A_135] : memref<2x16384xf32, #tpu.memory_space<vmem>> -> memref<1x16384xf32, #tpu.memory_space<vmem>>
      %dma_wait3A_137 = tpu.memref_squeeze %dma_wait3A_136 : memref<1x16384xf32, #tpu.memory_space<vmem>> -> memref<16384xf32, #tpu.memory_space<vmem>>
      tpu.wait_dma2 semaphore(%arg11 : memref<!tpu.dma_semaphore, #tpu.memory_space<semaphore_mem>>) src(%dma_wait3A_137 : memref<16384xf32, #tpu.memory_space<vmem>>) dst(%dma_wait3A_134 : memref<16384xf32, #tpu.memory_space<hbm>>)
      %parallel_loop3A_138 = arith.constant 0 : i32
      %parallel_loop3A_139 = arith.constant 64 : i32
      %parallel_loop3A_140 = arith.constant 1 : i32
      scf.for %parallel_loop3A_335 = %parallel_loop3A_138 to %parallel_loop3A_139 step %parallel_loop3A_140  : i32 {
        %parallel_loop3A_336 = arith.constant 16 : i32
        %parallel_loop3A_337 = arith.muli %parallel_loop3A_335, %parallel_loop3A_336 : i32
        %parallel_loop3A_338 = tpu.assume_multiple %parallel_loop3A_337, 16 : i32
        %parallel_loop3A_339 = arith.constant 0 : i32
        %parallel_loop3A_340 = arith.index_cast %parallel_loop3A_339 : i32 to index
        %parallel_loop3A_341 = arith.index_cast %parallel_loop3A_338 : i32 to index
        %parallel_loop3A_342 = tpu.vector_load %arg7[%parallel_loop3A_340, %parallel_loop3A_341] {strides = array<i32>} : memref<2x1024xi32, #tpu.memory_space<vmem>>, vector<16xi32>,
        %parallel_loop3A_343 = arith.constant 8 : i32
        %parallel_loop3A_344 = arith.divsi %parallel_loop3A_335, %parallel_loop3A_343 : i32
        %parallel_loop3A_345 = arith.constant 0 : i32
        %parallel_loop3A_346 = arith.cmpi sgt, %parallel_loop3A_335, %parallel_loop3A_345 : i32
        %parallel_loop3A_347 = arith.extui %parallel_loop3A_346 : i1 to i32
        %parallel_loop3A_348 = arith.constant 0 : i32
        %parallel_loop3A_349 = arith.cmpi slt, %parallel_loop3A_335, %parallel_loop3A_348 : i32
        %parallel_loop3A_350 = arith.extui %parallel_loop3A_349 : i1 to i32
        %parallel_loop3A_351 = arith.subi %parallel_loop3A_347, %parallel_loop3A_350 : i32
        %parallel_loop3A_352 = arith.constant 0 : i32
        %parallel_loop3A_353 = arith.cmpi sgt, %parallel_loop3A_343, %parallel_loop3A_352 : i32
        %parallel_loop3A_354 = arith.extui %parallel_loop3A_353 : i1 to i32
        %parallel_loop3A_355 = arith.constant 0 : i32
        %parallel_loop3A_356 = arith.cmpi slt, %parallel_loop3A_343, %parallel_loop3A_355 : i32
        %parallel_loop3A_357 = arith.extui %parallel_loop3A_356 : i1 to i32
        %parallel_loop3A_358 = arith.subi %parallel_loop3A_354, %parallel_loop3A_357 : i32
        %parallel_loop3A_359 = arith.cmpi ne, %parallel_loop3A_351, %parallel_loop3A_358 : i32
        %parallel_loop3A_360 = arith.remsi %parallel_loop3A_335, %parallel_loop3A_343 : i32
        %parallel_loop3A_361 = arith.constant 0 : i32
        %parallel_loop3A_362 = arith.cmpi ne, %parallel_loop3A_360, %parallel_loop3A_361 : i32
        %parallel_loop3A_363 = arith.andi %parallel_loop3A_359, %parallel_loop3A_362 : i1
        %parallel_loop3A_364 = arith.constant 1 : i32
        %parallel_loop3A_365 = arith.subi %parallel_loop3A_344, %parallel_loop3A_364 : i32
        %parallel_loop3A_366 = arith.select %parallel_loop3A_363, %parallel_loop3A_365, %parallel_loop3A_344 : i32
        %parallel_loop3A_367 = arith.constant 8 : i32
        %parallel_loop3A_368 = arith.muli %parallel_loop3A_366, %parallel_loop3A_367 : i32
        %parallel_loop3A_369 = arith.subi %parallel_loop3A_335, %parallel_loop3A_368 : i32
        %parallel_loop3A_370 = arith.constant 1024 : i32
        %parallel_loop3A_371 = arith.muli %parallel_loop3A_366, %parallel_loop3A_370 : i32
        %parallel_loop3A_372 = arith.constant 16 : i32
        %parallel_loop3A_373 = arith.muli %parallel_loop3A_369, %parallel_loop3A_372 : i32
        %parallel_loop3A_374 = arith.addi %parallel_loop3A_371, %parallel_loop3A_373 : i32
        %parallel_loop3A_375 = arith.constant 32 : i32
        %parallel_loop3A_376 = vector.broadcast %parallel_loop3A_375 : i32 to vector<16xi32>
        %parallel_loop3A_377 = tpu.vector_load_idx %arg6[%parallel_loop3A_376, %parallel_loop3A_342] : memref<64x1024xf32, #tpu.memory_space<vmem>>[vector<16xi32>, vector<16xi32>], vector<16xf32>,
        %parallel_loop3A_378 = arith.constant 0 : i32
        %parallel_loop3A_379 = arith.addi %parallel_loop3A_374, %parallel_loop3A_378 : i32
        %parallel_loop3A_380 = arith.constant 0 : i32
        %parallel_loop3A_381 = arith.addi %parallel_loop3A_379, %parallel_loop3A_380 : i32
        %parallel_loop3A_382 = tpu.assume_multiple %parallel_loop3A_381, 16 : i32
        %parallel_loop3A_383 = arith.constant 0 : i32
        %parallel_loop3A_384 = arith.index_cast %parallel_loop3A_383 : i32 to index
        %parallel_loop3A_385 = arith.index_cast %parallel_loop3A_382 : i32 to index
        %parallel_loop3A_386 = tpu.vector_load %arg9[%parallel_loop3A_384, %parallel_loop3A_385] {strides = array<i32>} : memref<2x16384xf32, #tpu.memory_space<vmem>>, vector<16xf32>,
        tpu.vector_store %arg9[%parallel_loop3A_384, %parallel_loop3A_385], %parallel_loop3A_377 {strides = array<i32>} : memref<2x16384xf32, #tpu.memory_space<vmem>>, vector<16xf32>,
        %parallel_loop3A_387 = arith.constant 33 : i32
        %parallel_loop3A_388 = vector.broadcast %parallel_loop3A_387 : i32 to vector<16xi32>
        %parallel_loop3A_389 = tpu.vector_load_idx %arg6[%parallel_loop3A_388, %parallel_loop3A_342] : memref<64x1024xf32, #tpu.memory_space<vmem>>[vector<16xi32>, vector<16xi32>], vector<16xf32>,
        %parallel_loop3A_390 = arith.constant 0 : i32
        %parallel_loop3A_391 = arith.addi %parallel_loop3A_374, %parallel_loop3A_390 : i32
        %parallel_loop3A_392 = arith.constant 128 : i32
        %parallel_loop3A_393 = arith.addi %parallel_loop3A_391, %parallel_loop3A_392 : i32
        %parallel_loop3A_394 = tpu.assume_multiple %parallel_loop3A_393, 16 : i32
        %parallel_loop3A_395 = arith.constant 0 : i32
        %parallel_loop3A_396 = arith.index_cast %parallel_loop3A_395 : i32 to index
        %parallel_loop3A_397 = arith.index_cast %parallel_loop3A_394 : i32 to index
        %parallel_loop3A_398 = tpu.vector_load %arg9[%parallel_loop3A_396, %parallel_loop3A_397] {strides = array<i32>} : memref<2x16384xf32, #tpu.memory_space<vmem>>, vector<16xf32>,
        tpu.vector_store %arg9[%parallel_loop3A_396, %parallel_loop3A_397], %parallel_loop3A_389 {strides = array<i32>} : memref<2x16384xf32, #tpu.memory_space<vmem>>, vector<16xf32>,
        %parallel_loop3A_399 = arith.constant 34 : i32
        %parallel_loop3A_400 = vector.broadcast %parallel_loop3A_399 : i32 to vector<16xi32>
        %parallel_loop3A_401 = tpu.vector_load_idx %arg6[%parallel_loop3A_400, %parallel_loop3A_342] : memref<64x1024xf32, #tpu.memory_space<vmem>>[vector<16xi32>, vector<16xi32>], vector<16xf32>,
        %parallel_loop3A_402 = arith.constant 0 : i32
        %parallel_loop3A_403 = arith.addi %parallel_loop3A_374, %parallel_loop3A_402 : i32
        %parallel_loop3A_404 = arith.constant 256 : i32
        %parallel_loop3A_405 = arith.addi %parallel_loop3A_403, %parallel_loop3A_404 : i32
        %parallel_loop3A_406 = tpu.assume_multiple %parallel_loop3A_405, 16 : i32
        %parallel_loop3A_407 = arith.constant 0 : i32
        %parallel_loop3A_408 = arith.index_cast %parallel_loop3A_407 : i32 to index
        %parallel_loop3A_409 = arith.index_cast %parallel_loop3A_406 : i32 to index
        %parallel_loop3A_410 = tpu.vector_load %arg9[%parallel_loop3A_408, %parallel_loop3A_409] {strides = array<i32>} : memref<2x16384xf32, #tpu.memory_space<vmem>>, vector<16xf32>,
        tpu.vector_store %arg9[%parallel_loop3A_408, %parallel_loop3A_409], %parallel_loop3A_401 {strides = array<i32>} : memref<2x16384xf32, #tpu.memory_space<vmem>>, vector<16xf32>,
        %parallel_loop3A_411 = arith.constant 35 : i32
        %parallel_loop3A_412 = vector.broadcast %parallel_loop3A_411 : i32 to vector<16xi32>
        %parallel_loop3A_413 = tpu.vector_load_idx %arg6[%parallel_loop3A_412, %parallel_loop3A_342] : memref<64x1024xf32, #tpu.memory_space<vmem>>[vector<16xi32>, vector<16xi32>], vector<16xf32>,
        %parallel_loop3A_414 = arith.constant 0 : i32
        %parallel_loop3A_415 = arith.addi %parallel_loop3A_374, %parallel_loop3A_414 : i32
        %parallel_loop3A_416 = arith.constant 384 : i32
        %parallel_loop3A_417 = arith.addi %parallel_loop3A_415, %parallel_loop3A_416 : i32
        %parallel_loop3A_418 = tpu.assume_multiple %parallel_loop3A_417, 16 : i32
        %parallel_loop3A_419 = arith.constant 0 : i32
        %parallel_loop3A_420 = arith.index_cast %parallel_loop3A_419 : i32 to index
        %parallel_loop3A_421 = arith.index_cast %parallel_loop3A_418 : i32 to index
        %parallel_loop3A_422 = tpu.vector_load %arg9[%parallel_loop3A_420, %parallel_loop3A_421] {strides = array<i32>} : memref<2x16384xf32, #tpu.memory_space<vmem>>, vector<16xf32>,
        tpu.vector_store %arg9[%parallel_loop3A_420, %parallel_loop3A_421], %parallel_loop3A_413 {strides = array<i32>} : memref<2x16384xf32, #tpu.memory_space<vmem>>, vector<16xf32>,
        %parallel_loop3A_423 = arith.constant 36 : i32
        %parallel_loop3A_424 = vector.broadcast %parallel_loop3A_423 : i32 to vector<16xi32>
        %parallel_loop3A_425 = tpu.vector_load_idx %arg6[%parallel_loop3A_424, %parallel_loop3A_342] : memref<64x1024xf32, #tpu.memory_space<vmem>>[vector<16xi32>, vector<16xi32>], vector<16xf32>,
        %parallel_loop3A_426 = arith.constant 0 : i32
        %parallel_loop3A_427 = arith.addi %parallel_loop3A_374, %parallel_loop3A_426 : i32
        %parallel_loop3A_428 = arith.constant 512 : i32
        %parallel_loop3A_429 = arith.addi %parallel_loop3A_427, %parallel_loop3A_428 : i32
        %parallel_loop3A_430 = tpu.assume_multiple %parallel_loop3A_429, 16 : i32
        %parallel_loop3A_431 = arith.constant 0 : i32
        %parallel_loop3A_432 = arith.index_cast %parallel_loop3A_431 : i32 to index
        %parallel_loop3A_433 = arith.index_cast %parallel_loop3A_430 : i32 to index
        %parallel_loop3A_434 = tpu.vector_load %arg9[%parallel_loop3A_432, %parallel_loop3A_433] {strides = array<i32>} : memref<2x16384xf32, #tpu.memory_space<vmem>>, vector<16xf32>,
        tpu.vector_store %arg9[%parallel_loop3A_432, %parallel_loop3A_433], %parallel_loop3A_425 {strides = array<i32>} : memref<2x16384xf32, #tpu.memory_space<vmem>>, vector<16xf32>,
        %parallel_loop3A_435 = arith.constant 37 : i32
        %parallel_loop3A_436 = vector.broadcast %parallel_loop3A_435 : i32 to vector<16xi32>
        %parallel_loop3A_437 = tpu.vector_load_idx %arg6[%parallel_loop3A_436, %parallel_loop3A_342] : memref<64x1024xf32, #tpu.memory_space<vmem>>[vector<16xi32>, vector<16xi32>], vector<16xf32>,
        %parallel_loop3A_438 = arith.constant 0 : i32
        %parallel_loop3A_439 = arith.addi %parallel_loop3A_374, %parallel_loop3A_438 : i32
        %parallel_loop3A_440 = arith.constant 640 : i32
        %parallel_loop3A_441 = arith.addi %parallel_loop3A_439, %parallel_loop3A_440 : i32
        %parallel_loop3A_442 = tpu.assume_multiple %parallel_loop3A_441, 16 : i32
        %parallel_loop3A_443 = arith.constant 0 : i32
        %parallel_loop3A_444 = arith.index_cast %parallel_loop3A_443 : i32 to index
        %parallel_loop3A_445 = arith.index_cast %parallel_loop3A_442 : i32 to index
        %parallel_loop3A_446 = tpu.vector_load %arg9[%parallel_loop3A_444, %parallel_loop3A_445] {strides = array<i32>} : memref<2x16384xf32, #tpu.memory_space<vmem>>, vector<16xf32>,
        tpu.vector_store %arg9[%parallel_loop3A_444, %parallel_loop3A_445], %parallel_loop3A_437 {strides = array<i32>} : memref<2x16384xf32, #tpu.memory_space<vmem>>, vector<16xf32>,
        %parallel_loop3A_447 = arith.constant 38 : i32
        %parallel_loop3A_448 = vector.broadcast %parallel_loop3A_447 : i32 to vector<16xi32>
        %parallel_loop3A_449 = tpu.vector_load_idx %arg6[%parallel_loop3A_448, %parallel_loop3A_342] : memref<64x1024xf32, #tpu.memory_space<vmem>>[vector<16xi32>, vector<16xi32>], vector<16xf32>,
        %parallel_loop3A_450 = arith.constant 0 : i32
        %parallel_loop3A_451 = arith.addi %parallel_loop3A_374, %parallel_loop3A_450 : i32
        %parallel_loop3A_452 = arith.constant 768 : i32
        %parallel_loop3A_453 = arith.addi %parallel_loop3A_451, %parallel_loop3A_452 : i32
        %parallel_loop3A_454 = tpu.assume_multiple %parallel_loop3A_453, 16 : i32
        %parallel_loop3A_455 = arith.constant 0 : i32
        %parallel_loop3A_456 = arith.index_cast %parallel_loop3A_455 : i32 to index
        %parallel_loop3A_457 = arith.index_cast %parallel_loop3A_454 : i32 to index
        %parallel_loop3A_458 = tpu.vector_load %arg9[%parallel_loop3A_456, %parallel_loop3A_457] {strides = array<i32>} : memref<2x16384xf32, #tpu.memory_space<vmem>>, vector<16xf32>,
        tpu.vector_store %arg9[%parallel_loop3A_456, %parallel_loop3A_457], %parallel_loop3A_449 {strides = array<i32>} : memref<2x16384xf32, #tpu.memory_space<vmem>>, vector<16xf32>,
        %parallel_loop3A_459 = arith.constant 39 : i32
        %parallel_loop3A_460 = vector.broadcast %parallel_loop3A_459 : i32 to vector<16xi32>
        %parallel_loop3A_461 = tpu.vector_load_idx %arg6[%parallel_loop3A_460, %parallel_loop3A_342] : memref<64x1024xf32, #tpu.memory_space<vmem>>[vector<16xi32>, vector<16xi32>], vector<16xf32>,
        %parallel_loop3A_462 = arith.constant 0 : i32
        %parallel_loop3A_463 = arith.addi %parallel_loop3A_374, %parallel_loop3A_462 : i32
        %parallel_loop3A_464 = arith.constant 896 : i32
        %parallel_loop3A_465 = arith.addi %parallel_loop3A_463, %parallel_loop3A_464 : i32
        %parallel_loop3A_466 = tpu.assume_multiple %parallel_loop3A_465, 16 : i32
        %parallel_loop3A_467 = arith.constant 0 : i32
        %parallel_loop3A_468 = arith.index_cast %parallel_loop3A_467 : i32 to index
        %parallel_loop3A_469 = arith.index_cast %parallel_loop3A_466 : i32 to index
        %parallel_loop3A_470 = tpu.vector_load %arg9[%parallel_loop3A_468, %parallel_loop3A_469] {strides = array<i32>} : memref<2x16384xf32, #tpu.memory_space<vmem>>, vector<16xf32>,
        tpu.vector_store %arg9[%parallel_loop3A_468, %parallel_loop3A_469], %parallel_loop3A_461 {strides = array<i32>} : memref<2x16384xf32, #tpu.memory_space<vmem>>, vector<16xf32>,
        %parallel_loop3A_471 = arith.constant 40 : i32
        %parallel_loop3A_472 = vector.broadcast %parallel_loop3A_471 : i32 to vector<16xi32>
        %parallel_loop3A_473 = tpu.vector_load_idx %arg6[%parallel_loop3A_472, %parallel_loop3A_342] : memref<64x1024xf32, #tpu.memory_space<vmem>>[vector<16xi32>, vector<16xi32>], vector<16xf32>,
        %parallel_loop3A_474 = arith.constant 8192 : i32
        %parallel_loop3A_475 = arith.addi %parallel_loop3A_374, %parallel_loop3A_474 : i32
        %parallel_loop3A_476 = arith.constant 0 : i32
        %parallel_loop3A_477 = arith.addi %parallel_loop3A_475, %parallel_loop3A_476 : i32
        %parallel_loop3A_478 = tpu.assume_multiple %parallel_loop3A_477, 16 : i32
        %parallel_loop3A_479 = arith.constant 0 : i32
        %parallel_loop3A_480 = arith.index_cast %parallel_loop3A_479 : i32 to index
        %parallel_loop3A_481 = arith.index_cast %parallel_loop3A_478 : i32 to index
        %parallel_loop3A_482 = tpu.vector_load %arg9[%parallel_loop3A_480, %parallel_loop3A_481] {strides = array<i32>} : memref<2x16384xf32, #tpu.memory_space<vmem>>, vector<16xf32>,
        tpu.vector_store %arg9[%parallel_loop3A_480, %parallel_loop3A_481], %parallel_loop3A_473 {strides = array<i32>} : memref<2x16384xf32, #tpu.memory_space<vmem>>, vector<16xf32>,
        %parallel_loop3A_483 = arith.constant 41 : i32
        %parallel_loop3A_484 = vector.broadcast %parallel_loop3A_483 : i32 to vector<16xi32>
        %parallel_loop3A_485 = tpu.vector_load_idx %arg6[%parallel_loop3A_484, %parallel_loop3A_342] : memref<64x1024xf32, #tpu.memory_space<vmem>>[vector<16xi32>, vector<16xi32>], vector<16xf32>,
        %parallel_loop3A_486 = arith.constant 8192 : i32
        %parallel_loop3A_487 = arith.addi %parallel_loop3A_374, %parallel_loop3A_486 : i32
        %parallel_loop3A_488 = arith.constant 128 : i32
        %parallel_loop3A_489 = arith.addi %parallel_loop3A_487, %parallel_loop3A_488 : i32
        %parallel_loop3A_490 = tpu.assume_multiple %parallel_loop3A_489, 16 : i32
        %parallel_loop3A_491 = arith.constant 0 : i32
        %parallel_loop3A_492 = arith.index_cast %parallel_loop3A_491 : i32 to index
        %parallel_loop3A_493 = arith.index_cast %parallel_loop3A_490 : i32 to index
        %parallel_loop3A_494 = tpu.vector_load %arg9[%parallel_loop3A_492, %parallel_loop3A_493] {strides = array<i32>} : memref<2x16384xf32, #tpu.memory_space<vmem>>, vector<16xf32>,
        tpu.vector_store %arg9[%parallel_loop3A_492, %parallel_loop3A_493], %parallel_loop3A_485 {strides = array<i32>} : memref<2x16384xf32, #tpu.memory_space<vmem>>, vector<16xf32>,
        %parallel_loop3A_495 = arith.constant 42 : i32
        %parallel_loop3A_496 = vector.broadcast %parallel_loop3A_495 : i32 to vector<16xi32>
        %parallel_loop3A_497 = tpu.vector_load_idx %arg6[%parallel_loop3A_496, %parallel_loop3A_342] : memref<64x1024xf32, #tpu.memory_space<vmem>>[vector<16xi32>, vector<16xi32>], vector<16xf32>,
        %parallel_loop3A_498 = arith.constant 8192 : i32
        %parallel_loop3A_499 = arith.addi %parallel_loop3A_374, %parallel_loop3A_498 : i32
        %parallel_loop3A_500 = arith.constant 256 : i32
        %parallel_loop3A_501 = arith.addi %parallel_loop3A_499, %parallel_loop3A_500 : i32
        %parallel_loop3A_502 = tpu.assume_multiple %parallel_loop3A_501, 16 : i32
        %parallel_loop3A_503 = arith.constant 0 : i32
        %parallel_loop3A_504 = arith.index_cast %parallel_loop3A_503 : i32 to index
        %parallel_loop3A_505 = arith.index_cast %parallel_loop3A_502 : i32 to index
        %parallel_loop3A_506 = tpu.vector_load %arg9[%parallel_loop3A_504, %parallel_loop3A_505] {strides = array<i32>} : memref<2x16384xf32, #tpu.memory_space<vmem>>, vector<16xf32>,
        tpu.vector_store %arg9[%parallel_loop3A_504, %parallel_loop3A_505], %parallel_loop3A_497 {strides = array<i32>} : memref<2x16384xf32, #tpu.memory_space<vmem>>, vector<16xf32>,
        %parallel_loop3A_507 = arith.constant 43 : i32
        %parallel_loop3A_508 = vector.broadcast %parallel_loop3A_507 : i32 to vector<16xi32>
        %parallel_loop3A_509 = tpu.vector_load_idx %arg6[%parallel_loop3A_508, %parallel_loop3A_342] : memref<64x1024xf32, #tpu.memory_space<vmem>>[vector<16xi32>, vector<16xi32>], vector<16xf32>,
        %parallel_loop3A_510 = arith.constant 8192 : i32
        %parallel_loop3A_511 = arith.addi %parallel_loop3A_374, %parallel_loop3A_510 : i32
        %parallel_loop3A_512 = arith.constant 384 : i32
        %parallel_loop3A_513 = arith.addi %parallel_loop3A_511, %parallel_loop3A_512 : i32
        %parallel_loop3A_514 = tpu.assume_multiple %parallel_loop3A_513, 16 : i32
        %parallel_loop3A_515 = arith.constant 0 : i32
        %parallel_loop3A_516 = arith.index_cast %parallel_loop3A_515 : i32 to index
        %parallel_loop3A_517 = arith.index_cast %parallel_loop3A_514 : i32 to index
        %parallel_loop3A_518 = tpu.vector_load %arg9[%parallel_loop3A_516, %parallel_loop3A_517] {strides = array<i32>} : memref<2x16384xf32, #tpu.memory_space<vmem>>, vector<16xf32>,
        tpu.vector_store %arg9[%parallel_loop3A_516, %parallel_loop3A_517], %parallel_loop3A_509 {strides = array<i32>} : memref<2x16384xf32, #tpu.memory_space<vmem>>, vector<16xf32>,
        %parallel_loop3A_519 = arith.constant 44 : i32
        %parallel_loop3A_520 = vector.broadcast %parallel_loop3A_519 : i32 to vector<16xi32>
        %parallel_loop3A_521 = tpu.vector_load_idx %arg6[%parallel_loop3A_520, %parallel_loop3A_342] : memref<64x1024xf32, #tpu.memory_space<vmem>>[vector<16xi32>, vector<16xi32>], vector<16xf32>,
        %parallel_loop3A_522 = arith.constant 8192 : i32
        %parallel_loop3A_523 = arith.addi %parallel_loop3A_374, %parallel_loop3A_522 : i32
        %parallel_loop3A_524 = arith.constant 512 : i32
        %parallel_loop3A_525 = arith.addi %parallel_loop3A_523, %parallel_loop3A_524 : i32
        %parallel_loop3A_526 = tpu.assume_multiple %parallel_loop3A_525, 16 : i32
        %parallel_loop3A_527 = arith.constant 0 : i32
        %parallel_loop3A_528 = arith.index_cast %parallel_loop3A_527 : i32 to index
        %parallel_loop3A_529 = arith.index_cast %parallel_loop3A_526 : i32 to index
        %parallel_loop3A_530 = tpu.vector_load %arg9[%parallel_loop3A_528, %parallel_loop3A_529] {strides = array<i32>} : memref<2x16384xf32, #tpu.memory_space<vmem>>, vector<16xf32>,
        tpu.vector_store %arg9[%parallel_loop3A_528, %parallel_loop3A_529], %parallel_loop3A_521 {strides = array<i32>} : memref<2x16384xf32, #tpu.memory_space<vmem>>, vector<16xf32>,
        %parallel_loop3A_531 = arith.constant 45 : i32
        %parallel_loop3A_532 = vector.broadcast %parallel_loop3A_531 : i32 to vector<16xi32>
        %parallel_loop3A_533 = tpu.vector_load_idx %arg6[%parallel_loop3A_532, %parallel_loop3A_342] : memref<64x1024xf32, #tpu.memory_space<vmem>>[vector<16xi32>, vector<16xi32>], vector<16xf32>,
        %parallel_loop3A_534 = arith.constant 8192 : i32
        %parallel_loop3A_535 = arith.addi %parallel_loop3A_374, %parallel_loop3A_534 : i32
        %parallel_loop3A_536 = arith.constant 640 : i32
        %parallel_loop3A_537 = arith.addi %parallel_loop3A_535, %parallel_loop3A_536 : i32
        %parallel_loop3A_538 = tpu.assume_multiple %parallel_loop3A_537, 16 : i32
        %parallel_loop3A_539 = arith.constant 0 : i32
        %parallel_loop3A_540 = arith.index_cast %parallel_loop3A_539 : i32 to index
        %parallel_loop3A_541 = arith.index_cast %parallel_loop3A_538 : i32 to index
        %parallel_loop3A_542 = tpu.vector_load %arg9[%parallel_loop3A_540, %parallel_loop3A_541] {strides = array<i32>} : memref<2x16384xf32, #tpu.memory_space<vmem>>, vector<16xf32>,
        tpu.vector_store %arg9[%parallel_loop3A_540, %parallel_loop3A_541], %parallel_loop3A_533 {strides = array<i32>} : memref<2x16384xf32, #tpu.memory_space<vmem>>, vector<16xf32>,
        %parallel_loop3A_543 = arith.constant 46 : i32
        %parallel_loop3A_544 = vector.broadcast %parallel_loop3A_543 : i32 to vector<16xi32>
        %parallel_loop3A_545 = tpu.vector_load_idx %arg6[%parallel_loop3A_544, %parallel_loop3A_342] : memref<64x1024xf32, #tpu.memory_space<vmem>>[vector<16xi32>, vector<16xi32>], vector<16xf32>,
        %parallel_loop3A_546 = arith.constant 8192 : i32
        %parallel_loop3A_547 = arith.addi %parallel_loop3A_374, %parallel_loop3A_546 : i32
        %parallel_loop3A_548 = arith.constant 768 : i32
        %parallel_loop3A_549 = arith.addi %parallel_loop3A_547, %parallel_loop3A_548 : i32
        %parallel_loop3A_550 = tpu.assume_multiple %parallel_loop3A_549, 16 : i32
        %parallel_loop3A_551 = arith.constant 0 : i32
        %parallel_loop3A_552 = arith.index_cast %parallel_loop3A_551 : i32 to index
        %parallel_loop3A_553 = arith.index_cast %parallel_loop3A_550 : i32 to index
        %parallel_loop3A_554 = tpu.vector_load %arg9[%parallel_loop3A_552, %parallel_loop3A_553] {strides = array<i32>} : memref<2x16384xf32, #tpu.memory_space<vmem>>, vector<16xf32>,
        tpu.vector_store %arg9[%parallel_loop3A_552, %parallel_loop3A_553], %parallel_loop3A_545 {strides = array<i32>} : memref<2x16384xf32, #tpu.memory_space<vmem>>, vector<16xf32>,
        %parallel_loop3A_555 = arith.constant 47 : i32
        %parallel_loop3A_556 = vector.broadcast %parallel_loop3A_555 : i32 to vector<16xi32>
        %parallel_loop3A_557 = tpu.vector_load_idx %arg6[%parallel_loop3A_556, %parallel_loop3A_342] : memref<64x1024xf32, #tpu.memory_space<vmem>>[vector<16xi32>, vector<16xi32>], vector<16xf32>,
        %parallel_loop3A_558 = arith.constant 8192 : i32
        %parallel_loop3A_559 = arith.addi %parallel_loop3A_374, %parallel_loop3A_558 : i32
        %parallel_loop3A_560 = arith.constant 896 : i32
        %parallel_loop3A_561 = arith.addi %parallel_loop3A_559, %parallel_loop3A_560 : i32
        %parallel_loop3A_562 = tpu.assume_multiple %parallel_loop3A_561, 16 : i32
        %parallel_loop3A_563 = arith.constant 0 : i32
        %parallel_loop3A_564 = arith.index_cast %parallel_loop3A_563 : i32 to index
        %parallel_loop3A_565 = arith.index_cast %parallel_loop3A_562 : i32 to index
        %parallel_loop3A_566 = tpu.vector_load %arg9[%parallel_loop3A_564, %parallel_loop3A_565] {strides = array<i32>} : memref<2x16384xf32, #tpu.memory_space<vmem>>, vector<16xf32>,
        tpu.vector_store %arg9[%parallel_loop3A_564, %parallel_loop3A_565], %parallel_loop3A_557 {strides = array<i32>} : memref<2x16384xf32, #tpu.memory_space<vmem>>, vector<16xf32>,
      } {sc.loop_unroll_factor = 2 : i64, sc.parallel_access}
      %add3A_141 = arith.addi %mul3A_2, %add3A_56 : i32
      %mul3A_142 = arith.constant 65536 : i32
      %mul3A_143 = arith.muli %add3A_141, %mul3A_142 : i32
      %add3A_144 = arith.constant 32768 : i32
      %add3A_145 = arith.addi %mul3A_143, %add3A_144 : i32
      %multiple_of3A_146 = tpu.assume_multiple %add3A_145, 16384 : i32
      %dma_start3A_147 = arith.constant 0 : i32
      %dma_start3A_148 = arith.constant 0 : i32
      %dma_start3A_149 = tpu.memref_slice %arg9[%dma_start3A_147, %dma_start3A_148] : memref<2x16384xf32, #tpu.memory_space<vmem>> -> memref<1x16384xf32, #tpu.memory_space<vmem>>
      %dma_start3A_150 = tpu.memref_squeeze %dma_start3A_149 : memref<1x16384xf32, #tpu.memory_space<vmem>> -> memref<16384xf32, #tpu.memory_space<vmem>>
      %dma_start3A_151 = tpu.memref_slice %arg5[%multiple_of3A_146] : memref<67108864xf32, #tpu.memory_space<hbm>> -> memref<16384xf32, #tpu.memory_space<hbm>>
      %dma_start3A_152 = tpu.memref_slice %arg5[%multiple_of3A_146] : memref<67108864xf32, #tpu.memory_space<hbm>> -> memref<16384xf32, #tpu.memory_space<hbm>>
      %dma_start3A_153 = arith.constant 0 : i32
      %dma_start3A_154 = tpu.memref_slice %arg9[%dma_start3A_147, %dma_start3A_153] : memref<2x16384xf32, #tpu.memory_space<vmem>> -> memref<1x16384xf32, #tpu.memory_space<vmem>>
      %dma_start3A_155 = tpu.memref_squeeze %dma_start3A_154 : memref<1x16384xf32, #tpu.memory_space<vmem>> -> memref<16384xf32, #tpu.memory_space<vmem>>
      tpu.enqueue_dma source(%dma_start3A_155 : memref<16384xf32, #tpu.memory_space<vmem>>) target(%dma_start3A_152 : memref<16384xf32, #tpu.memory_space<hbm>>) target_semaphore(%arg11 : memref<!tpu.dma_semaphore, #tpu.memory_space<semaphore_mem>>)
      %dma_wait3A_156 = arith.constant 1 : i32
      %dma_wait3A_157 = arith.constant 0 : i32
      %dma_wait3A_158 = tpu.memref_slice %arg9[%dma_wait3A_156, %dma_wait3A_157] : memref<2x16384xf32, #tpu.memory_space<vmem>> -> memref<1x16384xf32, #tpu.memory_space<vmem>>
      %dma_wait3A_159 = tpu.memref_squeeze %dma_wait3A_158 : memref<1x16384xf32, #tpu.memory_space<vmem>> -> memref<16384xf32, #tpu.memory_space<vmem>>
      %dma_wait3A_160 = arith.constant 0 : i32
      %dma_wait3A_161 = tpu.memref_slice %arg5[%dma_wait3A_160] : memref<67108864xf32, #tpu.memory_space<hbm>> -> memref<16384xf32, #tpu.memory_space<hbm>>
      %dma_wait3A_162 = arith.constant 0 : i32
      %dma_wait3A_163 = tpu.memref_slice %arg5[%dma_wait3A_162] : memref<67108864xf32, #tpu.memory_space<hbm>> -> memref<16384xf32, #tpu.memory_space<hbm>>
      %dma_wait3A_164 = arith.constant 0 : i32
      %dma_wait3A_165 = tpu.memref_slice %arg9[%dma_wait3A_156, %dma_wait3A_164] : memref<2x16384xf32, #tpu.memory_space<vmem>> -> memref<1x16384xf32, #tpu.memory_space<vmem>>
      %dma_wait3A_166 = tpu.memref_squeeze %dma_wait3A_165 : memref<1x16384xf32, #tpu.memory_space<vmem>> -> memref<16384xf32, #tpu.memory_space<vmem>>
      tpu.wait_dma2 semaphore(%arg12 : memref<!tpu.dma_semaphore, #tpu.memory_space<semaphore_mem>>) src(%dma_wait3A_166 : memref<16384xf32, #tpu.memory_space<vmem>>) dst(%dma_wait3A_163 : memref<16384xf32, #tpu.memory_space<hbm>>)
      %parallel_loop3A_167 = arith.constant 0 : i32
      %parallel_loop3A_168 = arith.constant 64 : i32
      %parallel_loop3A_169 = arith.constant 1 : i32
      scf.for %parallel_loop3A_335 = %parallel_loop3A_167 to %parallel_loop3A_168 step %parallel_loop3A_169  : i32 {
        %parallel_loop3A_336 = arith.constant 16 : i32
        %parallel_loop3A_337 = arith.muli %parallel_loop3A_335, %parallel_loop3A_336 : i32
        %parallel_loop3A_338 = tpu.assume_multiple %parallel_loop3A_337, 16 : i32
        %parallel_loop3A_339 = arith.constant 0 : i32
        %parallel_loop3A_340 = arith.index_cast %parallel_loop3A_339 : i32 to index
        %parallel_loop3A_341 = arith.index_cast %parallel_loop3A_338 : i32 to index
        %parallel_loop3A_342 = tpu.vector_load %arg7[%parallel_loop3A_340, %parallel_loop3A_341] {strides = array<i32>} : memref<2x1024xi32, #tpu.memory_space<vmem>>, vector<16xi32>,
        %parallel_loop3A_343 = arith.constant 8 : i32
        %parallel_loop3A_344 = arith.divsi %parallel_loop3A_335, %parallel_loop3A_343 : i32
        %parallel_loop3A_345 = arith.constant 0 : i32
        %parallel_loop3A_346 = arith.cmpi sgt, %parallel_loop3A_335, %parallel_loop3A_345 : i32
        %parallel_loop3A_347 = arith.extui %parallel_loop3A_346 : i1 to i32
        %parallel_loop3A_348 = arith.constant 0 : i32
        %parallel_loop3A_349 = arith.cmpi slt, %parallel_loop3A_335, %parallel_loop3A_348 : i32
        %parallel_loop3A_350 = arith.extui %parallel_loop3A_349 : i1 to i32
        %parallel_loop3A_351 = arith.subi %parallel_loop3A_347, %parallel_loop3A_350 : i32
        %parallel_loop3A_352 = arith.constant 0 : i32
        %parallel_loop3A_353 = arith.cmpi sgt, %parallel_loop3A_343, %parallel_loop3A_352 : i32
        %parallel_loop3A_354 = arith.extui %parallel_loop3A_353 : i1 to i32
        %parallel_loop3A_355 = arith.constant 0 : i32
        %parallel_loop3A_356 = arith.cmpi slt, %parallel_loop3A_343, %parallel_loop3A_355 : i32
        %parallel_loop3A_357 = arith.extui %parallel_loop3A_356 : i1 to i32
        %parallel_loop3A_358 = arith.subi %parallel_loop3A_354, %parallel_loop3A_357 : i32
        %parallel_loop3A_359 = arith.cmpi ne, %parallel_loop3A_351, %parallel_loop3A_358 : i32
        %parallel_loop3A_360 = arith.remsi %parallel_loop3A_335, %parallel_loop3A_343 : i32
        %parallel_loop3A_361 = arith.constant 0 : i32
        %parallel_loop3A_362 = arith.cmpi ne, %parallel_loop3A_360, %parallel_loop3A_361 : i32
        %parallel_loop3A_363 = arith.andi %parallel_loop3A_359, %parallel_loop3A_362 : i1
        %parallel_loop3A_364 = arith.constant 1 : i32
        %parallel_loop3A_365 = arith.subi %parallel_loop3A_344, %parallel_loop3A_364 : i32
        %parallel_loop3A_366 = arith.select %parallel_loop3A_363, %parallel_loop3A_365, %parallel_loop3A_344 : i32
        %parallel_loop3A_367 = arith.constant 8 : i32
        %parallel_loop3A_368 = arith.muli %parallel_loop3A_366, %parallel_loop3A_367 : i32
        %parallel_loop3A_369 = arith.subi %parallel_loop3A_335, %parallel_loop3A_368 : i32
        %parallel_loop3A_370 = arith.constant 1024 : i32
        %parallel_loop3A_371 = arith.muli %parallel_loop3A_366, %parallel_loop3A_370 : i32
        %parallel_loop3A_372 = arith.constant 16 : i32
        %parallel_loop3A_373 = arith.muli %parallel_loop3A_369, %parallel_loop3A_372 : i32
        %parallel_loop3A_374 = arith.addi %parallel_loop3A_371, %parallel_loop3A_373 : i32
        %parallel_loop3A_375 = arith.constant 48 : i32
        %parallel_loop3A_376 = vector.broadcast %parallel_loop3A_375 : i32 to vector<16xi32>
        %parallel_loop3A_377 = tpu.vector_load_idx %arg6[%parallel_loop3A_376, %parallel_loop3A_342] : memref<64x1024xf32, #tpu.memory_space<vmem>>[vector<16xi32>, vector<16xi32>], vector<16xf32>,
        %parallel_loop3A_378 = arith.constant 0 : i32
        %parallel_loop3A_379 = arith.addi %parallel_loop3A_374, %parallel_loop3A_378 : i32
        %parallel_loop3A_380 = arith.constant 0 : i32
        %parallel_loop3A_381 = arith.addi %parallel_loop3A_379, %parallel_loop3A_380 : i32
        %parallel_loop3A_382 = tpu.assume_multiple %parallel_loop3A_381, 16 : i32
        %parallel_loop3A_383 = arith.constant 1 : i32
        %parallel_loop3A_384 = arith.index_cast %parallel_loop3A_383 : i32 to index
        %parallel_loop3A_385 = arith.index_cast %parallel_loop3A_382 : i32 to index
        %parallel_loop3A_386 = tpu.vector_load %arg9[%parallel_loop3A_384, %parallel_loop3A_385] {strides = array<i32>} : memref<2x16384xf32, #tpu.memory_space<vmem>>, vector<16xf32>,
        tpu.vector_store %arg9[%parallel_loop3A_384, %parallel_loop3A_385], %parallel_loop3A_377 {strides = array<i32>} : memref<2x16384xf32, #tpu.memory_space<vmem>>, vector<16xf32>,
        %parallel_loop3A_387 = arith.constant 49 : i32
        %parallel_loop3A_388 = vector.broadcast %parallel_loop3A_387 : i32 to vector<16xi32>
        %parallel_loop3A_389 = tpu.vector_load_idx %arg6[%parallel_loop3A_388, %parallel_loop3A_342] : memref<64x1024xf32, #tpu.memory_space<vmem>>[vector<16xi32>, vector<16xi32>], vector<16xf32>,
        %parallel_loop3A_390 = arith.constant 0 : i32
        %parallel_loop3A_391 = arith.addi %parallel_loop3A_374, %parallel_loop3A_390 : i32
        %parallel_loop3A_392 = arith.constant 128 : i32
        %parallel_loop3A_393 = arith.addi %parallel_loop3A_391, %parallel_loop3A_392 : i32
        %parallel_loop3A_394 = tpu.assume_multiple %parallel_loop3A_393, 16 : i32
        %parallel_loop3A_395 = arith.constant 1 : i32
        %parallel_loop3A_396 = arith.index_cast %parallel_loop3A_395 : i32 to index
        %parallel_loop3A_397 = arith.index_cast %parallel_loop3A_394 : i32 to index
        %parallel_loop3A_398 = tpu.vector_load %arg9[%parallel_loop3A_396, %parallel_loop3A_397] {strides = array<i32>} : memref<2x16384xf32, #tpu.memory_space<vmem>>, vector<16xf32>,
        tpu.vector_store %arg9[%parallel_loop3A_396, %parallel_loop3A_397], %parallel_loop3A_389 {strides = array<i32>} : memref<2x16384xf32, #tpu.memory_space<vmem>>, vector<16xf32>,
        %parallel_loop3A_399 = arith.constant 50 : i32
        %parallel_loop3A_400 = vector.broadcast %parallel_loop3A_399 : i32 to vector<16xi32>
        %parallel_loop3A_401 = tpu.vector_load_idx %arg6[%parallel_loop3A_400, %parallel_loop3A_342] : memref<64x1024xf32, #tpu.memory_space<vmem>>[vector<16xi32>, vector<16xi32>], vector<16xf32>,
        %parallel_loop3A_402 = arith.constant 0 : i32
        %parallel_loop3A_403 = arith.addi %parallel_loop3A_374, %parallel_loop3A_402 : i32
        %parallel_loop3A_404 = arith.constant 256 : i32
        %parallel_loop3A_405 = arith.addi %parallel_loop3A_403, %parallel_loop3A_404 : i32
        %parallel_loop3A_406 = tpu.assume_multiple %parallel_loop3A_405, 16 : i32
        %parallel_loop3A_407 = arith.constant 1 : i32
        %parallel_loop3A_408 = arith.index_cast %parallel_loop3A_407 : i32 to index
        %parallel_loop3A_409 = arith.index_cast %parallel_loop3A_406 : i32 to index
        %parallel_loop3A_410 = tpu.vector_load %arg9[%parallel_loop3A_408, %parallel_loop3A_409] {strides = array<i32>} : memref<2x16384xf32, #tpu.memory_space<vmem>>, vector<16xf32>,
        tpu.vector_store %arg9[%parallel_loop3A_408, %parallel_loop3A_409], %parallel_loop3A_401 {strides = array<i32>} : memref<2x16384xf32, #tpu.memory_space<vmem>>, vector<16xf32>,
        %parallel_loop3A_411 = arith.constant 51 : i32
        %parallel_loop3A_412 = vector.broadcast %parallel_loop3A_411 : i32 to vector<16xi32>
        %parallel_loop3A_413 = tpu.vector_load_idx %arg6[%parallel_loop3A_412, %parallel_loop3A_342] : memref<64x1024xf32, #tpu.memory_space<vmem>>[vector<16xi32>, vector<16xi32>], vector<16xf32>,
        %parallel_loop3A_414 = arith.constant 0 : i32
        %parallel_loop3A_415 = arith.addi %parallel_loop3A_374, %parallel_loop3A_414 : i32
        %parallel_loop3A_416 = arith.constant 384 : i32
        %parallel_loop3A_417 = arith.addi %parallel_loop3A_415, %parallel_loop3A_416 : i32
        %parallel_loop3A_418 = tpu.assume_multiple %parallel_loop3A_417, 16 : i32
        %parallel_loop3A_419 = arith.constant 1 : i32
        %parallel_loop3A_420 = arith.index_cast %parallel_loop3A_419 : i32 to index
        %parallel_loop3A_421 = arith.index_cast %parallel_loop3A_418 : i32 to index
        %parallel_loop3A_422 = tpu.vector_load %arg9[%parallel_loop3A_420, %parallel_loop3A_421] {strides = array<i32>} : memref<2x16384xf32, #tpu.memory_space<vmem>>, vector<16xf32>,
        tpu.vector_store %arg9[%parallel_loop3A_420, %parallel_loop3A_421], %parallel_loop3A_413 {strides = array<i32>} : memref<2x16384xf32, #tpu.memory_space<vmem>>, vector<16xf32>,
        %parallel_loop3A_423 = arith.constant 52 : i32
        %parallel_loop3A_424 = vector.broadcast %parallel_loop3A_423 : i32 to vector<16xi32>
        %parallel_loop3A_425 = tpu.vector_load_idx %arg6[%parallel_loop3A_424, %parallel_loop3A_342] : memref<64x1024xf32, #tpu.memory_space<vmem>>[vector<16xi32>, vector<16xi32>], vector<16xf32>,
        %parallel_loop3A_426 = arith.constant 0 : i32
        %parallel_loop3A_427 = arith.addi %parallel_loop3A_374, %parallel_loop3A_426 : i32
        %parallel_loop3A_428 = arith.constant 512 : i32
        %parallel_loop3A_429 = arith.addi %parallel_loop3A_427, %parallel_loop3A_428 : i32
        %parallel_loop3A_430 = tpu.assume_multiple %parallel_loop3A_429, 16 : i32
        %parallel_loop3A_431 = arith.constant 1 : i32
        %parallel_loop3A_432 = arith.index_cast %parallel_loop3A_431 : i32 to index
        %parallel_loop3A_433 = arith.index_cast %parallel_loop3A_430 : i32 to index
        %parallel_loop3A_434 = tpu.vector_load %arg9[%parallel_loop3A_432, %parallel_loop3A_433] {strides = array<i32>} : memref<2x16384xf32, #tpu.memory_space<vmem>>, vector<16xf32>,
        tpu.vector_store %arg9[%parallel_loop3A_432, %parallel_loop3A_433], %parallel_loop3A_425 {strides = array<i32>} : memref<2x16384xf32, #tpu.memory_space<vmem>>, vector<16xf32>,
        %parallel_loop3A_435 = arith.constant 53 : i32
        %parallel_loop3A_436 = vector.broadcast %parallel_loop3A_435 : i32 to vector<16xi32>
        %parallel_loop3A_437 = tpu.vector_load_idx %arg6[%parallel_loop3A_436, %parallel_loop3A_342] : memref<64x1024xf32, #tpu.memory_space<vmem>>[vector<16xi32>, vector<16xi32>], vector<16xf32>,
        %parallel_loop3A_438 = arith.constant 0 : i32
        %parallel_loop3A_439 = arith.addi %parallel_loop3A_374, %parallel_loop3A_438 : i32
        %parallel_loop3A_440 = arith.constant 640 : i32
        %parallel_loop3A_441 = arith.addi %parallel_loop3A_439, %parallel_loop3A_440 : i32
        %parallel_loop3A_442 = tpu.assume_multiple %parallel_loop3A_441, 16 : i32
        %parallel_loop3A_443 = arith.constant 1 : i32
        %parallel_loop3A_444 = arith.index_cast %parallel_loop3A_443 : i32 to index
        %parallel_loop3A_445 = arith.index_cast %parallel_loop3A_442 : i32 to index
        %parallel_loop3A_446 = tpu.vector_load %arg9[%parallel_loop3A_444, %parallel_loop3A_445] {strides = array<i32>} : memref<2x16384xf32, #tpu.memory_space<vmem>>, vector<16xf32>,
        tpu.vector_store %arg9[%parallel_loop3A_444, %parallel_loop3A_445], %parallel_loop3A_437 {strides = array<i32>} : memref<2x16384xf32, #tpu.memory_space<vmem>>, vector<16xf32>,
        %parallel_loop3A_447 = arith.constant 54 : i32
        %parallel_loop3A_448 = vector.broadcast %parallel_loop3A_447 : i32 to vector<16xi32>
        %parallel_loop3A_449 = tpu.vector_load_idx %arg6[%parallel_loop3A_448, %parallel_loop3A_342] : memref<64x1024xf32, #tpu.memory_space<vmem>>[vector<16xi32>, vector<16xi32>], vector<16xf32>,
        %parallel_loop3A_450 = arith.constant 0 : i32
        %parallel_loop3A_451 = arith.addi %parallel_loop3A_374, %parallel_loop3A_450 : i32
        %parallel_loop3A_452 = arith.constant 768 : i32
        %parallel_loop3A_453 = arith.addi %parallel_loop3A_451, %parallel_loop3A_452 : i32
        %parallel_loop3A_454 = tpu.assume_multiple %parallel_loop3A_453, 16 : i32
        %parallel_loop3A_455 = arith.constant 1 : i32
        %parallel_loop3A_456 = arith.index_cast %parallel_loop3A_455 : i32 to index
        %parallel_loop3A_457 = arith.index_cast %parallel_loop3A_454 : i32 to index
        %parallel_loop3A_458 = tpu.vector_load %arg9[%parallel_loop3A_456, %parallel_loop3A_457] {strides = array<i32>} : memref<2x16384xf32, #tpu.memory_space<vmem>>, vector<16xf32>,
        tpu.vector_store %arg9[%parallel_loop3A_456, %parallel_loop3A_457], %parallel_loop3A_449 {strides = array<i32>} : memref<2x16384xf32, #tpu.memory_space<vmem>>, vector<16xf32>,
        %parallel_loop3A_459 = arith.constant 55 : i32
        %parallel_loop3A_460 = vector.broadcast %parallel_loop3A_459 : i32 to vector<16xi32>
        %parallel_loop3A_461 = tpu.vector_load_idx %arg6[%parallel_loop3A_460, %parallel_loop3A_342] : memref<64x1024xf32, #tpu.memory_space<vmem>>[vector<16xi32>, vector<16xi32>], vector<16xf32>,
        %parallel_loop3A_462 = arith.constant 0 : i32
        %parallel_loop3A_463 = arith.addi %parallel_loop3A_374, %parallel_loop3A_462 : i32
        %parallel_loop3A_464 = arith.constant 896 : i32
        %parallel_loop3A_465 = arith.addi %parallel_loop3A_463, %parallel_loop3A_464 : i32
        %parallel_loop3A_466 = tpu.assume_multiple %parallel_loop3A_465, 16 : i32
        %parallel_loop3A_467 = arith.constant 1 : i32
        %parallel_loop3A_468 = arith.index_cast %parallel_loop3A_467 : i32 to index
        %parallel_loop3A_469 = arith.index_cast %parallel_loop3A_466 : i32 to index
        %parallel_loop3A_470 = tpu.vector_load %arg9[%parallel_loop3A_468, %parallel_loop3A_469] {strides = array<i32>} : memref<2x16384xf32, #tpu.memory_space<vmem>>, vector<16xf32>,
        tpu.vector_store %arg9[%parallel_loop3A_468, %parallel_loop3A_469], %parallel_loop3A_461 {strides = array<i32>} : memref<2x16384xf32, #tpu.memory_space<vmem>>, vector<16xf32>,
        %parallel_loop3A_471 = arith.constant 56 : i32
        %parallel_loop3A_472 = vector.broadcast %parallel_loop3A_471 : i32 to vector<16xi32>
        %parallel_loop3A_473 = tpu.vector_load_idx %arg6[%parallel_loop3A_472, %parallel_loop3A_342] : memref<64x1024xf32, #tpu.memory_space<vmem>>[vector<16xi32>, vector<16xi32>], vector<16xf32>,
        %parallel_loop3A_474 = arith.constant 8192 : i32
        %parallel_loop3A_475 = arith.addi %parallel_loop3A_374, %parallel_loop3A_474 : i32
        %parallel_loop3A_476 = arith.constant 0 : i32
        %parallel_loop3A_477 = arith.addi %parallel_loop3A_475, %parallel_loop3A_476 : i32
        %parallel_loop3A_478 = tpu.assume_multiple %parallel_loop3A_477, 16 : i32
        %parallel_loop3A_479 = arith.constant 1 : i32
        %parallel_loop3A_480 = arith.index_cast %parallel_loop3A_479 : i32 to index
        %parallel_loop3A_481 = arith.index_cast %parallel_loop3A_478 : i32 to index
        %parallel_loop3A_482 = tpu.vector_load %arg9[%parallel_loop3A_480, %parallel_loop3A_481] {strides = array<i32>} : memref<2x16384xf32, #tpu.memory_space<vmem>>, vector<16xf32>,
        tpu.vector_store %arg9[%parallel_loop3A_480, %parallel_loop3A_481], %parallel_loop3A_473 {strides = array<i32>} : memref<2x16384xf32, #tpu.memory_space<vmem>>, vector<16xf32>,
        %parallel_loop3A_483 = arith.constant 57 : i32
        %parallel_loop3A_484 = vector.broadcast %parallel_loop3A_483 : i32 to vector<16xi32>
        %parallel_loop3A_485 = tpu.vector_load_idx %arg6[%parallel_loop3A_484, %parallel_loop3A_342] : memref<64x1024xf32, #tpu.memory_space<vmem>>[vector<16xi32>, vector<16xi32>], vector<16xf32>,
        %parallel_loop3A_486 = arith.constant 8192 : i32
        %parallel_loop3A_487 = arith.addi %parallel_loop3A_374, %parallel_loop3A_486 : i32
        %parallel_loop3A_488 = arith.constant 128 : i32
        %parallel_loop3A_489 = arith.addi %parallel_loop3A_487, %parallel_loop3A_488 : i32
        %parallel_loop3A_490 = tpu.assume_multiple %parallel_loop3A_489, 16 : i32
        %parallel_loop3A_491 = arith.constant 1 : i32
        %parallel_loop3A_492 = arith.index_cast %parallel_loop3A_491 : i32 to index
        %parallel_loop3A_493 = arith.index_cast %parallel_loop3A_490 : i32 to index
        %parallel_loop3A_494 = tpu.vector_load %arg9[%parallel_loop3A_492, %parallel_loop3A_493] {strides = array<i32>} : memref<2x16384xf32, #tpu.memory_space<vmem>>, vector<16xf32>,
        tpu.vector_store %arg9[%parallel_loop3A_492, %parallel_loop3A_493], %parallel_loop3A_485 {strides = array<i32>} : memref<2x16384xf32, #tpu.memory_space<vmem>>, vector<16xf32>,
        %parallel_loop3A_495 = arith.constant 58 : i32
        %parallel_loop3A_496 = vector.broadcast %parallel_loop3A_495 : i32 to vector<16xi32>
        %parallel_loop3A_497 = tpu.vector_load_idx %arg6[%parallel_loop3A_496, %parallel_loop3A_342] : memref<64x1024xf32, #tpu.memory_space<vmem>>[vector<16xi32>, vector<16xi32>], vector<16xf32>,
        %parallel_loop3A_498 = arith.constant 8192 : i32
        %parallel_loop3A_499 = arith.addi %parallel_loop3A_374, %parallel_loop3A_498 : i32
        %parallel_loop3A_500 = arith.constant 256 : i32
        %parallel_loop3A_501 = arith.addi %parallel_loop3A_499, %parallel_loop3A_500 : i32
        %parallel_loop3A_502 = tpu.assume_multiple %parallel_loop3A_501, 16 : i32
        %parallel_loop3A_503 = arith.constant 1 : i32
        %parallel_loop3A_504 = arith.index_cast %parallel_loop3A_503 : i32 to index
        %parallel_loop3A_505 = arith.index_cast %parallel_loop3A_502 : i32 to index
        %parallel_loop3A_506 = tpu.vector_load %arg9[%parallel_loop3A_504, %parallel_loop3A_505] {strides = array<i32>} : memref<2x16384xf32, #tpu.memory_space<vmem>>, vector<16xf32>,
        tpu.vector_store %arg9[%parallel_loop3A_504, %parallel_loop3A_505], %parallel_loop3A_497 {strides = array<i32>} : memref<2x16384xf32, #tpu.memory_space<vmem>>, vector<16xf32>,
        %parallel_loop3A_507 = arith.constant 59 : i32
        %parallel_loop3A_508 = vector.broadcast %parallel_loop3A_507 : i32 to vector<16xi32>
        %parallel_loop3A_509 = tpu.vector_load_idx %arg6[%parallel_loop3A_508, %parallel_loop3A_342] : memref<64x1024xf32, #tpu.memory_space<vmem>>[vector<16xi32>, vector<16xi32>], vector<16xf32>,
        %parallel_loop3A_510 = arith.constant 8192 : i32
        %parallel_loop3A_511 = arith.addi %parallel_loop3A_374, %parallel_loop3A_510 : i32
        %parallel_loop3A_512 = arith.constant 384 : i32
        %parallel_loop3A_513 = arith.addi %parallel_loop3A_511, %parallel_loop3A_512 : i32
        %parallel_loop3A_514 = tpu.assume_multiple %parallel_loop3A_513, 16 : i32
        %parallel_loop3A_515 = arith.constant 1 : i32
        %parallel_loop3A_516 = arith.index_cast %parallel_loop3A_515 : i32 to index
        %parallel_loop3A_517 = arith.index_cast %parallel_loop3A_514 : i32 to index
        %parallel_loop3A_518 = tpu.vector_load %arg9[%parallel_loop3A_516, %parallel_loop3A_517] {strides = array<i32>} : memref<2x16384xf32, #tpu.memory_space<vmem>>, vector<16xf32>,
        tpu.vector_store %arg9[%parallel_loop3A_516, %parallel_loop3A_517], %parallel_loop3A_509 {strides = array<i32>} : memref<2x16384xf32, #tpu.memory_space<vmem>>, vector<16xf32>,
        %parallel_loop3A_519 = arith.constant 60 : i32
        %parallel_loop3A_520 = vector.broadcast %parallel_loop3A_519 : i32 to vector<16xi32>
        %parallel_loop3A_521 = tpu.vector_load_idx %arg6[%parallel_loop3A_520, %parallel_loop3A_342] : memref<64x1024xf32, #tpu.memory_space<vmem>>[vector<16xi32>, vector<16xi32>], vector<16xf32>,
        %parallel_loop3A_522 = arith.constant 8192 : i32
        %parallel_loop3A_523 = arith.addi %parallel_loop3A_374, %parallel_loop3A_522 : i32
        %parallel_loop3A_524 = arith.constant 512 : i32
        %parallel_loop3A_525 = arith.addi %parallel_loop3A_523, %parallel_loop3A_524 : i32
        %parallel_loop3A_526 = tpu.assume_multiple %parallel_loop3A_525, 16 : i32
        %parallel_loop3A_527 = arith.constant 1 : i32
        %parallel_loop3A_528 = arith.index_cast %parallel_loop3A_527 : i32 to index
        %parallel_loop3A_529 = arith.index_cast %parallel_loop3A_526 : i32 to index
        %parallel_loop3A_530 = tpu.vector_load %arg9[%parallel_loop3A_528, %parallel_loop3A_529] {strides = array<i32>} : memref<2x16384xf32, #tpu.memory_space<vmem>>, vector<16xf32>,
        tpu.vector_store %arg9[%parallel_loop3A_528, %parallel_loop3A_529], %parallel_loop3A_521 {strides = array<i32>} : memref<2x16384xf32, #tpu.memory_space<vmem>>, vector<16xf32>,
        %parallel_loop3A_531 = arith.constant 61 : i32
        %parallel_loop3A_532 = vector.broadcast %parallel_loop3A_531 : i32 to vector<16xi32>
        %parallel_loop3A_533 = tpu.vector_load_idx %arg6[%parallel_loop3A_532, %parallel_loop3A_342] : memref<64x1024xf32, #tpu.memory_space<vmem>>[vector<16xi32>, vector<16xi32>], vector<16xf32>,
        %parallel_loop3A_534 = arith.constant 8192 : i32
        %parallel_loop3A_535 = arith.addi %parallel_loop3A_374, %parallel_loop3A_534 : i32
        %parallel_loop3A_536 = arith.constant 640 : i32
        %parallel_loop3A_537 = arith.addi %parallel_loop3A_535, %parallel_loop3A_536 : i32
        %parallel_loop3A_538 = tpu.assume_multiple %parallel_loop3A_537, 16 : i32
        %parallel_loop3A_539 = arith.constant 1 : i32
        %parallel_loop3A_540 = arith.index_cast %parallel_loop3A_539 : i32 to index
        %parallel_loop3A_541 = arith.index_cast %parallel_loop3A_538 : i32 to index
        %parallel_loop3A_542 = tpu.vector_load %arg9[%parallel_loop3A_540, %parallel_loop3A_541] {strides = array<i32>} : memref<2x16384xf32, #tpu.memory_space<vmem>>, vector<16xf32>,
        tpu.vector_store %arg9[%parallel_loop3A_540, %parallel_loop3A_541], %parallel_loop3A_533 {strides = array<i32>} : memref<2x16384xf32, #tpu.memory_space<vmem>>, vector<16xf32>,
        %parallel_loop3A_543 = arith.constant 62 : i32
        %parallel_loop3A_544 = vector.broadcast %parallel_loop3A_543 : i32 to vector<16xi32>
        %parallel_loop3A_545 = tpu.vector_load_idx %arg6[%parallel_loop3A_544, %parallel_loop3A_342] : memref<64x1024xf32, #tpu.memory_space<vmem>>[vector<16xi32>, vector<16xi32>], vector<16xf32>,
        %parallel_loop3A_546 = arith.constant 8192 : i32
        %parallel_loop3A_547 = arith.addi %parallel_loop3A_374, %parallel_loop3A_546 : i32
        %parallel_loop3A_548 = arith.constant 768 : i32
        %parallel_loop3A_549 = arith.addi %parallel_loop3A_547, %parallel_loop3A_548 : i32
        %parallel_loop3A_550 = tpu.assume_multiple %parallel_loop3A_549, 16 : i32
        %parallel_loop3A_551 = arith.constant 1 : i32
        %parallel_loop3A_552 = arith.index_cast %parallel_loop3A_551 : i32 to index
        %parallel_loop3A_553 = arith.index_cast %parallel_loop3A_550 : i32 to index
        %parallel_loop3A_554 = tpu.vector_load %arg9[%parallel_loop3A_552, %parallel_loop3A_553] {strides = array<i32>} : memref<2x16384xf32, #tpu.memory_space<vmem>>, vector<16xf32>,
        tpu.vector_store %arg9[%parallel_loop3A_552, %parallel_loop3A_553], %parallel_loop3A_545 {strides = array<i32>} : memref<2x16384xf32, #tpu.memory_space<vmem>>, vector<16xf32>,
        %parallel_loop3A_555 = arith.constant 63 : i32
        %parallel_loop3A_556 = vector.broadcast %parallel_loop3A_555 : i32 to vector<16xi32>
        %parallel_loop3A_557 = tpu.vector_load_idx %arg6[%parallel_loop3A_556, %parallel_loop3A_342] : memref<64x1024xf32, #tpu.memory_space<vmem>>[vector<16xi32>, vector<16xi32>], vector<16xf32>,
        %parallel_loop3A_558 = arith.constant 0 : i32
        %parallel_loop3A_559 = arith.index_cast %parallel_loop3A_558 : i32 to index
        %parallel_loop3A_560 = arith.index_cast %parallel_loop3A_338 : i32 to index
        %parallel_loop3A_561 = tpu.vector_load %arg8[%parallel_loop3A_559, %parallel_loop3A_560] {strides = array<i32>} : memref<2x1024xf32, #tpu.memory_space<vmem>>, vector<16xf32>,
        %parallel_loop3A_562 = arith.addf %parallel_loop3A_557, %parallel_loop3A_561 : vector<16xf32>
        %parallel_loop3A_563 = arith.constant 8192 : i32
        %parallel_loop3A_564 = arith.addi %parallel_loop3A_374, %parallel_loop3A_563 : i32
        %parallel_loop3A_565 = arith.constant 896 : i32
        %parallel_loop3A_566 = arith.addi %parallel_loop3A_564, %parallel_loop3A_565 : i32
        %parallel_loop3A_567 = tpu.assume_multiple %parallel_loop3A_566, 16 : i32
        %parallel_loop3A_568 = arith.constant 1 : i32
        %parallel_loop3A_569 = arith.index_cast %parallel_loop3A_568 : i32 to index
        %parallel_loop3A_570 = arith.index_cast %parallel_loop3A_567 : i32 to index
        %parallel_loop3A_571 = tpu.vector_load %arg9[%parallel_loop3A_569, %parallel_loop3A_570] {strides = array<i32>} : memref<2x16384xf32, #tpu.memory_space<vmem>>, vector<16xf32>,
        tpu.vector_store %arg9[%parallel_loop3A_569, %parallel_loop3A_570], %parallel_loop3A_562 {strides = array<i32>} : memref<2x16384xf32, #tpu.memory_space<vmem>>, vector<16xf32>,
      } {sc.loop_unroll_factor = 2 : i64, sc.parallel_access}
      %add3A_170 = arith.addi %mul3A_2, %add3A_56 : i32
      %mul3A_171 = arith.constant 65536 : i32
      %mul3A_172 = arith.muli %add3A_170, %mul3A_171 : i32
      %add3A_173 = arith.constant 49152 : i32
      %add3A_174 = arith.addi %mul3A_172, %add3A_173 : i32
      %multiple_of3A_175 = tpu.assume_multiple %add3A_174, 16384 : i32
      %dma_start3A_176 = arith.constant 1 : i32
      %dma_start3A_177 = arith.constant 0 : i32
      %dma_start3A_178 = tpu.memref_slice %arg9[%dma_start3A_176, %dma_start3A_177] : memref<2x16384xf32, #tpu.memory_space<vmem>> -> memref<1x16384xf32, #tpu.memory_space<vmem>>
      %dma_start3A_179 = tpu.memref_squeeze %dma_start3A_178 : memref<1x16384xf32, #tpu.memory_space<vmem>> -> memref<16384xf32, #tpu.memory_space<vmem>>
      %dma_start3A_180 = tpu.memref_slice %arg5[%multiple_of3A_175] : memref<67108864xf32, #tpu.memory_space<hbm>> -> memref<16384xf32, #tpu.memory_space<hbm>>
      %dma_start3A_181 = tpu.memref_slice %arg5[%multiple_of3A_175] : memref<67108864xf32, #tpu.memory_space<hbm>> -> memref<16384xf32, #tpu.memory_space<hbm>>
      %dma_start3A_182 = arith.constant 0 : i32
      %dma_start3A_183 = tpu.memref_slice %arg9[%dma_start3A_176, %dma_start3A_182] : memref<2x16384xf32, #tpu.memory_space<vmem>> -> memref<1x16384xf32, #tpu.memory_space<vmem>>
      %dma_start3A_184 = tpu.memref_squeeze %dma_start3A_183 : memref<1x16384xf32, #tpu.memory_space<vmem>> -> memref<16384xf32, #tpu.memory_space<vmem>>
      tpu.enqueue_dma source(%dma_start3A_184 : memref<16384xf32, #tpu.memory_space<vmem>>) target(%dma_start3A_181 : memref<16384xf32, #tpu.memory_space<hbm>>) target_semaphore(%arg12 : memref<!tpu.dma_semaphore, #tpu.memory_space<semaphore_mem>>)
      %mul3A_185 = arith.constant 2 : i32
      %mul3A_186 = arith.muli %mul3A_185, %scan3A_51 : i32
      %add3A_187 = arith.constant 1 : i32
      %add3A_188 = arith.addi %mul3A_186, %add3A_187 : i32
      %dma_wait3A_189 = arith.constant 1 : i32
      %dma_wait3A_190 = arith.constant 0 : i32
      %dma_wait3A_191 = tpu.memref_slice %arg7[%dma_wait3A_189, %dma_wait3A_190] : memref<2x1024xi32, #tpu.memory_space<vmem>> -> memref<1x1024xi32, #tpu.memory_space<vmem>>
      %dma_wait3A_192 = tpu.memref_squeeze %dma_wait3A_191 : memref<1x1024xi32, #tpu.memory_space<vmem>> -> memref<1024xi32, #tpu.memory_space<vmem>>
      %dma_wait3A_193 = arith.constant 0 : i32
      %dma_wait3A_194 = tpu.memref_slice %arg3[%dma_wait3A_193] : memref<1048576xi32, #tpu.memory_space<hbm>> -> memref<1024xi32, #tpu.memory_space<hbm>>
      %dma_wait3A_195 = arith.constant 0 : i32
      %dma_wait3A_196 = tpu.memref_slice %arg7[%dma_wait3A_189, %dma_wait3A_195] : memref<2x1024xi32, #tpu.memory_space<vmem>> -> memref<1x1024xi32, #tpu.memory_space<vmem>>
      %dma_wait3A_197 = tpu.memref_squeeze %dma_wait3A_196 : memref<1x1024xi32, #tpu.memory_space<vmem>> -> memref<1024xi32, #tpu.memory_space<vmem>>
      %dma_wait3A_198 = arith.constant 0 : i32
      %dma_wait3A_199 = tpu.memref_slice %arg3[%dma_wait3A_198] : memref<1048576xi32, #tpu.memory_space<hbm>> -> memref<1024xi32, #tpu.memory_space<hbm>>
      tpu.wait_dma2 semaphore(%arg10 : memref<!tpu.dma_semaphore, #tpu.memory_space<semaphore_mem>>) src(%dma_wait3A_199 : memref<1024xi32, #tpu.memory_space<hbm>>) dst(%dma_wait3A_197 : memref<1024xi32, #tpu.memory_space<vmem>>)
      %dma_wait3A_200 = arith.constant 1 : i32
      %dma_wait3A_201 = arith.constant 0 : i32
      %dma_wait3A_202 = tpu.memref_slice %arg8[%dma_wait3A_200, %dma_wait3A_201] : memref<2x1024xf32, #tpu.memory_space<vmem>> -> memref<1x1024xf32, #tpu.memory_space<vmem>>
      %dma_wait3A_203 = tpu.memref_squeeze %dma_wait3A_202 : memref<1x1024xf32, #tpu.memory_space<vmem>> -> memref<1024xf32, #tpu.memory_space<vmem>>
      %dma_wait3A_204 = arith.constant 0 : i32
      %dma_wait3A_205 = tpu.memref_slice %arg4[%dma_wait3A_204] : memref<1048576xf32, #tpu.memory_space<hbm>> -> memref<1024xf32, #tpu.memory_space<hbm>>
      %dma_wait3A_206 = arith.constant 0 : i32
      %dma_wait3A_207 = tpu.memref_slice %arg8[%dma_wait3A_200, %dma_wait3A_206] : memref<2x1024xf32, #tpu.memory_space<vmem>> -> memref<1x1024xf32, #tpu.memory_space<vmem>>
      %dma_wait3A_208 = tpu.memref_squeeze %dma_wait3A_207 : memref<1x1024xf32, #tpu.memory_space<vmem>> -> memref<1024xf32, #tpu.memory_space<vmem>>
      %dma_wait3A_209 = arith.constant 0 : i32
      %dma_wait3A_210 = tpu.memref_slice %arg4[%dma_wait3A_209] : memref<1048576xf32, #tpu.memory_space<hbm>> -> memref<1024xf32, #tpu.memory_space<hbm>>
      tpu.wait_dma2 semaphore(%arg10 : memref<!tpu.dma_semaphore, #tpu.memory_space<semaphore_mem>>) src(%dma_wait3A_210 : memref<1024xf32, #tpu.memory_space<hbm>>) dst(%dma_wait3A_208 : memref<1024xf32, #tpu.memory_space<vmem>>)
      %add3A_211 = arith.constant 1 : i32
      %add3A_212 = arith.addi %add3A_188, %add3A_211 : i32
      %lt3A_213 = arith.constant 32 : i32
      %lt3A_214 = arith.cmpi slt, %add3A_212, %lt3A_213 : i32
      %convert_element_type3A_215 = arith.extui %lt3A_214 : i1 to i32
      %cond3A_216 = arith.constant 0 : i32
      %cond3A_217 = arith.cmpi ne, %convert_element_type3A_215, %cond3A_216 : i32
      scf.if %cond3A_217 {
        %add3A_335 = arith.constant 1 : i32
        %add3A_336 = arith.addi %add3A_188, %add3A_335 : i32
        %add3A_337 = arith.addi %mul3A_2, %add3A_336 : i32
        %mul3A_338 = arith.constant 1024 : i32
        %mul3A_339 = arith.muli %add3A_337, %mul3A_338 : i32
        %multiple_of3A_340 = tpu.assume_multiple %mul3A_339, 1024 : i32
        %dma_start3A_341 = arith.constant 0 : i32
        %dma_start3A_342 = arith.constant 0 : i32
        %dma_start3A_343 = tpu.memref_slice %arg7[%dma_start3A_341, %dma_start3A_342] : memref<2x1024xi32, #tpu.memory_space<vmem>> -> memref<1x1024xi32, #tpu.memory_space<vmem>>
        %dma_start3A_344 = tpu.memref_squeeze %dma_start3A_343 : memref<1x1024xi32, #tpu.memory_space<vmem>> -> memref<1024xi32, #tpu.memory_space<vmem>>
        %dma_start3A_345 = tpu.memref_slice %arg3[%multiple_of3A_340] : memref<1048576xi32, #tpu.memory_space<hbm>> -> memref<1024xi32, #tpu.memory_space<hbm>>
        %dma_start3A_346 = arith.constant 0 : i32
        %dma_start3A_347 = tpu.memref_slice %arg7[%dma_start3A_341, %dma_start3A_346] : memref<2x1024xi32, #tpu.memory_space<vmem>> -> memref<1x1024xi32, #tpu.memory_space<vmem>>
        %dma_start3A_348 = tpu.memref_squeeze %dma_start3A_347 : memref<1x1024xi32, #tpu.memory_space<vmem>> -> memref<1024xi32, #tpu.memory_space<vmem>>
        %dma_start3A_349 = tpu.memref_slice %arg3[%multiple_of3A_340] : memref<1048576xi32, #tpu.memory_space<hbm>> -> memref<1024xi32, #tpu.memory_space<hbm>>
        tpu.enqueue_dma source(%dma_start3A_349 : memref<1024xi32, #tpu.memory_space<hbm>>) target(%dma_start3A_348 : memref<1024xi32, #tpu.memory_space<vmem>>) target_semaphore(%arg10 : memref<!tpu.dma_semaphore, #tpu.memory_space<semaphore_mem>>)
        %dma_start3A_350 = arith.constant 0 : i32
        %dma_start3A_351 = arith.constant 0 : i32
        %dma_start3A_352 = tpu.memref_slice %arg8[%dma_start3A_350, %dma_start3A_351] : memref<2x1024xf32, #tpu.memory_space<vmem>> -> memref<1x1024xf32, #tpu.memory_space<vmem>>
        %dma_start3A_353 = tpu.memref_squeeze %dma_start3A_352 : memref<1x1024xf32, #tpu.memory_space<vmem>> -> memref<1024xf32, #tpu.memory_space<vmem>>
        %dma_start3A_354 = tpu.memref_slice %arg4[%multiple_of3A_340] : memref<1048576xf32, #tpu.memory_space<hbm>> -> memref<1024xf32, #tpu.memory_space<hbm>>
        %dma_start3A_355 = arith.constant 0 : i32
        %dma_start3A_356 = tpu.memref_slice %arg8[%dma_start3A_350, %dma_start3A_355] : memref<2x1024xf32, #tpu.memory_space<vmem>> -> memref<1x1024xf32, #tpu.memory_space<vmem>>
        %dma_start3A_357 = tpu.memref_squeeze %dma_start3A_356 : memref<1x1024xf32, #tpu.memory_space<vmem>> -> memref<1024xf32, #tpu.memory_space<vmem>>
        %dma_start3A_358 = tpu.memref_slice %arg4[%multiple_of3A_340] : memref<1048576xf32, #tpu.memory_space<hbm>> -> memref<1024xf32, #tpu.memory_space<hbm>>
        tpu.enqueue_dma source(%dma_start3A_358 : memref<1024xf32, #tpu.memory_space<hbm>>) target(%dma_start3A_357 : memref<1024xf32, #tpu.memory_space<vmem>>) target_semaphore(%arg10 : memref<!tpu.dma_semaphore, #tpu.memory_space<semaphore_mem>>)
      } else {
      }
      %dma_wait3A_218 = arith.constant 0 : i32
      %dma_wait3A_219 = arith.constant 0 : i32
      %dma_wait3A_220 = tpu.memref_slice %arg9[%dma_wait3A_218, %dma_wait3A_219] : memref<2x16384xf32, #tpu.memory_space<vmem>> -> memref<1x16384xf32, #tpu.memory_space<vmem>>
      %dma_wait3A_221 = tpu.memref_squeeze %dma_wait3A_220 : memref<1x16384xf32, #tpu.memory_space<vmem>> -> memref<16384xf32, #tpu.memory_space<vmem>>
      %dma_wait3A_222 = arith.constant 0 : i32
      %dma_wait3A_223 = tpu.memref_slice %arg5[%dma_wait3A_222] : memref<67108864xf32, #tpu.memory_space<hbm>> -> memref<16384xf32, #tpu.memory_space<hbm>>
      %dma_wait3A_224 = arith.constant 0 : i32
      %dma_wait3A_225 = tpu.memref_slice %arg5[%dma_wait3A_224] : memref<67108864xf32, #tpu.memory_space<hbm>> -> memref<16384xf32, #tpu.memory_space<hbm>>
      %dma_wait3A_226 = arith.constant 0 : i32
      %dma_wait3A_227 = tpu.memref_slice %arg9[%dma_wait3A_218, %dma_wait3A_226] : memref<2x16384xf32, #tpu.memory_space<vmem>> -> memref<1x16384xf32, #tpu.memory_space<vmem>>
      %dma_wait3A_228 = tpu.memref_squeeze %dma_wait3A_227 : memref<1x16384xf32, #tpu.memory_space<vmem>> -> memref<16384xf32, #tpu.memory_space<vmem>>
      tpu.wait_dma2 semaphore(%arg11 : memref<!tpu.dma_semaphore, #tpu.memory_space<semaphore_mem>>) src(%dma_wait3A_228 : memref<16384xf32, #tpu.memory_space<vmem>>) dst(%dma_wait3A_225 : memref<16384xf32, #tpu.memory_space<hbm>>)
      %parallel_loop3A_229 = arith.constant 0 : i32
      %parallel_loop3A_230 = arith.constant 64 : i32
      %parallel_loop3A_231 = arith.constant 1 : i32
      scf.for %parallel_loop3A_335 = %parallel_loop3A_229 to %parallel_loop3A_230 step %parallel_loop3A_231  : i32 {
        %parallel_loop3A_336 = arith.constant 16 : i32
        %parallel_loop3A_337 = arith.muli %parallel_loop3A_335, %parallel_loop3A_336 : i32
        %parallel_loop3A_338 = tpu.assume_multiple %parallel_loop3A_337, 16 : i32
        %parallel_loop3A_339 = arith.constant 1 : i32
        %parallel_loop3A_340 = arith.index_cast %parallel_loop3A_339 : i32 to index
        %parallel_loop3A_341 = arith.index_cast %parallel_loop3A_338 : i32 to index
        %parallel_loop3A_342 = tpu.vector_load %arg7[%parallel_loop3A_340, %parallel_loop3A_341] {strides = array<i32>} : memref<2x1024xi32, #tpu.memory_space<vmem>>, vector<16xi32>,
        %parallel_loop3A_343 = arith.constant 8 : i32
        %parallel_loop3A_344 = arith.divsi %parallel_loop3A_335, %parallel_loop3A_343 : i32
        %parallel_loop3A_345 = arith.constant 0 : i32
        %parallel_loop3A_346 = arith.cmpi sgt, %parallel_loop3A_335, %parallel_loop3A_345 : i32
        %parallel_loop3A_347 = arith.extui %parallel_loop3A_346 : i1 to i32
        %parallel_loop3A_348 = arith.constant 0 : i32
        %parallel_loop3A_349 = arith.cmpi slt, %parallel_loop3A_335, %parallel_loop3A_348 : i32
        %parallel_loop3A_350 = arith.extui %parallel_loop3A_349 : i1 to i32
        %parallel_loop3A_351 = arith.subi %parallel_loop3A_347, %parallel_loop3A_350 : i32
        %parallel_loop3A_352 = arith.constant 0 : i32
        %parallel_loop3A_353 = arith.cmpi sgt, %parallel_loop3A_343, %parallel_loop3A_352 : i32
        %parallel_loop3A_354 = arith.extui %parallel_loop3A_353 : i1 to i32
        %parallel_loop3A_355 = arith.constant 0 : i32
        %parallel_loop3A_356 = arith.cmpi slt, %parallel_loop3A_343, %parallel_loop3A_355 : i32
        %parallel_loop3A_357 = arith.extui %parallel_loop3A_356 : i1 to i32
        %parallel_loop3A_358 = arith.subi %parallel_loop3A_354, %parallel_loop3A_357 : i32
        %parallel_loop3A_359 = arith.cmpi ne, %parallel_loop3A_351, %parallel_loop3A_358 : i32
        %parallel_loop3A_360 = arith.remsi %parallel_loop3A_335, %parallel_loop3A_343 : i32
        %parallel_loop3A_361 = arith.constant 0 : i32
        %parallel_loop3A_362 = arith.cmpi ne, %parallel_loop3A_360, %parallel_loop3A_361 : i32
        %parallel_loop3A_363 = arith.andi %parallel_loop3A_359, %parallel_loop3A_362 : i1
        %parallel_loop3A_364 = arith.constant 1 : i32
        %parallel_loop3A_365 = arith.subi %parallel_loop3A_344, %parallel_loop3A_364 : i32
        %parallel_loop3A_366 = arith.select %parallel_loop3A_363, %parallel_loop3A_365, %parallel_loop3A_344 : i32
        %parallel_loop3A_367 = arith.constant 8 : i32
        %parallel_loop3A_368 = arith.muli %parallel_loop3A_366, %parallel_loop3A_367 : i32
        %parallel_loop3A_369 = arith.subi %parallel_loop3A_335, %parallel_loop3A_368 : i32
        %parallel_loop3A_370 = arith.constant 1024 : i32
        %parallel_loop3A_371 = arith.muli %parallel_loop3A_366, %parallel_loop3A_370 : i32
        %parallel_loop3A_372 = arith.constant 16 : i32
        %parallel_loop3A_373 = arith.muli %parallel_loop3A_369, %parallel_loop3A_372 : i32
        %parallel_loop3A_374 = arith.addi %parallel_loop3A_371, %parallel_loop3A_373 : i32
        %parallel_loop3A_375 = arith.constant 0 : i32
        %parallel_loop3A_376 = vector.broadcast %parallel_loop3A_375 : i32 to vector<16xi32>
        %parallel_loop3A_377 = tpu.vector_load_idx %arg6[%parallel_loop3A_376, %parallel_loop3A_342] : memref<64x1024xf32, #tpu.memory_space<vmem>>[vector<16xi32>, vector<16xi32>], vector<16xf32>,
        %parallel_loop3A_378 = arith.constant 0 : i32
        %parallel_loop3A_379 = arith.addi %parallel_loop3A_374, %parallel_loop3A_378 : i32
        %parallel_loop3A_380 = arith.constant 0 : i32
        %parallel_loop3A_381 = arith.addi %parallel_loop3A_379, %parallel_loop3A_380 : i32
        %parallel_loop3A_382 = tpu.assume_multiple %parallel_loop3A_381, 16 : i32
        %parallel_loop3A_383 = arith.constant 0 : i32
        %parallel_loop3A_384 = arith.index_cast %parallel_loop3A_383 : i32 to index
        %parallel_loop3A_385 = arith.index_cast %parallel_loop3A_382 : i32 to index
        %parallel_loop3A_386 = tpu.vector_load %arg9[%parallel_loop3A_384, %parallel_loop3A_385] {strides = array<i32>} : memref<2x16384xf32, #tpu.memory_space<vmem>>, vector<16xf32>,
        tpu.vector_store %arg9[%parallel_loop3A_384, %parallel_loop3A_385], %parallel_loop3A_377 {strides = array<i32>} : memref<2x16384xf32, #tpu.memory_space<vmem>>, vector<16xf32>,
        %parallel_loop3A_387 = arith.constant 1 : i32
        %parallel_loop3A_388 = vector.broadcast %parallel_loop3A_387 : i32 to vector<16xi32>
        %parallel_loop3A_389 = tpu.vector_load_idx %arg6[%parallel_loop3A_388, %parallel_loop3A_342] : memref<64x1024xf32, #tpu.memory_space<vmem>>[vector<16xi32>, vector<16xi32>], vector<16xf32>,
        %parallel_loop3A_390 = arith.constant 0 : i32
        %parallel_loop3A_391 = arith.addi %parallel_loop3A_374, %parallel_loop3A_390 : i32
        %parallel_loop3A_392 = arith.constant 128 : i32
        %parallel_loop3A_393 = arith.addi %parallel_loop3A_391, %parallel_loop3A_392 : i32
        %parallel_loop3A_394 = tpu.assume_multiple %parallel_loop3A_393, 16 : i32
        %parallel_loop3A_395 = arith.constant 0 : i32
        %parallel_loop3A_396 = arith.index_cast %parallel_loop3A_395 : i32 to index
        %parallel_loop3A_397 = arith.index_cast %parallel_loop3A_394 : i32 to index
        %parallel_loop3A_398 = tpu.vector_load %arg9[%parallel_loop3A_396, %parallel_loop3A_397] {strides = array<i32>} : memref<2x16384xf32, #tpu.memory_space<vmem>>, vector<16xf32>,
        tpu.vector_store %arg9[%parallel_loop3A_396, %parallel_loop3A_397], %parallel_loop3A_389 {strides = array<i32>} : memref<2x16384xf32, #tpu.memory_space<vmem>>, vector<16xf32>,
        %parallel_loop3A_399 = arith.constant 2 : i32
        %parallel_loop3A_400 = vector.broadcast %parallel_loop3A_399 : i32 to vector<16xi32>
        %parallel_loop3A_401 = tpu.vector_load_idx %arg6[%parallel_loop3A_400, %parallel_loop3A_342] : memref<64x1024xf32, #tpu.memory_space<vmem>>[vector<16xi32>, vector<16xi32>], vector<16xf32>,
        %parallel_loop3A_402 = arith.constant 0 : i32
        %parallel_loop3A_403 = arith.addi %parallel_loop3A_374, %parallel_loop3A_402 : i32
        %parallel_loop3A_404 = arith.constant 256 : i32
        %parallel_loop3A_405 = arith.addi %parallel_loop3A_403, %parallel_loop3A_404 : i32
        %parallel_loop3A_406 = tpu.assume_multiple %parallel_loop3A_405, 16 : i32
        %parallel_loop3A_407 = arith.constant 0 : i32
        %parallel_loop3A_408 = arith.index_cast %parallel_loop3A_407 : i32 to index
        %parallel_loop3A_409 = arith.index_cast %parallel_loop3A_406 : i32 to index
        %parallel_loop3A_410 = tpu.vector_load %arg9[%parallel_loop3A_408, %parallel_loop3A_409] {strides = array<i32>} : memref<2x16384xf32, #tpu.memory_space<vmem>>, vector<16xf32>,
        tpu.vector_store %arg9[%parallel_loop3A_408, %parallel_loop3A_409], %parallel_loop3A_401 {strides = array<i32>} : memref<2x16384xf32, #tpu.memory_space<vmem>>, vector<16xf32>,
        %parallel_loop3A_411 = arith.constant 3 : i32
        %parallel_loop3A_412 = vector.broadcast %parallel_loop3A_411 : i32 to vector<16xi32>
        %parallel_loop3A_413 = tpu.vector_load_idx %arg6[%parallel_loop3A_412, %parallel_loop3A_342] : memref<64x1024xf32, #tpu.memory_space<vmem>>[vector<16xi32>, vector<16xi32>], vector<16xf32>,
        %parallel_loop3A_414 = arith.constant 0 : i32
        %parallel_loop3A_415 = arith.addi %parallel_loop3A_374, %parallel_loop3A_414 : i32
        %parallel_loop3A_416 = arith.constant 384 : i32
        %parallel_loop3A_417 = arith.addi %parallel_loop3A_415, %parallel_loop3A_416 : i32
        %parallel_loop3A_418 = tpu.assume_multiple %parallel_loop3A_417, 16 : i32
        %parallel_loop3A_419 = arith.constant 0 : i32
        %parallel_loop3A_420 = arith.index_cast %parallel_loop3A_419 : i32 to index
        %parallel_loop3A_421 = arith.index_cast %parallel_loop3A_418 : i32 to index
        %parallel_loop3A_422 = tpu.vector_load %arg9[%parallel_loop3A_420, %parallel_loop3A_421] {strides = array<i32>} : memref<2x16384xf32, #tpu.memory_space<vmem>>, vector<16xf32>,
        tpu.vector_store %arg9[%parallel_loop3A_420, %parallel_loop3A_421], %parallel_loop3A_413 {strides = array<i32>} : memref<2x16384xf32, #tpu.memory_space<vmem>>, vector<16xf32>,
        %parallel_loop3A_423 = arith.constant 4 : i32
        %parallel_loop3A_424 = vector.broadcast %parallel_loop3A_423 : i32 to vector<16xi32>
        %parallel_loop3A_425 = tpu.vector_load_idx %arg6[%parallel_loop3A_424, %parallel_loop3A_342] : memref<64x1024xf32, #tpu.memory_space<vmem>>[vector<16xi32>, vector<16xi32>], vector<16xf32>,
        %parallel_loop3A_426 = arith.constant 0 : i32
        %parallel_loop3A_427 = arith.addi %parallel_loop3A_374, %parallel_loop3A_426 : i32
        %parallel_loop3A_428 = arith.constant 512 : i32
        %parallel_loop3A_429 = arith.addi %parallel_loop3A_427, %parallel_loop3A_428 : i32
        %parallel_loop3A_430 = tpu.assume_multiple %parallel_loop3A_429, 16 : i32
        %parallel_loop3A_431 = arith.constant 0 : i32
        %parallel_loop3A_432 = arith.index_cast %parallel_loop3A_431 : i32 to index
        %parallel_loop3A_433 = arith.index_cast %parallel_loop3A_430 : i32 to index
        %parallel_loop3A_434 = tpu.vector_load %arg9[%parallel_loop3A_432, %parallel_loop3A_433] {strides = array<i32>} : memref<2x16384xf32, #tpu.memory_space<vmem>>, vector<16xf32>,
        tpu.vector_store %arg9[%parallel_loop3A_432, %parallel_loop3A_433], %parallel_loop3A_425 {strides = array<i32>} : memref<2x16384xf32, #tpu.memory_space<vmem>>, vector<16xf32>,
        %parallel_loop3A_435 = arith.constant 5 : i32
        %parallel_loop3A_436 = vector.broadcast %parallel_loop3A_435 : i32 to vector<16xi32>
        %parallel_loop3A_437 = tpu.vector_load_idx %arg6[%parallel_loop3A_436, %parallel_loop3A_342] : memref<64x1024xf32, #tpu.memory_space<vmem>>[vector<16xi32>, vector<16xi32>], vector<16xf32>,
        %parallel_loop3A_438 = arith.constant 0 : i32
        %parallel_loop3A_439 = arith.addi %parallel_loop3A_374, %parallel_loop3A_438 : i32
        %parallel_loop3A_440 = arith.constant 640 : i32
        %parallel_loop3A_441 = arith.addi %parallel_loop3A_439, %parallel_loop3A_440 : i32
        %parallel_loop3A_442 = tpu.assume_multiple %parallel_loop3A_441, 16 : i32
        %parallel_loop3A_443 = arith.constant 0 : i32
        %parallel_loop3A_444 = arith.index_cast %parallel_loop3A_443 : i32 to index
        %parallel_loop3A_445 = arith.index_cast %parallel_loop3A_442 : i32 to index
        %parallel_loop3A_446 = tpu.vector_load %arg9[%parallel_loop3A_444, %parallel_loop3A_445] {strides = array<i32>} : memref<2x16384xf32, #tpu.memory_space<vmem>>, vector<16xf32>,
        tpu.vector_store %arg9[%parallel_loop3A_444, %parallel_loop3A_445], %parallel_loop3A_437 {strides = array<i32>} : memref<2x16384xf32, #tpu.memory_space<vmem>>, vector<16xf32>,
        %parallel_loop3A_447 = arith.constant 6 : i32
        %parallel_loop3A_448 = vector.broadcast %parallel_loop3A_447 : i32 to vector<16xi32>
        %parallel_loop3A_449 = tpu.vector_load_idx %arg6[%parallel_loop3A_448, %parallel_loop3A_342] : memref<64x1024xf32, #tpu.memory_space<vmem>>[vector<16xi32>, vector<16xi32>], vector<16xf32>,
        %parallel_loop3A_450 = arith.constant 0 : i32
        %parallel_loop3A_451 = arith.addi %parallel_loop3A_374, %parallel_loop3A_450 : i32
        %parallel_loop3A_452 = arith.constant 768 : i32
        %parallel_loop3A_453 = arith.addi %parallel_loop3A_451, %parallel_loop3A_452 : i32
        %parallel_loop3A_454 = tpu.assume_multiple %parallel_loop3A_453, 16 : i32
        %parallel_loop3A_455 = arith.constant 0 : i32
        %parallel_loop3A_456 = arith.index_cast %parallel_loop3A_455 : i32 to index
        %parallel_loop3A_457 = arith.index_cast %parallel_loop3A_454 : i32 to index
        %parallel_loop3A_458 = tpu.vector_load %arg9[%parallel_loop3A_456, %parallel_loop3A_457] {strides = array<i32>} : memref<2x16384xf32, #tpu.memory_space<vmem>>, vector<16xf32>,
        tpu.vector_store %arg9[%parallel_loop3A_456, %parallel_loop3A_457], %parallel_loop3A_449 {strides = array<i32>} : memref<2x16384xf32, #tpu.memory_space<vmem>>, vector<16xf32>,
        %parallel_loop3A_459 = arith.constant 7 : i32
        %parallel_loop3A_460 = vector.broadcast %parallel_loop3A_459 : i32 to vector<16xi32>
        %parallel_loop3A_461 = tpu.vector_load_idx %arg6[%parallel_loop3A_460, %parallel_loop3A_342] : memref<64x1024xf32, #tpu.memory_space<vmem>>[vector<16xi32>, vector<16xi32>], vector<16xf32>,
        %parallel_loop3A_462 = arith.constant 0 : i32
        %parallel_loop3A_463 = arith.addi %parallel_loop3A_374, %parallel_loop3A_462 : i32
        %parallel_loop3A_464 = arith.constant 896 : i32
        %parallel_loop3A_465 = arith.addi %parallel_loop3A_463, %parallel_loop3A_464 : i32
        %parallel_loop3A_466 = tpu.assume_multiple %parallel_loop3A_465, 16 : i32
        %parallel_loop3A_467 = arith.constant 0 : i32
        %parallel_loop3A_468 = arith.index_cast %parallel_loop3A_467 : i32 to index
        %parallel_loop3A_469 = arith.index_cast %parallel_loop3A_466 : i32 to index
        %parallel_loop3A_470 = tpu.vector_load %arg9[%parallel_loop3A_468, %parallel_loop3A_469] {strides = array<i32>} : memref<2x16384xf32, #tpu.memory_space<vmem>>, vector<16xf32>,
        tpu.vector_store %arg9[%parallel_loop3A_468, %parallel_loop3A_469], %parallel_loop3A_461 {strides = array<i32>} : memref<2x16384xf32, #tpu.memory_space<vmem>>, vector<16xf32>,
        %parallel_loop3A_471 = arith.constant 8 : i32
        %parallel_loop3A_472 = vector.broadcast %parallel_loop3A_471 : i32 to vector<16xi32>
        %parallel_loop3A_473 = tpu.vector_load_idx %arg6[%parallel_loop3A_472, %parallel_loop3A_342] : memref<64x1024xf32, #tpu.memory_space<vmem>>[vector<16xi32>, vector<16xi32>], vector<16xf32>,
        %parallel_loop3A_474 = arith.constant 8192 : i32
        %parallel_loop3A_475 = arith.addi %parallel_loop3A_374, %parallel_loop3A_474 : i32
        %parallel_loop3A_476 = arith.constant 0 : i32
        %parallel_loop3A_477 = arith.addi %parallel_loop3A_475, %parallel_loop3A_476 : i32
        %parallel_loop3A_478 = tpu.assume_multiple %parallel_loop3A_477, 16 : i32
        %parallel_loop3A_479 = arith.constant 0 : i32
        %parallel_loop3A_480 = arith.index_cast %parallel_loop3A_479 : i32 to index
        %parallel_loop3A_481 = arith.index_cast %parallel_loop3A_478 : i32 to index
        %parallel_loop3A_482 = tpu.vector_load %arg9[%parallel_loop3A_480, %parallel_loop3A_481] {strides = array<i32>} : memref<2x16384xf32, #tpu.memory_space<vmem>>, vector<16xf32>,
        tpu.vector_store %arg9[%parallel_loop3A_480, %parallel_loop3A_481], %parallel_loop3A_473 {strides = array<i32>} : memref<2x16384xf32, #tpu.memory_space<vmem>>, vector<16xf32>,
        %parallel_loop3A_483 = arith.constant 9 : i32
        %parallel_loop3A_484 = vector.broadcast %parallel_loop3A_483 : i32 to vector<16xi32>
        %parallel_loop3A_485 = tpu.vector_load_idx %arg6[%parallel_loop3A_484, %parallel_loop3A_342] : memref<64x1024xf32, #tpu.memory_space<vmem>>[vector<16xi32>, vector<16xi32>], vector<16xf32>,
        %parallel_loop3A_486 = arith.constant 8192 : i32
        %parallel_loop3A_487 = arith.addi %parallel_loop3A_374, %parallel_loop3A_486 : i32
        %parallel_loop3A_488 = arith.constant 128 : i32
        %parallel_loop3A_489 = arith.addi %parallel_loop3A_487, %parallel_loop3A_488 : i32
        %parallel_loop3A_490 = tpu.assume_multiple %parallel_loop3A_489, 16 : i32
        %parallel_loop3A_491 = arith.constant 0 : i32
        %parallel_loop3A_492 = arith.index_cast %parallel_loop3A_491 : i32 to index
        %parallel_loop3A_493 = arith.index_cast %parallel_loop3A_490 : i32 to index
        %parallel_loop3A_494 = tpu.vector_load %arg9[%parallel_loop3A_492, %parallel_loop3A_493] {strides = array<i32>} : memref<2x16384xf32, #tpu.memory_space<vmem>>, vector<16xf32>,
        tpu.vector_store %arg9[%parallel_loop3A_492, %parallel_loop3A_493], %parallel_loop3A_485 {strides = array<i32>} : memref<2x16384xf32, #tpu.memory_space<vmem>>, vector<16xf32>,
        %parallel_loop3A_495 = arith.constant 10 : i32
        %parallel_loop3A_496 = vector.broadcast %parallel_loop3A_495 : i32 to vector<16xi32>
        %parallel_loop3A_497 = tpu.vector_load_idx %arg6[%parallel_loop3A_496, %parallel_loop3A_342] : memref<64x1024xf32, #tpu.memory_space<vmem>>[vector<16xi32>, vector<16xi32>], vector<16xf32>,
        %parallel_loop3A_498 = arith.constant 8192 : i32
        %parallel_loop3A_499 = arith.addi %parallel_loop3A_374, %parallel_loop3A_498 : i32
        %parallel_loop3A_500 = arith.constant 256 : i32
        %parallel_loop3A_501 = arith.addi %parallel_loop3A_499, %parallel_loop3A_500 : i32
        %parallel_loop3A_502 = tpu.assume_multiple %parallel_loop3A_501, 16 : i32
        %parallel_loop3A_503 = arith.constant 0 : i32
        %parallel_loop3A_504 = arith.index_cast %parallel_loop3A_503 : i32 to index
        %parallel_loop3A_505 = arith.index_cast %parallel_loop3A_502 : i32 to index
        %parallel_loop3A_506 = tpu.vector_load %arg9[%parallel_loop3A_504, %parallel_loop3A_505] {strides = array<i32>} : memref<2x16384xf32, #tpu.memory_space<vmem>>, vector<16xf32>,
        tpu.vector_store %arg9[%parallel_loop3A_504, %parallel_loop3A_505], %parallel_loop3A_497 {strides = array<i32>} : memref<2x16384xf32, #tpu.memory_space<vmem>>, vector<16xf32>,
        %parallel_loop3A_507 = arith.constant 11 : i32
        %parallel_loop3A_508 = vector.broadcast %parallel_loop3A_507 : i32 to vector<16xi32>
        %parallel_loop3A_509 = tpu.vector_load_idx %arg6[%parallel_loop3A_508, %parallel_loop3A_342] : memref<64x1024xf32, #tpu.memory_space<vmem>>[vector<16xi32>, vector<16xi32>], vector<16xf32>,
        %parallel_loop3A_510 = arith.constant 8192 : i32
        %parallel_loop3A_511 = arith.addi %parallel_loop3A_374, %parallel_loop3A_510 : i32
        %parallel_loop3A_512 = arith.constant 384 : i32
        %parallel_loop3A_513 = arith.addi %parallel_loop3A_511, %parallel_loop3A_512 : i32
        %parallel_loop3A_514 = tpu.assume_multiple %parallel_loop3A_513, 16 : i32
        %parallel_loop3A_515 = arith.constant 0 : i32
        %parallel_loop3A_516 = arith.index_cast %parallel_loop3A_515 : i32 to index
        %parallel_loop3A_517 = arith.index_cast %parallel_loop3A_514 : i32 to index
        %parallel_loop3A_518 = tpu.vector_load %arg9[%parallel_loop3A_516, %parallel_loop3A_517] {strides = array<i32>} : memref<2x16384xf32, #tpu.memory_space<vmem>>, vector<16xf32>,
        tpu.vector_store %arg9[%parallel_loop3A_516, %parallel_loop3A_517], %parallel_loop3A_509 {strides = array<i32>} : memref<2x16384xf32, #tpu.memory_space<vmem>>, vector<16xf32>,
        %parallel_loop3A_519 = arith.constant 12 : i32
        %parallel_loop3A_520 = vector.broadcast %parallel_loop3A_519 : i32 to vector<16xi32>
        %parallel_loop3A_521 = tpu.vector_load_idx %arg6[%parallel_loop3A_520, %parallel_loop3A_342] : memref<64x1024xf32, #tpu.memory_space<vmem>>[vector<16xi32>, vector<16xi32>], vector<16xf32>,
        %parallel_loop3A_522 = arith.constant 8192 : i32
        %parallel_loop3A_523 = arith.addi %parallel_loop3A_374, %parallel_loop3A_522 : i32
        %parallel_loop3A_524 = arith.constant 512 : i32
        %parallel_loop3A_525 = arith.addi %parallel_loop3A_523, %parallel_loop3A_524 : i32
        %parallel_loop3A_526 = tpu.assume_multiple %parallel_loop3A_525, 16 : i32
        %parallel_loop3A_527 = arith.constant 0 : i32
        %parallel_loop3A_528 = arith.index_cast %parallel_loop3A_527 : i32 to index
        %parallel_loop3A_529 = arith.index_cast %parallel_loop3A_526 : i32 to index
        %parallel_loop3A_530 = tpu.vector_load %arg9[%parallel_loop3A_528, %parallel_loop3A_529] {strides = array<i32>} : memref<2x16384xf32, #tpu.memory_space<vmem>>, vector<16xf32>,
        tpu.vector_store %arg9[%parallel_loop3A_528, %parallel_loop3A_529], %parallel_loop3A_521 {strides = array<i32>} : memref<2x16384xf32, #tpu.memory_space<vmem>>, vector<16xf32>,
        %parallel_loop3A_531 = arith.constant 13 : i32
        %parallel_loop3A_532 = vector.broadcast %parallel_loop3A_531 : i32 to vector<16xi32>
        %parallel_loop3A_533 = tpu.vector_load_idx %arg6[%parallel_loop3A_532, %parallel_loop3A_342] : memref<64x1024xf32, #tpu.memory_space<vmem>>[vector<16xi32>, vector<16xi32>], vector<16xf32>,
        %parallel_loop3A_534 = arith.constant 8192 : i32
        %parallel_loop3A_535 = arith.addi %parallel_loop3A_374, %parallel_loop3A_534 : i32
        %parallel_loop3A_536 = arith.constant 640 : i32
        %parallel_loop3A_537 = arith.addi %parallel_loop3A_535, %parallel_loop3A_536 : i32
        %parallel_loop3A_538 = tpu.assume_multiple %parallel_loop3A_537, 16 : i32
        %parallel_loop3A_539 = arith.constant 0 : i32
        %parallel_loop3A_540 = arith.index_cast %parallel_loop3A_539 : i32 to index
        %parallel_loop3A_541 = arith.index_cast %parallel_loop3A_538 : i32 to index
        %parallel_loop3A_542 = tpu.vector_load %arg9[%parallel_loop3A_540, %parallel_loop3A_541] {strides = array<i32>} : memref<2x16384xf32, #tpu.memory_space<vmem>>, vector<16xf32>,
        tpu.vector_store %arg9[%parallel_loop3A_540, %parallel_loop3A_541], %parallel_loop3A_533 {strides = array<i32>} : memref<2x16384xf32, #tpu.memory_space<vmem>>, vector<16xf32>,
        %parallel_loop3A_543 = arith.constant 14 : i32
        %parallel_loop3A_544 = vector.broadcast %parallel_loop3A_543 : i32 to vector<16xi32>
        %parallel_loop3A_545 = tpu.vector_load_idx %arg6[%parallel_loop3A_544, %parallel_loop3A_342] : memref<64x1024xf32, #tpu.memory_space<vmem>>[vector<16xi32>, vector<16xi32>], vector<16xf32>,
        %parallel_loop3A_546 = arith.constant 8192 : i32
        %parallel_loop3A_547 = arith.addi %parallel_loop3A_374, %parallel_loop3A_546 : i32
        %parallel_loop3A_548 = arith.constant 768 : i32
        %parallel_loop3A_549 = arith.addi %parallel_loop3A_547, %parallel_loop3A_548 : i32
        %parallel_loop3A_550 = tpu.assume_multiple %parallel_loop3A_549, 16 : i32
        %parallel_loop3A_551 = arith.constant 0 : i32
        %parallel_loop3A_552 = arith.index_cast %parallel_loop3A_551 : i32 to index
        %parallel_loop3A_553 = arith.index_cast %parallel_loop3A_550 : i32 to index
        %parallel_loop3A_554 = tpu.vector_load %arg9[%parallel_loop3A_552, %parallel_loop3A_553] {strides = array<i32>} : memref<2x16384xf32, #tpu.memory_space<vmem>>, vector<16xf32>,
        tpu.vector_store %arg9[%parallel_loop3A_552, %parallel_loop3A_553], %parallel_loop3A_545 {strides = array<i32>} : memref<2x16384xf32, #tpu.memory_space<vmem>>, vector<16xf32>,
        %parallel_loop3A_555 = arith.constant 15 : i32
        %parallel_loop3A_556 = vector.broadcast %parallel_loop3A_555 : i32 to vector<16xi32>
        %parallel_loop3A_557 = tpu.vector_load_idx %arg6[%parallel_loop3A_556, %parallel_loop3A_342] : memref<64x1024xf32, #tpu.memory_space<vmem>>[vector<16xi32>, vector<16xi32>], vector<16xf32>,
        %parallel_loop3A_558 = arith.constant 8192 : i32
        %parallel_loop3A_559 = arith.addi %parallel_loop3A_374, %parallel_loop3A_558 : i32
        %parallel_loop3A_560 = arith.constant 896 : i32
        %parallel_loop3A_561 = arith.addi %parallel_loop3A_559, %parallel_loop3A_560 : i32
        %parallel_loop3A_562 = tpu.assume_multiple %parallel_loop3A_561, 16 : i32
        %parallel_loop3A_563 = arith.constant 0 : i32
        %parallel_loop3A_564 = arith.index_cast %parallel_loop3A_563 : i32 to index
        %parallel_loop3A_565 = arith.index_cast %parallel_loop3A_562 : i32 to index
        %parallel_loop3A_566 = tpu.vector_load %arg9[%parallel_loop3A_564, %parallel_loop3A_565] {strides = array<i32>} : memref<2x16384xf32, #tpu.memory_space<vmem>>, vector<16xf32>,
        tpu.vector_store %arg9[%parallel_loop3A_564, %parallel_loop3A_565], %parallel_loop3A_557 {strides = array<i32>} : memref<2x16384xf32, #tpu.memory_space<vmem>>, vector<16xf32>,
      } {sc.loop_unroll_factor = 2 : i64, sc.parallel_access}
      %add3A_232 = arith.addi %mul3A_2, %add3A_188 : i32
      %mul3A_233 = arith.constant 65536 : i32
      %mul3A_234 = arith.muli %add3A_232, %mul3A_233 : i32
      %add3A_235 = arith.constant 0 : i32
      %add3A_236 = arith.addi %mul3A_234, %add3A_235 : i32
      %multiple_of3A_237 = tpu.assume_multiple %add3A_236, 16384 : i32
      %dma_start3A_238 = arith.constant 0 : i32
      %dma_start3A_239 = arith.constant 0 : i32
      %dma_start3A_240 = tpu.memref_slice %arg9[%dma_start3A_238, %dma_start3A_239] : memref<2x16384xf32, #tpu.memory_space<vmem>> -> memref<1x16384xf32, #tpu.memory_space<vmem>>
      %dma_start3A_241 = tpu.memref_squeeze %dma_start3A_240 : memref<1x16384xf32, #tpu.memory_space<vmem>> -> memref<16384xf32, #tpu.memory_space<vmem>>
      %dma_start3A_242 = tpu.memref_slice %arg5[%multiple_of3A_237] : memref<67108864xf32, #tpu.memory_space<hbm>> -> memref<16384xf32, #tpu.memory_space<hbm>>
      %dma_start3A_243 = tpu.memref_slice %arg5[%multiple_of3A_237] : memref<67108864xf32, #tpu.memory_space<hbm>> -> memref<16384xf32, #tpu.memory_space<hbm>>
      %dma_start3A_244 = arith.constant 0 : i32
      %dma_start3A_245 = tpu.memref_slice %arg9[%dma_start3A_238, %dma_start3A_244] : memref<2x16384xf32, #tpu.memory_space<vmem>> -> memref<1x16384xf32, #tpu.memory_space<vmem>>
      %dma_start3A_246 = tpu.memref_squeeze %dma_start3A_245 : memref<1x16384xf32, #tpu.memory_space<vmem>> -> memref<16384xf32, #tpu.memory_space<vmem>>
      tpu.enqueue_dma source(%dma_start3A_246 : memref<16384xf32, #tpu.memory_space<vmem>>) target(%dma_start3A_243 : memref<16384xf32, #tpu.memory_space<hbm>>) target_semaphore(%arg11 : memref<!tpu.dma_semaphore, #tpu.memory_space<semaphore_mem>>)
      %dma_wait3A_247 = arith.constant 1 : i32
      %dma_wait3A_248 = arith.constant 0 : i32
      %dma_wait3A_249 = tpu.memref_slice %arg9[%dma_wait3A_247, %dma_wait3A_248] : memref<2x16384xf32, #tpu.memory_space<vmem>> -> memref<1x16384xf32, #tpu.memory_space<vmem>>
      %dma_wait3A_250 = tpu.memref_squeeze %dma_wait3A_249 : memref<1x16384xf32, #tpu.memory_space<vmem>> -> memref<16384xf32, #tpu.memory_space<vmem>>
      %dma_wait3A_251 = arith.constant 0 : i32
      %dma_wait3A_252 = tpu.memref_slice %arg5[%dma_wait3A_251] : memref<67108864xf32, #tpu.memory_space<hbm>> -> memref<16384xf32, #tpu.memory_space<hbm>>
      %dma_wait3A_253 = arith.constant 0 : i32
      %dma_wait3A_254 = tpu.memref_slice %arg5[%dma_wait3A_253] : memref<67108864xf32, #tpu.memory_space<hbm>> -> memref<16384xf32, #tpu.memory_space<hbm>>
      %dma_wait3A_255 = arith.constant 0 : i32
      %dma_wait3A_256 = tpu.memref_slice %arg9[%dma_wait3A_247, %dma_wait3A_255] : memref<2x16384xf32, #tpu.memory_space<vmem>> -> memref<1x16384xf32, #tpu.memory_space<vmem>>
      %dma_wait3A_257 = tpu.memref_squeeze %dma_wait3A_256 : memref<1x16384xf32, #tpu.memory_space<vmem>> -> memref<16384xf32, #tpu.memory_space<vmem>>
      tpu.wait_dma2 semaphore(%arg12 : memref<!tpu.dma_semaphore, #tpu.memory_space<semaphore_mem>>) src(%dma_wait3A_257 : memref<16384xf32, #tpu.memory_space<vmem>>) dst(%dma_wait3A_254 : memref<16384xf32, #tpu.memory_space<hbm>>)
      %parallel_loop3A_258 = arith.constant 0 : i32
      %parallel_loop3A_259 = arith.constant 64 : i32
      %parallel_loop3A_260 = arith.constant 1 : i32
      scf.for %parallel_loop3A_335 = %parallel_loop3A_258 to %parallel_loop3A_259 step %parallel_loop3A_260  : i32 {
        %parallel_loop3A_336 = arith.constant 16 : i32
        %parallel_loop3A_337 = arith.muli %parallel_loop3A_335, %parallel_loop3A_336 : i32
        %parallel_loop3A_338 = tpu.assume_multiple %parallel_loop3A_337, 16 : i32
        %parallel_loop3A_339 = arith.constant 1 : i32
        %parallel_loop3A_340 = arith.index_cast %parallel_loop3A_339 : i32 to index
        %parallel_loop3A_341 = arith.index_cast %parallel_loop3A_338 : i32 to index
        %parallel_loop3A_342 = tpu.vector_load %arg7[%parallel_loop3A_340, %parallel_loop3A_341] {strides = array<i32>} : memref<2x1024xi32, #tpu.memory_space<vmem>>, vector<16xi32>,
        %parallel_loop3A_343 = arith.constant 8 : i32
        %parallel_loop3A_344 = arith.divsi %parallel_loop3A_335, %parallel_loop3A_343 : i32
        %parallel_loop3A_345 = arith.constant 0 : i32
        %parallel_loop3A_346 = arith.cmpi sgt, %parallel_loop3A_335, %parallel_loop3A_345 : i32
        %parallel_loop3A_347 = arith.extui %parallel_loop3A_346 : i1 to i32
        %parallel_loop3A_348 = arith.constant 0 : i32
        %parallel_loop3A_349 = arith.cmpi slt, %parallel_loop3A_335, %parallel_loop3A_348 : i32
        %parallel_loop3A_350 = arith.extui %parallel_loop3A_349 : i1 to i32
        %parallel_loop3A_351 = arith.subi %parallel_loop3A_347, %parallel_loop3A_350 : i32
        %parallel_loop3A_352 = arith.constant 0 : i32
        %parallel_loop3A_353 = arith.cmpi sgt, %parallel_loop3A_343, %parallel_loop3A_352 : i32
        %parallel_loop3A_354 = arith.extui %parallel_loop3A_353 : i1 to i32
        %parallel_loop3A_355 = arith.constant 0 : i32
        %parallel_loop3A_356 = arith.cmpi slt, %parallel_loop3A_343, %parallel_loop3A_355 : i32
        %parallel_loop3A_357 = arith.extui %parallel_loop3A_356 : i1 to i32
        %parallel_loop3A_358 = arith.subi %parallel_loop3A_354, %parallel_loop3A_357 : i32
        %parallel_loop3A_359 = arith.cmpi ne, %parallel_loop3A_351, %parallel_loop3A_358 : i32
        %parallel_loop3A_360 = arith.remsi %parallel_loop3A_335, %parallel_loop3A_343 : i32
        %parallel_loop3A_361 = arith.constant 0 : i32
        %parallel_loop3A_362 = arith.cmpi ne, %parallel_loop3A_360, %parallel_loop3A_361 : i32
        %parallel_loop3A_363 = arith.andi %parallel_loop3A_359, %parallel_loop3A_362 : i1
        %parallel_loop3A_364 = arith.constant 1 : i32
        %parallel_loop3A_365 = arith.subi %parallel_loop3A_344, %parallel_loop3A_364 : i32
        %parallel_loop3A_366 = arith.select %parallel_loop3A_363, %parallel_loop3A_365, %parallel_loop3A_344 : i32
        %parallel_loop3A_367 = arith.constant 8 : i32
        %parallel_loop3A_368 = arith.muli %parallel_loop3A_366, %parallel_loop3A_367 : i32
        %parallel_loop3A_369 = arith.subi %parallel_loop3A_335, %parallel_loop3A_368 : i32
        %parallel_loop3A_370 = arith.constant 1024 : i32
        %parallel_loop3A_371 = arith.muli %parallel_loop3A_366, %parallel_loop3A_370 : i32
        %parallel_loop3A_372 = arith.constant 16 : i32
        %parallel_loop3A_373 = arith.muli %parallel_loop3A_369, %parallel_loop3A_372 : i32
        %parallel_loop3A_374 = arith.addi %parallel_loop3A_371, %parallel_loop3A_373 : i32
        %parallel_loop3A_375 = arith.constant 16 : i32
        %parallel_loop3A_376 = vector.broadcast %parallel_loop3A_375 : i32 to vector<16xi32>
        %parallel_loop3A_377 = tpu.vector_load_idx %arg6[%parallel_loop3A_376, %parallel_loop3A_342] : memref<64x1024xf32, #tpu.memory_space<vmem>>[vector<16xi32>, vector<16xi32>], vector<16xf32>,
        %parallel_loop3A_378 = arith.constant 0 : i32
        %parallel_loop3A_379 = arith.addi %parallel_loop3A_374, %parallel_loop3A_378 : i32
        %parallel_loop3A_380 = arith.constant 0 : i32
        %parallel_loop3A_381 = arith.addi %parallel_loop3A_379, %parallel_loop3A_380 : i32
        %parallel_loop3A_382 = tpu.assume_multiple %parallel_loop3A_381, 16 : i32
        %parallel_loop3A_383 = arith.constant 1 : i32
        %parallel_loop3A_384 = arith.index_cast %parallel_loop3A_383 : i32 to index
        %parallel_loop3A_385 = arith.index_cast %parallel_loop3A_382 : i32 to index
        %parallel_loop3A_386 = tpu.vector_load %arg9[%parallel_loop3A_384, %parallel_loop3A_385] {strides = array<i32>} : memref<2x16384xf32, #tpu.memory_space<vmem>>, vector<16xf32>,
        tpu.vector_store %arg9[%parallel_loop3A_384, %parallel_loop3A_385], %parallel_loop3A_377 {strides = array<i32>} : memref<2x16384xf32, #tpu.memory_space<vmem>>, vector<16xf32>,
        %parallel_loop3A_387 = arith.constant 17 : i32
        %parallel_loop3A_388 = vector.broadcast %parallel_loop3A_387 : i32 to vector<16xi32>
        %parallel_loop3A_389 = tpu.vector_load_idx %arg6[%parallel_loop3A_388, %parallel_loop3A_342] : memref<64x1024xf32, #tpu.memory_space<vmem>>[vector<16xi32>, vector<16xi32>], vector<16xf32>,
        %parallel_loop3A_390 = arith.constant 0 : i32
        %parallel_loop3A_391 = arith.addi %parallel_loop3A_374, %parallel_loop3A_390 : i32
        %parallel_loop3A_392 = arith.constant 128 : i32
        %parallel_loop3A_393 = arith.addi %parallel_loop3A_391, %parallel_loop3A_392 : i32
        %parallel_loop3A_394 = tpu.assume_multiple %parallel_loop3A_393, 16 : i32
        %parallel_loop3A_395 = arith.constant 1 : i32
        %parallel_loop3A_396 = arith.index_cast %parallel_loop3A_395 : i32 to index
        %parallel_loop3A_397 = arith.index_cast %parallel_loop3A_394 : i32 to index
        %parallel_loop3A_398 = tpu.vector_load %arg9[%parallel_loop3A_396, %parallel_loop3A_397] {strides = array<i32>} : memref<2x16384xf32, #tpu.memory_space<vmem>>, vector<16xf32>,
        tpu.vector_store %arg9[%parallel_loop3A_396, %parallel_loop3A_397], %parallel_loop3A_389 {strides = array<i32>} : memref<2x16384xf32, #tpu.memory_space<vmem>>, vector<16xf32>,
        %parallel_loop3A_399 = arith.constant 18 : i32
        %parallel_loop3A_400 = vector.broadcast %parallel_loop3A_399 : i32 to vector<16xi32>
        %parallel_loop3A_401 = tpu.vector_load_idx %arg6[%parallel_loop3A_400, %parallel_loop3A_342] : memref<64x1024xf32, #tpu.memory_space<vmem>>[vector<16xi32>, vector<16xi32>], vector<16xf32>,
        %parallel_loop3A_402 = arith.constant 0 : i32
        %parallel_loop3A_403 = arith.addi %parallel_loop3A_374, %parallel_loop3A_402 : i32
        %parallel_loop3A_404 = arith.constant 256 : i32
        %parallel_loop3A_405 = arith.addi %parallel_loop3A_403, %parallel_loop3A_404 : i32
        %parallel_loop3A_406 = tpu.assume_multiple %parallel_loop3A_405, 16 : i32
        %parallel_loop3A_407 = arith.constant 1 : i32
        %parallel_loop3A_408 = arith.index_cast %parallel_loop3A_407 : i32 to index
        %parallel_loop3A_409 = arith.index_cast %parallel_loop3A_406 : i32 to index
        %parallel_loop3A_410 = tpu.vector_load %arg9[%parallel_loop3A_408, %parallel_loop3A_409] {strides = array<i32>} : memref<2x16384xf32, #tpu.memory_space<vmem>>, vector<16xf32>,
        tpu.vector_store %arg9[%parallel_loop3A_408, %parallel_loop3A_409], %parallel_loop3A_401 {strides = array<i32>} : memref<2x16384xf32, #tpu.memory_space<vmem>>, vector<16xf32>,
        %parallel_loop3A_411 = arith.constant 19 : i32
        %parallel_loop3A_412 = vector.broadcast %parallel_loop3A_411 : i32 to vector<16xi32>
        %parallel_loop3A_413 = tpu.vector_load_idx %arg6[%parallel_loop3A_412, %parallel_loop3A_342] : memref<64x1024xf32, #tpu.memory_space<vmem>>[vector<16xi32>, vector<16xi32>], vector<16xf32>,
        %parallel_loop3A_414 = arith.constant 0 : i32
        %parallel_loop3A_415 = arith.addi %parallel_loop3A_374, %parallel_loop3A_414 : i32
        %parallel_loop3A_416 = arith.constant 384 : i32
        %parallel_loop3A_417 = arith.addi %parallel_loop3A_415, %parallel_loop3A_416 : i32
        %parallel_loop3A_418 = tpu.assume_multiple %parallel_loop3A_417, 16 : i32
        %parallel_loop3A_419 = arith.constant 1 : i32
        %parallel_loop3A_420 = arith.index_cast %parallel_loop3A_419 : i32 to index
        %parallel_loop3A_421 = arith.index_cast %parallel_loop3A_418 : i32 to index
        %parallel_loop3A_422 = tpu.vector_load %arg9[%parallel_loop3A_420, %parallel_loop3A_421] {strides = array<i32>} : memref<2x16384xf32, #tpu.memory_space<vmem>>, vector<16xf32>,
        tpu.vector_store %arg9[%parallel_loop3A_420, %parallel_loop3A_421], %parallel_loop3A_413 {strides = array<i32>} : memref<2x16384xf32, #tpu.memory_space<vmem>>, vector<16xf32>,
        %parallel_loop3A_423 = arith.constant 20 : i32
        %parallel_loop3A_424 = vector.broadcast %parallel_loop3A_423 : i32 to vector<16xi32>
        %parallel_loop3A_425 = tpu.vector_load_idx %arg6[%parallel_loop3A_424, %parallel_loop3A_342] : memref<64x1024xf32, #tpu.memory_space<vmem>>[vector<16xi32>, vector<16xi32>], vector<16xf32>,
        %parallel_loop3A_426 = arith.constant 0 : i32
        %parallel_loop3A_427 = arith.addi %parallel_loop3A_374, %parallel_loop3A_426 : i32
        %parallel_loop3A_428 = arith.constant 512 : i32
        %parallel_loop3A_429 = arith.addi %parallel_loop3A_427, %parallel_loop3A_428 : i32
        %parallel_loop3A_430 = tpu.assume_multiple %parallel_loop3A_429, 16 : i32
        %parallel_loop3A_431 = arith.constant 1 : i32
        %parallel_loop3A_432 = arith.index_cast %parallel_loop3A_431 : i32 to index
        %parallel_loop3A_433 = arith.index_cast %parallel_loop3A_430 : i32 to index
        %parallel_loop3A_434 = tpu.vector_load %arg9[%parallel_loop3A_432, %parallel_loop3A_433] {strides = array<i32>} : memref<2x16384xf32, #tpu.memory_space<vmem>>, vector<16xf32>,
        tpu.vector_store %arg9[%parallel_loop3A_432, %parallel_loop3A_433], %parallel_loop3A_425 {strides = array<i32>} : memref<2x16384xf32, #tpu.memory_space<vmem>>, vector<16xf32>,
        %parallel_loop3A_435 = arith.constant 21 : i32
        %parallel_loop3A_436 = vector.broadcast %parallel_loop3A_435 : i32 to vector<16xi32>
        %parallel_loop3A_437 = tpu.vector_load_idx %arg6[%parallel_loop3A_436, %parallel_loop3A_342] : memref<64x1024xf32, #tpu.memory_space<vmem>>[vector<16xi32>, vector<16xi32>], vector<16xf32>,
        %parallel_loop3A_438 = arith.constant 0 : i32
        %parallel_loop3A_439 = arith.addi %parallel_loop3A_374, %parallel_loop3A_438 : i32
        %parallel_loop3A_440 = arith.constant 640 : i32
        %parallel_loop3A_441 = arith.addi %parallel_loop3A_439, %parallel_loop3A_440 : i32
        %parallel_loop3A_442 = tpu.assume_multiple %parallel_loop3A_441, 16 : i32
        %parallel_loop3A_443 = arith.constant 1 : i32
        %parallel_loop3A_444 = arith.index_cast %parallel_loop3A_443 : i32 to index
        %parallel_loop3A_445 = arith.index_cast %parallel_loop3A_442 : i32 to index
        %parallel_loop3A_446 = tpu.vector_load %arg9[%parallel_loop3A_444, %parallel_loop3A_445] {strides = array<i32>} : memref<2x16384xf32, #tpu.memory_space<vmem>>, vector<16xf32>,
        tpu.vector_store %arg9[%parallel_loop3A_444, %parallel_loop3A_445], %parallel_loop3A_437 {strides = array<i32>} : memref<2x16384xf32, #tpu.memory_space<vmem>>, vector<16xf32>,
        %parallel_loop3A_447 = arith.constant 22 : i32
        %parallel_loop3A_448 = vector.broadcast %parallel_loop3A_447 : i32 to vector<16xi32>
        %parallel_loop3A_449 = tpu.vector_load_idx %arg6[%parallel_loop3A_448, %parallel_loop3A_342] : memref<64x1024xf32, #tpu.memory_space<vmem>>[vector<16xi32>, vector<16xi32>], vector<16xf32>,
        %parallel_loop3A_450 = arith.constant 0 : i32
        %parallel_loop3A_451 = arith.addi %parallel_loop3A_374, %parallel_loop3A_450 : i32
        %parallel_loop3A_452 = arith.constant 768 : i32
        %parallel_loop3A_453 = arith.addi %parallel_loop3A_451, %parallel_loop3A_452 : i32
        %parallel_loop3A_454 = tpu.assume_multiple %parallel_loop3A_453, 16 : i32
        %parallel_loop3A_455 = arith.constant 1 : i32
        %parallel_loop3A_456 = arith.index_cast %parallel_loop3A_455 : i32 to index
        %parallel_loop3A_457 = arith.index_cast %parallel_loop3A_454 : i32 to index
        %parallel_loop3A_458 = tpu.vector_load %arg9[%parallel_loop3A_456, %parallel_loop3A_457] {strides = array<i32>} : memref<2x16384xf32, #tpu.memory_space<vmem>>, vector<16xf32>,
        tpu.vector_store %arg9[%parallel_loop3A_456, %parallel_loop3A_457], %parallel_loop3A_449 {strides = array<i32>} : memref<2x16384xf32, #tpu.memory_space<vmem>>, vector<16xf32>,
        %parallel_loop3A_459 = arith.constant 23 : i32
        %parallel_loop3A_460 = vector.broadcast %parallel_loop3A_459 : i32 to vector<16xi32>
        %parallel_loop3A_461 = tpu.vector_load_idx %arg6[%parallel_loop3A_460, %parallel_loop3A_342] : memref<64x1024xf32, #tpu.memory_space<vmem>>[vector<16xi32>, vector<16xi32>], vector<16xf32>,
        %parallel_loop3A_462 = arith.constant 0 : i32
        %parallel_loop3A_463 = arith.addi %parallel_loop3A_374, %parallel_loop3A_462 : i32
        %parallel_loop3A_464 = arith.constant 896 : i32
        %parallel_loop3A_465 = arith.addi %parallel_loop3A_463, %parallel_loop3A_464 : i32
        %parallel_loop3A_466 = tpu.assume_multiple %parallel_loop3A_465, 16 : i32
        %parallel_loop3A_467 = arith.constant 1 : i32
        %parallel_loop3A_468 = arith.index_cast %parallel_loop3A_467 : i32 to index
        %parallel_loop3A_469 = arith.index_cast %parallel_loop3A_466 : i32 to index
        %parallel_loop3A_470 = tpu.vector_load %arg9[%parallel_loop3A_468, %parallel_loop3A_469] {strides = array<i32>} : memref<2x16384xf32, #tpu.memory_space<vmem>>, vector<16xf32>,
        tpu.vector_store %arg9[%parallel_loop3A_468, %parallel_loop3A_469], %parallel_loop3A_461 {strides = array<i32>} : memref<2x16384xf32, #tpu.memory_space<vmem>>, vector<16xf32>,
        %parallel_loop3A_471 = arith.constant 24 : i32
        %parallel_loop3A_472 = vector.broadcast %parallel_loop3A_471 : i32 to vector<16xi32>
        %parallel_loop3A_473 = tpu.vector_load_idx %arg6[%parallel_loop3A_472, %parallel_loop3A_342] : memref<64x1024xf32, #tpu.memory_space<vmem>>[vector<16xi32>, vector<16xi32>], vector<16xf32>,
        %parallel_loop3A_474 = arith.constant 8192 : i32
        %parallel_loop3A_475 = arith.addi %parallel_loop3A_374, %parallel_loop3A_474 : i32
        %parallel_loop3A_476 = arith.constant 0 : i32
        %parallel_loop3A_477 = arith.addi %parallel_loop3A_475, %parallel_loop3A_476 : i32
        %parallel_loop3A_478 = tpu.assume_multiple %parallel_loop3A_477, 16 : i32
        %parallel_loop3A_479 = arith.constant 1 : i32
        %parallel_loop3A_480 = arith.index_cast %parallel_loop3A_479 : i32 to index
        %parallel_loop3A_481 = arith.index_cast %parallel_loop3A_478 : i32 to index
        %parallel_loop3A_482 = tpu.vector_load %arg9[%parallel_loop3A_480, %parallel_loop3A_481] {strides = array<i32>} : memref<2x16384xf32, #tpu.memory_space<vmem>>, vector<16xf32>,
        tpu.vector_store %arg9[%parallel_loop3A_480, %parallel_loop3A_481], %parallel_loop3A_473 {strides = array<i32>} : memref<2x16384xf32, #tpu.memory_space<vmem>>, vector<16xf32>,
        %parallel_loop3A_483 = arith.constant 25 : i32
        %parallel_loop3A_484 = vector.broadcast %parallel_loop3A_483 : i32 to vector<16xi32>
        %parallel_loop3A_485 = tpu.vector_load_idx %arg6[%parallel_loop3A_484, %parallel_loop3A_342] : memref<64x1024xf32, #tpu.memory_space<vmem>>[vector<16xi32>, vector<16xi32>], vector<16xf32>,
        %parallel_loop3A_486 = arith.constant 8192 : i32
        %parallel_loop3A_487 = arith.addi %parallel_loop3A_374, %parallel_loop3A_486 : i32
        %parallel_loop3A_488 = arith.constant 128 : i32
        %parallel_loop3A_489 = arith.addi %parallel_loop3A_487, %parallel_loop3A_488 : i32
        %parallel_loop3A_490 = tpu.assume_multiple %parallel_loop3A_489, 16 : i32
        %parallel_loop3A_491 = arith.constant 1 : i32
        %parallel_loop3A_492 = arith.index_cast %parallel_loop3A_491 : i32 to index
        %parallel_loop3A_493 = arith.index_cast %parallel_loop3A_490 : i32 to index
        %parallel_loop3A_494 = tpu.vector_load %arg9[%parallel_loop3A_492, %parallel_loop3A_493] {strides = array<i32>} : memref<2x16384xf32, #tpu.memory_space<vmem>>, vector<16xf32>,
        tpu.vector_store %arg9[%parallel_loop3A_492, %parallel_loop3A_493], %parallel_loop3A_485 {strides = array<i32>} : memref<2x16384xf32, #tpu.memory_space<vmem>>, vector<16xf32>,
        %parallel_loop3A_495 = arith.constant 26 : i32
        %parallel_loop3A_496 = vector.broadcast %parallel_loop3A_495 : i32 to vector<16xi32>
        %parallel_loop3A_497 = tpu.vector_load_idx %arg6[%parallel_loop3A_496, %parallel_loop3A_342] : memref<64x1024xf32, #tpu.memory_space<vmem>>[vector<16xi32>, vector<16xi32>], vector<16xf32>,
        %parallel_loop3A_498 = arith.constant 8192 : i32
        %parallel_loop3A_499 = arith.addi %parallel_loop3A_374, %parallel_loop3A_498 : i32
        %parallel_loop3A_500 = arith.constant 256 : i32
        %parallel_loop3A_501 = arith.addi %parallel_loop3A_499, %parallel_loop3A_500 : i32
        %parallel_loop3A_502 = tpu.assume_multiple %parallel_loop3A_501, 16 : i32
        %parallel_loop3A_503 = arith.constant 1 : i32
        %parallel_loop3A_504 = arith.index_cast %parallel_loop3A_503 : i32 to index
        %parallel_loop3A_505 = arith.index_cast %parallel_loop3A_502 : i32 to index
        %parallel_loop3A_506 = tpu.vector_load %arg9[%parallel_loop3A_504, %parallel_loop3A_505] {strides = array<i32>} : memref<2x16384xf32, #tpu.memory_space<vmem>>, vector<16xf32>,
        tpu.vector_store %arg9[%parallel_loop3A_504, %parallel_loop3A_505], %parallel_loop3A_497 {strides = array<i32>} : memref<2x16384xf32, #tpu.memory_space<vmem>>, vector<16xf32>,
        %parallel_loop3A_507 = arith.constant 27 : i32
        %parallel_loop3A_508 = vector.broadcast %parallel_loop3A_507 : i32 to vector<16xi32>
        %parallel_loop3A_509 = tpu.vector_load_idx %arg6[%parallel_loop3A_508, %parallel_loop3A_342] : memref<64x1024xf32, #tpu.memory_space<vmem>>[vector<16xi32>, vector<16xi32>], vector<16xf32>,
        %parallel_loop3A_510 = arith.constant 8192 : i32
        %parallel_loop3A_511 = arith.addi %parallel_loop3A_374, %parallel_loop3A_510 : i32
        %parallel_loop3A_512 = arith.constant 384 : i32
        %parallel_loop3A_513 = arith.addi %parallel_loop3A_511, %parallel_loop3A_512 : i32
        %parallel_loop3A_514 = tpu.assume_multiple %parallel_loop3A_513, 16 : i32
        %parallel_loop3A_515 = arith.constant 1 : i32
        %parallel_loop3A_516 = arith.index_cast %parallel_loop3A_515 : i32 to index
        %parallel_loop3A_517 = arith.index_cast %parallel_loop3A_514 : i32 to index
        %parallel_loop3A_518 = tpu.vector_load %arg9[%parallel_loop3A_516, %parallel_loop3A_517] {strides = array<i32>} : memref<2x16384xf32, #tpu.memory_space<vmem>>, vector<16xf32>,
        tpu.vector_store %arg9[%parallel_loop3A_516, %parallel_loop3A_517], %parallel_loop3A_509 {strides = array<i32>} : memref<2x16384xf32, #tpu.memory_space<vmem>>, vector<16xf32>,
        %parallel_loop3A_519 = arith.constant 28 : i32
        %parallel_loop3A_520 = vector.broadcast %parallel_loop3A_519 : i32 to vector<16xi32>
        %parallel_loop3A_521 = tpu.vector_load_idx %arg6[%parallel_loop3A_520, %parallel_loop3A_342] : memref<64x1024xf32, #tpu.memory_space<vmem>>[vector<16xi32>, vector<16xi32>], vector<16xf32>,
        %parallel_loop3A_522 = arith.constant 8192 : i32
        %parallel_loop3A_523 = arith.addi %parallel_loop3A_374, %parallel_loop3A_522 : i32
        %parallel_loop3A_524 = arith.constant 512 : i32
        %parallel_loop3A_525 = arith.addi %parallel_loop3A_523, %parallel_loop3A_524 : i32
        %parallel_loop3A_526 = tpu.assume_multiple %parallel_loop3A_525, 16 : i32
        %parallel_loop3A_527 = arith.constant 1 : i32
        %parallel_loop3A_528 = arith.index_cast %parallel_loop3A_527 : i32 to index
        %parallel_loop3A_529 = arith.index_cast %parallel_loop3A_526 : i32 to index
        %parallel_loop3A_530 = tpu.vector_load %arg9[%parallel_loop3A_528, %parallel_loop3A_529] {strides = array<i32>} : memref<2x16384xf32, #tpu.memory_space<vmem>>, vector<16xf32>,
        tpu.vector_store %arg9[%parallel_loop3A_528, %parallel_loop3A_529], %parallel_loop3A_521 {strides = array<i32>} : memref<2x16384xf32, #tpu.memory_space<vmem>>, vector<16xf32>,
        %parallel_loop3A_531 = arith.constant 29 : i32
        %parallel_loop3A_532 = vector.broadcast %parallel_loop3A_531 : i32 to vector<16xi32>
        %parallel_loop3A_533 = tpu.vector_load_idx %arg6[%parallel_loop3A_532, %parallel_loop3A_342] : memref<64x1024xf32, #tpu.memory_space<vmem>>[vector<16xi32>, vector<16xi32>], vector<16xf32>,
        %parallel_loop3A_534 = arith.constant 8192 : i32
        %parallel_loop3A_535 = arith.addi %parallel_loop3A_374, %parallel_loop3A_534 : i32
        %parallel_loop3A_536 = arith.constant 640 : i32
        %parallel_loop3A_537 = arith.addi %parallel_loop3A_535, %parallel_loop3A_536 : i32
        %parallel_loop3A_538 = tpu.assume_multiple %parallel_loop3A_537, 16 : i32
        %parallel_loop3A_539 = arith.constant 1 : i32
        %parallel_loop3A_540 = arith.index_cast %parallel_loop3A_539 : i32 to index
        %parallel_loop3A_541 = arith.index_cast %parallel_loop3A_538 : i32 to index
        %parallel_loop3A_542 = tpu.vector_load %arg9[%parallel_loop3A_540, %parallel_loop3A_541] {strides = array<i32>} : memref<2x16384xf32, #tpu.memory_space<vmem>>, vector<16xf32>,
        tpu.vector_store %arg9[%parallel_loop3A_540, %parallel_loop3A_541], %parallel_loop3A_533 {strides = array<i32>} : memref<2x16384xf32, #tpu.memory_space<vmem>>, vector<16xf32>,
        %parallel_loop3A_543 = arith.constant 30 : i32
        %parallel_loop3A_544 = vector.broadcast %parallel_loop3A_543 : i32 to vector<16xi32>
        %parallel_loop3A_545 = tpu.vector_load_idx %arg6[%parallel_loop3A_544, %parallel_loop3A_342] : memref<64x1024xf32, #tpu.memory_space<vmem>>[vector<16xi32>, vector<16xi32>], vector<16xf32>,
        %parallel_loop3A_546 = arith.constant 8192 : i32
        %parallel_loop3A_547 = arith.addi %parallel_loop3A_374, %parallel_loop3A_546 : i32
        %parallel_loop3A_548 = arith.constant 768 : i32
        %parallel_loop3A_549 = arith.addi %parallel_loop3A_547, %parallel_loop3A_548 : i32
        %parallel_loop3A_550 = tpu.assume_multiple %parallel_loop3A_549, 16 : i32
        %parallel_loop3A_551 = arith.constant 1 : i32
        %parallel_loop3A_552 = arith.index_cast %parallel_loop3A_551 : i32 to index
        %parallel_loop3A_553 = arith.index_cast %parallel_loop3A_550 : i32 to index
        %parallel_loop3A_554 = tpu.vector_load %arg9[%parallel_loop3A_552, %parallel_loop3A_553] {strides = array<i32>} : memref<2x16384xf32, #tpu.memory_space<vmem>>, vector<16xf32>,
        tpu.vector_store %arg9[%parallel_loop3A_552, %parallel_loop3A_553], %parallel_loop3A_545 {strides = array<i32>} : memref<2x16384xf32, #tpu.memory_space<vmem>>, vector<16xf32>,
        %parallel_loop3A_555 = arith.constant 31 : i32
        %parallel_loop3A_556 = vector.broadcast %parallel_loop3A_555 : i32 to vector<16xi32>
        %parallel_loop3A_557 = tpu.vector_load_idx %arg6[%parallel_loop3A_556, %parallel_loop3A_342] : memref<64x1024xf32, #tpu.memory_space<vmem>>[vector<16xi32>, vector<16xi32>], vector<16xf32>,
        %parallel_loop3A_558 = arith.constant 8192 : i32
        %parallel_loop3A_559 = arith.addi %parallel_loop3A_374, %parallel_loop3A_558 : i32
        %parallel_loop3A_560 = arith.constant 896 : i32
        %parallel_loop3A_561 = arith.addi %parallel_loop3A_559, %parallel_loop3A_560 : i32
        %parallel_loop3A_562 = tpu.assume_multiple %parallel_loop3A_561, 16 : i32
        %parallel_loop3A_563 = arith.constant 1 : i32
        %parallel_loop3A_564 = arith.index_cast %parallel_loop3A_563 : i32 to index
        %parallel_loop3A_565 = arith.index_cast %parallel_loop3A_562 : i32 to index
        %parallel_loop3A_566 = tpu.vector_load %arg9[%parallel_loop3A_564, %parallel_loop3A_565] {strides = array<i32>} : memref<2x16384xf32, #tpu.memory_space<vmem>>, vector<16xf32>,
        tpu.vector_store %arg9[%parallel_loop3A_564, %parallel_loop3A_565], %parallel_loop3A_557 {strides = array<i32>} : memref<2x16384xf32, #tpu.memory_space<vmem>>, vector<16xf32>,
      } {sc.loop_unroll_factor = 2 : i64, sc.parallel_access}
      %add3A_261 = arith.addi %mul3A_2, %add3A_188 : i32
      %mul3A_262 = arith.constant 65536 : i32
      %mul3A_263 = arith.muli %add3A_261, %mul3A_262 : i32
      %add3A_264 = arith.constant 16384 : i32
      %add3A_265 = arith.addi %mul3A_263, %add3A_264 : i32
      %multiple_of3A_266 = tpu.assume_multiple %add3A_265, 16384 : i32
      %dma_start3A_267 = arith.constant 1 : i32
      %dma_start3A_268 = arith.constant 0 : i32
      %dma_start3A_269 = tpu.memref_slice %arg9[%dma_start3A_267, %dma_start3A_268] : memref<2x16384xf32, #tpu.memory_space<vmem>> -> memref<1x16384xf32, #tpu.memory_space<vmem>>
      %dma_start3A_270 = tpu.memref_squeeze %dma_start3A_269 : memref<1x16384xf32, #tpu.memory_space<vmem>> -> memref<16384xf32, #tpu.memory_space<vmem>>
      %dma_start3A_271 = tpu.memref_slice %arg5[%multiple_of3A_266] : memref<67108864xf32, #tpu.memory_space<hbm>> -> memref<16384xf32, #tpu.memory_space<hbm>>
      %dma_start3A_272 = tpu.memref_slice %arg5[%multiple_of3A_266] : memref<67108864xf32, #tpu.memory_space<hbm>> -> memref<16384xf32, #tpu.memory_space<hbm>>
      %dma_start3A_273 = arith.constant 0 : i32
      %dma_start3A_274 = tpu.memref_slice %arg9[%dma_start3A_267, %dma_start3A_273] : memref<2x16384xf32, #tpu.memory_space<vmem>> -> memref<1x16384xf32, #tpu.memory_space<vmem>>
      %dma_start3A_275 = tpu.memref_squeeze %dma_start3A_274 : memref<1x16384xf32, #tpu.memory_space<vmem>> -> memref<16384xf32, #tpu.memory_space<vmem>>
      tpu.enqueue_dma source(%dma_start3A_275 : memref<16384xf32, #tpu.memory_space<vmem>>) target(%dma_start3A_272 : memref<16384xf32, #tpu.memory_space<hbm>>) target_semaphore(%arg12 : memref<!tpu.dma_semaphore, #tpu.memory_space<semaphore_mem>>)
      %dma_wait3A_276 = arith.constant 0 : i32
      %dma_wait3A_277 = arith.constant 0 : i32
      %dma_wait3A_278 = tpu.memref_slice %arg9[%dma_wait3A_276, %dma_wait3A_277] : memref<2x16384xf32, #tpu.memory_space<vmem>> -> memref<1x16384xf32, #tpu.memory_space<vmem>>
      %dma_wait3A_279 = tpu.memref_squeeze %dma_wait3A_278 : memref<1x16384xf32, #tpu.memory_space<vmem>> -> memref<16384xf32, #tpu.memory_space<vmem>>
      %dma_wait3A_280 = arith.constant 0 : i32
      %dma_wait3A_281 = tpu.memref_slice %arg5[%dma_wait3A_280] : memref<67108864xf32, #tpu.memory_space<hbm>> -> memref<16384xf32, #tpu.memory_space<hbm>>
      %dma_wait3A_282 = arith.constant 0 : i32
      %dma_wait3A_283 = tpu.memref_slice %arg5[%dma_wait3A_282] : memref<67108864xf32, #tpu.memory_space<hbm>> -> memref<16384xf32, #tpu.memory_space<hbm>>
      %dma_wait3A_284 = arith.constant 0 : i32
      %dma_wait3A_285 = tpu.memref_slice %arg9[%dma_wait3A_276, %dma_wait3A_284] : memref<2x16384xf32, #tpu.memory_space<vmem>> -> memref<1x16384xf32, #tpu.memory_space<vmem>>
      %dma_wait3A_286 = tpu.memref_squeeze %dma_wait3A_285 : memref<1x16384xf32, #tpu.memory_space<vmem>> -> memref<16384xf32, #tpu.memory_space<vmem>>
      tpu.wait_dma2 semaphore(%arg11 : memref<!tpu.dma_semaphore, #tpu.memory_space<semaphore_mem>>) src(%dma_wait3A_286 : memref<16384xf32, #tpu.memory_space<vmem>>) dst(%dma_wait3A_283 : memref<16384xf32, #tpu.memory_space<hbm>>)
      %parallel_loop3A_287 = arith.constant 0 : i32
      %parallel_loop3A_288 = arith.constant 64 : i32
      %parallel_loop3A_289 = arith.constant 1 : i32
      scf.for %parallel_loop3A_335 = %parallel_loop3A_287 to %parallel_loop3A_288 step %parallel_loop3A_289  : i32 {
        %parallel_loop3A_336 = arith.constant 16 : i32
        %parallel_loop3A_337 = arith.muli %parallel_loop3A_335, %parallel_loop3A_336 : i32
        %parallel_loop3A_338 = tpu.assume_multiple %parallel_loop3A_337, 16 : i32
        %parallel_loop3A_339 = arith.constant 1 : i32
        %parallel_loop3A_340 = arith.index_cast %parallel_loop3A_339 : i32 to index
        %parallel_loop3A_341 = arith.index_cast %parallel_loop3A_338 : i32 to index
        %parallel_loop3A_342 = tpu.vector_load %arg7[%parallel_loop3A_340, %parallel_loop3A_341] {strides = array<i32>} : memref<2x1024xi32, #tpu.memory_space<vmem>>, vector<16xi32>,
        %parallel_loop3A_343 = arith.constant 8 : i32
        %parallel_loop3A_344 = arith.divsi %parallel_loop3A_335, %parallel_loop3A_343 : i32
        %parallel_loop3A_345 = arith.constant 0 : i32
        %parallel_loop3A_346 = arith.cmpi sgt, %parallel_loop3A_335, %parallel_loop3A_345 : i32
        %parallel_loop3A_347 = arith.extui %parallel_loop3A_346 : i1 to i32
        %parallel_loop3A_348 = arith.constant 0 : i32
        %parallel_loop3A_349 = arith.cmpi slt, %parallel_loop3A_335, %parallel_loop3A_348 : i32
        %parallel_loop3A_350 = arith.extui %parallel_loop3A_349 : i1 to i32
        %parallel_loop3A_351 = arith.subi %parallel_loop3A_347, %parallel_loop3A_350 : i32
        %parallel_loop3A_352 = arith.constant 0 : i32
        %parallel_loop3A_353 = arith.cmpi sgt, %parallel_loop3A_343, %parallel_loop3A_352 : i32
        %parallel_loop3A_354 = arith.extui %parallel_loop3A_353 : i1 to i32
        %parallel_loop3A_355 = arith.constant 0 : i32
        %parallel_loop3A_356 = arith.cmpi slt, %parallel_loop3A_343, %parallel_loop3A_355 : i32
        %parallel_loop3A_357 = arith.extui %parallel_loop3A_356 : i1 to i32
        %parallel_loop3A_358 = arith.subi %parallel_loop3A_354, %parallel_loop3A_357 : i32
        %parallel_loop3A_359 = arith.cmpi ne, %parallel_loop3A_351, %parallel_loop3A_358 : i32
        %parallel_loop3A_360 = arith.remsi %parallel_loop3A_335, %parallel_loop3A_343 : i32
        %parallel_loop3A_361 = arith.constant 0 : i32
        %parallel_loop3A_362 = arith.cmpi ne, %parallel_loop3A_360, %parallel_loop3A_361 : i32
        %parallel_loop3A_363 = arith.andi %parallel_loop3A_359, %parallel_loop3A_362 : i1
        %parallel_loop3A_364 = arith.constant 1 : i32
        %parallel_loop3A_365 = arith.subi %parallel_loop3A_344, %parallel_loop3A_364 : i32
        %parallel_loop3A_366 = arith.select %parallel_loop3A_363, %parallel_loop3A_365, %parallel_loop3A_344 : i32
        %parallel_loop3A_367 = arith.constant 8 : i32
        %parallel_loop3A_368 = arith.muli %parallel_loop3A_366, %parallel_loop3A_367 : i32
        %parallel_loop3A_369 = arith.subi %parallel_loop3A_335, %parallel_loop3A_368 : i32
        %parallel_loop3A_370 = arith.constant 1024 : i32
        %parallel_loop3A_371 = arith.muli %parallel_loop3A_366, %parallel_loop3A_370 : i32
        %parallel_loop3A_372 = arith.constant 16 : i32
        %parallel_loop3A_373 = arith.muli %parallel_loop3A_369, %parallel_loop3A_372 : i32
        %parallel_loop3A_374 = arith.addi %parallel_loop3A_371, %parallel_loop3A_373 : i32
        %parallel_loop3A_375 = arith.constant 32 : i32
        %parallel_loop3A_376 = vector.broadcast %parallel_loop3A_375 : i32 to vector<16xi32>
        %parallel_loop3A_377 = tpu.vector_load_idx %arg6[%parallel_loop3A_376, %parallel_loop3A_342] : memref<64x1024xf32, #tpu.memory_space<vmem>>[vector<16xi32>, vector<16xi32>], vector<16xf32>,
        %parallel_loop3A_378 = arith.constant 0 : i32
        %parallel_loop3A_379 = arith.addi %parallel_loop3A_374, %parallel_loop3A_378 : i32
        %parallel_loop3A_380 = arith.constant 0 : i32
        %parallel_loop3A_381 = arith.addi %parallel_loop3A_379, %parallel_loop3A_380 : i32
        %parallel_loop3A_382 = tpu.assume_multiple %parallel_loop3A_381, 16 : i32
        %parallel_loop3A_383 = arith.constant 0 : i32
        %parallel_loop3A_384 = arith.index_cast %parallel_loop3A_383 : i32 to index
        %parallel_loop3A_385 = arith.index_cast %parallel_loop3A_382 : i32 to index
        %parallel_loop3A_386 = tpu.vector_load %arg9[%parallel_loop3A_384, %parallel_loop3A_385] {strides = array<i32>} : memref<2x16384xf32, #tpu.memory_space<vmem>>, vector<16xf32>,
        tpu.vector_store %arg9[%parallel_loop3A_384, %parallel_loop3A_385], %parallel_loop3A_377 {strides = array<i32>} : memref<2x16384xf32, #tpu.memory_space<vmem>>, vector<16xf32>,
        %parallel_loop3A_387 = arith.constant 33 : i32
        %parallel_loop3A_388 = vector.broadcast %parallel_loop3A_387 : i32 to vector<16xi32>
        %parallel_loop3A_389 = tpu.vector_load_idx %arg6[%parallel_loop3A_388, %parallel_loop3A_342] : memref<64x1024xf32, #tpu.memory_space<vmem>>[vector<16xi32>, vector<16xi32>], vector<16xf32>,
        %parallel_loop3A_390 = arith.constant 0 : i32
        %parallel_loop3A_391 = arith.addi %parallel_loop3A_374, %parallel_loop3A_390 : i32
        %parallel_loop3A_392 = arith.constant 128 : i32
        %parallel_loop3A_393 = arith.addi %parallel_loop3A_391, %parallel_loop3A_392 : i32
        %parallel_loop3A_394 = tpu.assume_multiple %parallel_loop3A_393, 16 : i32
        %parallel_loop3A_395 = arith.constant 0 : i32
        %parallel_loop3A_396 = arith.index_cast %parallel_loop3A_395 : i32 to index
        %parallel_loop3A_397 = arith.index_cast %parallel_loop3A_394 : i32 to index
        %parallel_loop3A_398 = tpu.vector_load %arg9[%parallel_loop3A_396, %parallel_loop3A_397] {strides = array<i32>} : memref<2x16384xf32, #tpu.memory_space<vmem>>, vector<16xf32>,
        tpu.vector_store %arg9[%parallel_loop3A_396, %parallel_loop3A_397], %parallel_loop3A_389 {strides = array<i32>} : memref<2x16384xf32, #tpu.memory_space<vmem>>, vector<16xf32>,
        %parallel_loop3A_399 = arith.constant 34 : i32
        %parallel_loop3A_400 = vector.broadcast %parallel_loop3A_399 : i32 to vector<16xi32>
        %parallel_loop3A_401 = tpu.vector_load_idx %arg6[%parallel_loop3A_400, %parallel_loop3A_342] : memref<64x1024xf32, #tpu.memory_space<vmem>>[vector<16xi32>, vector<16xi32>], vector<16xf32>,
        %parallel_loop3A_402 = arith.constant 0 : i32
        %parallel_loop3A_403 = arith.addi %parallel_loop3A_374, %parallel_loop3A_402 : i32
        %parallel_loop3A_404 = arith.constant 256 : i32
        %parallel_loop3A_405 = arith.addi %parallel_loop3A_403, %parallel_loop3A_404 : i32
        %parallel_loop3A_406 = tpu.assume_multiple %parallel_loop3A_405, 16 : i32
        %parallel_loop3A_407 = arith.constant 0 : i32
        %parallel_loop3A_408 = arith.index_cast %parallel_loop3A_407 : i32 to index
        %parallel_loop3A_409 = arith.index_cast %parallel_loop3A_406 : i32 to index
        %parallel_loop3A_410 = tpu.vector_load %arg9[%parallel_loop3A_408, %parallel_loop3A_409] {strides = array<i32>} : memref<2x16384xf32, #tpu.memory_space<vmem>>, vector<16xf32>,
        tpu.vector_store %arg9[%parallel_loop3A_408, %parallel_loop3A_409], %parallel_loop3A_401 {strides = array<i32>} : memref<2x16384xf32, #tpu.memory_space<vmem>>, vector<16xf32>,
        %parallel_loop3A_411 = arith.constant 35 : i32
        %parallel_loop3A_412 = vector.broadcast %parallel_loop3A_411 : i32 to vector<16xi32>
        %parallel_loop3A_413 = tpu.vector_load_idx %arg6[%parallel_loop3A_412, %parallel_loop3A_342] : memref<64x1024xf32, #tpu.memory_space<vmem>>[vector<16xi32>, vector<16xi32>], vector<16xf32>,
        %parallel_loop3A_414 = arith.constant 0 : i32
        %parallel_loop3A_415 = arith.addi %parallel_loop3A_374, %parallel_loop3A_414 : i32
        %parallel_loop3A_416 = arith.constant 384 : i32
        %parallel_loop3A_417 = arith.addi %parallel_loop3A_415, %parallel_loop3A_416 : i32
        %parallel_loop3A_418 = tpu.assume_multiple %parallel_loop3A_417, 16 : i32
        %parallel_loop3A_419 = arith.constant 0 : i32
        %parallel_loop3A_420 = arith.index_cast %parallel_loop3A_419 : i32 to index
        %parallel_loop3A_421 = arith.index_cast %parallel_loop3A_418 : i32 to index
        %parallel_loop3A_422 = tpu.vector_load %arg9[%parallel_loop3A_420, %parallel_loop3A_421] {strides = array<i32>} : memref<2x16384xf32, #tpu.memory_space<vmem>>, vector<16xf32>,
        tpu.vector_store %arg9[%parallel_loop3A_420, %parallel_loop3A_421], %parallel_loop3A_413 {strides = array<i32>} : memref<2x16384xf32, #tpu.memory_space<vmem>>, vector<16xf32>,
        %parallel_loop3A_423 = arith.constant 36 : i32
        %parallel_loop3A_424 = vector.broadcast %parallel_loop3A_423 : i32 to vector<16xi32>
        %parallel_loop3A_425 = tpu.vector_load_idx %arg6[%parallel_loop3A_424, %parallel_loop3A_342] : memref<64x1024xf32, #tpu.memory_space<vmem>>[vector<16xi32>, vector<16xi32>], vector<16xf32>,
        %parallel_loop3A_426 = arith.constant 0 : i32
        %parallel_loop3A_427 = arith.addi %parallel_loop3A_374, %parallel_loop3A_426 : i32
        %parallel_loop3A_428 = arith.constant 512 : i32
        %parallel_loop3A_429 = arith.addi %parallel_loop3A_427, %parallel_loop3A_428 : i32
        %parallel_loop3A_430 = tpu.assume_multiple %parallel_loop3A_429, 16 : i32
        %parallel_loop3A_431 = arith.constant 0 : i32
        %parallel_loop3A_432 = arith.index_cast %parallel_loop3A_431 : i32 to index
        %parallel_loop3A_433 = arith.index_cast %parallel_loop3A_430 : i32 to index
        %parallel_loop3A_434 = tpu.vector_load %arg9[%parallel_loop3A_432, %parallel_loop3A_433] {strides = array<i32>} : memref<2x16384xf32, #tpu.memory_space<vmem>>, vector<16xf32>,
        tpu.vector_store %arg9[%parallel_loop3A_432, %parallel_loop3A_433], %parallel_loop3A_425 {strides = array<i32>} : memref<2x16384xf32, #tpu.memory_space<vmem>>, vector<16xf32>,
        %parallel_loop3A_435 = arith.constant 37 : i32
        %parallel_loop3A_436 = vector.broadcast %parallel_loop3A_435 : i32 to vector<16xi32>
        %parallel_loop3A_437 = tpu.vector_load_idx %arg6[%parallel_loop3A_436, %parallel_loop3A_342] : memref<64x1024xf32, #tpu.memory_space<vmem>>[vector<16xi32>, vector<16xi32>], vector<16xf32>,
        %parallel_loop3A_438 = arith.constant 0 : i32
        %parallel_loop3A_439 = arith.addi %parallel_loop3A_374, %parallel_loop3A_438 : i32
        %parallel_loop3A_440 = arith.constant 640 : i32
        %parallel_loop3A_441 = arith.addi %parallel_loop3A_439, %parallel_loop3A_440 : i32
        %parallel_loop3A_442 = tpu.assume_multiple %parallel_loop3A_441, 16 : i32
        %parallel_loop3A_443 = arith.constant 0 : i32
        %parallel_loop3A_444 = arith.index_cast %parallel_loop3A_443 : i32 to index
        %parallel_loop3A_445 = arith.index_cast %parallel_loop3A_442 : i32 to index
        %parallel_loop3A_446 = tpu.vector_load %arg9[%parallel_loop3A_444, %parallel_loop3A_445] {strides = array<i32>} : memref<2x16384xf32, #tpu.memory_space<vmem>>, vector<16xf32>,
        tpu.vector_store %arg9[%parallel_loop3A_444, %parallel_loop3A_445], %parallel_loop3A_437 {strides = array<i32>} : memref<2x16384xf32, #tpu.memory_space<vmem>>, vector<16xf32>,
        %parallel_loop3A_447 = arith.constant 38 : i32
        %parallel_loop3A_448 = vector.broadcast %parallel_loop3A_447 : i32 to vector<16xi32>
        %parallel_loop3A_449 = tpu.vector_load_idx %arg6[%parallel_loop3A_448, %parallel_loop3A_342] : memref<64x1024xf32, #tpu.memory_space<vmem>>[vector<16xi32>, vector<16xi32>], vector<16xf32>,
        %parallel_loop3A_450 = arith.constant 0 : i32
        %parallel_loop3A_451 = arith.addi %parallel_loop3A_374, %parallel_loop3A_450 : i32
        %parallel_loop3A_452 = arith.constant 768 : i32
        %parallel_loop3A_453 = arith.addi %parallel_loop3A_451, %parallel_loop3A_452 : i32
        %parallel_loop3A_454 = tpu.assume_multiple %parallel_loop3A_453, 16 : i32
        %parallel_loop3A_455 = arith.constant 0 : i32
        %parallel_loop3A_456 = arith.index_cast %parallel_loop3A_455 : i32 to index
        %parallel_loop3A_457 = arith.index_cast %parallel_loop3A_454 : i32 to index
        %parallel_loop3A_458 = tpu.vector_load %arg9[%parallel_loop3A_456, %parallel_loop3A_457] {strides = array<i32>} : memref<2x16384xf32, #tpu.memory_space<vmem>>, vector<16xf32>,
        tpu.vector_store %arg9[%parallel_loop3A_456, %parallel_loop3A_457], %parallel_loop3A_449 {strides = array<i32>} : memref<2x16384xf32, #tpu.memory_space<vmem>>, vector<16xf32>,
        %parallel_loop3A_459 = arith.constant 39 : i32
        %parallel_loop3A_460 = vector.broadcast %parallel_loop3A_459 : i32 to vector<16xi32>
        %parallel_loop3A_461 = tpu.vector_load_idx %arg6[%parallel_loop3A_460, %parallel_loop3A_342] : memref<64x1024xf32, #tpu.memory_space<vmem>>[vector<16xi32>, vector<16xi32>], vector<16xf32>,
        %parallel_loop3A_462 = arith.constant 0 : i32
        %parallel_loop3A_463 = arith.addi %parallel_loop3A_374, %parallel_loop3A_462 : i32
        %parallel_loop3A_464 = arith.constant 896 : i32
        %parallel_loop3A_465 = arith.addi %parallel_loop3A_463, %parallel_loop3A_464 : i32
        %parallel_loop3A_466 = tpu.assume_multiple %parallel_loop3A_465, 16 : i32
        %parallel_loop3A_467 = arith.constant 0 : i32
        %parallel_loop3A_468 = arith.index_cast %parallel_loop3A_467 : i32 to index
        %parallel_loop3A_469 = arith.index_cast %parallel_loop3A_466 : i32 to index
        %parallel_loop3A_470 = tpu.vector_load %arg9[%parallel_loop3A_468, %parallel_loop3A_469] {strides = array<i32>} : memref<2x16384xf32, #tpu.memory_space<vmem>>, vector<16xf32>,
        tpu.vector_store %arg9[%parallel_loop3A_468, %parallel_loop3A_469], %parallel_loop3A_461 {strides = array<i32>} : memref<2x16384xf32, #tpu.memory_space<vmem>>, vector<16xf32>,
        %parallel_loop3A_471 = arith.constant 40 : i32
        %parallel_loop3A_472 = vector.broadcast %parallel_loop3A_471 : i32 to vector<16xi32>
        %parallel_loop3A_473 = tpu.vector_load_idx %arg6[%parallel_loop3A_472, %parallel_loop3A_342] : memref<64x1024xf32, #tpu.memory_space<vmem>>[vector<16xi32>, vector<16xi32>], vector<16xf32>,
        %parallel_loop3A_474 = arith.constant 8192 : i32
        %parallel_loop3A_475 = arith.addi %parallel_loop3A_374, %parallel_loop3A_474 : i32
        %parallel_loop3A_476 = arith.constant 0 : i32
        %parallel_loop3A_477 = arith.addi %parallel_loop3A_475, %parallel_loop3A_476 : i32
        %parallel_loop3A_478 = tpu.assume_multiple %parallel_loop3A_477, 16 : i32
        %parallel_loop3A_479 = arith.constant 0 : i32
        %parallel_loop3A_480 = arith.index_cast %parallel_loop3A_479 : i32 to index
        %parallel_loop3A_481 = arith.index_cast %parallel_loop3A_478 : i32 to index
        %parallel_loop3A_482 = tpu.vector_load %arg9[%parallel_loop3A_480, %parallel_loop3A_481] {strides = array<i32>} : memref<2x16384xf32, #tpu.memory_space<vmem>>, vector<16xf32>,
        tpu.vector_store %arg9[%parallel_loop3A_480, %parallel_loop3A_481], %parallel_loop3A_473 {strides = array<i32>} : memref<2x16384xf32, #tpu.memory_space<vmem>>, vector<16xf32>,
        %parallel_loop3A_483 = arith.constant 41 : i32
        %parallel_loop3A_484 = vector.broadcast %parallel_loop3A_483 : i32 to vector<16xi32>
        %parallel_loop3A_485 = tpu.vector_load_idx %arg6[%parallel_loop3A_484, %parallel_loop3A_342] : memref<64x1024xf32, #tpu.memory_space<vmem>>[vector<16xi32>, vector<16xi32>], vector<16xf32>,
        %parallel_loop3A_486 = arith.constant 8192 : i32
        %parallel_loop3A_487 = arith.addi %parallel_loop3A_374, %parallel_loop3A_486 : i32
        %parallel_loop3A_488 = arith.constant 128 : i32
        %parallel_loop3A_489 = arith.addi %parallel_loop3A_487, %parallel_loop3A_488 : i32
        %parallel_loop3A_490 = tpu.assume_multiple %parallel_loop3A_489, 16 : i32
        %parallel_loop3A_491 = arith.constant 0 : i32
        %parallel_loop3A_492 = arith.index_cast %parallel_loop3A_491 : i32 to index
        %parallel_loop3A_493 = arith.index_cast %parallel_loop3A_490 : i32 to index
        %parallel_loop3A_494 = tpu.vector_load %arg9[%parallel_loop3A_492, %parallel_loop3A_493] {strides = array<i32>} : memref<2x16384xf32, #tpu.memory_space<vmem>>, vector<16xf32>,
        tpu.vector_store %arg9[%parallel_loop3A_492, %parallel_loop3A_493], %parallel_loop3A_485 {strides = array<i32>} : memref<2x16384xf32, #tpu.memory_space<vmem>>, vector<16xf32>,
        %parallel_loop3A_495 = arith.constant 42 : i32
        %parallel_loop3A_496 = vector.broadcast %parallel_loop3A_495 : i32 to vector<16xi32>
        %parallel_loop3A_497 = tpu.vector_load_idx %arg6[%parallel_loop3A_496, %parallel_loop3A_342] : memref<64x1024xf32, #tpu.memory_space<vmem>>[vector<16xi32>, vector<16xi32>], vector<16xf32>,
        %parallel_loop3A_498 = arith.constant 8192 : i32
        %parallel_loop3A_499 = arith.addi %parallel_loop3A_374, %parallel_loop3A_498 : i32
        %parallel_loop3A_500 = arith.constant 256 : i32
        %parallel_loop3A_501 = arith.addi %parallel_loop3A_499, %parallel_loop3A_500 : i32
        %parallel_loop3A_502 = tpu.assume_multiple %parallel_loop3A_501, 16 : i32
        %parallel_loop3A_503 = arith.constant 0 : i32
        %parallel_loop3A_504 = arith.index_cast %parallel_loop3A_503 : i32 to index
        %parallel_loop3A_505 = arith.index_cast %parallel_loop3A_502 : i32 to index
        %parallel_loop3A_506 = tpu.vector_load %arg9[%parallel_loop3A_504, %parallel_loop3A_505] {strides = array<i32>} : memref<2x16384xf32, #tpu.memory_space<vmem>>, vector<16xf32>,
        tpu.vector_store %arg9[%parallel_loop3A_504, %parallel_loop3A_505], %parallel_loop3A_497 {strides = array<i32>} : memref<2x16384xf32, #tpu.memory_space<vmem>>, vector<16xf32>,
        %parallel_loop3A_507 = arith.constant 43 : i32
        %parallel_loop3A_508 = vector.broadcast %parallel_loop3A_507 : i32 to vector<16xi32>
        %parallel_loop3A_509 = tpu.vector_load_idx %arg6[%parallel_loop3A_508, %parallel_loop3A_342] : memref<64x1024xf32, #tpu.memory_space<vmem>>[vector<16xi32>, vector<16xi32>], vector<16xf32>,
        %parallel_loop3A_510 = arith.constant 8192 : i32
        %parallel_loop3A_511 = arith.addi %parallel_loop3A_374, %parallel_loop3A_510 : i32
        %parallel_loop3A_512 = arith.constant 384 : i32
        %parallel_loop3A_513 = arith.addi %parallel_loop3A_511, %parallel_loop3A_512 : i32
        %parallel_loop3A_514 = tpu.assume_multiple %parallel_loop3A_513, 16 : i32
        %parallel_loop3A_515 = arith.constant 0 : i32
        %parallel_loop3A_516 = arith.index_cast %parallel_loop3A_515 : i32 to index
        %parallel_loop3A_517 = arith.index_cast %parallel_loop3A_514 : i32 to index
        %parallel_loop3A_518 = tpu.vector_load %arg9[%parallel_loop3A_516, %parallel_loop3A_517] {strides = array<i32>} : memref<2x16384xf32, #tpu.memory_space<vmem>>, vector<16xf32>,
        tpu.vector_store %arg9[%parallel_loop3A_516, %parallel_loop3A_517], %parallel_loop3A_509 {strides = array<i32>} : memref<2x16384xf32, #tpu.memory_space<vmem>>, vector<16xf32>,
        %parallel_loop3A_519 = arith.constant 44 : i32
        %parallel_loop3A_520 = vector.broadcast %parallel_loop3A_519 : i32 to vector<16xi32>
        %parallel_loop3A_521 = tpu.vector_load_idx %arg6[%parallel_loop3A_520, %parallel_loop3A_342] : memref<64x1024xf32, #tpu.memory_space<vmem>>[vector<16xi32>, vector<16xi32>], vector<16xf32>,
        %parallel_loop3A_522 = arith.constant 8192 : i32
        %parallel_loop3A_523 = arith.addi %parallel_loop3A_374, %parallel_loop3A_522 : i32
        %parallel_loop3A_524 = arith.constant 512 : i32
        %parallel_loop3A_525 = arith.addi %parallel_loop3A_523, %parallel_loop3A_524 : i32
        %parallel_loop3A_526 = tpu.assume_multiple %parallel_loop3A_525, 16 : i32
        %parallel_loop3A_527 = arith.constant 0 : i32
        %parallel_loop3A_528 = arith.index_cast %parallel_loop3A_527 : i32 to index
        %parallel_loop3A_529 = arith.index_cast %parallel_loop3A_526 : i32 to index
        %parallel_loop3A_530 = tpu.vector_load %arg9[%parallel_loop3A_528, %parallel_loop3A_529] {strides = array<i32>} : memref<2x16384xf32, #tpu.memory_space<vmem>>, vector<16xf32>,
        tpu.vector_store %arg9[%parallel_loop3A_528, %parallel_loop3A_529], %parallel_loop3A_521 {strides = array<i32>} : memref<2x16384xf32, #tpu.memory_space<vmem>>, vector<16xf32>,
        %parallel_loop3A_531 = arith.constant 45 : i32
        %parallel_loop3A_532 = vector.broadcast %parallel_loop3A_531 : i32 to vector<16xi32>
        %parallel_loop3A_533 = tpu.vector_load_idx %arg6[%parallel_loop3A_532, %parallel_loop3A_342] : memref<64x1024xf32, #tpu.memory_space<vmem>>[vector<16xi32>, vector<16xi32>], vector<16xf32>,
        %parallel_loop3A_534 = arith.constant 8192 : i32
        %parallel_loop3A_535 = arith.addi %parallel_loop3A_374, %parallel_loop3A_534 : i32
        %parallel_loop3A_536 = arith.constant 640 : i32
        %parallel_loop3A_537 = arith.addi %parallel_loop3A_535, %parallel_loop3A_536 : i32
        %parallel_loop3A_538 = tpu.assume_multiple %parallel_loop3A_537, 16 : i32
        %parallel_loop3A_539 = arith.constant 0 : i32
        %parallel_loop3A_540 = arith.index_cast %parallel_loop3A_539 : i32 to index
        %parallel_loop3A_541 = arith.index_cast %parallel_loop3A_538 : i32 to index
        %parallel_loop3A_542 = tpu.vector_load %arg9[%parallel_loop3A_540, %parallel_loop3A_541] {strides = array<i32>} : memref<2x16384xf32, #tpu.memory_space<vmem>>, vector<16xf32>,
        tpu.vector_store %arg9[%parallel_loop3A_540, %parallel_loop3A_541], %parallel_loop3A_533 {strides = array<i32>} : memref<2x16384xf32, #tpu.memory_space<vmem>>, vector<16xf32>,
        %parallel_loop3A_543 = arith.constant 46 : i32
        %parallel_loop3A_544 = vector.broadcast %parallel_loop3A_543 : i32 to vector<16xi32>
        %parallel_loop3A_545 = tpu.vector_load_idx %arg6[%parallel_loop3A_544, %parallel_loop3A_342] : memref<64x1024xf32, #tpu.memory_space<vmem>>[vector<16xi32>, vector<16xi32>], vector<16xf32>,
        %parallel_loop3A_546 = arith.constant 8192 : i32
        %parallel_loop3A_547 = arith.addi %parallel_loop3A_374, %parallel_loop3A_546 : i32
        %parallel_loop3A_548 = arith.constant 768 : i32
        %parallel_loop3A_549 = arith.addi %parallel_loop3A_547, %parallel_loop3A_548 : i32
        %parallel_loop3A_550 = tpu.assume_multiple %parallel_loop3A_549, 16 : i32
        %parallel_loop3A_551 = arith.constant 0 : i32
        %parallel_loop3A_552 = arith.index_cast %parallel_loop3A_551 : i32 to index
        %parallel_loop3A_553 = arith.index_cast %parallel_loop3A_550 : i32 to index
        %parallel_loop3A_554 = tpu.vector_load %arg9[%parallel_loop3A_552, %parallel_loop3A_553] {strides = array<i32>} : memref<2x16384xf32, #tpu.memory_space<vmem>>, vector<16xf32>,
        tpu.vector_store %arg9[%parallel_loop3A_552, %parallel_loop3A_553], %parallel_loop3A_545 {strides = array<i32>} : memref<2x16384xf32, #tpu.memory_space<vmem>>, vector<16xf32>,
        %parallel_loop3A_555 = arith.constant 47 : i32
        %parallel_loop3A_556 = vector.broadcast %parallel_loop3A_555 : i32 to vector<16xi32>
        %parallel_loop3A_557 = tpu.vector_load_idx %arg6[%parallel_loop3A_556, %parallel_loop3A_342] : memref<64x1024xf32, #tpu.memory_space<vmem>>[vector<16xi32>, vector<16xi32>], vector<16xf32>,
        %parallel_loop3A_558 = arith.constant 8192 : i32
        %parallel_loop3A_559 = arith.addi %parallel_loop3A_374, %parallel_loop3A_558 : i32
        %parallel_loop3A_560 = arith.constant 896 : i32
        %parallel_loop3A_561 = arith.addi %parallel_loop3A_559, %parallel_loop3A_560 : i32
        %parallel_loop3A_562 = tpu.assume_multiple %parallel_loop3A_561, 16 : i32
        %parallel_loop3A_563 = arith.constant 0 : i32
        %parallel_loop3A_564 = arith.index_cast %parallel_loop3A_563 : i32 to index
        %parallel_loop3A_565 = arith.index_cast %parallel_loop3A_562 : i32 to index
        %parallel_loop3A_566 = tpu.vector_load %arg9[%parallel_loop3A_564, %parallel_loop3A_565] {strides = array<i32>} : memref<2x16384xf32, #tpu.memory_space<vmem>>, vector<16xf32>,
        tpu.vector_store %arg9[%parallel_loop3A_564, %parallel_loop3A_565], %parallel_loop3A_557 {strides = array<i32>} : memref<2x16384xf32, #tpu.memory_space<vmem>>, vector<16xf32>,
      } {sc.loop_unroll_factor = 2 : i64, sc.parallel_access}
      %add3A_290 = arith.addi %mul3A_2, %add3A_188 : i32
      %mul3A_291 = arith.constant 65536 : i32
      %mul3A_292 = arith.muli %add3A_290, %mul3A_291 : i32
      %add3A_293 = arith.constant 32768 : i32
      %add3A_294 = arith.addi %mul3A_292, %add3A_293 : i32
      %multiple_of3A_295 = tpu.assume_multiple %add3A_294, 16384 : i32
      %dma_start3A_296 = arith.constant 0 : i32
      %dma_start3A_297 = arith.constant 0 : i32
      %dma_start3A_298 = tpu.memref_slice %arg9[%dma_start3A_296, %dma_start3A_297] : memref<2x16384xf32, #tpu.memory_space<vmem>> -> memref<1x16384xf32, #tpu.memory_space<vmem>>
      %dma_start3A_299 = tpu.memref_squeeze %dma_start3A_298 : memref<1x16384xf32, #tpu.memory_space<vmem>> -> memref<16384xf32, #tpu.memory_space<vmem>>
      %dma_start3A_300 = tpu.memref_slice %arg5[%multiple_of3A_295] : memref<67108864xf32, #tpu.memory_space<hbm>> -> memref<16384xf32, #tpu.memory_space<hbm>>
      %dma_start3A_301 = tpu.memref_slice %arg5[%multiple_of3A_295] : memref<67108864xf32, #tpu.memory_space<hbm>> -> memref<16384xf32, #tpu.memory_space<hbm>>
      %dma_start3A_302 = arith.constant 0 : i32
      %dma_start3A_303 = tpu.memref_slice %arg9[%dma_start3A_296, %dma_start3A_302] : memref<2x16384xf32, #tpu.memory_space<vmem>> -> memref<1x16384xf32, #tpu.memory_space<vmem>>
      %dma_start3A_304 = tpu.memref_squeeze %dma_start3A_303 : memref<1x16384xf32, #tpu.memory_space<vmem>> -> memref<16384xf32, #tpu.memory_space<vmem>>
      tpu.enqueue_dma source(%dma_start3A_304 : memref<16384xf32, #tpu.memory_space<vmem>>) target(%dma_start3A_301 : memref<16384xf32, #tpu.memory_space<hbm>>) target_semaphore(%arg11 : memref<!tpu.dma_semaphore, #tpu.memory_space<semaphore_mem>>)
      %dma_wait3A_305 = arith.constant 1 : i32
      %dma_wait3A_306 = arith.constant 0 : i32
      %dma_wait3A_307 = tpu.memref_slice %arg9[%dma_wait3A_305, %dma_wait3A_306] : memref<2x16384xf32, #tpu.memory_space<vmem>> -> memref<1x16384xf32, #tpu.memory_space<vmem>>
      %dma_wait3A_308 = tpu.memref_squeeze %dma_wait3A_307 : memref<1x16384xf32, #tpu.memory_space<vmem>> -> memref<16384xf32, #tpu.memory_space<vmem>>
      %dma_wait3A_309 = arith.constant 0 : i32
      %dma_wait3A_310 = tpu.memref_slice %arg5[%dma_wait3A_309] : memref<67108864xf32, #tpu.memory_space<hbm>> -> memref<16384xf32, #tpu.memory_space<hbm>>
      %dma_wait3A_311 = arith.constant 0 : i32
      %dma_wait3A_312 = tpu.memref_slice %arg5[%dma_wait3A_311] : memref<67108864xf32, #tpu.memory_space<hbm>> -> memref<16384xf32, #tpu.memory_space<hbm>>
      %dma_wait3A_313 = arith.constant 0 : i32
      %dma_wait3A_314 = tpu.memref_slice %arg9[%dma_wait3A_305, %dma_wait3A_313] : memref<2x16384xf32, #tpu.memory_space<vmem>> -> memref<1x16384xf32, #tpu.memory_space<vmem>>
      %dma_wait3A_315 = tpu.memref_squeeze %dma_wait3A_314 : memref<1x16384xf32, #tpu.memory_space<vmem>> -> memref<16384xf32, #tpu.memory_space<vmem>>
      tpu.wait_dma2 semaphore(%arg12 : memref<!tpu.dma_semaphore, #tpu.memory_space<semaphore_mem>>) src(%dma_wait3A_315 : memref<16384xf32, #tpu.memory_space<vmem>>) dst(%dma_wait3A_312 : memref<16384xf32, #tpu.memory_space<hbm>>)
      %parallel_loop3A_316 = arith.constant 0 : i32
      %parallel_loop3A_317 = arith.constant 64 : i32
      %parallel_loop3A_318 = arith.constant 1 : i32
      scf.for %parallel_loop3A_335 = %parallel_loop3A_316 to %parallel_loop3A_317 step %parallel_loop3A_318  : i32 {
        %parallel_loop3A_336 = arith.constant 16 : i32
        %parallel_loop3A_337 = arith.muli %parallel_loop3A_335, %parallel_loop3A_336 : i32
        %parallel_loop3A_338 = tpu.assume_multiple %parallel_loop3A_337, 16 : i32
        %parallel_loop3A_339 = arith.constant 1 : i32
        %parallel_loop3A_340 = arith.index_cast %parallel_loop3A_339 : i32 to index
        %parallel_loop3A_341 = arith.index_cast %parallel_loop3A_338 : i32 to index
        %parallel_loop3A_342 = tpu.vector_load %arg7[%parallel_loop3A_340, %parallel_loop3A_341] {strides = array<i32>} : memref<2x1024xi32, #tpu.memory_space<vmem>>, vector<16xi32>,
        %parallel_loop3A_343 = arith.constant 8 : i32
        %parallel_loop3A_344 = arith.divsi %parallel_loop3A_335, %parallel_loop3A_343 : i32
        %parallel_loop3A_345 = arith.constant 0 : i32
        %parallel_loop3A_346 = arith.cmpi sgt, %parallel_loop3A_335, %parallel_loop3A_345 : i32
        %parallel_loop3A_347 = arith.extui %parallel_loop3A_346 : i1 to i32
        %parallel_loop3A_348 = arith.constant 0 : i32
        %parallel_loop3A_349 = arith.cmpi slt, %parallel_loop3A_335, %parallel_loop3A_348 : i32
        %parallel_loop3A_350 = arith.extui %parallel_loop3A_349 : i1 to i32
        %parallel_loop3A_351 = arith.subi %parallel_loop3A_347, %parallel_loop3A_350 : i32
        %parallel_loop3A_352 = arith.constant 0 : i32
        %parallel_loop3A_353 = arith.cmpi sgt, %parallel_loop3A_343, %parallel_loop3A_352 : i32
        %parallel_loop3A_354 = arith.extui %parallel_loop3A_353 : i1 to i32
        %parallel_loop3A_355 = arith.constant 0 : i32
        %parallel_loop3A_356 = arith.cmpi slt, %parallel_loop3A_343, %parallel_loop3A_355 : i32
        %parallel_loop3A_357 = arith.extui %parallel_loop3A_356 : i1 to i32
        %parallel_loop3A_358 = arith.subi %parallel_loop3A_354, %parallel_loop3A_357 : i32
        %parallel_loop3A_359 = arith.cmpi ne, %parallel_loop3A_351, %parallel_loop3A_358 : i32
        %parallel_loop3A_360 = arith.remsi %parallel_loop3A_335, %parallel_loop3A_343 : i32
        %parallel_loop3A_361 = arith.constant 0 : i32
        %parallel_loop3A_362 = arith.cmpi ne, %parallel_loop3A_360, %parallel_loop3A_361 : i32
        %parallel_loop3A_363 = arith.andi %parallel_loop3A_359, %parallel_loop3A_362 : i1
        %parallel_loop3A_364 = arith.constant 1 : i32
        %parallel_loop3A_365 = arith.subi %parallel_loop3A_344, %parallel_loop3A_364 : i32
        %parallel_loop3A_366 = arith.select %parallel_loop3A_363, %parallel_loop3A_365, %parallel_loop3A_344 : i32
        %parallel_loop3A_367 = arith.constant 8 : i32
        %parallel_loop3A_368 = arith.muli %parallel_loop3A_366, %parallel_loop3A_367 : i32
        %parallel_loop3A_369 = arith.subi %parallel_loop3A_335, %parallel_loop3A_368 : i32
        %parallel_loop3A_370 = arith.constant 1024 : i32
        %parallel_loop3A_371 = arith.muli %parallel_loop3A_366, %parallel_loop3A_370 : i32
        %parallel_loop3A_372 = arith.constant 16 : i32
        %parallel_loop3A_373 = arith.muli %parallel_loop3A_369, %parallel_loop3A_372 : i32
        %parallel_loop3A_374 = arith.addi %parallel_loop3A_371, %parallel_loop3A_373 : i32
        %parallel_loop3A_375 = arith.constant 48 : i32
        %parallel_loop3A_376 = vector.broadcast %parallel_loop3A_375 : i32 to vector<16xi32>
        %parallel_loop3A_377 = tpu.vector_load_idx %arg6[%parallel_loop3A_376, %parallel_loop3A_342] : memref<64x1024xf32, #tpu.memory_space<vmem>>[vector<16xi32>, vector<16xi32>], vector<16xf32>,
        %parallel_loop3A_378 = arith.constant 0 : i32
        %parallel_loop3A_379 = arith.addi %parallel_loop3A_374, %parallel_loop3A_378 : i32
        %parallel_loop3A_380 = arith.constant 0 : i32
        %parallel_loop3A_381 = arith.addi %parallel_loop3A_379, %parallel_loop3A_380 : i32
        %parallel_loop3A_382 = tpu.assume_multiple %parallel_loop3A_381, 16 : i32
        %parallel_loop3A_383 = arith.constant 1 : i32
        %parallel_loop3A_384 = arith.index_cast %parallel_loop3A_383 : i32 to index
        %parallel_loop3A_385 = arith.index_cast %parallel_loop3A_382 : i32 to index
        %parallel_loop3A_386 = tpu.vector_load %arg9[%parallel_loop3A_384, %parallel_loop3A_385] {strides = array<i32>} : memref<2x16384xf32, #tpu.memory_space<vmem>>, vector<16xf32>,
        tpu.vector_store %arg9[%parallel_loop3A_384, %parallel_loop3A_385], %parallel_loop3A_377 {strides = array<i32>} : memref<2x16384xf32, #tpu.memory_space<vmem>>, vector<16xf32>,
        %parallel_loop3A_387 = arith.constant 49 : i32
        %parallel_loop3A_388 = vector.broadcast %parallel_loop3A_387 : i32 to vector<16xi32>
        %parallel_loop3A_389 = tpu.vector_load_idx %arg6[%parallel_loop3A_388, %parallel_loop3A_342] : memref<64x1024xf32, #tpu.memory_space<vmem>>[vector<16xi32>, vector<16xi32>], vector<16xf32>,
        %parallel_loop3A_390 = arith.constant 0 : i32
        %parallel_loop3A_391 = arith.addi %parallel_loop3A_374, %parallel_loop3A_390 : i32
        %parallel_loop3A_392 = arith.constant 128 : i32
        %parallel_loop3A_393 = arith.addi %parallel_loop3A_391, %parallel_loop3A_392 : i32
        %parallel_loop3A_394 = tpu.assume_multiple %parallel_loop3A_393, 16 : i32
        %parallel_loop3A_395 = arith.constant 1 : i32
        %parallel_loop3A_396 = arith.index_cast %parallel_loop3A_395 : i32 to index
        %parallel_loop3A_397 = arith.index_cast %parallel_loop3A_394 : i32 to index
        %parallel_loop3A_398 = tpu.vector_load %arg9[%parallel_loop3A_396, %parallel_loop3A_397] {strides = array<i32>} : memref<2x16384xf32, #tpu.memory_space<vmem>>, vector<16xf32>,
        tpu.vector_store %arg9[%parallel_loop3A_396, %parallel_loop3A_397], %parallel_loop3A_389 {strides = array<i32>} : memref<2x16384xf32, #tpu.memory_space<vmem>>, vector<16xf32>,
        %parallel_loop3A_399 = arith.constant 50 : i32
        %parallel_loop3A_400 = vector.broadcast %parallel_loop3A_399 : i32 to vector<16xi32>
        %parallel_loop3A_401 = tpu.vector_load_idx %arg6[%parallel_loop3A_400, %parallel_loop3A_342] : memref<64x1024xf32, #tpu.memory_space<vmem>>[vector<16xi32>, vector<16xi32>], vector<16xf32>,
        %parallel_loop3A_402 = arith.constant 0 : i32
        %parallel_loop3A_403 = arith.addi %parallel_loop3A_374, %parallel_loop3A_402 : i32
        %parallel_loop3A_404 = arith.constant 256 : i32
        %parallel_loop3A_405 = arith.addi %parallel_loop3A_403, %parallel_loop3A_404 : i32
        %parallel_loop3A_406 = tpu.assume_multiple %parallel_loop3A_405, 16 : i32
        %parallel_loop3A_407 = arith.constant 1 : i32
        %parallel_loop3A_408 = arith.index_cast %parallel_loop3A_407 : i32 to index
        %parallel_loop3A_409 = arith.index_cast %parallel_loop3A_406 : i32 to index
        %parallel_loop3A_410 = tpu.vector_load %arg9[%parallel_loop3A_408, %parallel_loop3A_409] {strides = array<i32>} : memref<2x16384xf32, #tpu.memory_space<vmem>>, vector<16xf32>,
        tpu.vector_store %arg9[%parallel_loop3A_408, %parallel_loop3A_409], %parallel_loop3A_401 {strides = array<i32>} : memref<2x16384xf32, #tpu.memory_space<vmem>>, vector<16xf32>,
        %parallel_loop3A_411 = arith.constant 51 : i32
        %parallel_loop3A_412 = vector.broadcast %parallel_loop3A_411 : i32 to vector<16xi32>
        %parallel_loop3A_413 = tpu.vector_load_idx %arg6[%parallel_loop3A_412, %parallel_loop3A_342] : memref<64x1024xf32, #tpu.memory_space<vmem>>[vector<16xi32>, vector<16xi32>], vector<16xf32>,
        %parallel_loop3A_414 = arith.constant 0 : i32
        %parallel_loop3A_415 = arith.addi %parallel_loop3A_374, %parallel_loop3A_414 : i32
        %parallel_loop3A_416 = arith.constant 384 : i32
        %parallel_loop3A_417 = arith.addi %parallel_loop3A_415, %parallel_loop3A_416 : i32
        %parallel_loop3A_418 = tpu.assume_multiple %parallel_loop3A_417, 16 : i32
        %parallel_loop3A_419 = arith.constant 1 : i32
        %parallel_loop3A_420 = arith.index_cast %parallel_loop3A_419 : i32 to index
        %parallel_loop3A_421 = arith.index_cast %parallel_loop3A_418 : i32 to index
        %parallel_loop3A_422 = tpu.vector_load %arg9[%parallel_loop3A_420, %parallel_loop3A_421] {strides = array<i32>} : memref<2x16384xf32, #tpu.memory_space<vmem>>, vector<16xf32>,
        tpu.vector_store %arg9[%parallel_loop3A_420, %parallel_loop3A_421], %parallel_loop3A_413 {strides = array<i32>} : memref<2x16384xf32, #tpu.memory_space<vmem>>, vector<16xf32>,
        %parallel_loop3A_423 = arith.constant 52 : i32
        %parallel_loop3A_424 = vector.broadcast %parallel_loop3A_423 : i32 to vector<16xi32>
        %parallel_loop3A_425 = tpu.vector_load_idx %arg6[%parallel_loop3A_424, %parallel_loop3A_342] : memref<64x1024xf32, #tpu.memory_space<vmem>>[vector<16xi32>, vector<16xi32>], vector<16xf32>,
        %parallel_loop3A_426 = arith.constant 0 : i32
        %parallel_loop3A_427 = arith.addi %parallel_loop3A_374, %parallel_loop3A_426 : i32
        %parallel_loop3A_428 = arith.constant 512 : i32
        %parallel_loop3A_429 = arith.addi %parallel_loop3A_427, %parallel_loop3A_428 : i32
        %parallel_loop3A_430 = tpu.assume_multiple %parallel_loop3A_429, 16 : i32
        %parallel_loop3A_431 = arith.constant 1 : i32
        %parallel_loop3A_432 = arith.index_cast %parallel_loop3A_431 : i32 to index
        %parallel_loop3A_433 = arith.index_cast %parallel_loop3A_430 : i32 to index
        %parallel_loop3A_434 = tpu.vector_load %arg9[%parallel_loop3A_432, %parallel_loop3A_433] {strides = array<i32>} : memref<2x16384xf32, #tpu.memory_space<vmem>>, vector<16xf32>,
        tpu.vector_store %arg9[%parallel_loop3A_432, %parallel_loop3A_433], %parallel_loop3A_425 {strides = array<i32>} : memref<2x16384xf32, #tpu.memory_space<vmem>>, vector<16xf32>,
        %parallel_loop3A_435 = arith.constant 53 : i32
        %parallel_loop3A_436 = vector.broadcast %parallel_loop3A_435 : i32 to vector<16xi32>
        %parallel_loop3A_437 = tpu.vector_load_idx %arg6[%parallel_loop3A_436, %parallel_loop3A_342] : memref<64x1024xf32, #tpu.memory_space<vmem>>[vector<16xi32>, vector<16xi32>], vector<16xf32>,
        %parallel_loop3A_438 = arith.constant 0 : i32
        %parallel_loop3A_439 = arith.addi %parallel_loop3A_374, %parallel_loop3A_438 : i32
        %parallel_loop3A_440 = arith.constant 640 : i32
        %parallel_loop3A_441 = arith.addi %parallel_loop3A_439, %parallel_loop3A_440 : i32
        %parallel_loop3A_442 = tpu.assume_multiple %parallel_loop3A_441, 16 : i32
        %parallel_loop3A_443 = arith.constant 1 : i32
        %parallel_loop3A_444 = arith.index_cast %parallel_loop3A_443 : i32 to index
        %parallel_loop3A_445 = arith.index_cast %parallel_loop3A_442 : i32 to index
        %parallel_loop3A_446 = tpu.vector_load %arg9[%parallel_loop3A_444, %parallel_loop3A_445] {strides = array<i32>} : memref<2x16384xf32, #tpu.memory_space<vmem>>, vector<16xf32>,
        tpu.vector_store %arg9[%parallel_loop3A_444, %parallel_loop3A_445], %parallel_loop3A_437 {strides = array<i32>} : memref<2x16384xf32, #tpu.memory_space<vmem>>, vector<16xf32>,
        %parallel_loop3A_447 = arith.constant 54 : i32
        %parallel_loop3A_448 = vector.broadcast %parallel_loop3A_447 : i32 to vector<16xi32>
        %parallel_loop3A_449 = tpu.vector_load_idx %arg6[%parallel_loop3A_448, %parallel_loop3A_342] : memref<64x1024xf32, #tpu.memory_space<vmem>>[vector<16xi32>, vector<16xi32>], vector<16xf32>,
        %parallel_loop3A_450 = arith.constant 0 : i32
        %parallel_loop3A_451 = arith.addi %parallel_loop3A_374, %parallel_loop3A_450 : i32
        %parallel_loop3A_452 = arith.constant 768 : i32
        %parallel_loop3A_453 = arith.addi %parallel_loop3A_451, %parallel_loop3A_452 : i32
        %parallel_loop3A_454 = tpu.assume_multiple %parallel_loop3A_453, 16 : i32
        %parallel_loop3A_455 = arith.constant 1 : i32
        %parallel_loop3A_456 = arith.index_cast %parallel_loop3A_455 : i32 to index
        %parallel_loop3A_457 = arith.index_cast %parallel_loop3A_454 : i32 to index
        %parallel_loop3A_458 = tpu.vector_load %arg9[%parallel_loop3A_456, %parallel_loop3A_457] {strides = array<i32>} : memref<2x16384xf32, #tpu.memory_space<vmem>>, vector<16xf32>,
        tpu.vector_store %arg9[%parallel_loop3A_456, %parallel_loop3A_457], %parallel_loop3A_449 {strides = array<i32>} : memref<2x16384xf32, #tpu.memory_space<vmem>>, vector<16xf32>,
        %parallel_loop3A_459 = arith.constant 55 : i32
        %parallel_loop3A_460 = vector.broadcast %parallel_loop3A_459 : i32 to vector<16xi32>
        %parallel_loop3A_461 = tpu.vector_load_idx %arg6[%parallel_loop3A_460, %parallel_loop3A_342] : memref<64x1024xf32, #tpu.memory_space<vmem>>[vector<16xi32>, vector<16xi32>], vector<16xf32>,
        %parallel_loop3A_462 = arith.constant 0 : i32
        %parallel_loop3A_463 = arith.addi %parallel_loop3A_374, %parallel_loop3A_462 : i32
        %parallel_loop3A_464 = arith.constant 896 : i32
        %parallel_loop3A_465 = arith.addi %parallel_loop3A_463, %parallel_loop3A_464 : i32
        %parallel_loop3A_466 = tpu.assume_multiple %parallel_loop3A_465, 16 : i32
        %parallel_loop3A_467 = arith.constant 1 : i32
        %parallel_loop3A_468 = arith.index_cast %parallel_loop3A_467 : i32 to index
        %parallel_loop3A_469 = arith.index_cast %parallel_loop3A_466 : i32 to index
        %parallel_loop3A_470 = tpu.vector_load %arg9[%parallel_loop3A_468, %parallel_loop3A_469] {strides = array<i32>} : memref<2x16384xf32, #tpu.memory_space<vmem>>, vector<16xf32>,
        tpu.vector_store %arg9[%parallel_loop3A_468, %parallel_loop3A_469], %parallel_loop3A_461 {strides = array<i32>} : memref<2x16384xf32, #tpu.memory_space<vmem>>, vector<16xf32>,
        %parallel_loop3A_471 = arith.constant 56 : i32
        %parallel_loop3A_472 = vector.broadcast %parallel_loop3A_471 : i32 to vector<16xi32>
        %parallel_loop3A_473 = tpu.vector_load_idx %arg6[%parallel_loop3A_472, %parallel_loop3A_342] : memref<64x1024xf32, #tpu.memory_space<vmem>>[vector<16xi32>, vector<16xi32>], vector<16xf32>,
        %parallel_loop3A_474 = arith.constant 8192 : i32
        %parallel_loop3A_475 = arith.addi %parallel_loop3A_374, %parallel_loop3A_474 : i32
        %parallel_loop3A_476 = arith.constant 0 : i32
        %parallel_loop3A_477 = arith.addi %parallel_loop3A_475, %parallel_loop3A_476 : i32
        %parallel_loop3A_478 = tpu.assume_multiple %parallel_loop3A_477, 16 : i32
        %parallel_loop3A_479 = arith.constant 1 : i32
        %parallel_loop3A_480 = arith.index_cast %parallel_loop3A_479 : i32 to index
        %parallel_loop3A_481 = arith.index_cast %parallel_loop3A_478 : i32 to index
        %parallel_loop3A_482 = tpu.vector_load %arg9[%parallel_loop3A_480, %parallel_loop3A_481] {strides = array<i32>} : memref<2x16384xf32, #tpu.memory_space<vmem>>, vector<16xf32>,
        tpu.vector_store %arg9[%parallel_loop3A_480, %parallel_loop3A_481], %parallel_loop3A_473 {strides = array<i32>} : memref<2x16384xf32, #tpu.memory_space<vmem>>, vector<16xf32>,
        %parallel_loop3A_483 = arith.constant 57 : i32
        %parallel_loop3A_484 = vector.broadcast %parallel_loop3A_483 : i32 to vector<16xi32>
        %parallel_loop3A_485 = tpu.vector_load_idx %arg6[%parallel_loop3A_484, %parallel_loop3A_342] : memref<64x1024xf32, #tpu.memory_space<vmem>>[vector<16xi32>, vector<16xi32>], vector<16xf32>,
        %parallel_loop3A_486 = arith.constant 8192 : i32
        %parallel_loop3A_487 = arith.addi %parallel_loop3A_374, %parallel_loop3A_486 : i32
        %parallel_loop3A_488 = arith.constant 128 : i32
        %parallel_loop3A_489 = arith.addi %parallel_loop3A_487, %parallel_loop3A_488 : i32
        %parallel_loop3A_490 = tpu.assume_multiple %parallel_loop3A_489, 16 : i32
        %parallel_loop3A_491 = arith.constant 1 : i32
        %parallel_loop3A_492 = arith.index_cast %parallel_loop3A_491 : i32 to index
        %parallel_loop3A_493 = arith.index_cast %parallel_loop3A_490 : i32 to index
        %parallel_loop3A_494 = tpu.vector_load %arg9[%parallel_loop3A_492, %parallel_loop3A_493] {strides = array<i32>} : memref<2x16384xf32, #tpu.memory_space<vmem>>, vector<16xf32>,
        tpu.vector_store %arg9[%parallel_loop3A_492, %parallel_loop3A_493], %parallel_loop3A_485 {strides = array<i32>} : memref<2x16384xf32, #tpu.memory_space<vmem>>, vector<16xf32>,
        %parallel_loop3A_495 = arith.constant 58 : i32
        %parallel_loop3A_496 = vector.broadcast %parallel_loop3A_495 : i32 to vector<16xi32>
        %parallel_loop3A_497 = tpu.vector_load_idx %arg6[%parallel_loop3A_496, %parallel_loop3A_342] : memref<64x1024xf32, #tpu.memory_space<vmem>>[vector<16xi32>, vector<16xi32>], vector<16xf32>,
        %parallel_loop3A_498 = arith.constant 8192 : i32
        %parallel_loop3A_499 = arith.addi %parallel_loop3A_374, %parallel_loop3A_498 : i32
        %parallel_loop3A_500 = arith.constant 256 : i32
        %parallel_loop3A_501 = arith.addi %parallel_loop3A_499, %parallel_loop3A_500 : i32
        %parallel_loop3A_502 = tpu.assume_multiple %parallel_loop3A_501, 16 : i32
        %parallel_loop3A_503 = arith.constant 1 : i32
        %parallel_loop3A_504 = arith.index_cast %parallel_loop3A_503 : i32 to index
        %parallel_loop3A_505 = arith.index_cast %parallel_loop3A_502 : i32 to index
        %parallel_loop3A_506 = tpu.vector_load %arg9[%parallel_loop3A_504, %parallel_loop3A_505] {strides = array<i32>} : memref<2x16384xf32, #tpu.memory_space<vmem>>, vector<16xf32>,
        tpu.vector_store %arg9[%parallel_loop3A_504, %parallel_loop3A_505], %parallel_loop3A_497 {strides = array<i32>} : memref<2x16384xf32, #tpu.memory_space<vmem>>, vector<16xf32>,
        %parallel_loop3A_507 = arith.constant 59 : i32
        %parallel_loop3A_508 = vector.broadcast %parallel_loop3A_507 : i32 to vector<16xi32>
        %parallel_loop3A_509 = tpu.vector_load_idx %arg6[%parallel_loop3A_508, %parallel_loop3A_342] : memref<64x1024xf32, #tpu.memory_space<vmem>>[vector<16xi32>, vector<16xi32>], vector<16xf32>,
        %parallel_loop3A_510 = arith.constant 8192 : i32
        %parallel_loop3A_511 = arith.addi %parallel_loop3A_374, %parallel_loop3A_510 : i32
        %parallel_loop3A_512 = arith.constant 384 : i32
        %parallel_loop3A_513 = arith.addi %parallel_loop3A_511, %parallel_loop3A_512 : i32
        %parallel_loop3A_514 = tpu.assume_multiple %parallel_loop3A_513, 16 : i32
        %parallel_loop3A_515 = arith.constant 1 : i32
        %parallel_loop3A_516 = arith.index_cast %parallel_loop3A_515 : i32 to index
        %parallel_loop3A_517 = arith.index_cast %parallel_loop3A_514 : i32 to index
        %parallel_loop3A_518 = tpu.vector_load %arg9[%parallel_loop3A_516, %parallel_loop3A_517] {strides = array<i32>} : memref<2x16384xf32, #tpu.memory_space<vmem>>, vector<16xf32>,
        tpu.vector_store %arg9[%parallel_loop3A_516, %parallel_loop3A_517], %parallel_loop3A_509 {strides = array<i32>} : memref<2x16384xf32, #tpu.memory_space<vmem>>, vector<16xf32>,
        %parallel_loop3A_519 = arith.constant 60 : i32
        %parallel_loop3A_520 = vector.broadcast %parallel_loop3A_519 : i32 to vector<16xi32>
        %parallel_loop3A_521 = tpu.vector_load_idx %arg6[%parallel_loop3A_520, %parallel_loop3A_342] : memref<64x1024xf32, #tpu.memory_space<vmem>>[vector<16xi32>, vector<16xi32>], vector<16xf32>,
        %parallel_loop3A_522 = arith.constant 8192 : i32
        %parallel_loop3A_523 = arith.addi %parallel_loop3A_374, %parallel_loop3A_522 : i32
        %parallel_loop3A_524 = arith.constant 512 : i32
        %parallel_loop3A_525 = arith.addi %parallel_loop3A_523, %parallel_loop3A_524 : i32
        %parallel_loop3A_526 = tpu.assume_multiple %parallel_loop3A_525, 16 : i32
        %parallel_loop3A_527 = arith.constant 1 : i32
        %parallel_loop3A_528 = arith.index_cast %parallel_loop3A_527 : i32 to index
        %parallel_loop3A_529 = arith.index_cast %parallel_loop3A_526 : i32 to index
        %parallel_loop3A_530 = tpu.vector_load %arg9[%parallel_loop3A_528, %parallel_loop3A_529] {strides = array<i32>} : memref<2x16384xf32, #tpu.memory_space<vmem>>, vector<16xf32>,
        tpu.vector_store %arg9[%parallel_loop3A_528, %parallel_loop3A_529], %parallel_loop3A_521 {strides = array<i32>} : memref<2x16384xf32, #tpu.memory_space<vmem>>, vector<16xf32>,
        %parallel_loop3A_531 = arith.constant 61 : i32
        %parallel_loop3A_532 = vector.broadcast %parallel_loop3A_531 : i32 to vector<16xi32>
        %parallel_loop3A_533 = tpu.vector_load_idx %arg6[%parallel_loop3A_532, %parallel_loop3A_342] : memref<64x1024xf32, #tpu.memory_space<vmem>>[vector<16xi32>, vector<16xi32>], vector<16xf32>,
        %parallel_loop3A_534 = arith.constant 8192 : i32
        %parallel_loop3A_535 = arith.addi %parallel_loop3A_374, %parallel_loop3A_534 : i32
        %parallel_loop3A_536 = arith.constant 640 : i32
        %parallel_loop3A_537 = arith.addi %parallel_loop3A_535, %parallel_loop3A_536 : i32
        %parallel_loop3A_538 = tpu.assume_multiple %parallel_loop3A_537, 16 : i32
        %parallel_loop3A_539 = arith.constant 1 : i32
        %parallel_loop3A_540 = arith.index_cast %parallel_loop3A_539 : i32 to index
        %parallel_loop3A_541 = arith.index_cast %parallel_loop3A_538 : i32 to index
        %parallel_loop3A_542 = tpu.vector_load %arg9[%parallel_loop3A_540, %parallel_loop3A_541] {strides = array<i32>} : memref<2x16384xf32, #tpu.memory_space<vmem>>, vector<16xf32>,
        tpu.vector_store %arg9[%parallel_loop3A_540, %parallel_loop3A_541], %parallel_loop3A_533 {strides = array<i32>} : memref<2x16384xf32, #tpu.memory_space<vmem>>, vector<16xf32>,
        %parallel_loop3A_543 = arith.constant 62 : i32
        %parallel_loop3A_544 = vector.broadcast %parallel_loop3A_543 : i32 to vector<16xi32>
        %parallel_loop3A_545 = tpu.vector_load_idx %arg6[%parallel_loop3A_544, %parallel_loop3A_342] : memref<64x1024xf32, #tpu.memory_space<vmem>>[vector<16xi32>, vector<16xi32>], vector<16xf32>,
        %parallel_loop3A_546 = arith.constant 8192 : i32
        %parallel_loop3A_547 = arith.addi %parallel_loop3A_374, %parallel_loop3A_546 : i32
        %parallel_loop3A_548 = arith.constant 768 : i32
        %parallel_loop3A_549 = arith.addi %parallel_loop3A_547, %parallel_loop3A_548 : i32
        %parallel_loop3A_550 = tpu.assume_multiple %parallel_loop3A_549, 16 : i32
        %parallel_loop3A_551 = arith.constant 1 : i32
        %parallel_loop3A_552 = arith.index_cast %parallel_loop3A_551 : i32 to index
        %parallel_loop3A_553 = arith.index_cast %parallel_loop3A_550 : i32 to index
        %parallel_loop3A_554 = tpu.vector_load %arg9[%parallel_loop3A_552, %parallel_loop3A_553] {strides = array<i32>} : memref<2x16384xf32, #tpu.memory_space<vmem>>, vector<16xf32>,
        tpu.vector_store %arg9[%parallel_loop3A_552, %parallel_loop3A_553], %parallel_loop3A_545 {strides = array<i32>} : memref<2x16384xf32, #tpu.memory_space<vmem>>, vector<16xf32>,
        %parallel_loop3A_555 = arith.constant 63 : i32
        %parallel_loop3A_556 = vector.broadcast %parallel_loop3A_555 : i32 to vector<16xi32>
        %parallel_loop3A_557 = tpu.vector_load_idx %arg6[%parallel_loop3A_556, %parallel_loop3A_342] : memref<64x1024xf32, #tpu.memory_space<vmem>>[vector<16xi32>, vector<16xi32>], vector<16xf32>,
        %parallel_loop3A_558 = arith.constant 1 : i32
        %parallel_loop3A_559 = arith.index_cast %parallel_loop3A_558 : i32 to index
        %parallel_loop3A_560 = arith.index_cast %parallel_loop3A_338 : i32 to index
        %parallel_loop3A_561 = tpu.vector_load %arg8[%parallel_loop3A_559, %parallel_loop3A_560] {strides = array<i32>} : memref<2x1024xf32, #tpu.memory_space<vmem>>, vector<16xf32>,
        %parallel_loop3A_562 = arith.addf %parallel_loop3A_557, %parallel_loop3A_561 : vector<16xf32>
        %parallel_loop3A_563 = arith.constant 8192 : i32
        %parallel_loop3A_564 = arith.addi %parallel_loop3A_374, %parallel_loop3A_563 : i32
        %parallel_loop3A_565 = arith.constant 896 : i32
        %parallel_loop3A_566 = arith.addi %parallel_loop3A_564, %parallel_loop3A_565 : i32
        %parallel_loop3A_567 = tpu.assume_multiple %parallel_loop3A_566, 16 : i32
        %parallel_loop3A_568 = arith.constant 1 : i32
        %parallel_loop3A_569 = arith.index_cast %parallel_loop3A_568 : i32 to index
        %parallel_loop3A_570 = arith.index_cast %parallel_loop3A_567 : i32 to index
        %parallel_loop3A_571 = tpu.vector_load %arg9[%parallel_loop3A_569, %parallel_loop3A_570] {strides = array<i32>} : memref<2x16384xf32, #tpu.memory_space<vmem>>, vector<16xf32>,
        tpu.vector_store %arg9[%parallel_loop3A_569, %parallel_loop3A_570], %parallel_loop3A_562 {strides = array<i32>} : memref<2x16384xf32, #tpu.memory_space<vmem>>, vector<16xf32>,
      } {sc.loop_unroll_factor = 2 : i64, sc.parallel_access}
      %add3A_319 = arith.addi %mul3A_2, %add3A_188 : i32
      %mul3A_320 = arith.constant 65536 : i32
      %mul3A_321 = arith.muli %add3A_319, %mul3A_320 : i32
      %add3A_322 = arith.constant 49152 : i32
      %add3A_323 = arith.addi %mul3A_321, %add3A_322 : i32
      %multiple_of3A_324 = tpu.assume_multiple %add3A_323, 16384 : i32
      %dma_start3A_325 = arith.constant 1 : i32
      %dma_start3A_326 = arith.constant 0 : i32
      %dma_start3A_327 = tpu.memref_slice %arg9[%dma_start3A_325, %dma_start3A_326] : memref<2x16384xf32, #tpu.memory_space<vmem>> -> memref<1x16384xf32, #tpu.memory_space<vmem>>
      %dma_start3A_328 = tpu.memref_squeeze %dma_start3A_327 : memref<1x16384xf32, #tpu.memory_space<vmem>> -> memref<16384xf32, #tpu.memory_space<vmem>>
      %dma_start3A_329 = tpu.memref_slice %arg5[%multiple_of3A_324] : memref<67108864xf32, #tpu.memory_space<hbm>> -> memref<16384xf32, #tpu.memory_space<hbm>>
      %dma_start3A_330 = tpu.memref_slice %arg5[%multiple_of3A_324] : memref<67108864xf32, #tpu.memory_space<hbm>> -> memref<16384xf32, #tpu.memory_space<hbm>>
      %dma_start3A_331 = arith.constant 0 : i32
      %dma_start3A_332 = tpu.memref_slice %arg9[%dma_start3A_325, %dma_start3A_331] : memref<2x16384xf32, #tpu.memory_space<vmem>> -> memref<1x16384xf32, #tpu.memory_space<vmem>>
      %dma_start3A_333 = tpu.memref_squeeze %dma_start3A_332 : memref<1x16384xf32, #tpu.memory_space<vmem>> -> memref<16384xf32, #tpu.memory_space<vmem>>
      tpu.enqueue_dma source(%dma_start3A_333 : memref<16384xf32, #tpu.memory_space<vmem>>) target(%dma_start3A_330 : memref<16384xf32, #tpu.memory_space<hbm>>) target_semaphore(%arg12 : memref<!tpu.dma_semaphore, #tpu.memory_space<semaphore_mem>>)
      %scan3A_334 = arith.constant 0 : i32
      scf.yield %scan3A_334 : i32
    }
    %scan3A_29 = arith.constant 16 : i32
    %dma_wait3A = arith.constant 0 : i32
    %dma_wait3A_30 = arith.constant 0 : i32
    %dma_wait3A_31 = tpu.memref_slice %arg9[%dma_wait3A, %dma_wait3A_30] : memref<2x16384xf32, #tpu.memory_space<vmem>> -> memref<1x16384xf32, #tpu.memory_space<vmem>>
    %dma_wait3A_32 = tpu.memref_squeeze %dma_wait3A_31 : memref<1x16384xf32, #tpu.memory_space<vmem>> -> memref<16384xf32, #tpu.memory_space<vmem>>
    %dma_wait3A_33 = arith.constant 0 : i32
    %dma_wait3A_34 = tpu.memref_slice %arg5[%dma_wait3A_33] : memref<67108864xf32, #tpu.memory_space<hbm>> -> memref<16384xf32, #tpu.memory_space<hbm>>
    %dma_wait3A_35 = arith.constant 0 : i32
    %dma_wait3A_36 = tpu.memref_slice %arg5[%dma_wait3A_35] : memref<67108864xf32, #tpu.memory_space<hbm>> -> memref<16384xf32, #tpu.memory_space<hbm>>
    %dma_wait3A_37 = arith.constant 0 : i32
    %dma_wait3A_38 = tpu.memref_slice %arg9[%dma_wait3A, %dma_wait3A_37] : memref<2x16384xf32, #tpu.memory_space<vmem>> -> memref<1x16384xf32, #tpu.memory_space<vmem>>
    %dma_wait3A_39 = tpu.memref_squeeze %dma_wait3A_38 : memref<1x16384xf32, #tpu.memory_space<vmem>> -> memref<16384xf32, #tpu.memory_space<vmem>>
    tpu.wait_dma2 semaphore(%arg11 : memref<!tpu.dma_semaphore, #tpu.memory_space<semaphore_mem>>) src(%dma_wait3A_39 : memref<16384xf32, #tpu.memory_space<vmem>>) dst(%dma_wait3A_36 : memref<16384xf32, #tpu.memory_space<hbm>>)
    %dma_wait3A_40 = arith.constant 1 : i32
    %dma_wait3A_41 = arith.constant 0 : i32
    %dma_wait3A_42 = tpu.memref_slice %arg9[%dma_wait3A_40, %dma_wait3A_41] : memref<2x16384xf32, #tpu.memory_space<vmem>> -> memref<1x16384xf32, #tpu.memory_space<vmem>>
    %dma_wait3A_43 = tpu.memref_squeeze %dma_wait3A_42 : memref<1x16384xf32, #tpu.memory_space<vmem>> -> memref<16384xf32, #tpu.memory_space<vmem>>
    %dma_wait3A_44 = arith.constant 0 : i32
    %dma_wait3A_45 = tpu.memref_slice %arg5[%dma_wait3A_44] : memref<67108864xf32, #tpu.memory_space<hbm>> -> memref<16384xf32, #tpu.memory_space<hbm>>
    %dma_wait3A_46 = arith.constant 0 : i32
    %dma_wait3A_47 = tpu.memref_slice %arg5[%dma_wait3A_46] : memref<67108864xf32, #tpu.memory_space<hbm>> -> memref<16384xf32, #tpu.memory_space<hbm>>
    %dma_wait3A_48 = arith.constant 0 : i32
    %dma_wait3A_49 = tpu.memref_slice %arg9[%dma_wait3A_40, %dma_wait3A_48] : memref<2x16384xf32, #tpu.memory_space<vmem>> -> memref<1x16384xf32, #tpu.memory_space<vmem>>
    %dma_wait3A_50 = tpu.memref_squeeze %dma_wait3A_49 : memref<1x16384xf32, #tpu.memory_space<vmem>> -> memref<16384xf32, #tpu.memory_space<vmem>>
    tpu.wait_dma2 semaphore(%arg12 : memref<!tpu.dma_semaphore, #tpu.memory_space<semaphore_mem>>) src(%dma_wait3A_50 : memref<16384xf32, #tpu.memory_space<vmem>>) dst(%dma_wait3A_47 : memref<16384xf32, #tpu.memory_space<hbm>>)
    return
  }
}

module attributes {stable_mosaic.version = 14 : i64} {
  func.func @_combine_body(%arg0: memref<1024x64xf32, #tpu.memory_space<vmem>>, %arg1: memref<1024x64xf32, #tpu.memory_space<vmem>>, %arg2: memref<64x1024xf32, #tpu.memory_space<vmem>>) attributes {dimension_semantics = [], scalar_prefetch = 0 : i64, scratch_operands = 0 : i64, tpu.core_type = #tpu.core_type<tc>} {
    %get3A = arith.constant 0 : index
    %get3A_0 = arith.constant 0 : index
    %get3A_1 = vector.load %arg1[%get3A, %get3A_0] : memref<1024x64xf32, #tpu.memory_space<vmem>>, vector<1024x64xf32>
    %get3A_2 = arith.constant 0 : index
    %get3A_3 = arith.constant 0 : index
    %get3A_4 = vector.load %arg0[%get3A_2, %get3A_3] : memref<1024x64xf32, #tpu.memory_space<vmem>>, vector<1024x64xf32>
    %add3A = arith.addf %get3A_1, %get3A_4 : vector<1024x64xf32>
    %transpose3A = tpu.transpose %add3A, [1, 0] : vector<1024x64xf32> -> vector<64x1024xf32>
    %swap3A = arith.constant 0 : index
    %swap3A_5 = arith.constant 0 : index
    %swap3A_6 = vector.load %arg2[%swap3A, %swap3A_5] : memref<64x1024xf32, #tpu.memory_space<vmem>>, vector<64x1024xf32>
    tpu.vector_store %arg2[%swap3A, %swap3A_5], %transpose3A {strides = array<i32>} : memref<64x1024xf32, #tpu.memory_space<vmem>>, vector<64x1024xf32>,
    return
  }
}

</mosaic_0001>

<sc_bundles>
// kernel: kernel.4.cloned.1.call-start
scs
__scs_entry_jumppad:
0x0: {  	(pc) =	sbr.rel $0x88, $3  }
0x1: {  	(tag) =	ssettag $0x0;
	lr =	simm.s32 $0x1  }
0x2: {  	[smem:$0x3F9D] =	sst lr;
	_ =	strace $0xD0000000  }
0x3: {  	_ = 	snop  }
0x4: {  	_ = 	snop  }
0x5: {  	_ = 	snop  }
0x6: {  	_ = 	snop  }
0x7: {  	_ = 	snop  }
__scs_overlays_trampoline_lowered:
0x8: {  	[smem:$0x3FAC] =	sst s0  }
0x9: {  	[smem:$0x3FAD] =	sst s1  }
0xa: {  	[smem:$0x3FAE] =	sst s2  }
0xb: {  	[smem:$0x3FAF] =	sst s3  }
0xc: {  	[smem:$0x3FB0] =	sst s4  }
0xd: {  	[smem:$0x3FB1] =	sst s5  }
0xe: {  	[smem:$0x3FB2] =	sst s6  }
0xf: {  	[smem:$0x3FB3] =	sst s7  }
0x10: {  	[smem:$0x3FB4] =	sst s8  }
0x11: {  	[smem:$0x3FB5] =	sst s9;
	s0 =	simm.s32 @!p0 $0x0  }
0x12: {  	s1 =	sld [smem:$0x3F9B];
	s0 =	simm.s32 @p0 $0x1  }
0x13: {  	[smem:$0x3FB6] =	sst s0;
	s0 =	simm.s32 @!p1 $0x0  }
0x14: {  	s2 =	sld [smem:$0x3F9A];
	s0 =	simm.s32 @p1 $0x1  }
0x15: {  	[smem:$0x3FB7] =	sst s0;
	s0 =	simm.s32 @!p2 $0x0  }
0x16: {  	s3 =	sld [smem:$0x3FDB];
	s0 =	simm.s32 @p2 $0x1  }
0x17: {  	s4 =	simm.s32 $0x1BF5;
	[smem:$0x3FB9] =	sst s0  }
0x18: {  	s0 =	sld [smem:$0x3F9C];
	_ =	swait.ge [sflag:s4], $0x0  }
0x19: {  	s7 =	sld [smem:$0x3F9D]  }
0x1a: {  	s8 =	sadd.s32 $0xFFFFE003, lr  }
0x1b: {  	s9 =	sadd.s32 $0xFFFFFEF7, lr;
	s5 =	simm.s32 $0xFFFFFFFF;
	p2 =	slt.u32 s8, $0xFFFFF086  }
0x1c: {  	p1 =	slt.u32 s9, $0xF7A;
	s5 =	simm.s32 @!p2 $0x0  }
0x1d: {  	s5 =	simm.s32 @p1 $0x1;
	p0 =	seq.s32 s7, s2  }
0x1e: {  	s7 =	smul.u32 @!p0 $0xF7A, s2;
	p2 =	seq.s32 @!p0 s5, $0x0  }
0x1f: {  	s9 =	smul.u32 $0xF7A, s1;
	s8 =	simm.s32 @!p0 $0x1BF5;
	p2 =	por !p2, p0  }
0x20: {  	[sflag:s8] =	ssyncset.s32 @!p0 $0xFFFFF086;
	s6 =	sadd.s32 @!p0 s3, s7;
	s7 =	simm.s32 @!p0 $0x108  }
0x21: {  	s3 =	sadd.s32 s3, s9;
	s6 =	sadd.s32 @!p0 $0x88, s6;
	s7 =	simm.s32 @p2 $0x1082  }
0x22: {  	[simem:s7], [sflag:s8] =	dma.local @!p0 [hbm:s6], $0xF7A  }
0x23: {  	s9 =	sor.u32 $0xD0000000, s2;
	s6 =	simm.s32 $0x108;
	_ =	swait.ge @!p0 [sflag:s8], $0x0  }
0x24: {  	s3 =	sadd.s32 $0x88, s3;
	s6 =	simm.s32 @!p1 $0x1082;
	[sflag:s4] =	ssyncset.s32 $0xFFFFF086  }
0x25: {  	[simem:s6], [sflag:s4] =	dma.local [hbm:s3], $0xF7A  }
0x26: {  	[smem:$0x3F9D] =	sst s1;
	(tag) =	ssettag s2;
	_ =	strace s9  }
0x27: {  	s1 =	sld [smem:$0x3FAD]  }
0x28: {  	s2 =	sld [smem:$0x3FAE]  }
0x29: {  	s4 =	sld [smem:$0x3FB0]  }
0x2a: {  	p0 =	seq.s32 s5, $0x0;
	s5 =	sld [smem:$0x3FB1]  }
0x2b: {  	s6 =	sld [smem:$0x3FB2]  }
0x2c: {  	s7 =	sld [smem:$0x3FB3]  }
0x2d: {  	s3 =	simm.s32 $0x108;
	s8 =	sld [smem:$0x3FB4]  }
0x2e: {  	s3 =	simm.s32 @!p0 $0x1082;
	s9 =	sld [smem:$0x3FB5]  }
0x2f: {  	lr =	sadd.s32 s0, s3;
	s0 =	sld [smem:$0x3FAC]  }
0x30: {  	s3 =	sld [smem:$0x3FAF]  }
0x31: {  	[smem:$0x3FB8] =	sst s10  }
0x32: {  	s10 =	sld [smem:$0x3FB6];
	_ =	sdelay $0x3  }
0x33: {  	p0 =	seq.s32 s10, $0x1;
	s10 =	sld [smem:$0x3FB8];
	_ =	sdelay $0x3  }
0x34: {  	[smem:$0x3FB8] =	sst s10  }
0x35: {  	s10 =	sld [smem:$0x3FB7];
	_ =	sdelay $0x3  }
0x36: {  	p1 =	seq.s32 s10, $0x1;
	s10 =	sld [smem:$0x3FB8];
	_ =	sdelay $0x3  }
0x37: {  	[smem:$0x3FB8] =	sst s10  }
0x38: {  	s10 =	sld [smem:$0x3FB9]  }
0x39: {  	_ = 	snop;
	(pc) =	sbr.ind lr, $3  }
0x3a: {  	_ = 	snop  }
0x3b: {  	_ = 	snop  }
0x3c: {  	p2 =	seq.s32 s10, $0x1;
	s10 =	sld [smem:$0x3FB8]  }
0x3d: {  	_ =	shalt  }
0x3e: {  	_ =	shalt  }
0x3f: {  	_ =	shalt  }
0x40: {  	_ =	shalt  }
0x41: {  	_ =	shalt  }
0x42: {  	_ =	shalt  }
0x43: {  	_ =	shalt  }
0x44: {  	_ =	shalt  }
0x45: {  	_ =	shalt  }
0x46: {  	_ =	shalt  }
0x47: {  	_ =	shalt  }
0x48: {  	_ =	shalt  }
0x49: {  	_ =	shalt  }
0x4a: {  	_ =	shalt  }
0x4b: {  	_ =	shalt  }
0x4c: {  	_ =	shalt  }
0x4d: {  	_ =	shalt  }
0x4e: {  	_ =	shalt  }
0x4f: {  	_ =	shalt  }
0x50: {  	_ =	shalt  }
0x51: {  	_ =	shalt  }
0x52: {  	_ =	shalt  }
0x53: {  	_ =	shalt  }
0x54: {  	_ =	shalt  }
0x55: {  	_ =	shalt  }
0x56: {  	_ =	shalt  }
0x57: {  	_ =	shalt  }
0x58: {  	_ =	shalt  }
0x59: {  	_ =	shalt  }
0x5a: {  	_ =	shalt  }
0x5b: {  	_ =	shalt  }
0x5c: {  	_ =	shalt  }
0x5d: {  	_ =	shalt  }
0x5e: {  	_ =	shalt  }
0x5f: {  	_ =	shalt  }
0x60: {  	_ =	shalt  }
0x61: {  	_ =	shalt  }
0x62: {  	_ =	shalt  }
0x63: {  	_ =	shalt  }
0x64: {  	_ =	shalt  }
0x65: {  	_ =	shalt  }
0x66: {  	_ =	shalt  }
0x67: {  	_ =	shalt  }
0x68: {  	_ =	shalt  }
0x69: {  	_ =	shalt  }
0x6a: {  	_ =	shalt  }
0x6b: {  	_ =	shalt  }
0x6c: {  	_ =	shalt  }
0x6d: {  	_ =	shalt  }
0x6e: {  	_ =	shalt  }
0x6f: {  	_ =	shalt  }
0x70: {  	_ =	shalt  }
0x71: {  	_ =	shalt  }
0x72: {  	_ =	shalt  }
0x73: {  	_ =	shalt  }
0x74: {  	_ =	shalt  }
0x75: {  	_ =	shalt  }
0x76: {  	_ =	shalt  }
0x77: {  	_ =	shalt  }
0x78: {  	_ =	shalt  }
0x79: {  	_ =	shalt  }
0x7a: {  	_ =	shalt  }
0x7b: {  	_ =	shalt  }
0x7c: {  	_ =	shalt  }
0x7d: {  	_ =	shalt  }
0x7e: {  	_ =	shalt  }
0x7f: {  	_ =	shalt  }
0x80: {  	_ =	shalt  }
0x81: {  	_ =	shalt  }
0x82: {  	_ =	shalt  }
0x83: {  	_ =	shalt  }
0x84: {  	_ =	shalt  }
0x85: {  	_ =	shalt  }
0x86: {  	_ =	shalt  }
0x87: {  	_ =	shalt  }
.Lfunc_end0:
.L_simem_size_0:
called_computation_lowered:
.L_overlay_start_0:
0x88: {  	s2 =	sld [smem:$0x3FD9]  }
0x89: {  	s3 =	sld [smem:$0x3FFE];
	_ =	sdelay $0x1  }
0x8a: {  	s1 =	srdreg.scid  }
0x8b: {  	s0 =	sand.u32 $0x1, s1  }
0x8c: {  	s17 =	sshll.u32 s0, $0xA;
	s2 =	sadd.s32 s3, s2  }
0x8d: {  	s2 =	sadd.s32 s2, s17  }
0x8e: {  	[smem:$0x3FC4] =	sst s2  }
0x8f: {  	_ = 	snop  }
0x90: {  	s2 =	sld [smem:$0x3FD0];
	(tm) =	ssettm $0x1  }
0x91: {  	s18 =	sld [smem:$0x3FFB];
	_ =	sdelay $0x3  }
0x92: {  	_ =	strace s18  }
0x93: {  	s3 =	sld [smem:$0x3FFC];
	_ =	sdelay $0x3  }
0x94: {  	_ =	strace s3  }
0x95: {  	s3 =	sld [smem:$0x3FFD];
	_ =	sdelay $0x3  }
0x96: {  	_ =	strace s3  }
0x97: {  	_ =	strace $0x8FFFFFFF  }
0x98: {  	s19 =	sld [smem:$0x3FDB];
	_ =	sdelay $0x1  }
0x99: {  	s4 =	simm.s32 $_scs_section_size  }
0x9a: {  	s5 =	simm.s32 $_size__tile_overlayer_lowered;
	s6 =	simm.s32 $_tile_overlayer_lowered  }
0x9b: {  	s22 =	simm.s32 $0x1BFF;
	s21 =	sshll.u32 s6, $0x1;
	s3 =	sadd.s32 s4, s19  }
0x9c: {  	s7 =	simm.s32 $0x0;
	s20 =	sshll.u32 s5, $0x1;
	s5 =	sadd.s32 s21, s3  }
0x9d: {  	[timem:s7], [sflag:s22] =	dma.local [hbm:s5], s20  }
0x9e: {  	_ =	swait.ge [sflag:s22], s20  }
0x9f: {  	s4 =	ssub.s32 $0x0, s20;
	[sflag:s22] =	ssyncset.done $0x0  }
0xa0: {  	[sflag:s22] =	ssyncadd.s32 s4;
	_ =	sdelay $0x1  }
0xa1: {  	s23 =	simm.s32 $0x1B8B  }
0xa2: {  	_ =	swait.ge [sflag:s23], $0x1  }
0xa3: {  	[sflag:s23] =	ssyncset.done $0x0  }
0xa4: {  	s25 =	simm.s32 $0x1B8E;
	s24 =	sld [smem:$0x3FFE];
	[sflag:s23] =	ssyncadd.s32 $0xFFFFFFFF  }
0xa5: {  	s26 =	simm.s32 $execute0_lowered;
	[smem:$0x3FD2] =	sst s25  }
0xa6: {  	s5 =	sshll.u32 s26, $0x1;
	_ =	strace $0x80000046;
	[dreg:$0x1] =	wrdreg $0xFFFFFFFF  }
0xa7: {  	s28 =	simm.s32 $_size_execute0_lowered;
	s3 =	sadd.s32 s3, s5;
	[dreg:$0x0] =	wrdreg $0x0  }
0xa8: {  	s5 =	sshll.u32 s28, $0x1;
	[dreg:$0x2] =	wrdreg s3  }
0xa9: {  	[dreg:$0x3] =	wrdreg s5  }
0xaa: {  	[dreg:$0x4] =	wrdreg $0xC0  }
0xab: {  	_ =	task [dreg:s7], $0x5FFFF  }
0xac: {  	[dreg:$0x1] =	wrdreg $0xFFFFFFFF  }
0xad: {  	[dreg:$0x0] =	wrdreg $0x60  }
0xae: {  	[dreg:$0x2] =	wrdreg s24  }
0xaf: {  	[dreg:$0x3] =	wrdreg s2  }
0xb0: {  	[dreg:$0x4] =	wrdreg $0x9  }
0xb1: {  	_ =	task.clear_ibuf [dreg:s7], $0x5FFFF;
	_ =	strace $0x90000046  }
0xb2: {  	s29 =	simm.s32 $0x9;
	_ =	strace $0x80000048  }
0xb3: {  	_ =	swait.ge [sflag:s29], $0x1  }
0xb4: {  	[sflag:s29] =	ssyncadd.s32 $0xFFFFFFFF  }
0xb5: {  	_ =	strace $0x90000048  }
0xb6: {  	_ =	sfence  }
0xb7: {  	s30 =	sld [smem:$0x0];
	_ =	sdelay $0x2  }
0xb8: {  	s31 =	sshll.u32 s1, $0xD;
	s1 =	sshrl.u32 s1, $0x2  }
0xb9: {  	s3 =	sand.u32 $0x4000, s31;
	s1 =	sadd.s32 s1, s30  }
0xba: {  	s0 =	sor.u32 s3, s0;
	s1 =	sshll.u32 s1, $0x11  }
0xbb: {  	s0 =	sor.u32 s1, s0  }
0xbc: {  	s0 =	sadd.s32 $0x8F2B, s0  }
0xbd: {  	[sflag:s0] =	ssyncadd.remote.s32 $0x1  }
0xbe: {  	_ =	sfence.sel $0xFFFF  }
0xbf: {  	[dreg:$0x0] =	wrdreg $0xFFFFFFFF;
	(pc) =	sbr.abs _section_cstart, $3  }
0xc0: {  	[dreg:$0x1] =	wrdreg $0xFFFFFFFF  }
0xc1: {  	_ =	task.clear_ibuf [dreg:s7], $0x2FFFF;
	_ =	strace $0x9FFFFFFF  }
0xc2: {  	(tm) =	ssettm $0x7FFFFFFF  }
0xc3: {  	_ =	shalt  }
tec
execute0_lowered:
.L_overlay_start_1:
0x0: {  	(tag) =	ssettag $0x1  }
0x1: {  	s0 =	rddreg [dreg:$0x0]  }
0x2: {  	s1 =	rddreg [dreg:$0x1]  }
0x3: {  	s2 =	simm.s32 $0x0;
	s3 =	srdreg.scid;
	s6 =	stileid.u32  }
0x4: {  	s18 =	simm.s32 $0x1;
	s21 =	simm.s32 $0x11000;
	s22 =	simm.s32 $0x15000  }
0x5: {  	s23 =	simm.s32 $0x2;
	s24 =	simm.s32 $0x3;
	[smem:$0x7FF] =	sst s2  }
0x6: {  	s4 =	sadd.s32 $0x800, s0;
	s3 =	sand.u32 $0x1, s3;
	s5 =	sadd.s32 $0x2800, s0  }
0x7: {  	s7 =	sshll.u32 s6, $0x1;
	s6 =	sadd.s32 $0x22800, s0;
	s10 =	sadd.s32 $0x800, s1  }
0x8: {  	s11 =	sadd.s32 $0x1000, s1;
	s29 =	ssub.s32 $0x2, s3;
	s3 =	sor.u32 s3, s7  }
0x9: {  	_ =	strace $0x80000047;
	s7 =	sshll.u32 s3, $0x5;
	s3 =	sshll.u32 s3, $0xC  }
0xa: {  	[dreg:$0x3] =	wrdreg s4;
	s30 =	sshrl.u32 s29, $0x1;
	s31 =	sadd.s32 s5, s3  }
0xb: {  	s0 =	ssub.s32 s29, s30;
	s3 =	sadd.s32 s6, s3;
	[dreg:$0x4] =	wrdreg s31  }
0xc: {  	s12 =	sadd.s32 $0x1800, s1;
	[dreg:$0x5] =	wrdreg s3;
	s0 =	smax.u32 s0, $0x1  }
0xd: {  	s13 =	sor.u32 $0x2, s7;
	s3 =	simm.s32 $0x0;
	[dreg:$0x6] =	wrdreg s0  }
.LBB2_1:
0xe: {  	[dreg:$0x7] =	wrdreg s3  }
0xf: {  	s0 =	rddreg [dreg:$0x3];
	s26 =	simm.s32 $0x4  }
0x10: {  	[tilespmem:s2], [sflag:$0x4] =	stream.linear.gather [hbm4b:s0+s2], $0x10000, $0x38;
	[tilespmem:$0x19000] =	vst v63  }
0x11: {  	_ =	swait.ge [sflag:s26], $0x10000  }
0x12: {  	[sflag:s26] =	ssyncset.done $0x0  }
0x13: {  	s29 =	simm.s32 $0x10000;
	s28 =	rddreg [dreg:$0x4];
	[sflag:s26] =	ssyncadd.s32 $0xFFFF0000  }
0x14: {  	[tilespmem:s29], [sflag:$0x1] =	stream.linear.gather [hbm4b:s28+s2], $0x400, $0x38;
	[tilespmem:$0x19000] =	vst v63  }
0x15: {  	s31 =	simm.s32 $0x10800;
	s30 =	rddreg [dreg:$0x5];
	s26 =	simm.s32 $0x0  }
0x16: {  	[tilespmem:s31], [sflag:$0x1] =	stream.linear.gather [hbm4b:s30+s2], $0x400, $0x38;
	[tilespmem:$0x19000] =	vst v63  }
.LBB2_2:
0x17: {  	s29 =	sshll.u32 s26, $0x1;
	_ =	swait.ge [sflag:s18], $0x400  }
0x18: {  	[sflag:s18] =	ssyncset.done $0x0;
	s0 =	sor.u32 s29, s7  }
0x19: {  	[sflag:s18] =	ssyncadd.s32 $0xFFFFFC00;
	s28 =	sor.u32 $0x1, s0  }
0x1a: {  	_ =	swait.ge [sflag:s18], $0x400;
	s3 =	sshll.u32 s28, $0x7  }
0x1b: {  	[sflag:s18] =	ssyncset.done $0x0;
	s3 =	sand.u32 $0x1FFFFF80, s3  }
0x1c: {  	s8 =	simm.s32 $0x10400;
	[sflag:s18] =	ssyncadd.s32 $0xFFFFFC00;
	s4 =	sadd.s32 s5, s3  }
0x1d: {  	[tilespmem:s8], [sflag:$0x1] =	stream.linear.gather [hbm4b:s4+s2], $0x400, $0x38;
	[tilespmem:$0x19000] =	vst v63  }
0x1e: {  	p0 =	seq.s32 s26, $0x0;
	s3 =	sadd.s32 s6, s3;
	s8 =	simm.s32 $0x10C00  }
0x1f: {  	[tilespmem:s8], [sflag:$0x1] =	stream.linear.gather [hbm4b:s3+s2], $0x400, $0x38;
	[tilespmem:$0x19000] =	vst v63  }
0x20: {  	s3 =	simm.s32 @!p0 $0x2  }
0x21: {  	_ =	swait.ge @!p0 [sflag:s3], $0x4000  }
0x22: {  	[sflag:s3] =	ssyncset.done @!p0 $0x0  }
0x23: {  	s9 =	simm.s32 $0x0;
	[sflag:s3] =	ssyncadd.s32 @!p0 $0xFFFFC000  }
0x24: {  	v4 =	vld [tilespmem:s9+$0x10010];
	_ =	sdelay $0x3  }
0x25: {  	v3 =	vld [tilespmem:s9+$0x10000];
	_ =	sdelay $0x2  }
0x26: {  	s14 =	simm.s32 $0x0  }
0x27: {  	s3 =	smul.u32 $0xE00, s14;
	v0 =	vld.idx.msk [tilespmem:v4+s2+$0x0], $0xffff  }
0x28: {  	v1 =	vadd.s32 $0x400, v4  }
0x29: {  	s3 =	sshra.s32 s3, $0x2  }
0x2a: {  	s15 =	sadd.s32 $0x0, s3  }
0x2b: {  	s3 =	sadd.s32 $0x11000, s15;
	v2 =	vld.idx.msk [tilespmem:v3+s2+$0x0], $0xffff  }
0x2c: {  	v5 =	vadd.s32 $0x400, v3;
	[tilespmem:s3+$0x10] =	vst v0  }
0x2d: {  	v0 =	vld.idx.msk [tilespmem:v1+s2+$0x0], $0xffff  }
0x2e: {  	v1 =	vadd.s32 $0x800, v4;
	_ =	sdelay $0x1  }
0x2f: {  	[tilespmem:s15+$0x11000] =	vst v2  }
0x30: {  	v2 =	vld.idx.msk [tilespmem:v5+s2+$0x0], $0xffff  }
0x31: {  	v5 =	vadd.s32 $0x800, v3;
	[tilespmem:s3+$0x90] =	vst v0  }
0x32: {  	v0 =	vld.idx.msk [tilespmem:v1+s2+$0x0], $0xffff  }
0x33: {  	v1 =	vadd.s32 $0xC00, v4;
	_ =	sdelay $0x1  }
0x34: {  	[tilespmem:s3+$0x80] =	vst v2  }
0x35: {  	v6 =	vld.idx.msk [tilespmem:v5+s2+$0x0], $0xffff  }
0x36: {  	v7 =	vadd.s32 $0xC00, v3;
	[tilespmem:s3+$0x110] =	vst v0  }
0x37: {  	v1 =	vld.idx.msk [tilespmem:v1+s2+$0x0], $0xffff  }
0x38: {  	v2 =	vadd.s32 $0x1000, v4  }
0x39: {  	s16 =	simm.s32 $0x20  }
0x3a: {  	v0 =	vld [tilespmem:s16+$0x10010];
	[tilespmem:s3+$0x100] =	vst v6  }
0x3b: {  	v6 =	vld.idx.msk [tilespmem:v7+s2+$0x0], $0xffff  }
0x3c: {  	v7 =	vadd.s32 $0x1000, v3;
	[tilespmem:s3+$0x190] =	vst v1  }
0x3d: {  	v1 =	vld.idx.msk [tilespmem:v2+s2+$0x0], $0xffff  }
0x3e: {  	v5 =	vld [tilespmem:s16+$0x10000];
	v2 =	vadd.s32 $0x1400, v4;
	_ =	sdelay $0x1  }
0x3f: {  	[tilespmem:s3+$0x180] =	vst v6  }
0x40: {  	s17 =	simm.s32 $0x0;
	v7 =	vld.idx.msk [tilespmem:v7+s2+$0x0], $0xffff  }
0x41: {  	s4 =	smul.u32 $0xE00, s17;
	v11 =	vadd.s32 $0x1400, v3;
	v8 =	vld.idx.msk [tilespmem:v0+s2+$0x0], $0xffff;
	[tilespmem:s3+$0x210] =	vst v1  }
0x42: {  	v1 =	vld.idx.msk [tilespmem:v2+s2+$0x0], $0xffff;
	v2 =	vadd.s32 $0x400, v0  }
0x43: {  	s4 =	sshra.s32 s4, $0x2  }
0x44: {  	s19 =	sadd.s32 $0x20, s4;
	v9 =	vadd.s32 $0x1800, v4  }
0x45: {  	s4 =	sadd.s32 $0x11000, s19;
	v10 =	vld.idx.msk [tilespmem:v5+s2+$0x0], $0xffff;
	[tilespmem:s3+$0x200] =	vst v7  }
0x46: {  	v6 =	vadd.s32 $0x400, v5;
	[tilespmem:s4+$0x10] =	vst v8;
	v7 =	vld.idx.msk [tilespmem:v11+s2+$0x0], $0xffff  }
0x47: {  	v11 =	vadd.s32 $0x1800, v3;
	v2 =	vld.idx.msk [tilespmem:v2+s2+$0x0], $0xffff  }
0x48: {  	v8 =	vadd.s32 $0x800, v0;
	[tilespmem:s3+$0x290] =	vst v1  }
0x49: {  	v1 =	vld.idx.msk [tilespmem:v9+s2+$0x0], $0xffff  }
0x4a: {  	[tilespmem:s19+$0x11000] =	vst v10;
	v9 =	vadd.s32 $0x1C00, v4  }
0x4b: {  	v6 =	vld.idx.msk [tilespmem:v6+s2+$0x0], $0xffff;
	[tilespmem:s3+$0x280] =	vst v7  }
0x4c: {  	v10 =	vadd.s32 $0x800, v5;
	v7 =	vld.idx.msk [tilespmem:v11+s2+$0x0], $0xffff;
	[tilespmem:s4+$0x90] =	vst v2  }
0x4d: {  	v11 =	vadd.s32 $0x1C00, v3;
	v2 =	vld.idx.msk [tilespmem:v8+s2+$0x0], $0xffff  }
0x4e: {  	[tilespmem:s3+$0x310] =	vst v1;
	v8 =	vadd.s32 $0xC00, v0  }
0x4f: {  	v1 =	vld.idx.msk [tilespmem:v9+s2+$0x0], $0xffff  }
0x50: {  	[tilespmem:s4+$0x80] =	vst v6;
	v6 =	vadd.s32 $0x2000, v4  }
0x51: {  	[tilespmem:s3+$0x300] =	vst v7;
	v9 =	vld.idx.msk [tilespmem:v10+s2+$0x0], $0xffff  }
0x52: {  	v10 =	vadd.s32 $0xC00, v5;
	v11 =	vld.idx.msk [tilespmem:v11+s2+$0x0], $0xffff;
	[tilespmem:s4+$0x110] =	vst v2  }
0x53: {  	s20 =	simm.s32 $0x40;
	v2 =	vld.idx.msk [tilespmem:v8+s2+$0x0], $0xffff  }
0x54: {  	v12 =	vadd.s32 $0x1000, v0;
	[tilespmem:s3+$0x390] =	vst v1;
	v1 =	vld [tilespmem:s20+$0x10010]  }
0x55: {  	v13 =	vadd.s32 $0x2000, v3;
	v6 =	vld.idx.msk [tilespmem:v6+s2+$0x0], $0xffff  }
0x56: {  	[tilespmem:s4+$0x100] =	vst v9;
	v9 =	vadd.s32 $0x2400, v4;
	v8 =	vld [tilespmem:s20+$0x10000]  }
0x57: {  	v10 =	vld.idx.msk [tilespmem:v10+s2+$0x0], $0xffff  }
0x58: {  	v7 =	vadd.s32 $0x1000, v5;
	[tilespmem:s4+$0x190] =	vst v2  }
0x59: {  	[tilespmem:s3+$0x380] =	vst v11;
	v2 =	vld.idx.msk [tilespmem:v12+s2+$0x0], $0xffff  }
0x5a: {  	[tilespmem:s3+$0x2010] =	vst v6;
	v12 =	vld.idx.msk [tilespmem:v13+s2+$0x0], $0xffff  }
0x5b: {  	v6 =	vld.idx.msk [tilespmem:v9+s2+$0x0], $0xffff;
	v9 =	vadd.s32 $0x1400, v0  }
0x5c: {  	[tilespmem:s4+$0x180] =	vst v10;
	v13 =	vadd.s32 $0x2400, v3  }
0x5d: {  	v10 =	vadd.s32 $0x2800, v4;
	v7 =	vld.idx.msk [tilespmem:v7+s2+$0x0], $0xffff  }
0x5e: {  	s25 =	simm.s32 $0x0;
	v11 =	vadd.s32 $0x1400, v5;
	v15 =	vld.idx.msk [tilespmem:v8+s2+$0x0], $0xffff;
	[tilespmem:s4+$0x210] =	vst v2  }
0x5f: {  	s8 =	smul.u32 $0xE00, s25;
	v16 =	vadd.s32 $0x400, v8;
	v14 =	vld.idx.msk [tilespmem:v1+s2+$0x0], $0xffff;
	[tilespmem:s3+$0x2000] =	vst v12  }
0x60: {  	v2 =	vld.idx.msk [tilespmem:v9+s2+$0x0], $0xffff;
	[tilespmem:s3+$0x2090] =	vst v6;
	v6 =	vadd.s32 $0x400, v1  }
0x61: {  	s8 =	sshra.s32 s8, $0x2;
	v13 =	vld.idx.msk [tilespmem:v13+s2+$0x0], $0xffff  }
0x62: {  	s9 =	sadd.s32 $0x40, s8;
	[tilespmem:s4+$0x200] =	vst v7;
	v9 =	vld.idx.msk [tilespmem:v10+s2+$0x0], $0xffff;
	v10 =	vadd.s32 $0x1800, v0  }
0x63: {  	s8 =	sadd.s32 $0x11000, s9;
	v7 =	vadd.s32 $0x2C00, v4;
	v11 =	vld.idx.msk [tilespmem:v11+s2+$0x0], $0xffff;
	[tilespmem:s9+$0x11000] =	vst v15  }
0x64: {  	v12 =	vadd.s32 $0x1800, v5;
	[tilespmem:s8+$0x10] =	vst v14;
	v15 =	vld.idx.msk [tilespmem:v16+s2+$0x0], $0xffff  }
0x65: {  	s30 =	simm.s32 $0x60;
	v14 =	vadd.s32 $0x2800, v3;
	v6 =	vld.idx.msk [tilespmem:v6+s2+$0x0], $0xffff;
	[tilespmem:s4+$0x290] =	vst v2  }
0x66: {  	v29 =	vld [tilespmem:s30+$0x10000];
	v16 =	vadd.s32 $0x800, v8;
	[tilespmem:s3+$0x2080] =	vst v13  }
0x67: {  	v2 =	vld.idx.msk [tilespmem:v10+s2+$0x0], $0xffff;
	[tilespmem:s3+$0x2110] =	vst v9;
	v9 =	vadd.s32 $0x800, v1  }
0x68: {  	v10 =	vadd.s32 $0x1C00, v0;
	[tilespmem:s4+$0x280] =	vst v11;
	v7 =	vld.idx.msk [tilespmem:v7+s2+$0x0], $0xffff  }
0x69: {  	v11 =	vadd.s32 $0x3000, v4;
	v12 =	vld.idx.msk [tilespmem:v12+s2+$0x0], $0xffff;
	[tilespmem:s8+$0x80] =	vst v15  }
0x6a: {  	v13 =	vadd.s32 $0x1C00, v5;
	[tilespmem:s8+$0x90] =	vst v6;
	v6 =	vld.idx.msk [tilespmem:v14+s2+$0x0], $0xffff  }
0x6b: {  	v15 =	vld.idx.msk [tilespmem:v16+s2+$0x0], $0xffff;
	v14 =	vadd.s32 $0x2C00, v3  }
0x6c: {  	v16 =	vadd.s32 $0xC00, v8;
	v9 =	vld.idx.msk [tilespmem:v9+s2+$0x0], $0xffff;
	[tilespmem:s4+$0x310] =	vst v2  }
0x6d: {  	v2 =	vld.idx.msk [tilespmem:v10+s2+$0x0], $0xffff;
	[tilespmem:s3+$0x2190] =	vst v7;
	v7 =	vadd.s32 $0xC00, v1  }
0x6e: {  	[tilespmem:s4+$0x300] =	vst v12;
	v10 =	vld.idx.msk [tilespmem:v11+s2+$0x0], $0xffff  }
0x6f: {  	v11 =	vadd.s32 $0x2000, v0;
	v13 =	vld.idx.msk [tilespmem:v13+s2+$0x0], $0xffff;
	[tilespmem:s3+$0x2100] =	vst v6  }
0x70: {  	v12 =	vadd.s32 $0x3400, v4;
	[tilespmem:s8+$0x100] =	vst v15;
	v6 =	vld.idx.msk [tilespmem:v14+s2+$0x0], $0xffff  }
0x71: {  	[tilespmem:s8+$0x110] =	vst v9;
	v14 =	vld.idx.msk [tilespmem:v16+s2+$0x0], $0xffff  }
0x72: {  	v16 =	vadd.s32 $0x2000, v5;
	v7 =	vld.idx.msk [tilespmem:v7+s2+$0x0], $0xffff  }
0x73: {  	v17 =	vadd.s32 $0x1000, v8;
	[tilespmem:s4+$0x390] =	vst v2;
	v2 =	vld [tilespmem:s30+$0x10010]  }
0x74: {  	v9 =	vld.idx.msk [tilespmem:v11+s2+$0x0], $0xffff;
	[tilespmem:s3+$0x2210] =	vst v10;
	v10 =	vadd.s32 $0x1000, v1  }
0x75: {  	[tilespmem:s4+$0x380] =	vst v13;
	v11 =	vld.idx.msk [tilespmem:v12+s2+$0x0], $0xffff;
	v12 =	vadd.s32 $0x2400, v0  }
0x76: {  	v15 =	vadd.s32 $0x3800, v4;
	[tilespmem:s8+$0x180] =	vst v14  }
0x77: {  	v13 =	vld.idx.msk [tilespmem:v16+s2+$0x0], $0xffff;
	[tilespmem:s3+$0x2180] =	vst v6  }
0x78: {  	[tilespmem:s8+$0x190] =	vst v7;
	v6 =	vld.idx.msk [tilespmem:v17+s2+$0x0], $0xffff  }
0x79: {  	v7 =	vadd.s32 $0x3000, v3;
	v10 =	vld.idx.msk [tilespmem:v10+s2+$0x0], $0xffff;
	[tilespmem:s4+$0x2010] =	vst v9  }
0x7a: {  	v9 =	vld.idx.msk [tilespmem:v12+s2+$0x0], $0xffff;
	[tilespmem:s3+$0x2290] =	vst v11;
	v11 =	vadd.s32 $0x1400, v1  }
0x7b: {  	s31 =	simm.s32 $0x0;
	v14 =	vadd.s32 $0x2800, v0;
	v12 =	vld.idx.msk [tilespmem:v15+s2+$0x0], $0xffff  }
0x7c: {  	s9 =	smul.u32 $0xE00, s31;
	v15 =	vadd.s32 $0x1400, v8;
	v16 =	vld.idx.msk [tilespmem:v2+s2+$0x0], $0xffff;
	[tilespmem:s4+$0x2000] =	vst v13  }
0x7d: {  	v4 =	vadd.s32 $0x3C00, v4;
	v13 =	vld.idx.msk [tilespmem:v29+s2+$0x0], $0xffff;
	[tilespmem:s8+$0x200] =	vst v6  }
0x7e: {  	s9 =	sshra.s32 s9, $0x2;
	v7 =	vld.idx.msk [tilespmem:v7+s2+$0x0], $0xffff;
	[tilespmem:s8+$0x210] =	vst v10;
	v10 =	vadd.s32 $0x2400, v5  }
0x7f: {  	s14 =	sadd.s32 $0x60, s9;
	v17 =	vadd.s32 $0x3400, v3;
	v11 =	vld.idx.msk [tilespmem:v11+s2+$0x0], $0xffff;
	[tilespmem:s4+$0x2090] =	vst v9  }
0x80: {  	s9 =	sadd.s32 $0x11000, s14;
	v9 =	vadd.s32 $0x400, v2;
	v14 =	vld.idx.msk [tilespmem:v14+s2+$0x0], $0xffff;
	[tilespmem:s3+$0x2310] =	vst v12  }
0x81: {  	v12 =	vadd.s32 $0x1800, v1;
	v15 =	vld.idx.msk [tilespmem:v15+s2+$0x0], $0xffff;
	[tilespmem:s9+$0x10] =	vst v16  }
0x82: {  	v6 =	vadd.s32 $0x2C00, v0;
	v4 =	vld.idx.msk [tilespmem:v4+s2+$0x0], $0xffff;
	[tilespmem:s14+$0x11000] =	vst v13  }
0x83: {  	v16 =	vadd.s32 $0x1800, v8;
	[tilespmem:s3+$0x2200] =	vst v7;
	v10 =	vld.idx.msk [tilespmem:v10+s2+$0x0], $0xffff  }
0x84: {  	v7 =	vadd.s32 $0x400, v29;
	v17 =	vld.idx.msk [tilespmem:v17+s2+$0x0], $0xffff;
	[tilespmem:s8+$0x290] =	vst v11  }
0x85: {  	v9 =	vld.idx.msk [tilespmem:v9+s2+$0x0], $0xffff;
	v11 =	vadd.s32 $0x2800, v5;
	[tilespmem:s4+$0x2110] =	vst v14  }
0x86: {  	v20 =	vadd.s32 $0x3800, v3;
	v12 =	vld.idx.msk [tilespmem:v12+s2+$0x0], $0xffff;
	[tilespmem:s8+$0x280] =	vst v15  }
0x87: {  	v14 =	vadd.s32 $0x800, v2;
	v18 =	vld.idx.msk [tilespmem:v6+s2+$0x0], $0xffff;
	[tilespmem:s3+$0x2390] =	vst v4  }
0x88: {  	v13 =	vadd.s32 $0x1C00, v1;
	v21 =	vld.idx.msk [tilespmem:v16+s2+$0x0], $0xffff;
	[tilespmem:s4+$0x2080] =	vst v10  }
0x89: {  	v15 =	vadd.s32 $0x3000, v0;
	v7 =	vld.idx.msk [tilespmem:v7+s2+$0x0], $0xffff;
	[tilespmem:s3+$0x2280] =	vst v17  }
0x8a: {  	v23 =	vadd.s32 $0x1C00, v8;
	[tilespmem:s9+$0x90] =	vst v9;
	v11 =	vld.idx.msk [tilespmem:v11+s2+$0x0], $0xffff  }
0x8b: {  	v36 =	vadd.s32 $0x3C00, v3;
	v27 =	vadd.s32 $0xC00, v29;
	v10 =	vadd.s32 $0x800, v29;
	v33 =	vld.idx.msk [tilespmem:v20+s2+$0x0], $0xffff;
	[tilespmem:s8+$0x310] =	vst v12  }
0x8c: {  	v26 =	vadd.s32 $0x1000, v29;
	v24 =	vadd.s32 $0x1400, v29;
	v22 =	vadd.s32 $0x2C00, v5;
	v25 =	vld.idx.msk [tilespmem:v14+s2+$0x0], $0xffff;
	[tilespmem:s4+$0x2190] =	vst v18  }
0x8d: {  	v35 =	vadd.s32 $0x3400, v0;
	v19 =	vadd.s32 $0x2000, v8;
	v12 =	vld.idx.msk [tilespmem:v13+s2+$0x0], $0xffff;
	v18 =	vadd.s32 $0xC00, v2;
	[tilespmem:s8+$0x300] =	vst v21  }
0x8e: {  	v3 =	vadd.s32 $0x3C00, v5;
	v6 =	vadd.s32 $0x3400, v5;
	v17 =	vadd.s32 $0x2000, v1;
	v30 =	vld.idx.msk [tilespmem:v15+s2+$0x0], $0xffff;
	[tilespmem:s9+$0x80] =	vst v7  }
0x8f: {  	v4 =	vadd.s32 $0x3800, v5;
	v16 =	vadd.s32 $0x2400, v8;
	v9 =	vadd.s32 $0x3000, v5;
	v31 =	vld.idx.msk [tilespmem:v23+s2+$0x0], $0xffff;
	[tilespmem:s4+$0x2100] =	vst v11  }
0x90: {  	v5 =	vadd.s32 $0x3C00, v8;
	v20 =	vadd.s32 $0x2800, v29;
	v14 =	vadd.s32 $0x2C00, v8;
	v37 =	vld.idx.msk [tilespmem:v10+s2+$0x0], $0xffff;
	[tilespmem:s3+$0x2300] =	vst v33  }
0x91: {  	v13 =	vadd.s32 $0x3000, v8;
	v21 =	vadd.s32 $0x2400, v29;
	v15 =	vadd.s32 $0x2800, v8;
	[tilespmem:s9+$0x110] =	vst v25;
	v28 =	vld.idx.msk [tilespmem:v22+s2+$0x0], $0xffff  }
0x92: {  	v7 =	vadd.s32 $0x3800, v8;
	v23 =	vadd.s32 $0x1800, v29;
	v10 =	vadd.s32 $0x3400, v8;
	v34 =	vld.idx.msk [tilespmem:v18+s2+$0x0], $0xffff;
	[tilespmem:s8+$0x390] =	vst v12  }
0x93: {  	v8 =	vadd.s32 $0x3C00, v29;
	v11 =	vadd.s32 $0x3800, v29;
	v33 =	vadd.s32 $0x2400, v1;
	v32 =	vld.idx.msk [tilespmem:v17+s2+$0x0], $0xffff;
	[tilespmem:s4+$0x2210] =	vst v30  }
0x94: {  	v22 =	vadd.s32 $0x1C00, v29;
	v25 =	vadd.s32 $0x2000, v29;
	v30 =	vld.idx.msk [tilespmem:v35+s2+$0x0], $0xffff;
	v35 =	vadd.s32 $0x1000, v2  }
0x95: {  	s15 =	simm.s32 $0x6;
	s16 =	simm.s32 $0x200;
	s14 =	simm.s32 $0x6;
	v18 =	vadd.s32 $0x2C00, v29;
	v12 =	vadd.s32 $0x3400, v29;
	v17 =	vadd.s32 $0x3000, v29;
	v29 =	vld.idx.msk [tilespmem:v36+s2+$0x0], $0xffff;
	[tilespmem:s9+$0x100] =	vst v37  }
.LBB2_3:
0x96: {  	s17 =	sshra.s32 s16, $0x2;
	s14 =	sadd.s32 $0x2, s14;
	v27 =	vld.idx.msk [tilespmem:v27+s2+$0x0], $0xffff;
	[tilespmem:s8+$0x380] =	vst v31;
	v31 =	vadd.s32 $0x3800, v0  }
0x97: {  	v36 =	vld [tilespmem:s17+$0x10010];
	p1 =	slt.u32 s14, $0x3E;
	[tilespmem:s4+$0x2180] =	vst v28  }
0x98: {  	v28 =	vld [tilespmem:s17+$0x10000];
	[tilespmem:s9+$0x190] =	vst v34  }
0x99: {  	v34 =	vld.idx.msk [tilespmem:v35+s2+$0x0], $0xffff;
	[tilespmem:s8+$0x2010] =	vst v32  }
0x9a: {  	v32 =	vld.idx.msk [tilespmem:v33+s2+$0x0], $0xffff;
	[tilespmem:s4+$0x2290] =	vst v30  }
0x9b: {  	v30 =	vadd.s32 $0x1400, v2;
	v31 =	vld.idx.msk [tilespmem:v31+s2+$0x0], $0xffff;
	[tilespmem:s3+$0x2380] =	vst v29;
	s3 =	smov.u32 s4;
	s4 =	smov.u32 s8;
	s8 =	smov.u32 s9  }
0x9c: {  	v33 =	vadd.s32 $0x2800, v1;
	[tilespmem:s8+$0x180] =	vst v27;
	v29 =	vld.idx.msk [tilespmem:v19+s2+$0x0], $0xffff;
	v19 =	vmov v25  }
0x9d: {  	v39 =	vadd.s32 $0x3C00, v0;
	v0 =	vmovc v1;
	v1 =	vmovc v2;
	v35 =	vadd.s32 $0x400, v28;
	v37 =	vadd.s32 $0x800, v28;
	v38 =	vld.idx.msk [tilespmem:v26+s2+$0x0], $0xffff  }
0x9e: {  	s15 =	sadd.s32 $0x2, s15;
	v2 =	vmovc v36;
	v27 =	vadd.s32 $0xC00, v28;
	v26 =	vadd.s32 $0x1000, v28;
	v40 =	vadd.s32 $0x1400, v28;
	v41 =	vld.idx.msk [tilespmem:v9+s2+$0x0], $0xffff;
	v9 =	vmovc v13  }
0x9f: {  	s9 =	sshrl.u32 s15, $0x3;
	v42 =	vadd.s32 $0x1800, v28;
	v43 =	vadd.s32 $0x1C00, v28;
	v25 =	vadd.s32 $0x2000, v28;
	v13 =	vmovc v17;
	v36 =	vld.idx.msk [tilespmem:v36+s2+$0x0], $0xffff;
	[tilespmem:s8+$0x210] =	vst v34  }
0xa0: {  	s9 =	smul.u32 $0xE00, s9;
	v44 =	vadd.s32 $0x2800, v28;
	v45 =	vadd.s32 $0x2C00, v28;
	v34 =	vadd.s32 $0x2400, v28;
	v30 =	vld.idx.msk [tilespmem:v30+s2+$0x0], $0xffff;
	[tilespmem:s4+$0x2090] =	vst v32  }
0xa1: {  	v46 =	vadd.s32 $0x400, v2;
	v17 =	vadd.s32 $0x3000, v28;
	v32 =	vadd.s32 $0x3400, v28;
	v33 =	vld.idx.msk [tilespmem:v33+s2+$0x0], $0xffff;
	[tilespmem:s3+$0x2310] =	vst v31  }
0xa2: {  	v48 =	vadd.s32 $0x1800, v1;
	v47 =	vadd.s32 $0x3C00, v28;
	s9 =	sshra.s32 s9, $0x2;
	v31 =	vadd.s32 $0x3800, v28;
	[tilespmem:s4+$0x2000] =	vst v29;
	v29 =	vld.idx.msk [tilespmem:v39+s2+$0x0], $0xffff  }
0xa3: {  	s17 =	sadd.s32 s17, s9;
	v28 =	vld.idx.msk [tilespmem:v28+s2+$0x0], $0xffff;
	[tilespmem:s8+$0x200] =	vst v38;
	v38 =	vadd.s32 $0x2C00, v0  }
0xa4: {  	s9 =	sadd.s32 $0x11000, s17;
	v39 =	vld.idx.msk [tilespmem:v24+s2+$0x0], $0xffff;
	[tilespmem:s3+$0x2200] =	vst v41;
	v24 =	vmov v40  }
0xa5: {  	[tilespmem:s9+$0x10] =	vst v36;
	v36 =	vld.idx.msk [tilespmem:v16+s2+$0x0], $0xffff;
	v16 =	vmov v21;
	v21 =	vmov v34  }
0xa6: {  	v34 =	vld.idx.msk [tilespmem:v46+s2+$0x0], $0xffff;
	[tilespmem:s8+$0x290] =	vst v30  }
0xa7: {  	v30 =	vld.idx.msk [tilespmem:v48+s2+$0x0], $0xffff;
	[tilespmem:s4+$0x2110] =	vst v33  }
0xa8: {  	v33 =	vadd.s32 $0x800, v2;
	v38 =	vld.idx.msk [tilespmem:v38+s2+$0x0], $0xffff;
	[tilespmem:s3+$0x2390] =	vst v29  }
0xa9: {  	[tilespmem:s17+$0x11000] =	vst v28;
	v28 =	vadd.s32 $0x1C00, v1;
	v29 =	vld.idx.msk [tilespmem:v6+s2+$0x0], $0xffff;
	v6 =	vmovc v10;
	v10 =	vmov v12;
	v12 =	vmov v32  }
0xaa: {  	v32 =	vld.idx.msk [tilespmem:v35+s2+$0x0], $0xffff;
	[tilespmem:s8+$0x280] =	vst v39;
	v35 =	vadd.s32 $0x3000, v0  }
0xab: {  	v39 =	vld.idx.msk [tilespmem:v23+s2+$0x0], $0xffff;
	[tilespmem:s4+$0x2080] =	vst v36;
	v23 =	vmov v42  }
0xac: {  	[tilespmem:s9+$0x90] =	vst v34;
	v34 =	vld.idx.msk [tilespmem:v15+s2+$0x0], $0xffff;
	v15 =	vmov v20;
	v20 =	vmov v44  }
0xad: {  	v33 =	vld.idx.msk [tilespmem:v33+s2+$0x0], $0xffff;
	[tilespmem:s8+$0x310] =	vst v30  }
0xae: {  	v30 =	vld.idx.msk [tilespmem:v28+s2+$0x0], $0xffff;
	[tilespmem:s4+$0x2190] =	vst v38  }
0xaf: {  	v36 =	vadd.s32 $0xC00, v2;
	v35 =	vld.idx.msk [tilespmem:v35+s2+$0x0], $0xffff;
	[tilespmem:s3+$0x2280] =	vst v29  }
0xb0: {  	v29 =	vadd.s32 $0x2000, v1;
	[tilespmem:s9+$0x80] =	vst v32;
	v38 =	vld.idx.msk [tilespmem:v4+s2+$0x0], $0xffff;
	v4 =	vmovc v7;
	v7 =	vmov v11;
	v11 =	vmov v31  }
0xb1: {  	v37 =	vld.idx.msk [tilespmem:v37+s2+$0x0], $0xffff;
	[tilespmem:s8+$0x300] =	vst v39;
	v39 =	vadd.s32 $0x3400, v0  }
0xb2: {  	v31 =	vld.idx.msk [tilespmem:v22+s2+$0x0], $0xffff;
	[tilespmem:s4+$0x2100] =	vst v34;
	v22 =	vmov v43  }
.Ltmp0:
0xb3: {  	[tilespmem:s9+$0x110] =	vst v33;
	v28 =	vld.idx.msk [tilespmem:v14+s2+$0x0], $0xffff;
	v14 =	vmov v18;
	v18 =	vmov v45;
	(pc) =	sbr.rel @p1 .LBB2_3-.Ltmp0, $4  }
0xb4: {  	v34 =	vld.idx.msk [tilespmem:v36+s2+$0x0], $0xffff;
	[tilespmem:s8+$0x390] =	vst v30  }
0xb5: {  	v32 =	vld.idx.msk [tilespmem:v29+s2+$0x0], $0xffff;
	[tilespmem:s4+$0x2210] =	vst v35  }
0xb6: {  	v35 =	vadd.s32 $0x1000, v2;
	v30 =	vld.idx.msk [tilespmem:v39+s2+$0x0], $0xffff;
	[tilespmem:s3+$0x2300] =	vst v38  }
0xb7: {  	s16 =	sadd.s32 $0x80, s16;
	v33 =	vadd.s32 $0x2400, v1;
	[tilespmem:s9+$0x100] =	vst v37;
	v29 =	vld.idx.msk [tilespmem:v3+s2+$0x0], $0xffff;
	v3 =	vmovc v5;
	v5 =	vmov v8;
	v8 =	vmov v47  }
0xb8: {  	_ =	sdelay $0x3  }
0xb9: {  	v27 =	vld.idx.msk [tilespmem:v27+s2+$0x0], $0xffff;
	_ =	sdelay $0x3  }
0xba: {  	[tilespmem:s9+$0x190] =	vst v34  }
0xbb: {  	v34 =	vld.idx.msk [tilespmem:v35+s2+$0x0], $0xffff;
	[tilespmem:s9+$0x180] =	vst v27  }
0xbc: {  	v27 =	vadd.s32 $0x1400, v2;
	v26 =	vld.idx.msk [tilespmem:v26+s2+$0x0], $0xffff;
	_ =	sdelay $0x3  }
0xbd: {  	[tilespmem:s9+$0x210] =	vst v34  }
0xbe: {  	v27 =	vld.idx.msk [tilespmem:v27+s2+$0x0], $0xffff;
	[tilespmem:s9+$0x200] =	vst v26  }
0xbf: {  	v26 =	vadd.s32 $0x1800, v2;
	v24 =	vld.idx.msk [tilespmem:v24+s2+$0x0], $0xffff;
	_ =	sdelay $0x3  }
0xc0: {  	[tilespmem:s9+$0x290] =	vst v27  }
0xc1: {  	v26 =	vld.idx.msk [tilespmem:v26+s2+$0x0], $0xffff;
	[tilespmem:s9+$0x280] =	vst v24  }
0xc2: {  	v24 =	vadd.s32 $0x1C00, v2;
	v23 =	vld.idx.msk [tilespmem:v23+s2+$0x0], $0xffff;
	_ =	sdelay $0x3  }
0xc3: {  	[tilespmem:s9+$0x310] =	vst v26  }
0xc4: {  	v24 =	vld.idx.msk [tilespmem:v24+s2+$0x0], $0xffff;
	[tilespmem:s9+$0x300] =	vst v23  }
0xc5: {  	v23 =	vadd.s32 $0x2000, v2;
	v22 =	vld.idx.msk [tilespmem:v22+s2+$0x0], $0xffff;
	_ =	sdelay $0x1  }
0xc6: {  	[tilespmem:s8+$0x380] =	vst v31  }
0xc7: {  	v19 =	vld.idx.msk [tilespmem:v19+s2+$0x0], $0xffff  }
0xc8: {  	[tilespmem:s9+$0x390] =	vst v24  }
0xc9: {  	v23 =	vld.idx.msk [tilespmem:v23+s2+$0x0], $0xffff;
	[tilespmem:s9+$0x380] =	vst v22  }
0xca: {  	v22 =	vadd.s32 $0x2400, v2;
	v24 =	vld.idx.msk [tilespmem:v25+s2+$0x0], $0xffff;
	_ =	sdelay $0x1  }
0xcb: {  	[tilespmem:s8+$0x2000] =	vst v19  }
0xcc: {  	[tilespmem:s8+$0x2010] =	vst v32;
	v16 =	vld.idx.msk [tilespmem:v16+s2+$0x0], $0xffff  }
0xcd: {  	v25 =	vld.idx.msk [tilespmem:v33+s2+$0x0], $0xffff;
	[tilespmem:s9+$0x2010] =	vst v23  }
0xce: {  	v19 =	vadd.s32 $0x2800, v1;
	v22 =	vld.idx.msk [tilespmem:v22+s2+$0x0], $0xffff;
	[tilespmem:s9+$0x2000] =	vst v24  }
0xcf: {  	v23 =	vadd.s32 $0x2800, v2;
	v21 =	vld.idx.msk [tilespmem:v21+s2+$0x0], $0xffff;
	_ =	sdelay $0x1  }
0xd0: {  	[tilespmem:s8+$0x2080] =	vst v16  }
0xd1: {  	v15 =	vld.idx.msk [tilespmem:v15+s2+$0x0], $0xffff;
	[tilespmem:s8+$0x2090] =	vst v25  }
0xd2: {  	v19 =	vld.idx.msk [tilespmem:v19+s2+$0x0], $0xffff;
	[tilespmem:s9+$0x2090] =	vst v22  }
0xd3: {  	v16 =	vadd.s32 $0x2C00, v1;
	v22 =	vld.idx.msk [tilespmem:v23+s2+$0x0], $0xffff;
	[tilespmem:s9+$0x2080] =	vst v21  }
0xd4: {  	v21 =	vadd.s32 $0x2C00, v2;
	v20 =	vld.idx.msk [tilespmem:v20+s2+$0x0], $0xffff;
	_ =	sdelay $0x1  }
0xd5: {  	[tilespmem:s8+$0x2100] =	vst v15  }
0xd6: {  	v14 =	vld.idx.msk [tilespmem:v14+s2+$0x0], $0xffff;
	[tilespmem:s8+$0x2110] =	vst v19  }
0xd7: {  	v16 =	vld.idx.msk [tilespmem:v16+s2+$0x0], $0xffff;
	[tilespmem:s9+$0x2110] =	vst v22  }
0xd8: {  	v15 =	vadd.s32 $0x3000, v1;
	v19 =	vld.idx.msk [tilespmem:v21+s2+$0x0], $0xffff;
	[tilespmem:s9+$0x2100] =	vst v20  }
0xd9: {  	v20 =	vadd.s32 $0x3000, v2;
	v18 =	vld.idx.msk [tilespmem:v18+s2+$0x0], $0xffff  }
0xda: {  	[tilespmem:s4+$0x2180] =	vst v28  }
0xdb: {  	v9 =	vld.idx.msk [tilespmem:v9+s2+$0x0], $0xffff;
	[tilespmem:s8+$0x2180] =	vst v14  }
0xdc: {  	v13 =	vld.idx.msk [tilespmem:v13+s2+$0x0], $0xffff;
	[tilespmem:s8+$0x2190] =	vst v16  }
0xdd: {  	v15 =	vld.idx.msk [tilespmem:v15+s2+$0x0], $0xffff;
	[tilespmem:s9+$0x2190] =	vst v19  }
0xde: {  	v14 =	vadd.s32 $0x3400, v1;
	v16 =	vld.idx.msk [tilespmem:v20+s2+$0x0], $0xffff;
	[tilespmem:s9+$0x2180] =	vst v18  }
0xdf: {  	[tilespmem:s4+$0x2290] =	vst v30;
	v18 =	vadd.s32 $0x3400, v2;
	v17 =	vld.idx.msk [tilespmem:v17+s2+$0x0], $0xffff  }
0xe0: {  	[tilespmem:s4+$0x2200] =	vst v9  }
0xe1: {  	v9 =	vadd.s32 $0x3800, v0;
	v6 =	vld.idx.msk [tilespmem:v6+s2+$0x0], $0xffff;
	[tilespmem:s8+$0x2200] =	vst v13  }
0xe2: {  	v10 =	vld.idx.msk [tilespmem:v10+s2+$0x0], $0xffff;
	[tilespmem:s8+$0x2210] =	vst v15  }
0xe3: {  	v14 =	vld.idx.msk [tilespmem:v14+s2+$0x0], $0xffff;
	[tilespmem:s9+$0x2210] =	vst v16  }
0xe4: {  	v13 =	vadd.s32 $0x3800, v1;
	v15 =	vld.idx.msk [tilespmem:v18+s2+$0x0], $0xffff;
	[tilespmem:s9+$0x2200] =	vst v17  }
0xe5: {  	[tilespmem:s3+$0x2380] =	vst v29;
	v16 =	vadd.s32 $0x3800, v2;
	v12 =	vld.idx.msk [tilespmem:v12+s2+$0x0], $0xffff  }
0xe6: {  	v9 =	vld.idx.msk [tilespmem:v9+s2+$0x0], $0xffff;
	[tilespmem:s4+$0x2280] =	vst v6  }
0xe7: {  	v0 =	vadd.s32 $0x3C00, v0;
	v4 =	vld.idx.msk [tilespmem:v4+s2+$0x0], $0xffff;
	[tilespmem:s8+$0x2280] =	vst v10  }
0xe8: {  	v7 =	vld.idx.msk [tilespmem:v7+s2+$0x0], $0xffff;
	[tilespmem:s8+$0x2290] =	vst v14  }
0xe9: {  	v6 =	vld.idx.msk [tilespmem:v13+s2+$0x0], $0xffff;
	[tilespmem:s9+$0x2290] =	vst v15  }
0xea: {  	v1 =	vadd.s32 $0x3C00, v1;
	v10 =	vld.idx.msk [tilespmem:v16+s2+$0x0], $0xffff;
	[tilespmem:s9+$0x2280] =	vst v12  }
0xeb: {  	[tilespmem:s4+$0x2310] =	vst v9;
	v2 =	vadd.s32 $0x3C00, v2;
	v9 =	vld.idx.msk [tilespmem:v11+s2+$0x0], $0xffff  }
0xec: {  	v0 =	vld.idx.msk [tilespmem:v0+s2+$0x0], $0xffff;
	[tilespmem:s4+$0x2300] =	vst v4  }
0xed: {  	v3 =	vld.idx.msk [tilespmem:v3+s2+$0x0], $0xffff;
	[tilespmem:s8+$0x2300] =	vst v7  }
0xee: {  	v4 =	vld.idx.msk [tilespmem:v5+s2+$0x0], $0xffff;
	[tilespmem:s8+$0x2310] =	vst v6  }
0xef: {  	v1 =	vld.idx.msk [tilespmem:v1+s2+$0x0], $0xffff;
	[tilespmem:s9+$0x2310] =	vst v10  }
0xf0: {  	v2 =	vld.idx.msk [tilespmem:v2+s2+$0x0], $0xffff;
	[tilespmem:s9+$0x2300] =	vst v9  }
0xf1: {  	[tilespmem:s4+$0x2390] =	vst v0;
	v0 =	vld.idx.msk [tilespmem:v8+s2+$0x0], $0xffff  }
0xf2: {  	[tilespmem:s4+$0x2380] =	vst v3  }
0xf3: {  	[tilespmem:s8+$0x2380] =	vst v4  }
0xf4: {  	[tilespmem:s8+$0x2390] =	vst v1  }
0xf5: {  	s30 =	sshll.u32 s0, $0xD;
	[tilespmem:s9+$0x2390] =	vst v2  }
0xf6: {  	s0 =	sadd.s32 s1, s30;
	[tilespmem:s9+$0x2380] =	vst v0  }
0xf7: {  	[hbm4b:s0+s2] =	stream.linear.scatter [tilespmem:s21], [sflag:$0x2], $0x4000, $0x38;
	[tilespmem:$0x19000] =	vst v63  }
0xf8: {  	s0 =	simm.s32 @!p0 $0x3  }
0xf9: {  	_ =	swait.ge @!p0 [sflag:s0], $0x4000  }
0xfa: {  	[sflag:s0] =	ssyncset.done @!p0 $0x0  }
0xfb: {  	s14 =	simm.s32 $0x0;
	[sflag:s0] =	ssyncadd.s32 @!p0 $0xFFFFC000  }
0xfc: {  	v4 =	vld [tilespmem:s14+$0x10010];
	_ =	sdelay $0x4  }
0xfd: {  	v0 =	vadd.s32 $0x4000, v4;
	_ =	sdelay $0x2  }
0xfe: {  	v3 =	vld [tilespmem:s14+$0x10000]  }
0xff: {  	s15 =	simm.s32 $0x0  }
0x100: {  	s0 =	smul.u32 $0xE00, s15;
	v0 =	vld.idx.msk [tilespmem:v0+s2+$0x0], $0xffff  }
0x101: {  	v1 =	vadd.s32 $0x4400, v4  }
0x102: {  	s0 =	sshra.s32 s0, $0x2  }
0x103: {  	s0 =	sadd.s32 $0x0, s0;
	v2 =	vadd.s32 $0x4000, v3  }
0x104: {  	s0 =	sadd.s32 $0x11000, s0  }
0x105: {  	[tilespmem:s0+$0x4010] =	vst v0  }
0x106: {  	v0 =	vld.idx.msk [tilespmem:v1+s2+$0x0], $0xffff  }
0x107: {  	v1 =	vadd.s32 $0x4800, v4  }
0x108: {  	v2 =	vld.idx.msk [tilespmem:v2+s2+$0x0], $0xffff  }
0x109: {  	v5 =	vadd.s32 $0x4400, v3;
	_ =	sdelay $0x1  }
0x10a: {  	[tilespmem:s0+$0x4090] =	vst v0  }
0x10b: {  	v0 =	vld.idx.msk [tilespmem:v1+s2+$0x0], $0xffff  }
0x10c: {  	[tilespmem:s0+$0x4000] =	vst v2;
	v1 =	vadd.s32 $0x4C00, v4  }
0x10d: {  	v2 =	vld.idx.msk [tilespmem:v5+s2+$0x0], $0xffff  }
0x10e: {  	v5 =	vadd.s32 $0x4800, v3;
	_ =	sdelay $0x1  }
0x10f: {  	[tilespmem:s0+$0x4110] =	vst v0  }
0x110: {  	s16 =	simm.s32 $0x20;
	v1 =	vld.idx.msk [tilespmem:v1+s2+$0x0], $0xffff  }
0x111: {  	[tilespmem:s0+$0x4080] =	vst v2;
	v2 =	vadd.s32 $0x5000, v4;
	v0 =	vld [tilespmem:s16+$0x10010]  }
0x112: {  	v6 =	vld.idx.msk [tilespmem:v5+s2+$0x0], $0xffff  }
0x113: {  	v7 =	vadd.s32 $0x4C00, v3;
	_ =	sdelay $0x1  }
0x114: {  	v5 =	vld [tilespmem:s16+$0x10000];
	[tilespmem:s0+$0x4190] =	vst v1  }
0x115: {  	v1 =	vld.idx.msk [tilespmem:v2+s2+$0x0], $0xffff;
	v2 =	vadd.s32 $0x4000, v0  }
0x116: {  	[tilespmem:s0+$0x4100] =	vst v6;
	v6 =	vadd.s32 $0x5400, v4  }
0x117: {  	v7 =	vld.idx.msk [tilespmem:v7+s2+$0x0], $0xffff  }
0x118: {  	v8 =	vadd.s32 $0x5000, v3  }
0x119: {  	s17 =	simm.s32 $0x0  }
0x11a: {  	s3 =	smul.u32 $0xE00, s17;
	v9 =	vadd.s32 $0x4000, v5;
	v2 =	vld.idx.msk [tilespmem:v2+s2+$0x0], $0xffff;
	[tilespmem:s0+$0x4210] =	vst v1  }
0x11b: {  	v1 =	vld.idx.msk [tilespmem:v6+s2+$0x0], $0xffff;
	v6 =	vadd.s32 $0x4400, v0  }
0x11c: {  	s3 =	sshra.s32 s3, $0x2;
	[tilespmem:s0+$0x4180] =	vst v7;
	v7 =	vadd.s32 $0x5800, v4  }
0x11d: {  	s3 =	sadd.s32 $0x20, s3;
	v8 =	vld.idx.msk [tilespmem:v8+s2+$0x0], $0xffff  }
0x11e: {  	s3 =	sadd.s32 $0x11000, s3;
	v10 =	vadd.s32 $0x5400, v3  }
0x11f: {  	v9 =	vld.idx.msk [tilespmem:v9+s2+$0x0], $0xffff;
	[tilespmem:s3+$0x4010] =	vst v2  }
0x120: {  	v2 =	vadd.s32 $0x4400, v5;
	v6 =	vld.idx.msk [tilespmem:v6+s2+$0x0], $0xffff;
	[tilespmem:s0+$0x4290] =	vst v1  }
0x121: {  	v1 =	vld.idx.msk [tilespmem:v7+s2+$0x0], $0xffff;
	v7 =	vadd.s32 $0x4800, v0  }
0x122: {  	[tilespmem:s0+$0x4200] =	vst v8;
	v8 =	vadd.s32 $0x5C00, v4  }
0x123: {  	v10 =	vld.idx.msk [tilespmem:v10+s2+$0x0], $0xffff  }
0x124: {  	v11 =	vadd.s32 $0x5800, v3;
	[tilespmem:s3+$0x4000] =	vst v9  }
0x125: {  	v2 =	vld.idx.msk [tilespmem:v2+s2+$0x0], $0xffff;
	[tilespmem:s3+$0x4090] =	vst v6  }
0x126: {  	v6 =	vadd.s32 $0x4800, v5;
	v7 =	vld.idx.msk [tilespmem:v7+s2+$0x0], $0xffff;
	[tilespmem:s0+$0x4310] =	vst v1  }
0x127: {  	v1 =	vld.idx.msk [tilespmem:v8+s2+$0x0], $0xffff;
	v8 =	vadd.s32 $0x4C00, v0  }
0x128: {  	[tilespmem:s0+$0x4280] =	vst v10  }
0x129: {  	v9 =	vadd.s32 $0x6000, v4;
	v10 =	vld.idx.msk [tilespmem:v11+s2+$0x0], $0xffff  }
0x12a: {  	v11 =	vadd.s32 $0x5C00, v3;
	[tilespmem:s3+$0x4080] =	vst v2  }
0x12b: {  	v2 =	vld.idx.msk [tilespmem:v6+s2+$0x0], $0xffff;
	[tilespmem:s3+$0x4110] =	vst v7  }
0x12c: {  	s19 =	simm.s32 $0x40;
	v6 =	vadd.s32 $0x4C00, v5;
	v7 =	vld.idx.msk [tilespmem:v8+s2+$0x0], $0xffff  }
0x12d: {  	[tilespmem:s0+$0x4390] =	vst v1;
	v1 =	vld [tilespmem:s19+$0x10010]  }
0x12e: {  	[tilespmem:s0+$0x4300] =	vst v10;
	v10 =	vadd.s32 $0x5000, v0;
	v8 =	vld.idx.msk [tilespmem:v9+s2+$0x0], $0xffff  }
0x12f: {  	v12 =	vadd.s32 $0x6400, v4;
	v11 =	vld.idx.msk [tilespmem:v11+s2+$0x0], $0xffff  }
0x130: {  	v9 =	vld [tilespmem:s19+$0x10000];
	[tilespmem:s3+$0x4100] =	vst v2  }
0x131: {  	v2 =	vadd.s32 $0x6000, v3;
	v6 =	vld.idx.msk [tilespmem:v6+s2+$0x0], $0xffff  }
0x132: {  	v13 =	vadd.s32 $0x5000, v5;
	[tilespmem:s3+$0x4190] =	vst v7  }
0x133: {  	v7 =	vld.idx.msk [tilespmem:v10+s2+$0x0], $0xffff;
	[tilespmem:s0+$0x6010] =	vst v8;
	v8 =	vadd.s32 $0x4000, v1  }
0x134: {  	s25 =	simm.s32 $0x60;
	v10 =	vld.idx.msk [tilespmem:v12+s2+$0x0], $0xffff;
	v12 =	vadd.s32 $0x5400, v0  }
0x135: {  	v31 =	vld [tilespmem:s25+$0x10000];
	[tilespmem:s0+$0x4380] =	vst v11;
	v11 =	vadd.s32 $0x6800, v4  }
0x136: {  	v14 =	vadd.s32 $0x4000, v9;
	v2 =	vld.idx.msk [tilespmem:v2+s2+$0x0], $0xffff;
	[tilespmem:s3+$0x4180] =	vst v6  }
0x137: {  	s20 =	simm.s32 $0x0;
	v6 =	vadd.s32 $0x6400, v3;
	v13 =	vld.idx.msk [tilespmem:v13+s2+$0x0], $0xffff  }
0x138: {  	s4 =	smul.u32 $0xE00, s20;
	v15 =	vadd.s32 $0x5400, v5;
	v8 =	vld.idx.msk [tilespmem:v8+s2+$0x0], $0xffff;
	[tilespmem:s3+$0x4210] =	vst v7  }
0x139: {  	v7 =	vld.idx.msk [tilespmem:v12+s2+$0x0], $0xffff;
	[tilespmem:s0+$0x6090] =	vst v10;
	v10 =	vadd.s32 $0x4400, v1  }
0x13a: {  	s4 =	sshra.s32 s4, $0x2;
	v12 =	vadd.s32 $0x5800, v0;
	v11 =	vld.idx.msk [tilespmem:v11+s2+$0x0], $0xffff  }
0x13b: {  	s4 =	sadd.s32 $0x40, s4;
	[tilespmem:s0+$0x6000] =	vst v2;
	v2 =	vld.idx.msk [tilespmem:v14+s2+$0x0], $0xffff;
	v14 =	vadd.s32 $0x6C00, v4  }
0x13c: {  	s4 =	sadd.s32 $0x11000, s4;
	v16 =	vadd.s32 $0x4400, v9;
	v6 =	vld.idx.msk [tilespmem:v6+s2+$0x0], $0xffff;
	[tilespmem:s3+$0x4200] =	vst v13  }
0x13d: {  	v13 =	vadd.s32 $0x6800, v3;
	[tilespmem:s4+$0x4010] =	vst v8;
	v8 =	vld.idx.msk [tilespmem:v15+s2+$0x0], $0xffff  }
0x13e: {  	v15 =	vadd.s32 $0x5800, v5;
	v10 =	vld.idx.msk [tilespmem:v10+s2+$0x0], $0xffff;
	[tilespmem:s3+$0x4290] =	vst v7  }
0x13f: {  	v7 =	vld.idx.msk [tilespmem:v12+s2+$0x0], $0xffff;
	[tilespmem:s0+$0x6110] =	vst v11;
	v11 =	vadd.s32 $0x4800, v1  }
0x140: {  	[tilespmem:s4+$0x4000] =	vst v2;
	v2 =	vadd.s32 $0x5C00, v0;
	v12 =	vld.idx.msk [tilespmem:v14+s2+$0x0], $0xffff  }
0x141: {  	v14 =	vld.idx.msk [tilespmem:v16+s2+$0x0], $0xffff;
	[tilespmem:s0+$0x6080] =	vst v6;
	v6 =	vadd.s32 $0x7000, v4  }
0x142: {  	v16 =	vadd.s32 $0x4800, v9;
	[tilespmem:s3+$0x4280] =	vst v8;
	v8 =	vld.idx.msk [tilespmem:v13+s2+$0x0], $0xffff  }
0x143: {  	v13 =	vadd.s32 $0x6C00, v3;
	[tilespmem:s4+$0x4090] =	vst v10;
	v10 =	vld.idx.msk [tilespmem:v15+s2+$0x0], $0xffff  }
0x144: {  	v15 =	vadd.s32 $0x5C00, v5;
	v11 =	vld.idx.msk [tilespmem:v11+s2+$0x0], $0xffff;
	[tilespmem:s3+$0x4310] =	vst v7  }
0x145: {  	v7 =	vadd.s32 $0x4C00, v1;
	v2 =	vld.idx.msk [tilespmem:v2+s2+$0x0], $0xffff;
	[tilespmem:s0+$0x6190] =	vst v12  }
0x146: {  	[tilespmem:s4+$0x4080] =	vst v14;
	v12 =	vadd.s32 $0x6000, v0;
	v6 =	vld.idx.msk [tilespmem:v6+s2+$0x0], $0xffff  }
0x147: {  	v14 =	vld.idx.msk [tilespmem:v16+s2+$0x0], $0xffff;
	[tilespmem:s0+$0x6100] =	vst v8  }
0x148: {  	v8 =	vadd.s32 $0x7400, v4;
	[tilespmem:s3+$0x4300] =	vst v10;
	v10 =	vld.idx.msk [tilespmem:v13+s2+$0x0], $0xffff  }
0x149: {  	v13 =	vadd.s32 $0x4C00, v9;
	[tilespmem:s4+$0x4110] =	vst v11;
	v11 =	vld.idx.msk [tilespmem:v15+s2+$0x0], $0xffff  }
0x14a: {  	v15 =	vadd.s32 $0x6000, v5;
	v7 =	vld.idx.msk [tilespmem:v7+s2+$0x0], $0xffff;
	[tilespmem:s3+$0x4390] =	vst v2  }
0x14b: {  	v12 =	vld.idx.msk [tilespmem:v12+s2+$0x0], $0xffff;
	[tilespmem:s0+$0x6210] =	vst v6;
	v6 =	vadd.s32 $0x5000, v1  }
0x14c: {  	v16 =	vadd.s32 $0x6400, v0;
	v2 =	vld [tilespmem:s25+$0x10010]  }
0x14d: {  	v17 =	vadd.s32 $0x7000, v3;
	[tilespmem:s4+$0x4100] =	vst v14;
	v8 =	vld.idx.msk [tilespmem:v8+s2+$0x0], $0xffff  }
0x14e: {  	v14 =	vadd.s32 $0x7800, v4;
	v13 =	vld.idx.msk [tilespmem:v13+s2+$0x0], $0xffff;
	[tilespmem:s3+$0x4380] =	vst v11  }
0x14f: {  	[tilespmem:s4+$0x4190] =	vst v7;
	v7 =	vld.idx.msk [tilespmem:v15+s2+$0x0], $0xffff  }
0x150: {  	v11 =	vadd.s32 $0x5000, v9;
	v6 =	vld.idx.msk [tilespmem:v6+s2+$0x0], $0xffff;
	[tilespmem:s3+$0x6010] =	vst v12  }
0x151: {  	[tilespmem:s0+$0x6180] =	vst v10;
	v12 =	vadd.s32 $0x4000, v2;
	v15 =	vld.idx.msk [tilespmem:v16+s2+$0x0], $0xffff  }
0x152: {  	[tilespmem:s0+$0x6290] =	vst v8;
	v8 =	vadd.s32 $0x5400, v1;
	v16 =	vld.idx.msk [tilespmem:v17+s2+$0x0], $0xffff  }
0x153: {  	v10 =	vld.idx.msk [tilespmem:v14+s2+$0x0], $0xffff;
	v14 =	vadd.s32 $0x6800, v0  }
0x154: {  	[tilespmem:s4+$0x4180] =	vst v13;
	v13 =	vadd.s32 $0x4000, v31  }
0x155: {  	v4 =	vadd.s32 $0x7C00, v4;
	v11 =	vld.idx.msk [tilespmem:v11+s2+$0x0], $0xffff  }
0x156: {  	s31 =	simm.s32 $0x0;
	v17 =	vadd.s32 $0x6400, v5;
	v12 =	vld.idx.msk [tilespmem:v12+s2+$0x0], $0xffff;
	[tilespmem:s4+$0x4210] =	vst v6  }
0x157: {  	s8 =	smul.u32 $0xE00, s31;
	v6 =	vadd.s32 $0x5400, v9;
	v8 =	vld.idx.msk [tilespmem:v8+s2+$0x0], $0xffff;
	[tilespmem:s3+$0x6090] =	vst v15  }
0x158: {  	v15 =	vadd.s32 $0x4400, v2;
	[tilespmem:s0+$0x6200] =	vst v16;
	v14 =	vld.idx.msk [tilespmem:v14+s2+$0x0], $0xffff  }
0x159: {  	s8 =	sshra.s32 s8, $0x2;
	v16 =	vadd.s32 $0x7400, v3;
	[tilespmem:s0+$0x6310] =	vst v10;
	v10 =	vld.idx.msk [tilespmem:v13+s2+$0x0], $0xffff  }
0x15a: {  	s8 =	sadd.s32 $0x60, s8;
	[tilespmem:s3+$0x6000] =	vst v7;
	v7 =	vadd.s32 $0x5800, v1;
	v4 =	vld.idx.msk [tilespmem:v4+s2+$0x0], $0xffff  }
0x15b: {  	s8 =	sadd.s32 $0x11000, s8;
	v13 =	vadd.s32 $0x6C00, v0;
	[tilespmem:s4+$0x4200] =	vst v11;
	v11 =	vld.idx.msk [tilespmem:v17+s2+$0x0], $0xffff  }
0x15c: {  	v17 =	vadd.s32 $0x4400, v31;
	[tilespmem:s8+$0x4010] =	vst v12;
	v6 =	vld.idx.msk [tilespmem:v6+s2+$0x0], $0xffff  }
0x15d: {  	v12 =	vadd.s32 $0x6800, v5;
	v15 =	vld.idx.msk [tilespmem:v15+s2+$0x0], $0xffff;
	[tilespmem:s4+$0x4290] =	vst v8  }
0x15e: {  	v18 =	vadd.s32 $0x5800, v9;
	v21 =	vld.idx.msk [tilespmem:v16+s2+$0x0], $0xffff;
	[tilespmem:s3+$0x6110] =	vst v14  }
0x15f: {  	v23 =	vadd.s32 $0x7800, v3;
	v24 =	vadd.s32 $0x4800, v31;
	v7 =	vld.idx.msk [tilespmem:v7+s2+$0x0], $0xffff;
	v14 =	vadd.s32 $0x4800, v2;
	[tilespmem:s8+$0x4000] =	vst v10  }
0x160: {  	v28 =	vadd.s32 $0x4C00, v31;
	v26 =	vadd.s32 $0x5000, v31;
	v25 =	vadd.s32 $0x5400, v31;
	v13 =	vld.idx.msk [tilespmem:v13+s2+$0x0], $0xffff;
	[tilespmem:s0+$0x6390] =	vst v4  }
0x161: {  	v27 =	vadd.s32 $0x6C00, v5;
	v20 =	vadd.s32 $0x5C00, v1;
	v37 =	vadd.s32 $0x6000, v1;
	v22 =	vld.idx.msk [tilespmem:v17+s2+$0x0], $0xffff;
	[tilespmem:s3+$0x6080] =	vst v11  }
0x162: {  	v61 =	vadd.s32 $0x5C00, v9;
	v19 =	vadd.s32 $0x6000, v9;
	v11 =	vadd.s32 $0x7000, v0;
	[tilespmem:s4+$0x4280] =	vst v6;
	v12 =	vld.idx.msk [tilespmem:v12+s2+$0x0], $0xffff  }
0x163: {  	v63 =	vadd.s32 $0x4C00, v2;
	v8 =	vadd.s32 $0x7C00, v3;
	v3 =	vadd.s32 $0x7C00, v5;
	[tilespmem:s8+$0x4090] =	vst v15;
	v18 =	vld.idx.msk [tilespmem:v18+s2+$0x0], $0xffff  }
0x164: {  	v16 =	vadd.s32 $0x6800, v9;
	v10 =	vadd.s32 $0x7000, v5;
	v4 =	vadd.s32 $0x7800, v5;
	[tilespmem:s0+$0x6280] =	vst v21;
	v14 =	vld.idx.msk [tilespmem:v14+s2+$0x0], $0xffff  }
0x165: {  	v17 =	vadd.s32 $0x6400, v9;
	v6 =	vadd.s32 $0x7400, v5;
	v5 =	vadd.s32 $0x7C00, v9;
	[tilespmem:s4+$0x4310] =	vst v7;
	v29 =	vld.idx.msk [tilespmem:v23+s2+$0x0], $0xffff  }
0x166: {  	v15 =	vadd.s32 $0x6C00, v9;
	v21 =	vadd.s32 $0x7000, v31;
	v7 =	vadd.s32 $0x7800, v9;
	v62 =	vld.idx.msk [tilespmem:v20+s2+$0x0], $0xffff;
	[tilespmem:s3+$0x6190] =	vst v13  }
0x167: {  	v23 =	vadd.s32 $0x5C00, v31;
	v13 =	vadd.s32 $0x7000, v9;
	[tilespmem:s8+$0x4080] =	vst v22;
	v22 =	vadd.s32 $0x6400, v31;
	v36 =	vld.idx.msk [tilespmem:v11+s2+$0x0], $0xffff  }
0x168: {  	v20 =	vadd.s32 $0x6800, v31;
	v11 =	vadd.s32 $0x7400, v9;
	v34 =	vld.idx.msk [tilespmem:v24+s2+$0x0], $0xffff;
	v24 =	vadd.s32 $0x5800, v31;
	[tilespmem:s3+$0x6100] =	vst v12  }
0x169: {  	v9 =	vadd.s32 $0x7C00, v31;
	v12 =	vadd.s32 $0x7800, v31;
	[tilespmem:s4+$0x4300] =	vst v18;
	v30 =	vld.idx.msk [tilespmem:v27+s2+$0x0], $0xffff;
	v27 =	vadd.s32 $0x6000, v31  }
0x16a: {  	v18 =	vadd.s32 $0x6C00, v31;
	[tilespmem:s8+$0x4110] =	vst v14;
	v14 =	vadd.s32 $0x7400, v31;
	v31 =	vadd.s32 $0x7400, v0;
	_ =	sdelay $0x1  }
0x16b: {  	v32 =	vld.idx.msk [tilespmem:v61+s2+$0x0], $0xffff  }
0x16c: {  	v35 =	vld.idx.msk [tilespmem:v63+s2+$0x0], $0xffff;
	[tilespmem:s4+$0x4390] =	vst v62  }
0x16d: {  	s9 =	simm.s32 $0x6;
	s15 =	simm.s32 $0x200;
	s14 =	simm.s32 $0x6;
	v33 =	vld.idx.msk [tilespmem:v37+s2+$0x0], $0xffff;
	[tilespmem:s3+$0x6210] =	vst v36  }
.LBB2_5:
0x16e: {  	s16 =	sshra.s32 s15, $0x2;
	s9 =	sadd.s32 $0x2, s9;
	v36 =	vadd.s32 $0x5000, v2;
	v31 =	vld.idx.msk [tilespmem:v31+s2+$0x0], $0xffff;
	[tilespmem:s0+$0x6300] =	vst v29  }
0x16f: {  	v29 =	vld [tilespmem:s16+$0x10010];
	p0 =	slt.u32 s9, $0x3E;
	[tilespmem:s8+$0x4100] =	vst v34;
	v34 =	vadd.s32 $0x6400, v1  }
0x170: {  	v37 =	vld [tilespmem:s16+$0x10000];
	[tilespmem:s3+$0x6180] =	vst v30;
	v30 =	vadd.s32 $0x7800, v0  }
0x171: {  	v38 =	vld.idx.msk [tilespmem:v28+s2+$0x0], $0xffff;
	[tilespmem:s4+$0x4380] =	vst v32  }
0x172: {  	[tilespmem:s8+$0x4190] =	vst v35;
	v32 =	vld.idx.msk [tilespmem:v19+s2+$0x0], $0xffff;
	v19 =	vmov v27  }
0x173: {  	v35 =	vld.idx.msk [tilespmem:v36+s2+$0x0], $0xffff;
	[tilespmem:s4+$0x6010] =	vst v33  }
0x174: {  	v33 =	vadd.s32 $0x4000, v29;
	v34 =	vld.idx.msk [tilespmem:v34+s2+$0x0], $0xffff;
	[tilespmem:s3+$0x6290] =	vst v31  }
0x175: {  	v39 =	vadd.s32 $0x5400, v2;
	v31 =	vadd.s32 $0x4000, v37;
	v36 =	vadd.s32 $0x4400, v37;
	v30 =	vld.idx.msk [tilespmem:v30+s2+$0x0], $0xffff  }
0x176: {  	v41 =	vadd.s32 $0x6800, v1;
	v40 =	vadd.s32 $0x4800, v37;
	v28 =	vadd.s32 $0x4C00, v37;
	v42 =	vld.idx.msk [tilespmem:v10+s2+$0x0], $0xffff;
	v10 =	vmovc v13;
	v13 =	vmovc v21  }
0x177: {  	v43 =	vadd.s32 $0x5400, v37;
	v21 =	vadd.s32 $0x5000, v37;
	[tilespmem:s8+$0x4180] =	vst v38;
	v38 =	vadd.s32 $0x7C00, v0;
	v44 =	vld.idx.msk [tilespmem:v8+s2+$0x0], $0xffff;
	v0 =	vmovc v1;
	v1 =	vmovc v2  }
0x178: {  	s14 =	sadd.s32 $0x2, s14;
	v45 =	vadd.s32 $0x5800, v37;
	v46 =	vadd.s32 $0x5C00, v37;
	v27 =	vadd.s32 $0x6000, v37;
	v2 =	vmovc v29;
	v47 =	vld.idx.msk [tilespmem:v26+s2+$0x0], $0xffff;
	[tilespmem:s4+$0x6000] =	vst v32;
	v26 =	vmovc v21  }
0x179: {  	s17 =	sshrl.u32 s14, $0x3;
	v48 =	vadd.s32 $0x6C00, v37;
	v29 =	vadd.s32 $0x6400, v37;
	v8 =	vmovc v3;
	v3 =	vmovc v5;
	v32 =	vadd.s32 $0x6800, v37;
	v33 =	vld.idx.msk [tilespmem:v33+s2+$0x0], $0xffff;
	[tilespmem:s8+$0x4210] =	vst v35  }
0x17a: {  	s17 =	smul.u32 $0xE00, s17;
	v49 =	vadd.s32 $0x7800, v37;
	v5 =	vmovc v9;
	v21 =	vadd.s32 $0x7000, v37;
	v35 =	vadd.s32 $0x7400, v37;
	v39 =	vld.idx.msk [tilespmem:v39+s2+$0x0], $0xffff;
	[tilespmem:s4+$0x6090] =	vst v34  }
0x17b: {  	v9 =	vadd.s32 $0x7C00, v37;
	v34 =	vadd.s32 $0x4400, v2;
	v37 =	vld.idx.msk [tilespmem:v41+s2+$0x0], $0xffff;
	[tilespmem:s3+$0x6310] =	vst v30  }
0x17c: {  	s17 =	sshra.s32 s17, $0x2;
	v30 =	vadd.s32 $0x5800, v1;
	[tilespmem:s3+$0x6200] =	vst v42;
	v38 =	vld.idx.msk [tilespmem:v38+s2+$0x0], $0xffff  }
0x17d: {  	s16 =	sadd.s32 s16, s17;
	v41 =	vadd.s32 $0x6C00, v0;
	v31 =	vld.idx.msk [tilespmem:v31+s2+$0x0], $0xffff;
	[tilespmem:s0+$0x6380] =	vst v44;
	s0 =	smov.u32 s3;
	s3 =	smov.u32 s4  }
0x17e: {  	s4 =	smov.u32 s8;
	[tilespmem:s8+$0x4200] =	vst v47;
	v42 =	vld.idx.msk [tilespmem:v17+s2+$0x0], $0xffff;
	v17 =	vmov v22;
	v22 =	vmov v29;
	s8 =	sadd.s32 $0x11000, s16  }
0x17f: {  	[tilespmem:s8+$0x4010] =	vst v33;
	v29 =	vld.idx.msk [tilespmem:v25+s2+$0x0], $0xffff;
	v25 =	vmov v43  }
0x180: {  	v33 =	vld.idx.msk [tilespmem:v34+s2+$0x0], $0xffff;
	[tilespmem:s4+$0x4290] =	vst v39  }
0x181: {  	v30 =	vld.idx.msk [tilespmem:v30+s2+$0x0], $0xffff;
	[tilespmem:s3+$0x6110] =	vst v37  }
0x182: {  	v34 =	vadd.s32 $0x4800, v2;
	v37 =	vld.idx.msk [tilespmem:v41+s2+$0x0], $0xffff;
	[tilespmem:s0+$0x6390] =	vst v38  }
0x183: {  	[tilespmem:s8+$0x4000] =	vst v31;
	v31 =	vadd.s32 $0x5C00, v1;
	v38 =	vld.idx.msk [tilespmem:v6+s2+$0x0], $0xffff;
	v6 =	vmovc v11;
	v11 =	vmov v14;
	v14 =	vmov v35  }
0x184: {  	v35 =	vld.idx.msk [tilespmem:v36+s2+$0x0], $0xffff;
	[tilespmem:s3+$0x6080] =	vst v42;
	v36 =	vadd.s32 $0x7000, v0  }
0x185: {  	[tilespmem:s4+$0x4280] =	vst v29;
	v39 =	vld.idx.msk [tilespmem:v16+s2+$0x0], $0xffff;
	v16 =	vmov v20;
	v20 =	vmov v32  }
0x186: {  	[tilespmem:s8+$0x4090] =	vst v33;
	v32 =	vld.idx.msk [tilespmem:v24+s2+$0x0], $0xffff;
	v24 =	vmov v45  }
0x187: {  	v33 =	vld.idx.msk [tilespmem:v34+s2+$0x0], $0xffff;
	[tilespmem:s4+$0x4310] =	vst v30  }
0x188: {  	v41 =	vld.idx.msk [tilespmem:v31+s2+$0x0], $0xffff;
	[tilespmem:s3+$0x6190] =	vst v37  }
0x189: {  	v37 =	vadd.s32 $0x4C00, v2;
	v36 =	vld.idx.msk [tilespmem:v36+s2+$0x0], $0xffff;
	[tilespmem:s0+$0x6280] =	vst v38  }
0x18a: {  	v38 =	vadd.s32 $0x6000, v1;
	[tilespmem:s8+$0x4080] =	vst v35;
	v29 =	vld.idx.msk [tilespmem:v4+s2+$0x0], $0xffff;
	v4 =	vmovc v7;
	v7 =	vmov v12;
	v12 =	vmov v49  }
.Ltmp1:
0x18b: {  	v31 =	vadd.s32 $0x7400, v0;
	v34 =	vld.idx.msk [tilespmem:v40+s2+$0x0], $0xffff;
	[tilespmem:s3+$0x6100] =	vst v39;
	(pc) =	sbr.rel @p0 .LBB2_5-.Ltmp1, $4  }
0x18c: {  	[tilespmem:s4+$0x4300] =	vst v32;
	v30 =	vld.idx.msk [tilespmem:v15+s2+$0x0], $0xffff;
	v15 =	vmov v18;
	v18 =	vmov v48  }
0x18d: {  	[tilespmem:s8+$0x4110] =	vst v33;
	v32 =	vld.idx.msk [tilespmem:v23+s2+$0x0], $0xffff;
	v23 =	vmov v46  }
0x18e: {  	v35 =	vld.idx.msk [tilespmem:v37+s2+$0x0], $0xffff;
	[tilespmem:s4+$0x4390] =	vst v41  }
0x18f: {  	s15 =	sadd.s32 $0x80, s15;
	v33 =	vld.idx.msk [tilespmem:v38+s2+$0x0], $0xffff;
	[tilespmem:s3+$0x6210] =	vst v36  }
0x190: {  	_ =	sdelay $0x2  }
0x191: {  	[tilespmem:s8+$0x4100] =	vst v34  }
0x192: {  	v60 =	vadd.s32 $0x5000, v2;
	v28 =	vld.idx.msk [tilespmem:v28+s2+$0x0], $0xffff;
	_ =	sdelay $0x3  }
0x193: {  	[tilespmem:s8+$0x4190] =	vst v35  }
0x194: {  	v34 =	vld.idx.msk [tilespmem:v60+s2+$0x0], $0xffff;
	[tilespmem:s8+$0x4180] =	vst v28  }
0x195: {  	v28 =	vadd.s32 $0x5400, v2;
	v26 =	vld.idx.msk [tilespmem:v26+s2+$0x0], $0xffff;
	_ =	sdelay $0x3  }
0x196: {  	[tilespmem:s8+$0x4210] =	vst v34  }
0x197: {  	v28 =	vld.idx.msk [tilespmem:v28+s2+$0x0], $0xffff;
	[tilespmem:s8+$0x4200] =	vst v26  }
0x198: {  	v26 =	vadd.s32 $0x5800, v2;
	v25 =	vld.idx.msk [tilespmem:v25+s2+$0x0], $0xffff;
	_ =	sdelay $0x3  }
0x199: {  	[tilespmem:s8+$0x4290] =	vst v28  }
0x19a: {  	v26 =	vld.idx.msk [tilespmem:v26+s2+$0x0], $0xffff;
	[tilespmem:s8+$0x4280] =	vst v25  }
0x19b: {  	v25 =	vadd.s32 $0x5C00, v2;
	v24 =	vld.idx.msk [tilespmem:v24+s2+$0x0], $0xffff;
	_ =	sdelay $0x3  }
0x19c: {  	[tilespmem:s8+$0x4310] =	vst v26  }
0x19d: {  	v25 =	vld.idx.msk [tilespmem:v25+s2+$0x0], $0xffff;
	[tilespmem:s8+$0x4300] =	vst v24  }
0x19e: {  	v24 =	vadd.s32 $0x6000, v2;
	v23 =	vld.idx.msk [tilespmem:v23+s2+$0x0], $0xffff;
	_ =	sdelay $0x1  }
0x19f: {  	[tilespmem:s4+$0x4380] =	vst v32  }
0x1a0: {  	v19 =	vld.idx.msk [tilespmem:v19+s2+$0x0], $0xffff  }
0x1a1: {  	[tilespmem:s8+$0x4390] =	vst v25  }
0x1a2: {  	v26 =	vadd.s32 $0x6400, v1;
	v24 =	vld.idx.msk [tilespmem:v24+s2+$0x0], $0xffff;
	[tilespmem:s8+$0x4380] =	vst v23  }
0x1a3: {  	v23 =	vadd.s32 $0x6400, v2;
	v25 =	vld.idx.msk [tilespmem:v27+s2+$0x0], $0xffff;
	_ =	sdelay $0x1  }
0x1a4: {  	[tilespmem:s4+$0x6000] =	vst v19  }
0x1a5: {  	[tilespmem:s4+$0x6010] =	vst v33;
	v17 =	vld.idx.msk [tilespmem:v17+s2+$0x0], $0xffff  }
0x1a6: {  	v26 =	vld.idx.msk [tilespmem:v26+s2+$0x0], $0xffff;
	[tilespmem:s8+$0x6010] =	vst v24  }
0x1a7: {  	v19 =	vadd.s32 $0x6800, v1;
	v23 =	vld.idx.msk [tilespmem:v23+s2+$0x0], $0xffff;
	[tilespmem:s8+$0x6000] =	vst v25  }
0x1a8: {  	v24 =	vadd.s32 $0x6800, v2;
	v22 =	vld.idx.msk [tilespmem:v22+s2+$0x0], $0xffff;
	_ =	sdelay $0x1  }
0x1a9: {  	[tilespmem:s4+$0x6080] =	vst v17  }
0x1aa: {  	v16 =	vld.idx.msk [tilespmem:v16+s2+$0x0], $0xffff;
	[tilespmem:s4+$0x6090] =	vst v26  }
0x1ab: {  	v19 =	vld.idx.msk [tilespmem:v19+s2+$0x0], $0xffff;
	[tilespmem:s8+$0x6090] =	vst v23  }
0x1ac: {  	v17 =	vadd.s32 $0x6C00, v1;
	v23 =	vld.idx.msk [tilespmem:v24+s2+$0x0], $0xffff;
	[tilespmem:s8+$0x6080] =	vst v22  }
0x1ad: {  	v22 =	vadd.s32 $0x6C00, v2;
	v20 =	vld.idx.msk [tilespmem:v20+s2+$0x0], $0xffff;
	_ =	sdelay $0x1  }
0x1ae: {  	[tilespmem:s4+$0x6100] =	vst v16  }
0x1af: {  	v15 =	vld.idx.msk [tilespmem:v15+s2+$0x0], $0xffff;
	[tilespmem:s4+$0x6110] =	vst v19  }
0x1b0: {  	v17 =	vld.idx.msk [tilespmem:v17+s2+$0x0], $0xffff;
	[tilespmem:s8+$0x6110] =	vst v23  }
0x1b1: {  	v16 =	vadd.s32 $0x7000, v1;
	v19 =	vld.idx.msk [tilespmem:v22+s2+$0x0], $0xffff;
	[tilespmem:s8+$0x6100] =	vst v20  }
0x1b2: {  	[tilespmem:s0+$0x6300] =	vst v29;
	v20 =	vadd.s32 $0x7000, v2;
	v18 =	vld.idx.msk [tilespmem:v18+s2+$0x0], $0xffff  }
0x1b3: {  	[tilespmem:s3+$0x6180] =	vst v30;
	v8 =	vld.idx.msk [tilespmem:v8+s2+$0x0], $0xffff  }
0x1b4: {  	v10 =	vld.idx.msk [tilespmem:v10+s2+$0x0], $0xffff;
	[tilespmem:s4+$0x6180] =	vst v15  }
0x1b5: {  	v13 =	vld.idx.msk [tilespmem:v13+s2+$0x0], $0xffff;
	[tilespmem:s4+$0x6190] =	vst v17  }
0x1b6: {  	v16 =	vld.idx.msk [tilespmem:v16+s2+$0x0], $0xffff;
	[tilespmem:s8+$0x6190] =	vst v19  }
0x1b7: {  	v15 =	vadd.s32 $0x7400, v1;
	v17 =	vld.idx.msk [tilespmem:v20+s2+$0x0], $0xffff;
	[tilespmem:s8+$0x6180] =	vst v18  }
0x1b8: {  	[tilespmem:s0+$0x6380] =	vst v8;
	v18 =	vadd.s32 $0x7400, v2;
	v19 =	vld.idx.msk [tilespmem:v21+s2+$0x0], $0xffff  }
0x1b9: {  	[tilespmem:s3+$0x6200] =	vst v10;
	v22 =	vld.idx.msk [tilespmem:v31+s2+$0x0], $0xffff  }
0x1ba: {  	v6 =	vld.idx.msk [tilespmem:v6+s2+$0x0], $0xffff;
	[tilespmem:s4+$0x6200] =	vst v13;
	v23 =	vadd.s32 $0x7800, v0  }
0x1bb: {  	v11 =	vld.idx.msk [tilespmem:v11+s2+$0x0], $0xffff;
	[tilespmem:s4+$0x6210] =	vst v16  }
0x1bc: {  	v10 =	vld.idx.msk [tilespmem:v15+s2+$0x0], $0xffff;
	[tilespmem:s8+$0x6210] =	vst v17  }
0x1bd: {  	v13 =	vadd.s32 $0x7800, v1;
	v15 =	vld.idx.msk [tilespmem:v18+s2+$0x0], $0xffff;
	[tilespmem:s8+$0x6200] =	vst v19  }
0x1be: {  	v16 =	vadd.s32 $0x7800, v2;
	[tilespmem:s3+$0x6290] =	vst v22;
	v14 =	vld.idx.msk [tilespmem:v14+s2+$0x0], $0xffff  }
0x1bf: {  	[tilespmem:s3+$0x6280] =	vst v6;
	v20 =	vld.idx.msk [tilespmem:v23+s2+$0x0], $0xffff  }
0x1c0: {  	v4 =	vld.idx.msk [tilespmem:v4+s2+$0x0], $0xffff;
	[tilespmem:s4+$0x6280] =	vst v11;
	v0 =	vadd.s32 $0x7C00, v0  }
0x1c1: {  	v7 =	vld.idx.msk [tilespmem:v7+s2+$0x0], $0xffff;
	[tilespmem:s4+$0x6290] =	vst v10  }
0x1c2: {  	v6 =	vld.idx.msk [tilespmem:v13+s2+$0x0], $0xffff;
	[tilespmem:s8+$0x6290] =	vst v15  }
0x1c3: {  	v1 =	vadd.s32 $0x7C00, v1;
	v10 =	vld.idx.msk [tilespmem:v16+s2+$0x0], $0xffff;
	[tilespmem:s8+$0x6280] =	vst v14  }
0x1c4: {  	v2 =	vadd.s32 $0x7C00, v2;
	[tilespmem:s3+$0x6310] =	vst v20;
	v8 =	vld.idx.msk [tilespmem:v12+s2+$0x0], $0xffff  }
0x1c5: {  	[tilespmem:s3+$0x6300] =	vst v4;
	v0 =	vld.idx.msk [tilespmem:v0+s2+$0x0], $0xffff  }
0x1c6: {  	v3 =	vld.idx.msk [tilespmem:v3+s2+$0x0], $0xffff;
	[tilespmem:s4+$0x6300] =	vst v7  }
0x1c7: {  	v4 =	vld.idx.msk [tilespmem:v5+s2+$0x0], $0xffff;
	[tilespmem:s4+$0x6310] =	vst v6  }
0x1c8: {  	v1 =	vld.idx.msk [tilespmem:v1+s2+$0x0], $0xffff;
	[tilespmem:s8+$0x6310] =	vst v10  }
0x1c9: {  	v2 =	vld.idx.msk [tilespmem:v2+s2+$0x0], $0xffff;
	[tilespmem:s8+$0x6300] =	vst v8  }
0x1ca: {  	[tilespmem:s3+$0x6390] =	vst v0;
	v0 =	vld.idx.msk [tilespmem:v9+s2+$0x0], $0xffff  }
0x1cb: {  	[tilespmem:s3+$0x6380] =	vst v3  }
0x1cc: {  	[tilespmem:s4+$0x6380] =	vst v4  }
0x1cd: {  	[tilespmem:s4+$0x6390] =	vst v1  }
0x1ce: {  	[tilespmem:s8+$0x6390] =	vst v2  }
0x1cf: {  	s25 =	sadd.s32 s30, s10;
	s31 =	simm.s32 $0x0;
	[tilespmem:s8+$0x6380] =	vst v0  }
0x1d0: {  	[hbm4b:s25+s31] =	stream.linear.scatter [tilespmem:s22], [sflag:$0x3], $0x4000, $0x38;
	[tilespmem:$0x19000] =	vst v63  }
0x1d1: {  	_ =	swait.ge [sflag:s23], $0x4000  }
0x1d2: {  	[sflag:s23] =	ssyncset.done $0x0  }
0x1d3: {  	s4 =	simm.s32 $0x0;
	[sflag:s23] =	ssyncadd.s32 $0xFFFFC000  }
0x1d4: {  	v4 =	vld [tilespmem:s4+$0x10010];
	_ =	sdelay $0x4  }
0x1d5: {  	v0 =	vadd.s32 $0x8000, v4;
	_ =	sdelay $0x2  }
0x1d6: {  	v3 =	vld [tilespmem:s4+$0x10000]  }
0x1d7: {  	s8 =	simm.s32 $0x0  }
0x1d8: {  	s0 =	smul.u32 $0xE00, s8;
	v0 =	vld.idx.msk [tilespmem:v0+s2+$0x0], $0xffff  }
0x1d9: {  	v1 =	vadd.s32 $0x8400, v4  }
0x1da: {  	s0 =	sshra.s32 s0, $0x2  }
0x1db: {  	s9 =	sadd.s32 $0x0, s0;
	v2 =	vadd.s32 $0x8000, v3  }
0x1dc: {  	s0 =	sadd.s32 $0x11000, s9  }
0x1dd: {  	[tilespmem:s0+$0x10] =	vst v0  }
0x1de: {  	v0 =	vld.idx.msk [tilespmem:v1+s2+$0x0], $0xffff  }
0x1df: {  	v1 =	vadd.s32 $0x8800, v4  }
0x1e0: {  	v2 =	vld.idx.msk [tilespmem:v2+s2+$0x0], $0xffff  }
0x1e1: {  	v5 =	vadd.s32 $0x8400, v3;
	_ =	sdelay $0x1  }
0x1e2: {  	[tilespmem:s0+$0x90] =	vst v0  }
0x1e3: {  	v0 =	vld.idx.msk [tilespmem:v1+s2+$0x0], $0xffff  }
0x1e4: {  	[tilespmem:s9+$0x11000] =	vst v2;
	v1 =	vadd.s32 $0x8C00, v4  }
0x1e5: {  	v2 =	vld.idx.msk [tilespmem:v5+s2+$0x0], $0xffff  }
0x1e6: {  	v5 =	vadd.s32 $0x8800, v3;
	_ =	sdelay $0x1  }
0x1e7: {  	[tilespmem:s0+$0x110] =	vst v0  }
0x1e8: {  	s14 =	simm.s32 $0x20;
	v1 =	vld.idx.msk [tilespmem:v1+s2+$0x0], $0xffff  }
0x1e9: {  	[tilespmem:s0+$0x80] =	vst v2;
	v2 =	vadd.s32 $0x9000, v4;
	v0 =	vld [tilespmem:s14+$0x10010]  }
0x1ea: {  	v6 =	vld.idx.msk [tilespmem:v5+s2+$0x0], $0xffff  }
0x1eb: {  	v7 =	vadd.s32 $0x8C00, v3;
	_ =	sdelay $0x1  }
0x1ec: {  	v5 =	vld [tilespmem:s14+$0x10000];
	[tilespmem:s0+$0x190] =	vst v1  }
0x1ed: {  	v1 =	vld.idx.msk [tilespmem:v2+s2+$0x0], $0xffff;
	v2 =	vadd.s32 $0x8000, v0  }
0x1ee: {  	[tilespmem:s0+$0x100] =	vst v6;
	v6 =	vadd.s32 $0x9400, v4  }
0x1ef: {  	v7 =	vld.idx.msk [tilespmem:v7+s2+$0x0], $0xffff  }
0x1f0: {  	v8 =	vadd.s32 $0x9000, v3  }
0x1f1: {  	s15 =	simm.s32 $0x0  }
0x1f2: {  	s3 =	smul.u32 $0xE00, s15;
	v9 =	vadd.s32 $0x8000, v5;
	v2 =	vld.idx.msk [tilespmem:v2+s2+$0x0], $0xffff;
	[tilespmem:s0+$0x210] =	vst v1  }
0x1f3: {  	v1 =	vld.idx.msk [tilespmem:v6+s2+$0x0], $0xffff;
	v6 =	vadd.s32 $0x8400, v0  }
0x1f4: {  	s3 =	sshra.s32 s3, $0x2;
	[tilespmem:s0+$0x180] =	vst v7;
	v7 =	vadd.s32 $0x9800, v4  }
0x1f5: {  	s16 =	sadd.s32 $0x20, s3;
	v8 =	vld.idx.msk [tilespmem:v8+s2+$0x0], $0xffff  }
0x1f6: {  	s3 =	sadd.s32 $0x11000, s16;
	v10 =	vadd.s32 $0x9400, v3  }
0x1f7: {  	v9 =	vld.idx.msk [tilespmem:v9+s2+$0x0], $0xffff;
	[tilespmem:s3+$0x10] =	vst v2  }
0x1f8: {  	v2 =	vadd.s32 $0x8400, v5;
	v6 =	vld.idx.msk [tilespmem:v6+s2+$0x0], $0xffff;
	[tilespmem:s0+$0x290] =	vst v1  }
0x1f9: {  	v1 =	vld.idx.msk [tilespmem:v7+s2+$0x0], $0xffff;
	v7 =	vadd.s32 $0x8800, v0  }
0x1fa: {  	[tilespmem:s0+$0x200] =	vst v8;
	v8 =	vadd.s32 $0x9C00, v4  }
0x1fb: {  	v10 =	vld.idx.msk [tilespmem:v10+s2+$0x0], $0xffff  }
0x1fc: {  	v11 =	vadd.s32 $0x9800, v3;
	[tilespmem:s16+$0x11000] =	vst v9  }
0x1fd: {  	v2 =	vld.idx.msk [tilespmem:v2+s2+$0x0], $0xffff;
	[tilespmem:s3+$0x90] =	vst v6  }
0x1fe: {  	v6 =	vadd.s32 $0x8800, v5;
	v7 =	vld.idx.msk [tilespmem:v7+s2+$0x0], $0xffff;
	[tilespmem:s0+$0x310] =	vst v1  }
0x1ff: {  	v1 =	vld.idx.msk [tilespmem:v8+s2+$0x0], $0xffff;
	v8 =	vadd.s32 $0x8C00, v0  }
0x200: {  	[tilespmem:s0+$0x280] =	vst v10  }
0x201: {  	v9 =	vadd.s32 $0xA000, v4;
	v10 =	vld.idx.msk [tilespmem:v11+s2+$0x0], $0xffff  }
0x202: {  	v11 =	vadd.s32 $0x9C00, v3;
	[tilespmem:s3+$0x80] =	vst v2  }
0x203: {  	v2 =	vld.idx.msk [tilespmem:v6+s2+$0x0], $0xffff;
	[tilespmem:s3+$0x110] =	vst v7  }
0x204: {  	s17 =	simm.s32 $0x40;
	v6 =	vadd.s32 $0x8C00, v5;
	v7 =	vld.idx.msk [tilespmem:v8+s2+$0x0], $0xffff  }
0x205: {  	[tilespmem:s0+$0x390] =	vst v1;
	v1 =	vld [tilespmem:s17+$0x10010]  }
0x206: {  	[tilespmem:s0+$0x300] =	vst v10;
	v10 =	vadd.s32 $0x9000, v0;
	v8 =	vld.idx.msk [tilespmem:v9+s2+$0x0], $0xffff  }
0x207: {  	v12 =	vadd.s32 $0xA400, v4;
	v11 =	vld.idx.msk [tilespmem:v11+s2+$0x0], $0xffff  }
0x208: {  	v9 =	vld [tilespmem:s17+$0x10000];
	[tilespmem:s3+$0x100] =	vst v2  }
0x209: {  	v2 =	vadd.s32 $0xA000, v3;
	v6 =	vld.idx.msk [tilespmem:v6+s2+$0x0], $0xffff  }
0x20a: {  	v13 =	vadd.s32 $0x9000, v5;
	[tilespmem:s3+$0x190] =	vst v7  }
0x20b: {  	v7 =	vld.idx.msk [tilespmem:v10+s2+$0x0], $0xffff;
	[tilespmem:s0+$0x2010] =	vst v8;
	v8 =	vadd.s32 $0x8000, v1  }
0x20c: {  	s25 =	simm.s32 $0x60;
	v10 =	vld.idx.msk [tilespmem:v12+s2+$0x0], $0xffff;
	v12 =	vadd.s32 $0x9400, v0  }
0x20d: {  	v31 =	vld [tilespmem:s25+$0x10000];
	[tilespmem:s0+$0x380] =	vst v11;
	v11 =	vadd.s32 $0xA800, v4  }
0x20e: {  	v14 =	vadd.s32 $0x8000, v9;
	v2 =	vld.idx.msk [tilespmem:v2+s2+$0x0], $0xffff;
	[tilespmem:s3+$0x180] =	vst v6  }
0x20f: {  	s19 =	simm.s32 $0x0;
	v6 =	vadd.s32 $0xA400, v3;
	v13 =	vld.idx.msk [tilespmem:v13+s2+$0x0], $0xffff  }
0x210: {  	s4 =	smul.u32 $0xE00, s19;
	v15 =	vadd.s32 $0x9400, v5;
	v8 =	vld.idx.msk [tilespmem:v8+s2+$0x0], $0xffff;
	[tilespmem:s3+$0x210] =	vst v7  }
0x211: {  	v7 =	vld.idx.msk [tilespmem:v12+s2+$0x0], $0xffff;
	[tilespmem:s0+$0x2090] =	vst v10;
	v10 =	vadd.s32 $0x8400, v1  }
0x212: {  	s4 =	sshra.s32 s4, $0x2;
	v12 =	vadd.s32 $0x9800, v0;
	v11 =	vld.idx.msk [tilespmem:v11+s2+$0x0], $0xffff  }
0x213: {  	s20 =	sadd.s32 $0x40, s4;
	[tilespmem:s0+$0x2000] =	vst v2;
	v2 =	vld.idx.msk [tilespmem:v14+s2+$0x0], $0xffff;
	v14 =	vadd.s32 $0xAC00, v4  }
0x214: {  	s4 =	sadd.s32 $0x11000, s20;
	v16 =	vadd.s32 $0x8400, v9;
	v6 =	vld.idx.msk [tilespmem:v6+s2+$0x0], $0xffff;
	[tilespmem:s3+$0x200] =	vst v13  }
0x215: {  	v13 =	vadd.s32 $0xA800, v3;
	[tilespmem:s4+$0x10] =	vst v8;
	v8 =	vld.idx.msk [tilespmem:v15+s2+$0x0], $0xffff  }
0x216: {  	v15 =	vadd.s32 $0x9800, v5;
	v10 =	vld.idx.msk [tilespmem:v10+s2+$0x0], $0xffff;
	[tilespmem:s3+$0x290] =	vst v7  }
0x217: {  	v7 =	vld.idx.msk [tilespmem:v12+s2+$0x0], $0xffff;
	[tilespmem:s0+$0x2110] =	vst v11;
	v11 =	vadd.s32 $0x8800, v1  }
0x218: {  	[tilespmem:s20+$0x11000] =	vst v2;
	v2 =	vadd.s32 $0x9C00, v0;
	v12 =	vld.idx.msk [tilespmem:v14+s2+$0x0], $0xffff  }
0x219: {  	v14 =	vld.idx.msk [tilespmem:v16+s2+$0x0], $0xffff;
	[tilespmem:s0+$0x2080] =	vst v6;
	v6 =	vadd.s32 $0xB000, v4  }
0x21a: {  	v16 =	vadd.s32 $0x8800, v9;
	[tilespmem:s3+$0x280] =	vst v8;
	v8 =	vld.idx.msk [tilespmem:v13+s2+$0x0], $0xffff  }
0x21b: {  	v13 =	vadd.s32 $0xAC00, v3;
	[tilespmem:s4+$0x90] =	vst v10;
	v10 =	vld.idx.msk [tilespmem:v15+s2+$0x0], $0xffff  }
0x21c: {  	v15 =	vadd.s32 $0x9C00, v5;
	v11 =	vld.idx.msk [tilespmem:v11+s2+$0x0], $0xffff;
	[tilespmem:s3+$0x310] =	vst v7  }
0x21d: {  	v7 =	vadd.s32 $0x8C00, v1;
	v2 =	vld.idx.msk [tilespmem:v2+s2+$0x0], $0xffff;
	[tilespmem:s0+$0x2190] =	vst v12  }
0x21e: {  	[tilespmem:s4+$0x80] =	vst v14;
	v12 =	vadd.s32 $0xA000, v0;
	v6 =	vld.idx.msk [tilespmem:v6+s2+$0x0], $0xffff  }
0x21f: {  	v14 =	vld.idx.msk [tilespmem:v16+s2+$0x0], $0xffff;
	[tilespmem:s0+$0x2100] =	vst v8  }
0x220: {  	v8 =	vadd.s32 $0xB400, v4;
	[tilespmem:s3+$0x300] =	vst v10;
	v10 =	vld.idx.msk [tilespmem:v13+s2+$0x0], $0xffff  }
0x221: {  	v13 =	vadd.s32 $0x8C00, v9;
	[tilespmem:s4+$0x110] =	vst v11;
	v11 =	vld.idx.msk [tilespmem:v15+s2+$0x0], $0xffff  }
0x222: {  	v15 =	vadd.s32 $0xA000, v5;
	v7 =	vld.idx.msk [tilespmem:v7+s2+$0x0], $0xffff;
	[tilespmem:s3+$0x390] =	vst v2  }
0x223: {  	v12 =	vld.idx.msk [tilespmem:v12+s2+$0x0], $0xffff;
	[tilespmem:s0+$0x2210] =	vst v6;
	v6 =	vadd.s32 $0x9000, v1  }
0x224: {  	v16 =	vadd.s32 $0xA400, v0;
	v2 =	vld [tilespmem:s25+$0x10010]  }
0x225: {  	v17 =	vadd.s32 $0xB000, v3;
	[tilespmem:s4+$0x100] =	vst v14;
	v8 =	vld.idx.msk [tilespmem:v8+s2+$0x0], $0xffff  }
0x226: {  	v14 =	vadd.s32 $0xB800, v4;
	v13 =	vld.idx.msk [tilespmem:v13+s2+$0x0], $0xffff;
	[tilespmem:s3+$0x380] =	vst v11  }
0x227: {  	[tilespmem:s4+$0x190] =	vst v7;
	v7 =	vld.idx.msk [tilespmem:v15+s2+$0x0], $0xffff  }
0x228: {  	v11 =	vadd.s32 $0x9000, v9;
	v6 =	vld.idx.msk [tilespmem:v6+s2+$0x0], $0xffff;
	[tilespmem:s3+$0x2010] =	vst v12  }
0x229: {  	[tilespmem:s0+$0x2180] =	vst v10;
	v12 =	vadd.s32 $0x8000, v2;
	v15 =	vld.idx.msk [tilespmem:v16+s2+$0x0], $0xffff  }
0x22a: {  	[tilespmem:s0+$0x2290] =	vst v8;
	v8 =	vadd.s32 $0x9400, v1;
	v16 =	vld.idx.msk [tilespmem:v17+s2+$0x0], $0xffff  }
0x22b: {  	v10 =	vld.idx.msk [tilespmem:v14+s2+$0x0], $0xffff;
	v14 =	vadd.s32 $0xA800, v0  }
0x22c: {  	[tilespmem:s4+$0x180] =	vst v13;
	v13 =	vadd.s32 $0x8000, v31  }
0x22d: {  	v4 =	vadd.s32 $0xBC00, v4;
	v11 =	vld.idx.msk [tilespmem:v11+s2+$0x0], $0xffff  }
0x22e: {  	s31 =	simm.s32 $0x0;
	v17 =	vadd.s32 $0xA400, v5;
	v12 =	vld.idx.msk [tilespmem:v12+s2+$0x0], $0xffff;
	[tilespmem:s4+$0x210] =	vst v6  }
0x22f: {  	s8 =	smul.u32 $0xE00, s31;
	v6 =	vadd.s32 $0x9400, v9;
	v8 =	vld.idx.msk [tilespmem:v8+s2+$0x0], $0xffff;
	[tilespmem:s3+$0x2090] =	vst v15  }
0x230: {  	v15 =	vadd.s32 $0x8400, v2;
	[tilespmem:s0+$0x2200] =	vst v16;
	v14 =	vld.idx.msk [tilespmem:v14+s2+$0x0], $0xffff  }
0x231: {  	s8 =	sshra.s32 s8, $0x2;
	v16 =	vadd.s32 $0xB400, v3;
	[tilespmem:s0+$0x2310] =	vst v10;
	v10 =	vld.idx.msk [tilespmem:v13+s2+$0x0], $0xffff  }
0x232: {  	s9 =	sadd.s32 $0x60, s8;
	[tilespmem:s3+$0x2000] =	vst v7;
	v7 =	vadd.s32 $0x9800, v1;
	v4 =	vld.idx.msk [tilespmem:v4+s2+$0x0], $0xffff  }
0x233: {  	s8 =	sadd.s32 $0x11000, s9;
	v13 =	vadd.s32 $0xAC00, v0;
	[tilespmem:s4+$0x200] =	vst v11;
	v11 =	vld.idx.msk [tilespmem:v17+s2+$0x0], $0xffff  }
0x234: {  	v17 =	vadd.s32 $0x8400, v31;
	[tilespmem:s8+$0x10] =	vst v12;
	v6 =	vld.idx.msk [tilespmem:v6+s2+$0x0], $0xffff  }
0x235: {  	v12 =	vadd.s32 $0xA800, v5;
	v15 =	vld.idx.msk [tilespmem:v15+s2+$0x0], $0xffff;
	[tilespmem:s4+$0x290] =	vst v8  }
0x236: {  	v18 =	vadd.s32 $0x9800, v9;
	v21 =	vld.idx.msk [tilespmem:v16+s2+$0x0], $0xffff;
	[tilespmem:s3+$0x2110] =	vst v14  }
0x237: {  	v23 =	vadd.s32 $0xB800, v3;
	v24 =	vadd.s32 $0x8800, v31;
	v7 =	vld.idx.msk [tilespmem:v7+s2+$0x0], $0xffff;
	v14 =	vadd.s32 $0x8800, v2;
	[tilespmem:s9+$0x11000] =	vst v10  }
0x238: {  	v28 =	vadd.s32 $0x8C00, v31;
	v26 =	vadd.s32 $0x9000, v31;
	v25 =	vadd.s32 $0x9400, v31;
	v13 =	vld.idx.msk [tilespmem:v13+s2+$0x0], $0xffff;
	[tilespmem:s0+$0x2390] =	vst v4  }
0x239: {  	v27 =	vadd.s32 $0xAC00, v5;
	v20 =	vadd.s32 $0x9C00, v1;
	v37 =	vadd.s32 $0xA000, v1;
	v22 =	vld.idx.msk [tilespmem:v17+s2+$0x0], $0xffff;
	[tilespmem:s3+$0x2080] =	vst v11  }
0x23a: {  	v61 =	vadd.s32 $0x9C00, v9;
	v19 =	vadd.s32 $0xA000, v9;
	v11 =	vadd.s32 $0xB000, v0;
	[tilespmem:s4+$0x280] =	vst v6;
	v12 =	vld.idx.msk [tilespmem:v12+s2+$0x0], $0xffff  }
0x23b: {  	v63 =	vadd.s32 $0x8C00, v2;
	v8 =	vadd.s32 $0xBC00, v3;
	v3 =	vadd.s32 $0xBC00, v5;
	[tilespmem:s8+$0x90] =	vst v15;
	v18 =	vld.idx.msk [tilespmem:v18+s2+$0x0], $0xffff  }
0x23c: {  	v16 =	vadd.s32 $0xA800, v9;
	v10 =	vadd.s32 $0xB000, v5;
	v4 =	vadd.s32 $0xB800, v5;
	[tilespmem:s0+$0x2280] =	vst v21;
	v14 =	vld.idx.msk [tilespmem:v14+s2+$0x0], $0xffff  }
0x23d: {  	v17 =	vadd.s32 $0xA400, v9;
	v6 =	vadd.s32 $0xB400, v5;
	v5 =	vadd.s32 $0xBC00, v9;
	[tilespmem:s4+$0x310] =	vst v7;
	v29 =	vld.idx.msk [tilespmem:v23+s2+$0x0], $0xffff  }
0x23e: {  	v15 =	vadd.s32 $0xAC00, v9;
	v21 =	vadd.s32 $0xB000, v31;
	v7 =	vadd.s32 $0xB800, v9;
	v62 =	vld.idx.msk [tilespmem:v20+s2+$0x0], $0xffff;
	[tilespmem:s3+$0x2190] =	vst v13  }
0x23f: {  	v23 =	vadd.s32 $0x9C00, v31;
	v13 =	vadd.s32 $0xB000, v9;
	[tilespmem:s8+$0x80] =	vst v22;
	v22 =	vadd.s32 $0xA400, v31;
	v36 =	vld.idx.msk [tilespmem:v11+s2+$0x0], $0xffff  }
0x240: {  	v20 =	vadd.s32 $0xA800, v31;
	v11 =	vadd.s32 $0xB400, v9;
	v34 =	vld.idx.msk [tilespmem:v24+s2+$0x0], $0xffff;
	v24 =	vadd.s32 $0x9800, v31;
	[tilespmem:s3+$0x2100] =	vst v12  }
0x241: {  	v9 =	vadd.s32 $0xBC00, v31;
	v12 =	vadd.s32 $0xB800, v31;
	[tilespmem:s4+$0x300] =	vst v18;
	v30 =	vld.idx.msk [tilespmem:v27+s2+$0x0], $0xffff;
	v27 =	vadd.s32 $0xA000, v31  }
0x242: {  	v18 =	vadd.s32 $0xAC00, v31;
	[tilespmem:s8+$0x110] =	vst v14;
	v14 =	vadd.s32 $0xB400, v31;
	v31 =	vadd.s32 $0xB400, v0;
	_ =	sdelay $0x1  }
0x243: {  	v32 =	vld.idx.msk [tilespmem:v61+s2+$0x0], $0xffff  }
0x244: {  	v35 =	vld.idx.msk [tilespmem:v63+s2+$0x0], $0xffff;
	[tilespmem:s4+$0x390] =	vst v62  }
0x245: {  	s15 =	simm.s32 $0x200;
	s14 =	simm.s32 $0x6;
	s9 =	simm.s32 $0x6;
	v33 =	vld.idx.msk [tilespmem:v37+s2+$0x0], $0xffff;
	[tilespmem:s3+$0x2210] =	vst v36  }
.LBB2_7:
0x246: {  	s16 =	sshra.s32 s15, $0x2;
	s9 =	sadd.s32 $0x2, s9;
	v36 =	vadd.s32 $0x9000, v2;
	v31 =	vld.idx.msk [tilespmem:v31+s2+$0x0], $0xffff;
	[tilespmem:s0+$0x2300] =	vst v29  }
0x247: {  	v29 =	vld [tilespmem:s16+$0x10010];
	p0 =	slt.u32 s9, $0x3E;
	[tilespmem:s8+$0x100] =	vst v34;
	v34 =	vadd.s32 $0xA400, v1  }
0x248: {  	v37 =	vld [tilespmem:s16+$0x10000];
	[tilespmem:s3+$0x2180] =	vst v30;
	v30 =	vadd.s32 $0xB800, v0  }
0x249: {  	v38 =	vld.idx.msk [tilespmem:v28+s2+$0x0], $0xffff;
	[tilespmem:s4+$0x380] =	vst v32  }
0x24a: {  	[tilespmem:s8+$0x190] =	vst v35;
	v32 =	vld.idx.msk [tilespmem:v19+s2+$0x0], $0xffff;
	v19 =	vmov v27  }
0x24b: {  	v35 =	vld.idx.msk [tilespmem:v36+s2+$0x0], $0xffff;
	[tilespmem:s4+$0x2010] =	vst v33  }
0x24c: {  	v33 =	vadd.s32 $0x8000, v29;
	v34 =	vld.idx.msk [tilespmem:v34+s2+$0x0], $0xffff;
	[tilespmem:s3+$0x2290] =	vst v31  }
0x24d: {  	v39 =	vadd.s32 $0x9400, v2;
	v31 =	vadd.s32 $0x8000, v37;
	v36 =	vadd.s32 $0x8400, v37;
	v30 =	vld.idx.msk [tilespmem:v30+s2+$0x0], $0xffff  }
0x24e: {  	v41 =	vadd.s32 $0xA800, v1;
	v40 =	vadd.s32 $0x8800, v37;
	v28 =	vadd.s32 $0x8C00, v37;
	v42 =	vld.idx.msk [tilespmem:v10+s2+$0x0], $0xffff;
	v10 =	vmovc v13;
	v13 =	vmovc v21  }
0x24f: {  	v43 =	vadd.s32 $0x9400, v37;
	v21 =	vadd.s32 $0x9000, v37;
	[tilespmem:s8+$0x180] =	vst v38;
	v38 =	vadd.s32 $0xBC00, v0;
	v44 =	vld.idx.msk [tilespmem:v8+s2+$0x0], $0xffff;
	v0 =	vmovc v1;
	v1 =	vmovc v2  }
0x250: {  	s14 =	sadd.s32 $0x2, s14;
	v45 =	vadd.s32 $0x9800, v37;
	v46 =	vadd.s32 $0x9C00, v37;
	v27 =	vadd.s32 $0xA000, v37;
	v2 =	vmovc v29;
	v47 =	vld.idx.msk [tilespmem:v26+s2+$0x0], $0xffff;
	[tilespmem:s4+$0x2000] =	vst v32;
	v26 =	vmovc v21  }
0x251: {  	s17 =	sshrl.u32 s14, $0x3;
	v48 =	vadd.s32 $0xAC00, v37;
	v29 =	vadd.s32 $0xA400, v37;
	v8 =	vmovc v3;
	v3 =	vmovc v5;
	v32 =	vadd.s32 $0xA800, v37;
	v33 =	vld.idx.msk [tilespmem:v33+s2+$0x0], $0xffff;
	[tilespmem:s8+$0x210] =	vst v35  }
0x252: {  	s17 =	smul.u32 $0xE00, s17;
	v49 =	vadd.s32 $0xB800, v37;
	v5 =	vmovc v9;
	v21 =	vadd.s32 $0xB000, v37;
	v35 =	vadd.s32 $0xB400, v37;
	v39 =	vld.idx.msk [tilespmem:v39+s2+$0x0], $0xffff;
	[tilespmem:s4+$0x2090] =	vst v34  }
0x253: {  	v9 =	vadd.s32 $0xBC00, v37;
	v34 =	vadd.s32 $0x8400, v2;
	v37 =	vld.idx.msk [tilespmem:v41+s2+$0x0], $0xffff;
	[tilespmem:s3+$0x2310] =	vst v30  }
0x254: {  	s17 =	sshra.s32 s17, $0x2;
	v30 =	vadd.s32 $0x9800, v1;
	[tilespmem:s3+$0x2200] =	vst v42;
	v38 =	vld.idx.msk [tilespmem:v38+s2+$0x0], $0xffff  }
0x255: {  	s16 =	sadd.s32 s16, s17;
	v41 =	vadd.s32 $0xAC00, v0;
	v31 =	vld.idx.msk [tilespmem:v31+s2+$0x0], $0xffff;
	[tilespmem:s0+$0x2380] =	vst v44;
	s0 =	smov.u32 s3;
	s3 =	smov.u32 s4  }
0x256: {  	s4 =	smov.u32 s8;
	[tilespmem:s8+$0x200] =	vst v47;
	v42 =	vld.idx.msk [tilespmem:v17+s2+$0x0], $0xffff;
	v17 =	vmov v22;
	v22 =	vmov v29;
	s8 =	sadd.s32 $0x11000, s16  }
0x257: {  	[tilespmem:s8+$0x10] =	vst v33;
	v29 =	vld.idx.msk [tilespmem:v25+s2+$0x0], $0xffff;
	v25 =	vmov v43  }
0x258: {  	v33 =	vld.idx.msk [tilespmem:v34+s2+$0x0], $0xffff;
	[tilespmem:s4+$0x290] =	vst v39  }
0x259: {  	v30 =	vld.idx.msk [tilespmem:v30+s2+$0x0], $0xffff;
	[tilespmem:s3+$0x2110] =	vst v37  }
0x25a: {  	v34 =	vadd.s32 $0x8800, v2;
	v37 =	vld.idx.msk [tilespmem:v41+s2+$0x0], $0xffff;
	[tilespmem:s0+$0x2390] =	vst v38  }
0x25b: {  	[tilespmem:s16+$0x11000] =	vst v31;
	v31 =	vadd.s32 $0x9C00, v1;
	v38 =	vld.idx.msk [tilespmem:v6+s2+$0x0], $0xffff;
	v6 =	vmovc v11;
	v11 =	vmov v14;
	v14 =	vmov v35  }
0x25c: {  	v35 =	vld.idx.msk [tilespmem:v36+s2+$0x0], $0xffff;
	[tilespmem:s3+$0x2080] =	vst v42;
	v36 =	vadd.s32 $0xB000, v0  }
0x25d: {  	[tilespmem:s4+$0x280] =	vst v29;
	v39 =	vld.idx.msk [tilespmem:v16+s2+$0x0], $0xffff;
	v16 =	vmov v20;
	v20 =	vmov v32  }
0x25e: {  	[tilespmem:s8+$0x90] =	vst v33;
	v32 =	vld.idx.msk [tilespmem:v24+s2+$0x0], $0xffff;
	v24 =	vmov v45  }
0x25f: {  	v33 =	vld.idx.msk [tilespmem:v34+s2+$0x0], $0xffff;
	[tilespmem:s4+$0x310] =	vst v30  }
0x260: {  	v41 =	vld.idx.msk [tilespmem:v31+s2+$0x0], $0xffff;
	[tilespmem:s3+$0x2190] =	vst v37  }
0x261: {  	v37 =	vadd.s32 $0x8C00, v2;
	v36 =	vld.idx.msk [tilespmem:v36+s2+$0x0], $0xffff;
	[tilespmem:s0+$0x2280] =	vst v38  }
0x262: {  	v38 =	vadd.s32 $0xA000, v1;
	[tilespmem:s8+$0x80] =	vst v35;
	v29 =	vld.idx.msk [tilespmem:v4+s2+$0x0], $0xffff;
	v4 =	vmovc v7;
	v7 =	vmov v12;
	v12 =	vmov v49  }
.Ltmp2:
0x263: {  	v31 =	vadd.s32 $0xB400, v0;
	v34 =	vld.idx.msk [tilespmem:v40+s2+$0x0], $0xffff;
	[tilespmem:s3+$0x2100] =	vst v39;
	(pc) =	sbr.rel @p0 .LBB2_7-.Ltmp2, $4  }
0x264: {  	[tilespmem:s4+$0x300] =	vst v32;
	v30 =	vld.idx.msk [tilespmem:v15+s2+$0x0], $0xffff;
	v15 =	vmov v18;
	v18 =	vmov v48  }
0x265: {  	[tilespmem:s8+$0x110] =	vst v33;
	v32 =	vld.idx.msk [tilespmem:v23+s2+$0x0], $0xffff;
	v23 =	vmov v46  }
0x266: {  	v35 =	vld.idx.msk [tilespmem:v37+s2+$0x0], $0xffff;
	[tilespmem:s4+$0x390] =	vst v41  }
0x267: {  	s15 =	sadd.s32 $0x80, s15;
	v33 =	vld.idx.msk [tilespmem:v38+s2+$0x0], $0xffff;
	[tilespmem:s3+$0x2210] =	vst v36  }
0x268: {  	_ =	sdelay $0x2  }
0x269: {  	[tilespmem:s8+$0x100] =	vst v34  }
0x26a: {  	v60 =	vadd.s32 $0x9000, v2;
	v28 =	vld.idx.msk [tilespmem:v28+s2+$0x0], $0xffff;
	_ =	sdelay $0x3  }
0x26b: {  	[tilespmem:s8+$0x190] =	vst v35  }
0x26c: {  	v34 =	vld.idx.msk [tilespmem:v60+s2+$0x0], $0xffff;
	[tilespmem:s8+$0x180] =	vst v28  }
0x26d: {  	v28 =	vadd.s32 $0x9400, v2;
	v26 =	vld.idx.msk [tilespmem:v26+s2+$0x0], $0xffff;
	_ =	sdelay $0x3  }
0x26e: {  	[tilespmem:s8+$0x210] =	vst v34  }
0x26f: {  	v28 =	vld.idx.msk [tilespmem:v28+s2+$0x0], $0xffff;
	[tilespmem:s8+$0x200] =	vst v26  }
0x270: {  	v26 =	vadd.s32 $0x9800, v2;
	v25 =	vld.idx.msk [tilespmem:v25+s2+$0x0], $0xffff;
	_ =	sdelay $0x3  }
0x271: {  	[tilespmem:s8+$0x290] =	vst v28  }
0x272: {  	v26 =	vld.idx.msk [tilespmem:v26+s2+$0x0], $0xffff;
	[tilespmem:s8+$0x280] =	vst v25  }
0x273: {  	v25 =	vadd.s32 $0x9C00, v2;
	v24 =	vld.idx.msk [tilespmem:v24+s2+$0x0], $0xffff;
	_ =	sdelay $0x3  }
0x274: {  	[tilespmem:s8+$0x310] =	vst v26  }
0x275: {  	v25 =	vld.idx.msk [tilespmem:v25+s2+$0x0], $0xffff;
	[tilespmem:s8+$0x300] =	vst v24  }
0x276: {  	v24 =	vadd.s32 $0xA000, v2;
	v23 =	vld.idx.msk [tilespmem:v23+s2+$0x0], $0xffff;
	_ =	sdelay $0x1  }
0x277: {  	[tilespmem:s4+$0x380] =	vst v32  }
0x278: {  	v19 =	vld.idx.msk [tilespmem:v19+s2+$0x0], $0xffff  }
0x279: {  	[tilespmem:s8+$0x390] =	vst v25  }
0x27a: {  	v26 =	vadd.s32 $0xA400, v1;
	v24 =	vld.idx.msk [tilespmem:v24+s2+$0x0], $0xffff;
	[tilespmem:s8+$0x380] =	vst v23  }
0x27b: {  	v23 =	vadd.s32 $0xA400, v2;
	v25 =	vld.idx.msk [tilespmem:v27+s2+$0x0], $0xffff;
	_ =	sdelay $0x1  }
0x27c: {  	[tilespmem:s4+$0x2000] =	vst v19  }
0x27d: {  	[tilespmem:s4+$0x2010] =	vst v33;
	v17 =	vld.idx.msk [tilespmem:v17+s2+$0x0], $0xffff  }
0x27e: {  	v26 =	vld.idx.msk [tilespmem:v26+s2+$0x0], $0xffff;
	[tilespmem:s8+$0x2010] =	vst v24  }
0x27f: {  	v19 =	vadd.s32 $0xA800, v1;
	v23 =	vld.idx.msk [tilespmem:v23+s2+$0x0], $0xffff;
	[tilespmem:s8+$0x2000] =	vst v25  }
0x280: {  	v24 =	vadd.s32 $0xA800, v2;
	v22 =	vld.idx.msk [tilespmem:v22+s2+$0x0], $0xffff;
	_ =	sdelay $0x1  }
0x281: {  	[tilespmem:s4+$0x2080] =	vst v17  }
0x282: {  	v16 =	vld.idx.msk [tilespmem:v16+s2+$0x0], $0xffff;
	[tilespmem:s4+$0x2090] =	vst v26  }
0x283: {  	v19 =	vld.idx.msk [tilespmem:v19+s2+$0x0], $0xffff;
	[tilespmem:s8+$0x2090] =	vst v23  }
0x284: {  	v17 =	vadd.s32 $0xAC00, v1;
	v23 =	vld.idx.msk [tilespmem:v24+s2+$0x0], $0xffff;
	[tilespmem:s8+$0x2080] =	vst v22  }
0x285: {  	v22 =	vadd.s32 $0xAC00, v2;
	v20 =	vld.idx.msk [tilespmem:v20+s2+$0x0], $0xffff;
	_ =	sdelay $0x1  }
0x286: {  	[tilespmem:s4+$0x2100] =	vst v16  }
0x287: {  	v15 =	vld.idx.msk [tilespmem:v15+s2+$0x0], $0xffff;
	[tilespmem:s4+$0x2110] =	vst v19  }
0x288: {  	v17 =	vld.idx.msk [tilespmem:v17+s2+$0x0], $0xffff;
	[tilespmem:s8+$0x2110] =	vst v23  }
0x289: {  	v16 =	vadd.s32 $0xB000, v1;
	v19 =	vld.idx.msk [tilespmem:v22+s2+$0x0], $0xffff;
	[tilespmem:s8+$0x2100] =	vst v20  }
0x28a: {  	[tilespmem:s0+$0x2300] =	vst v29;
	v20 =	vadd.s32 $0xB000, v2;
	v18 =	vld.idx.msk [tilespmem:v18+s2+$0x0], $0xffff  }
0x28b: {  	[tilespmem:s3+$0x2180] =	vst v30;
	v8 =	vld.idx.msk [tilespmem:v8+s2+$0x0], $0xffff  }
0x28c: {  	v10 =	vld.idx.msk [tilespmem:v10+s2+$0x0], $0xffff;
	[tilespmem:s4+$0x2180] =	vst v15  }
0x28d: {  	v13 =	vld.idx.msk [tilespmem:v13+s2+$0x0], $0xffff;
	[tilespmem:s4+$0x2190] =	vst v17  }
0x28e: {  	v16 =	vld.idx.msk [tilespmem:v16+s2+$0x0], $0xffff;
	[tilespmem:s8+$0x2190] =	vst v19  }
0x28f: {  	v15 =	vadd.s32 $0xB400, v1;
	v17 =	vld.idx.msk [tilespmem:v20+s2+$0x0], $0xffff;
	[tilespmem:s8+$0x2180] =	vst v18  }
0x290: {  	[tilespmem:s0+$0x2380] =	vst v8;
	v18 =	vadd.s32 $0xB400, v2;
	v19 =	vld.idx.msk [tilespmem:v21+s2+$0x0], $0xffff  }
0x291: {  	[tilespmem:s3+$0x2200] =	vst v10;
	v22 =	vld.idx.msk [tilespmem:v31+s2+$0x0], $0xffff  }
0x292: {  	v6 =	vld.idx.msk [tilespmem:v6+s2+$0x0], $0xffff;
	[tilespmem:s4+$0x2200] =	vst v13;
	v23 =	vadd.s32 $0xB800, v0  }
0x293: {  	v11 =	vld.idx.msk [tilespmem:v11+s2+$0x0], $0xffff;
	[tilespmem:s4+$0x2210] =	vst v16  }
0x294: {  	v10 =	vld.idx.msk [tilespmem:v15+s2+$0x0], $0xffff;
	[tilespmem:s8+$0x2210] =	vst v17  }
0x295: {  	v13 =	vadd.s32 $0xB800, v1;
	v15 =	vld.idx.msk [tilespmem:v18+s2+$0x0], $0xffff;
	[tilespmem:s8+$0x2200] =	vst v19  }
0x296: {  	v16 =	vadd.s32 $0xB800, v2;
	[tilespmem:s3+$0x2290] =	vst v22;
	v14 =	vld.idx.msk [tilespmem:v14+s2+$0x0], $0xffff  }
0x297: {  	[tilespmem:s3+$0x2280] =	vst v6;
	v20 =	vld.idx.msk [tilespmem:v23+s2+$0x0], $0xffff  }
0x298: {  	v4 =	vld.idx.msk [tilespmem:v4+s2+$0x0], $0xffff;
	[tilespmem:s4+$0x2280] =	vst v11;
	v0 =	vadd.s32 $0xBC00, v0  }
0x299: {  	v7 =	vld.idx.msk [tilespmem:v7+s2+$0x0], $0xffff;
	[tilespmem:s4+$0x2290] =	vst v10  }
0x29a: {  	v6 =	vld.idx.msk [tilespmem:v13+s2+$0x0], $0xffff;
	[tilespmem:s8+$0x2290] =	vst v15  }
0x29b: {  	v1 =	vadd.s32 $0xBC00, v1;
	v10 =	vld.idx.msk [tilespmem:v16+s2+$0x0], $0xffff;
	[tilespmem:s8+$0x2280] =	vst v14  }
0x29c: {  	v2 =	vadd.s32 $0xBC00, v2;
	[tilespmem:s3+$0x2310] =	vst v20;
	v8 =	vld.idx.msk [tilespmem:v12+s2+$0x0], $0xffff  }
0x29d: {  	[tilespmem:s3+$0x2300] =	vst v4;
	v0 =	vld.idx.msk [tilespmem:v0+s2+$0x0], $0xffff  }
0x29e: {  	v3 =	vld.idx.msk [tilespmem:v3+s2+$0x0], $0xffff;
	[tilespmem:s4+$0x2300] =	vst v7  }
0x29f: {  	v4 =	vld.idx.msk [tilespmem:v5+s2+$0x0], $0xffff;
	[tilespmem:s4+$0x2310] =	vst v6  }
0x2a0: {  	v1 =	vld.idx.msk [tilespmem:v1+s2+$0x0], $0xffff;
	[tilespmem:s8+$0x2310] =	vst v10  }
0x2a1: {  	v2 =	vld.idx.msk [tilespmem:v2+s2+$0x0], $0xffff;
	[tilespmem:s8+$0x2300] =	vst v8  }
0x2a2: {  	[tilespmem:s3+$0x2390] =	vst v0;
	v0 =	vld.idx.msk [tilespmem:v9+s2+$0x0], $0xffff  }
0x2a3: {  	[tilespmem:s3+$0x2380] =	vst v3  }
0x2a4: {  	[tilespmem:s4+$0x2380] =	vst v4  }
0x2a5: {  	[tilespmem:s4+$0x2390] =	vst v1  }
0x2a6: {  	[tilespmem:s8+$0x2390] =	vst v2  }
0x2a7: {  	s15 =	sadd.s32 s30, s11;
	s16 =	simm.s32 $0x0;
	[tilespmem:s8+$0x2380] =	vst v0  }
0x2a8: {  	[hbm4b:s15+s16] =	stream.linear.scatter [tilespmem:s21], [sflag:$0x2], $0x4000, $0x38;
	[tilespmem:$0x19000] =	vst v63  }
0x2a9: {  	_ =	swait.ge [sflag:s24], $0x4000  }
0x2aa: {  	[sflag:s24] =	ssyncset.done $0x0  }
0x2ab: {  	s15 =	simm.s32 $0x0;
	[sflag:s24] =	ssyncadd.s32 $0xFFFFC000  }
0x2ac: {  	v2 =	vld [tilespmem:s15+$0x10010];
	_ =	sdelay $0x2  }
0x2ad: {  	v4 =	vld [tilespmem:s15+$0x10000];
	_ =	sdelay $0x1  }
0x2ae: {  	v0 =	vadd.s32 $0xC000, v2;
	_ =	sdelay $0x2  }
0x2af: {  	v3 =	vadd.s32 $0xC000, v4  }
0x2b0: {  	s17 =	simm.s32 $0x0  }
0x2b1: {  	s0 =	smul.u32 $0xE00, s17;
	v0 =	vld.idx.msk [tilespmem:v0+s2+$0x0], $0xffff  }
0x2b2: {  	v1 =	vadd.s32 $0xC400, v2  }
0x2b3: {  	s0 =	sshra.s32 s0, $0x2  }
0x2b4: {  	s0 =	sadd.s32 $0x0, s0;
	v3 =	vld.idx.msk [tilespmem:v3+s2+$0x0], $0xffff  }
0x2b5: {  	s31 =	sadd.s32 $0x11000, s0;
	v5 =	vadd.s32 $0xC400, v4  }
0x2b6: {  	[tilespmem:s31+$0x4010] =	vst v0  }
0x2b7: {  	v0 =	vld.idx.msk [tilespmem:v1+s2+$0x0], $0xffff  }
0x2b8: {  	v1 =	vadd.s32 $0xC800, v2  }
0x2b9: {  	[tilespmem:s31+$0x4000] =	vst v3  }
0x2ba: {  	v3 =	vld.idx.msk [tilespmem:v5+s2+$0x0], $0xffff  }
0x2bb: {  	v6 =	vadd.s32 $0xC800, v4  }
0x2bc: {  	[tilespmem:s31+$0x4090] =	vst v0  }
0x2bd: {  	v0 =	vld.idx.msk [tilespmem:v1+s2+$0x0], $0xffff  }
0x2be: {  	v1 =	vadd.s32 $0xCC00, v2  }
0x2bf: {  	[tilespmem:s31+$0x4080] =	vst v3  }
0x2c0: {  	v6 =	vld.idx.msk [tilespmem:v6+s2+$0x0], $0xffff  }
0x2c1: {  	s3 =	simm.s32 $0x20;
	v7 =	vadd.s32 $0xCC00, v4  }
0x2c2: {  	v3 =	vld [tilespmem:s3+$0x10000];
	[tilespmem:s31+$0x4110] =	vst v0  }
0x2c3: {  	v0 =	vld.idx.msk [tilespmem:v1+s2+$0x0], $0xffff  }
0x2c4: {  	v5 =	vld [tilespmem:s3+$0x10010];
	v1 =	vadd.s32 $0xD000, v2  }
0x2c5: {  	[tilespmem:s31+$0x4100] =	vst v6  }
0x2c6: {  	v7 =	vld.idx.msk [tilespmem:v7+s2+$0x0], $0xffff  }
0x2c7: {  	v8 =	vadd.s32 $0xD000, v4  }
0x2c8: {  	v9 =	vadd.s32 $0xC000, v3;
	[tilespmem:s31+$0x4190] =	vst v0  }
0x2c9: {  	v0 =	vld.idx.msk [tilespmem:v1+s2+$0x0], $0xffff;
	v1 =	vadd.s32 $0xC000, v5  }
0x2ca: {  	v6 =	vadd.s32 $0xD400, v2  }
0x2cb: {  	[tilespmem:s31+$0x4180] =	vst v7  }
0x2cc: {  	s19 =	simm.s32 $0x0;
	v8 =	vld.idx.msk [tilespmem:v8+s2+$0x0], $0xffff  }
0x2cd: {  	s0 =	smul.u32 $0xE00, s19;
	v10 =	vadd.s32 $0xD400, v4;
	v9 =	vld.idx.msk [tilespmem:v9+s2+$0x0], $0xffff  }
0x2ce: {  	v11 =	vadd.s32 $0xC400, v3;
	v1 =	vld.idx.msk [tilespmem:v1+s2+$0x0], $0xffff;
	[tilespmem:s31+$0x4210] =	vst v0  }
0x2cf: {  	s0 =	sshra.s32 s0, $0x2;
	v0 =	vld.idx.msk [tilespmem:v6+s2+$0x0], $0xffff;
	v6 =	vadd.s32 $0xC400, v5  }
0x2d0: {  	s0 =	sadd.s32 $0x20, s0  }
0x2d1: {  	s0 =	sadd.s32 $0x11000, s0;
	v7 =	vadd.s32 $0xD800, v2;
	[tilespmem:s31+$0x4200] =	vst v8  }
0x2d2: {  	[tilespmem:s0+$0x4000] =	vst v9;
	v8 =	vld.idx.msk [tilespmem:v10+s2+$0x0], $0xffff  }
0x2d3: {  	v10 =	vld.idx.msk [tilespmem:v11+s2+$0x0], $0xffff;
	[tilespmem:s0+$0x4010] =	vst v1  }
0x2d4: {  	v11 =	vadd.s32 $0xC800, v3;
	v1 =	vld.idx.msk [tilespmem:v6+s2+$0x0], $0xffff  }
0x2d5: {  	[tilespmem:s31+$0x4290] =	vst v0;
	v6 =	vadd.s32 $0xC800, v5  }
0x2d6: {  	v0 =	vld.idx.msk [tilespmem:v7+s2+$0x0], $0xffff  }
0x2d7: {  	v7 =	vadd.s32 $0xDC00, v2  }
0x2d8: {  	v9 =	vadd.s32 $0xD800, v4;
	[tilespmem:s0+$0x4080] =	vst v10  }
0x2d9: {  	v10 =	vld.idx.msk [tilespmem:v11+s2+$0x0], $0xffff;
	[tilespmem:s0+$0x4090] =	vst v1  }
0x2da: {  	v11 =	vadd.s32 $0xCC00, v3;
	v1 =	vld.idx.msk [tilespmem:v6+s2+$0x0], $0xffff  }
0x2db: {  	[tilespmem:s31+$0x4310] =	vst v0;
	v6 =	vadd.s32 $0xCC00, v5  }
0x2dc: {  	[tilespmem:s31+$0x4280] =	vst v8;
	v0 =	vld.idx.msk [tilespmem:v7+s2+$0x0], $0xffff  }
0x2dd: {  	v8 =	vld.idx.msk [tilespmem:v9+s2+$0x0], $0xffff;
	v7 =	vadd.s32 $0xE000, v2  }
0x2de: {  	v9 =	vadd.s32 $0xDC00, v4;
	[tilespmem:s0+$0x4100] =	vst v10  }
0x2df: {  	v11 =	vld.idx.msk [tilespmem:v11+s2+$0x0], $0xffff;
	[tilespmem:s0+$0x4110] =	vst v1  }
0x2e0: {  	s16 =	simm.s32 $0x40;
	v12 =	vadd.s32 $0xD000, v3;
	v1 =	vld.idx.msk [tilespmem:v6+s2+$0x0], $0xffff  }
0x2e1: {  	[tilespmem:s31+$0x4390] =	vst v0;
	v0 =	vld [tilespmem:s16+$0x10010]  }
0x2e2: {  	[tilespmem:s31+$0x4300] =	vst v8;
	v8 =	vadd.s32 $0xD000, v5;
	v7 =	vld.idx.msk [tilespmem:v7+s2+$0x0], $0xffff  }
0x2e3: {  	v10 =	vadd.s32 $0xE400, v2;
	v9 =	vld.idx.msk [tilespmem:v9+s2+$0x0], $0xffff  }
0x2e4: {  	v6 =	vld [tilespmem:s16+$0x10000];
	[tilespmem:s0+$0x4180] =	vst v11  }
0x2e5: {  	v13 =	vadd.s32 $0xE000, v4;
	v11 =	vld.idx.msk [tilespmem:v12+s2+$0x0], $0xffff  }
0x2e6: {  	v12 =	vadd.s32 $0xD400, v3;
	[tilespmem:s0+$0x4190] =	vst v1  }
0x2e7: {  	v1 =	vld.idx.msk [tilespmem:v8+s2+$0x0], $0xffff;
	[tilespmem:s31+$0x6010] =	vst v7;
	v7 =	vadd.s32 $0xC000, v0  }
0x2e8: {  	v8 =	vld.idx.msk [tilespmem:v10+s2+$0x0], $0xffff;
	v10 =	vadd.s32 $0xD400, v5  }
0x2e9: {  	v14 =	vadd.s32 $0xE800, v2;
	[tilespmem:s31+$0x4380] =	vst v9  }
0x2ea: {  	v13 =	vld.idx.msk [tilespmem:v13+s2+$0x0], $0xffff;
	v9 =	vadd.s32 $0xC000, v6;
	[tilespmem:s0+$0x4200] =	vst v11  }
0x2eb: {  	s20 =	simm.s32 $0x0;
	v15 =	vadd.s32 $0xE400, v4;
	v12 =	vld.idx.msk [tilespmem:v12+s2+$0x0], $0xffff  }
0x2ec: {  	s4 =	smul.u32 $0xE00, s20;
	v7 =	vld.idx.msk [tilespmem:v7+s2+$0x0], $0xffff;
	[tilespmem:s0+$0x4210] =	vst v1  }
0x2ed: {  	v1 =	vld.idx.msk [tilespmem:v10+s2+$0x0], $0xffff;
	[tilespmem:s31+$0x6090] =	vst v8;
	v8 =	vadd.s32 $0xC400, v0  }
0x2ee: {  	s4 =	sshra.s32 s4, $0x2;
	v10 =	vld.idx.msk [tilespmem:v14+s2+$0x0], $0xffff;
	v14 =	vadd.s32 $0xD800, v5  }
0x2ef: {  	s4 =	sadd.s32 $0x40, s4;
	[tilespmem:s31+$0x6000] =	vst v13;
	v13 =	vadd.s32 $0xD800, v3;
	v9 =	vld.idx.msk [tilespmem:v9+s2+$0x0], $0xffff  }
0x2f0: {  	s9 =	simm.s32 $0x80;
	s17 =	sadd.s32 $0x11000, s4;
	v11 =	vadd.s32 $0xEC00, v2;
	v15 =	vld.idx.msk [tilespmem:v15+s2+$0x0], $0xffff;
	[tilespmem:s0+$0x4280] =	vst v12  }
0x2f1: {  	v28 =	vld [tilespmem:s9+$0x10000];
	v16 =	vadd.s32 $0xC400, v6;
	[tilespmem:s17+$0x4010] =	vst v7  }
0x2f2: {  	v7 =	vadd.s32 $0xE800, v4;
	v8 =	vld.idx.msk [tilespmem:v8+s2+$0x0], $0xffff;
	[tilespmem:s0+$0x4290] =	vst v1  }
0x2f3: {  	v1 =	vld.idx.msk [tilespmem:v14+s2+$0x0], $0xffff;
	[tilespmem:s31+$0x6110] =	vst v10;
	v10 =	vadd.s32 $0xC800, v0  }
0x2f4: {  	v13 =	vld.idx.msk [tilespmem:v13+s2+$0x0], $0xffff;
	[tilespmem:s17+$0x4000] =	vst v9;
	v9 =	vadd.s32 $0xDC00, v5  }
0x2f5: {  	[tilespmem:s31+$0x6080] =	vst v15;
	v15 =	vadd.s32 $0xDC00, v3;
	v11 =	vld.idx.msk [tilespmem:v11+s2+$0x0], $0xffff  }
0x2f6: {  	v12 =	vadd.s32 $0xF000, v2;
	v14 =	vld.idx.msk [tilespmem:v16+s2+$0x0], $0xffff  }
0x2f7: {  	v16 =	vadd.s32 $0xC800, v6;
	v7 =	vld.idx.msk [tilespmem:v7+s2+$0x0], $0xffff;
	[tilespmem:s17+$0x4090] =	vst v8  }
0x2f8: {  	v8 =	vadd.s32 $0xEC00, v4;
	v10 =	vld.idx.msk [tilespmem:v10+s2+$0x0], $0xffff;
	[tilespmem:s0+$0x4310] =	vst v1  }
0x2f9: {  	[tilespmem:s0+$0x4300] =	vst v13;
	v1 =	vld.idx.msk [tilespmem:v9+s2+$0x0], $0xffff;
	v9 =	vadd.s32 $0xCC00, v0  }
0x2fa: {  	v15 =	vld.idx.msk [tilespmem:v15+s2+$0x0], $0xffff;
	[tilespmem:s31+$0x6190] =	vst v11  }
0x2fb: {  	[tilespmem:s17+$0x4080] =	vst v14;
	v11 =	vld.idx.msk [tilespmem:v12+s2+$0x0], $0xffff;
	v12 =	vadd.s32 $0xE000, v5  }
0x2fc: {  	v13 =	vadd.s32 $0xF400, v2;
	v14 =	vld.idx.msk [tilespmem:v16+s2+$0x0], $0xffff;
	[tilespmem:s31+$0x6100] =	vst v7  }
0x2fd: {  	v7 =	vld.idx.msk [tilespmem:v8+s2+$0x0], $0xffff;
	[tilespmem:s17+$0x4110] =	vst v10  }
0x2fe: {  	s4 =	simm.s32 $0x60;
	v8 =	vadd.s32 $0xCC00, v6;
	v10 =	vld.idx.msk [tilespmem:v9+s2+$0x0], $0xffff  }
0x2ff: {  	v16 =	vadd.s32 $0xE000, v3;
	[tilespmem:s0+$0x4390] =	vst v1;
	v1 =	vld [tilespmem:s4+$0x10010]  }
0x300: {  	v12 =	vld.idx.msk [tilespmem:v12+s2+$0x0], $0xffff;
	[tilespmem:s31+$0x6210] =	vst v11;
	v11 =	vadd.s32 $0xD000, v0  }
0x301: {  	v17 =	vadd.s32 $0xE400, v5;
	v13 =	vld.idx.msk [tilespmem:v13+s2+$0x0], $0xffff  }
0x302: {  	[tilespmem:s17+$0x4100] =	vst v14;
	v9 =	vld [tilespmem:s4+$0x10000];
	v14 =	vadd.s32 $0xF800, v2  }
0x303: {  	v18 =	vadd.s32 $0xF000, v4;
	[tilespmem:s0+$0x4380] =	vst v15;
	v8 =	vld.idx.msk [tilespmem:v8+s2+$0x0], $0xffff  }
0x304: {  	v15 =	vadd.s32 $0xD000, v6;
	[tilespmem:s17+$0x4190] =	vst v10;
	v10 =	vld.idx.msk [tilespmem:v16+s2+$0x0], $0xffff  }
0x305: {  	v11 =	vld.idx.msk [tilespmem:v11+s2+$0x0], $0xffff;
	[tilespmem:s0+$0x6010] =	vst v12;
	v12 =	vadd.s32 $0xC000, v1  }
0x306: {  	v16 =	vld.idx.msk [tilespmem:v17+s2+$0x0], $0xffff;
	[tilespmem:s31+$0x6290] =	vst v13;
	v13 =	vadd.s32 $0xD400, v0  }
0x307: {  	[tilespmem:s31+$0x6180] =	vst v7;
	v7 =	vld.idx.msk [tilespmem:v14+s2+$0x0], $0xffff;
	v14 =	vadd.s32 $0xE800, v5  }
0x308: {  	v2 =	vadd.s32 $0xFC00, v2;
	v17 =	vld.idx.msk [tilespmem:v18+s2+$0x0], $0xffff;
	[tilespmem:s17+$0x4180] =	vst v8  }
0x309: {  	v8 =	vld.idx.msk [tilespmem:v15+s2+$0x0], $0xffff  }
0x30a: {  	v15 =	vadd.s32 $0xC000, v9;
	v12 =	vld.idx.msk [tilespmem:v12+s2+$0x0], $0xffff;
	[tilespmem:s17+$0x4210] =	vst v11  }
0x30b: {  	s25 =	simm.s32 $0x0;
	v11 =	vadd.s32 $0xD400, v6;
	v13 =	vld.idx.msk [tilespmem:v13+s2+$0x0], $0xffff;
	[tilespmem:s0+$0x6090] =	vst v16  }
0x30c: {  	s8 =	smul.u32 $0xE00, s25;
	v16 =	vadd.s32 $0xE400, v3;
	v14 =	vld.idx.msk [tilespmem:v14+s2+$0x0], $0xffff;
	[tilespmem:s31+$0x6310] =	vst v7  }
0x30d: {  	v7 =	vadd.s32 $0xF400, v4;
	v18 =	vld.idx.msk [tilespmem:v2+s2+$0x0], $0xffff  }
0x30e: {  	s8 =	sshra.s32 s8, $0x2;
	[tilespmem:s0+$0x6000] =	vst v10;
	v2 =	vadd.s32 $0xC400, v1;
	v19 =	vld [tilespmem:s15+$0x10810]  }
0x30f: {  	s8 =	sadd.s32 $0x60, s8;
	v15 =	vld.idx.msk [tilespmem:v15+s2+$0x0], $0xffff;
	[tilespmem:s17+$0x4200] =	vst v8;
	v8 =	vadd.s32 $0xD800, v0  }
0x310: {  	s8 =	sadd.s32 $0x11000, s8;
	v20 =	vadd.s32 $0xC400, v9;
	[tilespmem:s31+$0x6200] =	vst v17;
	v10 =	vld.idx.msk [tilespmem:v11+s2+$0x0], $0xffff  }
0x311: {  	v11 =	vadd.s32 $0xEC00, v5;
	[tilespmem:s8+$0x4010] =	vst v12;
	v16 =	vld.idx.msk [tilespmem:v16+s2+$0x0], $0xffff  }
0x312: {  	v17 =	vadd.s32 $0xD800, v6;
	[tilespmem:s17+$0x4290] =	vst v13;
	v7 =	vld.idx.msk [tilespmem:v7+s2+$0x0], $0xffff  }
0x313: {  	v12 =	vadd.s32 $0xE800, v3;
	[tilespmem:s0+$0x6110] =	vst v14;
	v2 =	vld.idx.msk [tilespmem:v2+s2+$0x0], $0xffff  }
0x314: {  	v13 =	vadd.s32 $0xC800, v1;
	v8 =	vld.idx.msk [tilespmem:v8+s2+$0x0], $0xffff;
	[tilespmem:s8+$0x4000] =	vst v15  }
0x315: {  	v14 =	vadd.s32 $0xDC00, v0;
	v15 =	vld.idx.msk [tilespmem:v20+s2+$0x0], $0xffff;
	[tilespmem:s17+$0x4280] =	vst v10  }
0x316: {  	v20 =	vadd.s32 $0xF800, v4;
	v11 =	vld.idx.msk [tilespmem:v11+s2+$0x0], $0xffff;
	[tilespmem:s0+$0x6080] =	vst v16  }
0x317: {  	v10 =	vadd.s32 $0xF000, v5;
	v17 =	vld.idx.msk [tilespmem:v17+s2+$0x0], $0xffff;
	[tilespmem:s31+$0x6280] =	vst v7  }
0x318: {  	v16 =	vadd.s32 $0xC800, v9;
	[tilespmem:s8+$0x4090] =	vst v2;
	v2 =	vld.idx.msk [tilespmem:v12+s2+$0x0], $0xffff  }
0x319: {  	v12 =	vadd.s32 $0xDC00, v6;
	[tilespmem:s17+$0x4310] =	vst v8;
	v13 =	vld.idx.msk [tilespmem:v13+s2+$0x0], $0xffff  }
0x31a: {  	v14 =	vld.idx.msk [tilespmem:v14+s2+$0x0], $0xffff;
	[tilespmem:s8+$0x4080] =	vst v15  }
0x31b: {  	v8 =	vadd.s32 $0xEC00, v3;
	v15 =	vld.idx.msk [tilespmem:v20+s2+$0x0], $0xffff;
	[tilespmem:s0+$0x6190] =	vst v11  }
0x31c: {  	v11 =	vadd.s32 $0xCC00, v1;
	v10 =	vld.idx.msk [tilespmem:v10+s2+$0x0], $0xffff  }
0x31d: {  	v7 =	vadd.s32 $0xE000, v0;
	v16 =	vld.idx.msk [tilespmem:v16+s2+$0x0], $0xffff;
	[tilespmem:s17+$0x4300] =	vst v17  }
0x31e: {  	v4 =	vadd.s32 $0xFC00, v4;
	v12 =	vld.idx.msk [tilespmem:v12+s2+$0x0], $0xffff  }
0x31f: {  	v17 =	vadd.s32 $0xF400, v5;
	[tilespmem:s0+$0x6100] =	vst v2;
	v2 =	vld [tilespmem:s9+$0x10010]  }
0x320: {  	[tilespmem:s8+$0x4110] =	vst v13;
	v8 =	vld.idx.msk [tilespmem:v8+s2+$0x0], $0xffff  }
0x321: {  	v13 =	vadd.s32 $0xCC00, v9;
	[tilespmem:s17+$0x4390] =	vst v14;
	v11 =	vld.idx.msk [tilespmem:v11+s2+$0x0], $0xffff  }
0x322: {  	v14 =	vadd.s32 $0xE000, v6;
	[tilespmem:s31+$0x6300] =	vst v15;
	v7 =	vld.idx.msk [tilespmem:v7+s2+$0x0], $0xffff  }
0x323: {  	v61 =	vld.idx.msk [tilespmem:v4+s2+$0x0], $0xffff;
	[tilespmem:s0+$0x6210] =	vst v10;
	v10 =	vadd.s32 $0xD000, v1  }
0x324: {  	v20 =	vadd.s32 $0xE400, v0;
	[tilespmem:s8+$0x4100] =	vst v16;
	v17 =	vld.idx.msk [tilespmem:v17+s2+$0x0], $0xffff  }
0x325: {  	v62 =	vld [tilespmem:s15+$0x10800];
	v16 =	vadd.s32 $0xF800, v5;
	[tilespmem:s17+$0x4380] =	vst v12  }
0x326: {  	v21 =	vadd.s32 $0xF000, v3;
	v12 =	vld.idx.msk [tilespmem:v13+s2+$0x0], $0xffff;
	[tilespmem:s0+$0x6180] =	vst v8  }
0x327: {  	v13 =	vadd.s32 $0xD000, v9;
	[tilespmem:s8+$0x4190] =	vst v11;
	v11 =	vld.idx.msk [tilespmem:v14+s2+$0x0], $0xffff  }
0x328: {  	[tilespmem:s17+$0x6010] =	vst v7;
	v7 =	vadd.s32 $0xC000, v2;
	v10 =	vld.idx.msk [tilespmem:v10+s2+$0x0], $0xffff  }
0x329: {  	v8 =	vadd.s32 $0xD400, v1;
	v14 =	vld.idx.msk [tilespmem:v20+s2+$0x0], $0xffff;
	[tilespmem:s0+$0x6290] =	vst v17  }
0x32a: {  	v15 =	vadd.s32 $0xE800, v0;
	v16 =	vld.idx.msk [tilespmem:v16+s2+$0x0], $0xffff  }
0x32b: {  	v5 =	vadd.s32 $0xFC00, v5;
	v17 =	vld.idx.msk [tilespmem:v21+s2+$0x0], $0xffff;
	[tilespmem:s8+$0x4180] =	vst v12  }
0x32c: {  	v4 =	vld.idx.msk [tilespmem:v13+s2+$0x0], $0xffff  }
0x32d: {  	v12 =	vadd.s32 $0xC000, v28;
	v7 =	vld.idx.msk [tilespmem:v7+s2+$0x0], $0xffff;
	[tilespmem:s8+$0x4210] =	vst v10  }
0x32e: {  	s14 =	simm.s32 $0x1;
	v13 =	vadd.s32 $0xE400, v6;
	[tilespmem:s17+$0x6090] =	vst v14;
	v8 =	vld.idx.msk [tilespmem:v8+s2+$0x0], $0xffff  }
0x32f: {  	s14 =	smul.u32 $0xE00, s14;
	v10 =	vadd.s32 $0xD400, v9;
	v14 =	vadd.f32 v19, v18;
	v15 =	vld.idx.msk [tilespmem:v15+s2+$0x0], $0xffff;
	[tilespmem:s0+$0x6310] =	vst v16  }
0x330: {  	[tilespmem:s17+$0x6000] =	vst v11;
	v16 =	vadd.s32 $0xF400, v3;
	v5 =	vld.idx.msk [tilespmem:v5+s2+$0x0], $0xffff  }
0x331: {  	s14 =	sshra.s32 s14, $0x2;
	[tilespmem:s31+$0x6390] =	vst v14;
	v14 =	vadd.s32 $0xC400, v2;
	v18 =	vld [tilespmem:s3+$0x10810]  }
0x332: {  	s14 =	sadd.s32 $0x80, s14;
	v11 =	vadd.s32 $0xEC00, v0;
	[tilespmem:s0+$0x6200] =	vst v17;
	v12 =	vld.idx.msk [tilespmem:v12+s2+$0x0], $0xffff  }
0x333: {  	s14 =	sadd.s32 $0x11000, s14;
	[tilespmem:s8+$0x4200] =	vst v4;
	v4 =	vadd.s32 $0xD800, v1;
	v17 =	vld.idx.msk [tilespmem:v13+s2+$0x0], $0xffff  }
0x334: {  	v13 =	vadd.s32 $0xC400, v28;
	[tilespmem:s14+$0x4010] =	vst v7;
	v10 =	vld.idx.msk [tilespmem:v10+s2+$0x0], $0xffff  }
0x335: {  	v7 =	vadd.s32 $0xD800, v9;
	[tilespmem:s8+$0x4290] =	vst v8;
	v19 =	vld.idx.msk [tilespmem:v16+s2+$0x0], $0xffff  }
0x336: {  	v8 =	vadd.s32 $0xE800, v6;
	[tilespmem:s17+$0x6110] =	vst v15;
	v14 =	vld.idx.msk [tilespmem:v14+s2+$0x0], $0xffff;
	v5 =	vadd.f32 v18, v5  }
0x337: {  	v11 =	vld.idx.msk [tilespmem:v11+s2+$0x0], $0xffff;
	v18 =	vadd.s32 $0xC800, v2;
	[tilespmem:s14+$0x4000] =	vst v12  }
0x338: {  	v12 =	vadd.s32 $0xF800, v3;
	v16 =	vld.idx.msk [tilespmem:v4+s2+$0x0], $0xffff;
	[tilespmem:s0+$0x6390] =	vst v5  }
0x339: {  	v29 =	vadd.s32 $0xCC00, v28;
	v20 =	vld.idx.msk [tilespmem:v13+s2+$0x0], $0xffff;
	v5 =	vadd.s32 $0xDC00, v1;
	[tilespmem:s8+$0x4280] =	vst v10  }
0x33a: {  	v26 =	vadd.s32 $0xD000, v28;
	v25 =	vadd.s32 $0xD400, v28;
	[tilespmem:s17+$0x6080] =	vst v17;
	v10 =	vadd.s32 $0xF000, v0;
	v22 =	vld.idx.msk [tilespmem:v7+s2+$0x0], $0xffff  }
0x33b: {  	v24 =	vadd.s32 $0xD800, v28;
	v23 =	vadd.s32 $0xDC00, v28;
	v17 =	vadd.s32 $0xC800, v28;
	v36 =	vld.idx.msk [tilespmem:v8+s2+$0x0], $0xffff;
	[tilespmem:s14+$0x4090] =	vst v14  }
0x33c: {  	v27 =	vadd.s32 $0xE000, v28;
	v31 =	vadd.s32 $0xEC00, v6;
	v63 =	vadd.s32 $0xDC00, v9;
	[tilespmem:s0+$0x6280] =	vst v19;
	v37 =	vld.idx.msk [tilespmem:v18+s2+$0x0], $0xffff  }
0x33d: {  	v33 =	vadd.s32 $0xF400, v0;
	v41 =	vadd.s32 $0xE000, v1;
	v39 =	vadd.s32 $0xCC00, v2;
	v30 =	vld.idx.msk [tilespmem:v12+s2+$0x0], $0xffff;
	[tilespmem:s8+$0x4310] =	vst v16  }
0x33e: {  	v21 =	vadd.s32 $0xE000, v9;
	v15 =	vadd.s32 $0xFC00, v3;
	v3 =	vadd.s32 $0xFC00, v6;
	[tilespmem:s17+$0x6190] =	vst v11;
	v38 =	vld.idx.msk [tilespmem:v5+s2+$0x0], $0xffff  }
0x33f: {  	v13 =	vadd.s32 $0xF000, v6;
	v4 =	vadd.s32 $0xF800, v6;
	v7 =	vadd.s32 $0xF400, v6;
	[tilespmem:s14+$0x4080] =	vst v20;
	v40 =	vld.idx.msk [tilespmem:v10+s2+$0x0], $0xffff  }
0x340: {  	v8 =	vadd.s32 $0xF400, v9;
	v6 =	vadd.s32 $0xF800, v9;
	v14 =	vadd.s32 $0xEC00, v9;
	v35 =	vld.idx.msk [tilespmem:v17+s2+$0x0], $0xffff;
	[tilespmem:s8+$0x4300] =	vst v22  }
0x341: {  	v11 =	vadd.s32 $0xF000, v9;
	v19 =	vadd.s32 $0xE800, v28;
	v18 =	vadd.s32 $0xE400, v9;
	[tilespmem:s17+$0x6100] =	vst v36;
	v32 =	vld.idx.msk [tilespmem:v63+s2+$0x0], $0xffff  }
0x342: {  	v12 =	vadd.s32 $0xF400, v28;
	v16 =	vadd.s32 $0xE800, v9;
	v20 =	vadd.s32 $0xF000, v28;
	v31 =	vld.idx.msk [tilespmem:v31+s2+$0x0], $0xffff;
	[tilespmem:s14+$0x4110] =	vst v37  }
0x343: {  	v5 =	vadd.s32 $0xFC00, v9;
	v17 =	vadd.s32 $0xEC00, v28;
	v10 =	vadd.s32 $0xF800, v28;
	v36 =	vld.idx.msk [tilespmem:v39+s2+$0x0], $0xffff;
	[tilespmem:s8+$0x4390] =	vst v38  }
0x344: {  	s19 =	simm.s32 $0x280;
	s25 =	simm.s32 $0x8;
	s15 =	simm.s32 $0x8;
	v9 =	vadd.s32 $0xFC00, v28;
	v22 =	vadd.s32 $0xE400, v28;
	v28 =	vadd.f32 v62, v61;
	[tilespmem:s17+$0x6210] =	vst v40;
	v34 =	vld.idx.msk [tilespmem:v41+s2+$0x0], $0xffff  }
.LBB2_9:
0x345: {  	s20 =	sshra.s32 s19, $0x2;
	v37 =	vadd.s32 $0xD000, v2;
	v33 =	vld.idx.msk [tilespmem:v33+s2+$0x0], $0xffff;
	[tilespmem:s0+$0x6300] =	vst v30  }
0x346: {  	v30 =	vld [tilespmem:s20+$0x10010];
	[tilespmem:s14+$0x4100] =	vst v35;
	v35 =	vadd.s32 $0xE400, v1  }
0x347: {  	v38 =	vld [tilespmem:s20+$0x10000];
	[tilespmem:s8+$0x4380] =	vst v32;
	v32 =	vadd.s32 $0xF800, v0  }
0x348: {  	v39 =	vld.idx.msk [tilespmem:v29+s2+$0x0], $0xffff;
	[tilespmem:s17+$0x6180] =	vst v31  }
0x349: {  	[tilespmem:s14+$0x4190] =	vst v36;
	v31 =	vld.idx.msk [tilespmem:v21+s2+$0x0], $0xffff;
	v21 =	vmov v27  }
0x34a: {  	v36 =	vld.idx.msk [tilespmem:v37+s2+$0x0], $0xffff;
	[tilespmem:s8+$0x6010] =	vst v34  }
0x34b: {  	s15 =	sadd.s32 $0x2, s15;
	v34 =	vadd.s32 $0xC000, v30;
	v35 =	vld.idx.msk [tilespmem:v35+s2+$0x0], $0xffff;
	[tilespmem:s17+$0x6290] =	vst v33  }
0x34c: {  	v40 =	vadd.s32 $0xD400, v2;
	p0 =	slt.u32 s15, $0x3E;
	v33 =	vadd.s32 $0xC000, v38;
	v37 =	vadd.s32 $0xC400, v38;
	v32 =	vld.idx.msk [tilespmem:v32+s2+$0x0], $0xffff;
	[tilespmem:s31+$0x6380] =	vst v28;
	s31 =	smov.u32 s0;
	s0 =	smov.u32 s17  }
0x34d: {  	v41 =	vadd.s32 $0xC800, v38;
	v29 =	vadd.s32 $0xCC00, v38;
	v28 =	vadd.s32 $0xE800, v1;
	s17 =	smov.u32 s8;
	s8 =	smov.u32 s14;
	v42 =	vld.idx.msk [tilespmem:v13+s2+$0x0], $0xffff;
	v13 =	vmovc v11;
	v11 =	vmovc v20  }
0x34e: {  	v43 =	vadd.s32 $0xD400, v38;
	v20 =	vadd.s32 $0xD000, v38;
	[tilespmem:s8+$0x4180] =	vst v39;
	v39 =	vadd.s32 $0xFC00, v0;
	v44 =	vld.idx.msk [tilespmem:v15+s2+$0x0], $0xffff;
	v0 =	vmovc v1;
	v1 =	vmovc v2  }
0x34f: {  	v45 =	vadd.s32 $0xD800, v38;
	v46 =	vadd.s32 $0xDC00, v38;
	v27 =	vadd.s32 $0xE000, v38;
	v2 =	vmovc v30;
	v47 =	vld.idx.msk [tilespmem:v26+s2+$0x0], $0xffff;
	[tilespmem:s17+$0x6000] =	vst v31;
	v26 =	vmovc v20  }
0x350: {  	v48 =	vadd.s32 $0xEC00, v38;
	v30 =	vadd.s32 $0xE400, v38;
	v15 =	vmovc v3;
	v3 =	vmovc v5;
	v31 =	vadd.s32 $0xE800, v38;
	v34 =	vld.idx.msk [tilespmem:v34+s2+$0x0], $0xffff;
	[tilespmem:s8+$0x4210] =	vst v36  }
0x351: {  	s25 =	sadd.s32 $0x2, s25;
	v49 =	vadd.s32 $0xF800, v38;
	v5 =	vmovc v9;
	v20 =	vadd.s32 $0xF000, v38;
	v36 =	vadd.s32 $0xF400, v38;
	v40 =	vld.idx.msk [tilespmem:v40+s2+$0x0], $0xffff;
	[tilespmem:s17+$0x6090] =	vst v35  }
0x352: {  	s14 =	sshrl.u32 s25, $0x3;
	v9 =	vadd.s32 $0xFC00, v38;
	v28 =	vld.idx.msk [tilespmem:v28+s2+$0x0], $0xffff;
	[tilespmem:s0+$0x6310] =	vst v32  }
0x353: {  	s14 =	smul.u32 $0xE00, s14;
	[tilespmem:s0+$0x6200] =	vst v42;
	v32 =	vld.idx.msk [tilespmem:v39+s2+$0x0], $0xffff  }
0x354: {  	v35 =	vadd.s32 $0xC400, v2;
	v38 =	vld [tilespmem:s16+$0x10810]  }
0x355: {  	s14 =	sshra.s32 s14, $0x2;
	v39 =	vadd.s32 $0xD800, v1;
	v33 =	vld.idx.msk [tilespmem:v33+s2+$0x0], $0xffff;
	[tilespmem:s8+$0x4200] =	vst v47  }
0x356: {  	s14 =	sadd.s32 s14, s20;
	v47 =	vadd.s32 $0xEC00, v0;
	v42 =	vld.idx.msk [tilespmem:v25+s2+$0x0], $0xffff;
	v25 =	vmov v43  }
0x357: {  	s14 =	sadd.s32 $0x11000, s14;
	v43 =	vld.idx.msk [tilespmem:v18+s2+$0x0], $0xffff;
	v18 =	vmov v22;
	v22 =	vmov v30  }
0x358: {  	[tilespmem:s14+$0x4010] =	vst v34;
	v30 =	vld.idx.msk [tilespmem:v7+s2+$0x0], $0xffff;
	v7 =	vmov v8;
	v8 =	vmov v12;
	v12 =	vmov v36  }
0x359: {  	v34 =	vld.idx.msk [tilespmem:v35+s2+$0x0], $0xffff;
	[tilespmem:s8+$0x4290] =	vst v40;
	v32 =	vadd.f32 v38, v32  }
0x35a: {  	v35 =	vld.idx.msk [tilespmem:v39+s2+$0x0], $0xffff;
	[tilespmem:s17+$0x6110] =	vst v28  }
0x35b: {  	v28 =	vadd.s32 $0xC800, v2;
	v36 =	vld.idx.msk [tilespmem:v47+s2+$0x0], $0xffff;
	[tilespmem:s0+$0x6390] =	vst v32  }
0x35c: {  	v32 =	vadd.s32 $0xDC00, v1;
	[tilespmem:s14+$0x4000] =	vst v33;
	v33 =	vld [tilespmem:s3+$0x10800];
	s3 =	smov.u32 s16;
	s16 =	smov.u32 s4;
	s4 =	smov.u32 s9  }
0x35d: {  	v38 =	vadd.s32 $0xF000, v0;
	s9 =	smov.u32 s20;
	v37 =	vld.idx.msk [tilespmem:v37+s2+$0x0], $0xffff;
	[tilespmem:s8+$0x4280] =	vst v42  }
0x35e: {  	v39 =	vld.idx.msk [tilespmem:v24+s2+$0x0], $0xffff;
	[tilespmem:s17+$0x6080] =	vst v43;
	v24 =	vmov v45  }
0x35f: {  	[tilespmem:s14+$0x4090] =	vst v34;
	v34 =	vld.idx.msk [tilespmem:v16+s2+$0x0], $0xffff;
	v16 =	vmov v19;
	v19 =	vmov v31  }
0x360: {  	v31 =	vld.idx.msk [tilespmem:v28+s2+$0x0], $0xffff;
	[tilespmem:s8+$0x4310] =	vst v35  }
0x361: {  	v40 =	vld.idx.msk [tilespmem:v32+s2+$0x0], $0xffff;
	[tilespmem:s17+$0x6190] =	vst v36;
	v28 =	vadd.f32 v33, v44  }
0x362: {  	v36 =	vadd.s32 $0xCC00, v2;
	v38 =	vld.idx.msk [tilespmem:v38+s2+$0x0], $0xffff;
	[tilespmem:s0+$0x6280] =	vst v30  }
0x363: {  	[tilespmem:s14+$0x4080] =	vst v37;
	v37 =	vadd.s32 $0xE000, v1;
	v30 =	vld.idx.msk [tilespmem:v4+s2+$0x0], $0xffff;
	v4 =	vmovc v6;
	v6 =	vmov v10;
	v10 =	vmov v49  }
.Ltmp3:
0x364: {  	v33 =	vadd.s32 $0xF400, v0;
	v35 =	vld.idx.msk [tilespmem:v41+s2+$0x0], $0xffff;
	[tilespmem:s8+$0x4300] =	vst v39;
	(pc) =	sbr.rel @p0 .LBB2_9-.Ltmp3, $4  }
0x365: {  	v32 =	vld.idx.msk [tilespmem:v23+s2+$0x0], $0xffff;
	[tilespmem:s17+$0x6100] =	vst v34;
	v23 =	vmov v46  }
0x366: {  	[tilespmem:s14+$0x4110] =	vst v31;
	v31 =	vld.idx.msk [tilespmem:v14+s2+$0x0], $0xffff;
	v14 =	vmov v17;
	v17 =	vmov v48  }
0x367: {  	v36 =	vld.idx.msk [tilespmem:v36+s2+$0x0], $0xffff;
	[tilespmem:s8+$0x4390] =	vst v40  }
0x368: {  	s19 =	sadd.s32 $0x80, s19;
	v34 =	vld.idx.msk [tilespmem:v37+s2+$0x0], $0xffff;
	[tilespmem:s17+$0x6210] =	vst v38  }
0x369: {  	_ =	sdelay $0x2  }
0x36a: {  	v37 =	vadd.s32 $0xD000, v2;
	[tilespmem:s14+$0x4100] =	vst v35  }
0x36b: {  	v29 =	vld.idx.msk [tilespmem:v29+s2+$0x0], $0xffff;
	_ =	sdelay $0x2  }
0x36c: {  	[tilespmem:s14+$0x4190] =	vst v36  }
0x36d: {  	v57 =	vld.idx.msk [tilespmem:v37+s2+$0x0], $0xffff  }
0x36e: {  	v58 =	vadd.s32 $0xD400, v2;
	[tilespmem:s14+$0x4180] =	vst v29  }
0x36f: {  	v26 =	vld.idx.msk [tilespmem:v26+s2+$0x0], $0xffff;
	_ =	sdelay $0x2  }
0x370: {  	[tilespmem:s14+$0x4210] =	vst v57  }
0x371: {  	v29 =	vld.idx.msk [tilespmem:v58+s2+$0x0], $0xffff  }
0x372: {  	v59 =	vadd.s32 $0xD800, v2;
	[tilespmem:s14+$0x4200] =	vst v26  }
0x373: {  	v25 =	vld.idx.msk [tilespmem:v25+s2+$0x0], $0xffff;
	_ =	sdelay $0x2  }
0x374: {  	[tilespmem:s14+$0x4290] =	vst v29  }
0x375: {  	v26 =	vld.idx.msk [tilespmem:v59+s2+$0x0], $0xffff  }
0x376: {  	v29 =	vadd.s32 $0xDC00, v2;
	[tilespmem:s14+$0x4280] =	vst v25  }
0x377: {  	[tilespmem:s8+$0x4380] =	vst v32;
	v24 =	vld.idx.msk [tilespmem:v24+s2+$0x0], $0xffff  }
0x378: {  	v21 =	vld.idx.msk [tilespmem:v21+s2+$0x0], $0xffff;
	_ =	sdelay $0x1  }
0x379: {  	[tilespmem:s14+$0x4310] =	vst v26  }
0x37a: {  	v25 =	vld.idx.msk [tilespmem:v29+s2+$0x0], $0xffff  }
0x37b: {  	v26 =	vadd.s32 $0xE000, v2;
	[tilespmem:s14+$0x4300] =	vst v24  }
0x37c: {  	[tilespmem:s8+$0x6000] =	vst v21;
	v29 =	vadd.s32 $0xE400, v1;
	v23 =	vld.idx.msk [tilespmem:v23+s2+$0x0], $0xffff  }
0x37d: {  	v18 =	vld.idx.msk [tilespmem:v18+s2+$0x0], $0xffff;
	_ =	sdelay $0x1  }
0x37e: {  	[tilespmem:s14+$0x4390] =	vst v25  }
0x37f: {  	[tilespmem:s8+$0x6010] =	vst v34;
	v24 =	vld.idx.msk [tilespmem:v26+s2+$0x0], $0xffff  }
0x380: {  	v25 =	vld.idx.msk [tilespmem:v29+s2+$0x0], $0xffff;
	v26 =	vadd.s32 $0xE400, v2;
	[tilespmem:s14+$0x4380] =	vst v23  }
0x381: {  	[tilespmem:s8+$0x6080] =	vst v18;
	v29 =	vadd.s32 $0xE800, v1;
	v23 =	vld.idx.msk [tilespmem:v27+s2+$0x0], $0xffff  }
0x382: {  	v16 =	vld.idx.msk [tilespmem:v16+s2+$0x0], $0xffff;
	_ =	sdelay $0x1  }
0x383: {  	v27 =	vld.idx.msk [tilespmem:v33+s2+$0x0], $0xffff;
	[tilespmem:s14+$0x6010] =	vst v24  }
0x384: {  	v21 =	vadd.s32 $0xF800, v0;
	[tilespmem:s8+$0x6090] =	vst v25;
	v24 =	vld.idx.msk [tilespmem:v26+s2+$0x0], $0xffff  }
0x385: {  	v25 =	vld.idx.msk [tilespmem:v29+s2+$0x0], $0xffff;
	v26 =	vadd.s32 $0xE800, v2;
	[tilespmem:s14+$0x6000] =	vst v23  }
0x386: {  	[tilespmem:s8+$0x6100] =	vst v16;
	v29 =	vadd.s32 $0xEC00, v1;
	v22 =	vld.idx.msk [tilespmem:v22+s2+$0x0], $0xffff  }
0x387: {  	[tilespmem:s17+$0x6180] =	vst v31;
	v14 =	vld.idx.msk [tilespmem:v14+s2+$0x0], $0xffff  }
0x388: {  	v13 =	vld.idx.msk [tilespmem:v13+s2+$0x0], $0xffff;
	[tilespmem:s17+$0x6290] =	vst v27  }
0x389: {  	v21 =	vld.idx.msk [tilespmem:v21+s2+$0x0], $0xffff;
	[tilespmem:s14+$0x6090] =	vst v24  }
0x38a: {  	[tilespmem:s8+$0x6110] =	vst v25;
	v18 =	vld.idx.msk [tilespmem:v26+s2+$0x0], $0xffff  }
0x38b: {  	v23 =	vld.idx.msk [tilespmem:v29+s2+$0x0], $0xffff;
	v24 =	vadd.s32 $0xEC00, v2;
	[tilespmem:s14+$0x6080] =	vst v22  }
0x38c: {  	[tilespmem:s8+$0x6180] =	vst v14;
	v25 =	vadd.s32 $0xF000, v1;
	v19 =	vld.idx.msk [tilespmem:v19+s2+$0x0], $0xffff  }
0x38d: {  	[tilespmem:s17+$0x6200] =	vst v13;
	v11 =	vld.idx.msk [tilespmem:v11+s2+$0x0], $0xffff  }
0x38e: {  	v7 =	vld.idx.msk [tilespmem:v7+s2+$0x0], $0xffff;
	[tilespmem:s17+$0x6310] =	vst v21  }
0x38f: {  	[tilespmem:s14+$0x6110] =	vst v18  }
0x390: {  	[tilespmem:s8+$0x6190] =	vst v23;
	v16 =	vld.idx.msk [tilespmem:v24+s2+$0x0], $0xffff  }
0x391: {  	v21 =	vadd.s32 $0xF000, v2;
	v18 =	vld.idx.msk [tilespmem:v25+s2+$0x0], $0xffff;
	[tilespmem:s14+$0x6100] =	vst v19  }
0x392: {  	[tilespmem:s8+$0x6200] =	vst v11;
	v22 =	vadd.s32 $0xF400, v1;
	v13 =	vld.idx.msk [tilespmem:v17+s2+$0x0], $0xffff  }
0x393: {  	[tilespmem:s17+$0x6280] =	vst v7;
	v8 =	vld.idx.msk [tilespmem:v8+s2+$0x0], $0xffff  }
0x394: {  	[tilespmem:s0+$0x6300] =	vst v30;
	v4 =	vld.idx.msk [tilespmem:v4+s2+$0x0], $0xffff  }
0x395: {  	v15 =	vld.idx.msk [tilespmem:v15+s2+$0x0], $0xffff;
	[tilespmem:s14+$0x6190] =	vst v16  }
0x396: {  	v0 =	vadd.s32 $0xFC00, v0;
	[tilespmem:s8+$0x6210] =	vst v18;
	v14 =	vld.idx.msk [tilespmem:v21+s2+$0x0], $0xffff  }
0x397: {  	v17 =	vadd.s32 $0xF400, v2;
	v16 =	vld.idx.msk [tilespmem:v22+s2+$0x0], $0xffff;
	[tilespmem:s14+$0x6180] =	vst v13  }
0x398: {  	[tilespmem:s8+$0x6280] =	vst v8;
	v19 =	vadd.s32 $0xF800, v1;
	v7 =	vld.idx.msk [tilespmem:v20+s2+$0x0], $0xffff  }
0x399: {  	[tilespmem:s17+$0x6300] =	vst v4;
	v6 =	vld.idx.msk [tilespmem:v6+s2+$0x0], $0xffff  }
0x39a: {  	v3 =	vld.idx.msk [tilespmem:v3+s2+$0x0], $0xffff  }
0x39b: {  	v0 =	vld.idx.msk [tilespmem:v0+s2+$0x0], $0xffff;
	[tilespmem:s14+$0x6210] =	vst v14  }
0x39c: {  	[tilespmem:s8+$0x6290] =	vst v16;
	v11 =	vld.idx.msk [tilespmem:v17+s2+$0x0], $0xffff  }
0x39d: {  	v13 =	vld.idx.msk [tilespmem:v19+s2+$0x0], $0xffff;
	v14 =	vadd.s32 $0xF800, v2;
	[tilespmem:s14+$0x6200] =	vst v7  }
0x39e: {  	[tilespmem:s8+$0x6300] =	vst v6;
	v1 =	vadd.s32 $0xFC00, v1;
	v4 =	vld.idx.msk [tilespmem:v12+s2+$0x0], $0xffff  }
0x39f: {  	v5 =	vld.idx.msk [tilespmem:v5+s2+$0x0], $0xffff  }
0x3a0: {  	v18 =	vld [tilespmem:s16+$0x10810]  }
0x3a1: {  	v16 =	vld [tilespmem:s3+$0x10800];
	[tilespmem:s14+$0x6290] =	vst v11  }
0x3a2: {  	[tilespmem:s8+$0x6310] =	vst v13;
	v7 =	vld.idx.msk [tilespmem:v14+s2+$0x0], $0xffff  }
0x3a3: {  	v2 =	vadd.s32 $0xFC00, v2;
	v1 =	vld.idx.msk [tilespmem:v1+s2+$0x0], $0xffff;
	[tilespmem:s14+$0x6280] =	vst v4  }
0x3a4: {  	v4 =	vld.idx.msk [tilespmem:v10+s2+$0x0], $0xffff  }
0x3a5: {  	v8 =	vld [tilespmem:s4+$0x10810]  }
0x3a6: {  	v10 =	vld [tilespmem:s16+$0x10800]  }
0x3a7: {  	[tilespmem:s14+$0x6310] =	vst v7;
	v7 =	vld [tilespmem:s4+$0x10800]  }
0x3a8: {  	v2 =	vld.idx.msk [tilespmem:v2+s2+$0x0], $0xffff  }
0x3a9: {  	v0 =	vadd.f32 v18, v0;
	v6 =	vld [tilespmem:s9+$0x10810];
	[tilespmem:s14+$0x6300] =	vst v4  }
0x3aa: {  	v4 =	vld.idx.msk [tilespmem:v9+s2+$0x0], $0xffff  }
0x3ab: {  	[tilespmem:s17+$0x6390] =	vst v0;
	v0 =	vadd.f32 v8, v1;
	v11 =	vld [tilespmem:s9+$0x10800]  }
0x3ac: {  	[tilespmem:s31+$0x6380] =	vst v28;
	v1 =	vadd.f32 v10, v3  }
0x3ad: {  	[tilespmem:s8+$0x6390] =	vst v0;
	v9 =	vadd.f32 v16, v15  }
0x3ae: {  	[tilespmem:s17+$0x6380] =	vst v1;
	v0 =	vadd.f32 v6, v2  }
0x3af: {  	[tilespmem:s0+$0x6380] =	vst v9;
	v1 =	vadd.f32 v7, v5  }
0x3b0: {  	[tilespmem:s14+$0x6390] =	vst v0;
	v0 =	vadd.f32 v11, v4  }
0x3b1: {  	[tilespmem:s8+$0x6380] =	vst v1  }
0x3b2: {  	s4 =	sadd.s32 s30, s12;
	[tilespmem:s14+$0x6380] =	vst v0  }
0x3b3: {  	[hbm4b:s4+s2] =	stream.linear.scatter [tilespmem:s22], [sflag:$0x3], $0x4000, $0x38;
	[tilespmem:$0x19000] =	vst v63  }
0x3b4: {  	_ =	swait.ge [sflag:s18], $0x400  }
0x3b5: {  	p0 =	seq.s32 s26, $0xF;
	[sflag:s18] =	ssyncset.done $0x0  }
0x3b6: {  	s0 =	sadd.s32 @!p0 s29, s13;
	[sflag:s18] =	ssyncadd.s32 $0xFFFFFC00  }
0x3b7: {  	s0 =	sshll.u32 @!p0 s0, $0x7;
	_ =	swait.ge [sflag:s18], $0x400  }
0x3b8: {  	s0 =	sand.u32 @!p0 $0x1FFFFF00, s0;
	s8 =	simm.s32 @!p0 $0x10000;
	[sflag:s18] =	ssyncset.done $0x0  }
0x3b9: {  	s3 =	sadd.s32 @!p0 s5, s0;
	s4 =	simm.s32 @!p0 $0x0;
	[sflag:s18] =	ssyncadd.s32 $0xFFFFFC00  }
0x3ba: {  	[tilespmem:s8], [sflag:$0x1] =	stream.linear.gather @!p0 [hbm4b:s3+s4], $0x400, $0x38;
	[tilespmem:$0x19000] =	vst v63  }
0x3bb: {  	s0 =	sadd.s32 @!p0 s6, s0;
	s3 =	simm.s32 @!p0 $0x10800  }
0x3bc: {  	[tilespmem:s3], [sflag:$0x1] =	stream.linear.gather @!p0 [hbm4b:s0+s4], $0x400, $0x38;
	[tilespmem:$0x19000] =	vst v63  }
0x3bd: {  	_ =	swait.ge [sflag:s23], $0x4000  }
0x3be: {  	[sflag:s23] =	ssyncset.done $0x0  }
0x3bf: {  	s8 =	simm.s32 $0x0;
	[sflag:s23] =	ssyncadd.s32 $0xFFFFC000  }
0x3c0: {  	v4 =	vld [tilespmem:s8+$0x10410];
	_ =	sdelay $0x3  }
0x3c1: {  	v3 =	vld [tilespmem:s8+$0x10400];
	_ =	sdelay $0x2  }
0x3c2: {  	s9 =	simm.s32 $0x0  }
0x3c3: {  	s0 =	smul.u32 $0xE00, s9;
	v0 =	vld.idx.msk [tilespmem:v4+s2+$0x0], $0xffff  }
0x3c4: {  	v1 =	vadd.s32 $0x400, v4  }
0x3c5: {  	s0 =	sshra.s32 s0, $0x2  }
0x3c6: {  	s14 =	sadd.s32 $0x0, s0  }
0x3c7: {  	s0 =	sadd.s32 $0x11000, s14;
	v2 =	vld.idx.msk [tilespmem:v3+s2+$0x0], $0xffff  }
0x3c8: {  	v5 =	vadd.s32 $0x400, v3;
	[tilespmem:s0+$0x10] =	vst v0  }
0x3c9: {  	v0 =	vld.idx.msk [tilespmem:v1+s2+$0x0], $0xffff  }
0x3ca: {  	v1 =	vadd.s32 $0x800, v4;
	_ =	sdelay $0x1  }
0x3cb: {  	[tilespmem:s14+$0x11000] =	vst v2  }
0x3cc: {  	v2 =	vld.idx.msk [tilespmem:v5+s2+$0x0], $0xffff  }
0x3cd: {  	v5 =	vadd.s32 $0x800, v3;
	[tilespmem:s0+$0x90] =	vst v0  }
0x3ce: {  	v0 =	vld.idx.msk [tilespmem:v1+s2+$0x0], $0xffff  }
0x3cf: {  	v1 =	vadd.s32 $0xC00, v4;
	_ =	sdelay $0x1  }
0x3d0: {  	[tilespmem:s0+$0x80] =	vst v2  }
0x3d1: {  	v6 =	vld.idx.msk [tilespmem:v5+s2+$0x0], $0xffff  }
0x3d2: {  	v7 =	vadd.s32 $0xC00, v3;
	[tilespmem:s0+$0x110] =	vst v0  }
0x3d3: {  	v1 =	vld.idx.msk [tilespmem:v1+s2+$0x0], $0xffff  }
0x3d4: {  	v2 =	vadd.s32 $0x1000, v4  }
0x3d5: {  	s15 =	simm.s32 $0x20  }
0x3d6: {  	v0 =	vld [tilespmem:s15+$0x10410];
	[tilespmem:s0+$0x100] =	vst v6  }
0x3d7: {  	v6 =	vld.idx.msk [tilespmem:v7+s2+$0x0], $0xffff  }
0x3d8: {  	v7 =	vadd.s32 $0x1000, v3;
	[tilespmem:s0+$0x190] =	vst v1  }
0x3d9: {  	v1 =	vld.idx.msk [tilespmem:v2+s2+$0x0], $0xffff  }
0x3da: {  	v5 =	vld [tilespmem:s15+$0x10400];
	v2 =	vadd.s32 $0x1400, v4;
	_ =	sdelay $0x1  }
0x3db: {  	[tilespmem:s0+$0x180] =	vst v6  }
0x3dc: {  	s16 =	simm.s32 $0x0;
	v7 =	vld.idx.msk [tilespmem:v7+s2+$0x0], $0xffff  }
0x3dd: {  	s3 =	smul.u32 $0xE00, s16;
	v11 =	vadd.s32 $0x1400, v3;
	v8 =	vld.idx.msk [tilespmem:v0+s2+$0x0], $0xffff;
	[tilespmem:s0+$0x210] =	vst v1  }
0x3de: {  	v1 =	vld.idx.msk [tilespmem:v2+s2+$0x0], $0xffff;
	v2 =	vadd.s32 $0x400, v0  }
0x3df: {  	s3 =	sshra.s32 s3, $0x2  }
0x3e0: {  	s17 =	sadd.s32 $0x20, s3;
	v9 =	vadd.s32 $0x1800, v4  }
0x3e1: {  	s3 =	sadd.s32 $0x11000, s17;
	v10 =	vld.idx.msk [tilespmem:v5+s2+$0x0], $0xffff;
	[tilespmem:s0+$0x200] =	vst v7  }
0x3e2: {  	v6 =	vadd.s32 $0x400, v5;
	[tilespmem:s3+$0x10] =	vst v8;
	v7 =	vld.idx.msk [tilespmem:v11+s2+$0x0], $0xffff  }
0x3e3: {  	v11 =	vadd.s32 $0x1800, v3;
	v2 =	vld.idx.msk [tilespmem:v2+s2+$0x0], $0xffff  }
0x3e4: {  	v8 =	vadd.s32 $0x800, v0;
	[tilespmem:s0+$0x290] =	vst v1  }
0x3e5: {  	v1 =	vld.idx.msk [tilespmem:v9+s2+$0x0], $0xffff  }
0x3e6: {  	[tilespmem:s17+$0x11000] =	vst v10;
	v9 =	vadd.s32 $0x1C00, v4  }
0x3e7: {  	v6 =	vld.idx.msk [tilespmem:v6+s2+$0x0], $0xffff;
	[tilespmem:s0+$0x280] =	vst v7  }
0x3e8: {  	v10 =	vadd.s32 $0x800, v5;
	v7 =	vld.idx.msk [tilespmem:v11+s2+$0x0], $0xffff;
	[tilespmem:s3+$0x90] =	vst v2  }
0x3e9: {  	v11 =	vadd.s32 $0x1C00, v3;
	v2 =	vld.idx.msk [tilespmem:v8+s2+$0x0], $0xffff  }
0x3ea: {  	[tilespmem:s0+$0x310] =	vst v1;
	v8 =	vadd.s32 $0xC00, v0  }
0x3eb: {  	v1 =	vld.idx.msk [tilespmem:v9+s2+$0x0], $0xffff  }
0x3ec: {  	[tilespmem:s3+$0x80] =	vst v6;
	v6 =	vadd.s32 $0x2000, v4  }
0x3ed: {  	[tilespmem:s0+$0x300] =	vst v7;
	v9 =	vld.idx.msk [tilespmem:v10+s2+$0x0], $0xffff  }
0x3ee: {  	v10 =	vadd.s32 $0xC00, v5;
	v11 =	vld.idx.msk [tilespmem:v11+s2+$0x0], $0xffff;
	[tilespmem:s3+$0x110] =	vst v2  }
0x3ef: {  	s19 =	simm.s32 $0x40;
	v2 =	vld.idx.msk [tilespmem:v8+s2+$0x0], $0xffff  }
0x3f0: {  	v12 =	vadd.s32 $0x1000, v0;
	[tilespmem:s0+$0x390] =	vst v1;
	v1 =	vld [tilespmem:s19+$0x10410]  }
0x3f1: {  	v13 =	vadd.s32 $0x2000, v3;
	v6 =	vld.idx.msk [tilespmem:v6+s2+$0x0], $0xffff  }
0x3f2: {  	[tilespmem:s3+$0x100] =	vst v9;
	v9 =	vadd.s32 $0x2400, v4;
	v8 =	vld [tilespmem:s19+$0x10400]  }
0x3f3: {  	v10 =	vld.idx.msk [tilespmem:v10+s2+$0x0], $0xffff  }
0x3f4: {  	v7 =	vadd.s32 $0x1000, v5;
	[tilespmem:s3+$0x190] =	vst v2  }
0x3f5: {  	[tilespmem:s0+$0x380] =	vst v11;
	v2 =	vld.idx.msk [tilespmem:v12+s2+$0x0], $0xffff  }
0x3f6: {  	[tilespmem:s0+$0x2010] =	vst v6;
	v12 =	vld.idx.msk [tilespmem:v13+s2+$0x0], $0xffff  }
0x3f7: {  	v6 =	vld.idx.msk [tilespmem:v9+s2+$0x0], $0xffff;
	v9 =	vadd.s32 $0x1400, v0  }
0x3f8: {  	[tilespmem:s3+$0x180] =	vst v10;
	v13 =	vadd.s32 $0x2400, v3  }
0x3f9: {  	v10 =	vadd.s32 $0x2800, v4;
	v7 =	vld.idx.msk [tilespmem:v7+s2+$0x0], $0xffff  }
0x3fa: {  	s20 =	simm.s32 $0x0;
	v11 =	vadd.s32 $0x1400, v5;
	v15 =	vld.idx.msk [tilespmem:v8+s2+$0x0], $0xffff;
	[tilespmem:s3+$0x210] =	vst v2  }
0x3fb: {  	s4 =	smul.u32 $0xE00, s20;
	v16 =	vadd.s32 $0x400, v8;
	v14 =	vld.idx.msk [tilespmem:v1+s2+$0x0], $0xffff;
	[tilespmem:s0+$0x2000] =	vst v12  }
0x3fc: {  	v2 =	vld.idx.msk [tilespmem:v9+s2+$0x0], $0xffff;
	[tilespmem:s0+$0x2090] =	vst v6;
	v6 =	vadd.s32 $0x400, v1  }
0x3fd: {  	s4 =	sshra.s32 s4, $0x2;
	v13 =	vld.idx.msk [tilespmem:v13+s2+$0x0], $0xffff  }
0x3fe: {  	s25 =	sadd.s32 $0x40, s4;
	[tilespmem:s3+$0x200] =	vst v7;
	v9 =	vld.idx.msk [tilespmem:v10+s2+$0x0], $0xffff;
	v10 =	vadd.s32 $0x1800, v0  }
0x3ff: {  	s4 =	sadd.s32 $0x11000, s25;
	v7 =	vadd.s32 $0x2C00, v4;
	v11 =	vld.idx.msk [tilespmem:v11+s2+$0x0], $0xffff;
	[tilespmem:s25+$0x11000] =	vst v15  }
0x400: {  	v12 =	vadd.s32 $0x1800, v5;
	[tilespmem:s4+$0x10] =	vst v14;
	v15 =	vld.idx.msk [tilespmem:v16+s2+$0x0], $0xffff  }
0x401: {  	s29 =	simm.s32 $0x60;
	v14 =	vadd.s32 $0x2800, v3;
	v6 =	vld.idx.msk [tilespmem:v6+s2+$0x0], $0xffff;
	[tilespmem:s3+$0x290] =	vst v2  }
0x402: {  	v29 =	vld [tilespmem:s29+$0x10400];
	v16 =	vadd.s32 $0x800, v8;
	[tilespmem:s0+$0x2080] =	vst v13  }
0x403: {  	v2 =	vld.idx.msk [tilespmem:v10+s2+$0x0], $0xffff;
	[tilespmem:s0+$0x2110] =	vst v9;
	v9 =	vadd.s32 $0x800, v1  }
0x404: {  	v10 =	vadd.s32 $0x1C00, v0;
	[tilespmem:s3+$0x280] =	vst v11;
	v7 =	vld.idx.msk [tilespmem:v7+s2+$0x0], $0xffff  }
0x405: {  	v11 =	vadd.s32 $0x3000, v4;
	v12 =	vld.idx.msk [tilespmem:v12+s2+$0x0], $0xffff;
	[tilespmem:s4+$0x80] =	vst v15  }
0x406: {  	v13 =	vadd.s32 $0x1C00, v5;
	[tilespmem:s4+$0x90] =	vst v6;
	v6 =	vld.idx.msk [tilespmem:v14+s2+$0x0], $0xffff  }
0x407: {  	v15 =	vld.idx.msk [tilespmem:v16+s2+$0x0], $0xffff;
	v14 =	vadd.s32 $0x2C00, v3  }
0x408: {  	v16 =	vadd.s32 $0xC00, v8;
	v9 =	vld.idx.msk [tilespmem:v9+s2+$0x0], $0xffff;
	[tilespmem:s3+$0x310] =	vst v2  }
0x409: {  	v2 =	vld.idx.msk [tilespmem:v10+s2+$0x0], $0xffff;
	[tilespmem:s0+$0x2190] =	vst v7;
	v7 =	vadd.s32 $0xC00, v1  }
0x40a: {  	[tilespmem:s3+$0x300] =	vst v12;
	v10 =	vld.idx.msk [tilespmem:v11+s2+$0x0], $0xffff  }
0x40b: {  	v11 =	vadd.s32 $0x2000, v0;
	v13 =	vld.idx.msk [tilespmem:v13+s2+$0x0], $0xffff;
	[tilespmem:s0+$0x2100] =	vst v6  }
0x40c: {  	v12 =	vadd.s32 $0x3400, v4;
	[tilespmem:s4+$0x100] =	vst v15;
	v6 =	vld.idx.msk [tilespmem:v14+s2+$0x0], $0xffff  }
0x40d: {  	[tilespmem:s4+$0x110] =	vst v9;
	v14 =	vld.idx.msk [tilespmem:v16+s2+$0x0], $0xffff  }
0x40e: {  	v16 =	vadd.s32 $0x2000, v5;
	v7 =	vld.idx.msk [tilespmem:v7+s2+$0x0], $0xffff  }
0x40f: {  	v17 =	vadd.s32 $0x1000, v8;
	[tilespmem:s3+$0x390] =	vst v2;
	v2 =	vld [tilespmem:s29+$0x10410]  }
0x410: {  	v9 =	vld.idx.msk [tilespmem:v11+s2+$0x0], $0xffff;
	[tilespmem:s0+$0x2210] =	vst v10;
	v10 =	vadd.s32 $0x1000, v1  }
0x411: {  	[tilespmem:s3+$0x380] =	vst v13;
	v11 =	vld.idx.msk [tilespmem:v12+s2+$0x0], $0xffff;
	v12 =	vadd.s32 $0x2400, v0  }
0x412: {  	v15 =	vadd.s32 $0x3800, v4;
	[tilespmem:s4+$0x180] =	vst v14  }
0x413: {  	v13 =	vld.idx.msk [tilespmem:v16+s2+$0x0], $0xffff;
	[tilespmem:s0+$0x2180] =	vst v6  }
0x414: {  	[tilespmem:s4+$0x190] =	vst v7;
	v6 =	vld.idx.msk [tilespmem:v17+s2+$0x0], $0xffff  }
0x415: {  	v7 =	vadd.s32 $0x3000, v3;
	v10 =	vld.idx.msk [tilespmem:v10+s2+$0x0], $0xffff;
	[tilespmem:s3+$0x2010] =	vst v9  }
0x416: {  	v9 =	vld.idx.msk [tilespmem:v12+s2+$0x0], $0xffff;
	[tilespmem:s0+$0x2290] =	vst v11;
	v11 =	vadd.s32 $0x1400, v1  }
0x417: {  	v14 =	vadd.s32 $0x2800, v0;
	v12 =	vld.idx.msk [tilespmem:v15+s2+$0x0], $0xffff  }
0x418: {  	s30 =	simm.s32 $0x0;
	v15 =	vadd.s32 $0x1400, v8;
	v16 =	vld.idx.msk [tilespmem:v2+s2+$0x0], $0xffff  }
0x419: {  	s8 =	smul.u32 $0xE00, s30;
	v4 =	vadd.s32 $0x3C00, v4;
	[tilespmem:s3+$0x2000] =	vst v13;
	v13 =	vld.idx.msk [tilespmem:v29+s2+$0x0], $0xffff  }
0x41a: {  	v7 =	vld.idx.msk [tilespmem:v7+s2+$0x0], $0xffff;
	[tilespmem:s4+$0x210] =	vst v10;
	v10 =	vadd.s32 $0x2400, v5  }
0x41b: {  	s8 =	sshra.s32 s8, $0x2;
	v17 =	vadd.s32 $0x3400, v3;
	v11 =	vld.idx.msk [tilespmem:v11+s2+$0x0], $0xffff;
	[tilespmem:s3+$0x2090] =	vst v9  }
0x41c: {  	s31 =	sadd.s32 $0x60, s8;
	[tilespmem:s4+$0x200] =	vst v6;
	v9 =	vadd.s32 $0x400, v2;
	v14 =	vld.idx.msk [tilespmem:v14+s2+$0x0], $0xffff  }
0x41d: {  	s8 =	sadd.s32 $0x11000, s31;
	[tilespmem:s0+$0x2310] =	vst v12;
	v12 =	vadd.s32 $0x1800, v1;
	v15 =	vld.idx.msk [tilespmem:v15+s2+$0x0], $0xffff  }
0x41e: {  	v6 =	vadd.s32 $0x2C00, v0;
	[tilespmem:s8+$0x10] =	vst v16;
	v4 =	vld.idx.msk [tilespmem:v4+s2+$0x0], $0xffff  }
0x41f: {  	v16 =	vadd.s32 $0x1800, v8;
	[tilespmem:s0+$0x2200] =	vst v7;
	v10 =	vld.idx.msk [tilespmem:v10+s2+$0x0], $0xffff  }
0x420: {  	[tilespmem:s31+$0x11000] =	vst v13;
	v7 =	vadd.s32 $0x400, v29;
	v17 =	vld.idx.msk [tilespmem:v17+s2+$0x0], $0xffff  }
0x421: {  	v9 =	vld.idx.msk [tilespmem:v9+s2+$0x0], $0xffff;
	[tilespmem:s4+$0x290] =	vst v11;
	v11 =	vadd.s32 $0x2800, v5  }
0x422: {  	v20 =	vadd.s32 $0x3800, v3;
	v12 =	vld.idx.msk [tilespmem:v12+s2+$0x0], $0xffff;
	[tilespmem:s3+$0x2110] =	vst v14  }
0x423: {  	v14 =	vadd.s32 $0x800, v2;
	[tilespmem:s4+$0x280] =	vst v15;
	v18 =	vld.idx.msk [tilespmem:v6+s2+$0x0], $0xffff  }
0x424: {  	v13 =	vadd.s32 $0x1C00, v1;
	[tilespmem:s0+$0x2390] =	vst v4;
	v21 =	vld.idx.msk [tilespmem:v16+s2+$0x0], $0xffff  }
0x425: {  	v15 =	vadd.s32 $0x3000, v0;
	v7 =	vld.idx.msk [tilespmem:v7+s2+$0x0], $0xffff;
	[tilespmem:s3+$0x2080] =	vst v10  }
0x426: {  	v60 =	vadd.s32 $0x3C00, v3;
	v27 =	vadd.s32 $0xC00, v29;
	v23 =	vadd.s32 $0x1C00, v8;
	[tilespmem:s0+$0x2280] =	vst v17;
	v11 =	vld.idx.msk [tilespmem:v11+s2+$0x0], $0xffff  }
0x427: {  	v26 =	vadd.s32 $0x1000, v29;
	v24 =	vadd.s32 $0x1400, v29;
	v10 =	vadd.s32 $0x800, v29;
	[tilespmem:s8+$0x90] =	vst v9;
	v61 =	vld.idx.msk [tilespmem:v20+s2+$0x0], $0xffff  }
0x428: {  	v22 =	vadd.s32 $0x2C00, v5;
	v63 =	vadd.s32 $0x3400, v0;
	v19 =	vadd.s32 $0x2000, v8;
	v25 =	vld.idx.msk [tilespmem:v14+s2+$0x0], $0xffff;
	[tilespmem:s4+$0x310] =	vst v12  }
0x429: {  	v3 =	vadd.s32 $0x3C00, v5;
	v35 =	vadd.s32 $0x1000, v2;
	v12 =	vld.idx.msk [tilespmem:v13+s2+$0x0], $0xffff;
	[tilespmem:s3+$0x2190] =	vst v18;
	v18 =	vadd.s32 $0xC00, v2  }
0x42a: {  	v6 =	vadd.s32 $0x3400, v5;
	v4 =	vadd.s32 $0x3800, v5;
	v17 =	vadd.s32 $0x2000, v1;
	[tilespmem:s4+$0x300] =	vst v21;
	v30 =	vld.idx.msk [tilespmem:v15+s2+$0x0], $0xffff  }
0x42b: {  	v16 =	vadd.s32 $0x2400, v8;
	v9 =	vadd.s32 $0x3000, v5;
	v5 =	vadd.s32 $0x3C00, v8;
	[tilespmem:s8+$0x80] =	vst v7;
	v31 =	vld.idx.msk [tilespmem:v23+s2+$0x0], $0xffff  }
0x42c: {  	v20 =	vadd.s32 $0x2800, v29;
	v14 =	vadd.s32 $0x2C00, v8;
	v13 =	vadd.s32 $0x3000, v8;
	v62 =	vld.idx.msk [tilespmem:v10+s2+$0x0], $0xffff;
	[tilespmem:s3+$0x2100] =	vst v11  }
0x42d: {  	v21 =	vadd.s32 $0x2400, v29;
	v15 =	vadd.s32 $0x2800, v8;
	v7 =	vadd.s32 $0x3800, v8;
	[tilespmem:s8+$0x110] =	vst v25;
	v28 =	vld.idx.msk [tilespmem:v22+s2+$0x0], $0xffff  }
0x42e: {  	v23 =	vadd.s32 $0x1800, v29;
	v10 =	vadd.s32 $0x3400, v8;
	v8 =	vadd.s32 $0x3C00, v29;
	v34 =	vld.idx.msk [tilespmem:v18+s2+$0x0], $0xffff;
	[tilespmem:s4+$0x390] =	vst v12  }
0x42f: {  	v11 =	vadd.s32 $0x3800, v29;
	[tilespmem:s0+$0x2300] =	vst v61;
	v22 =	vadd.s32 $0x1C00, v29;
	v25 =	vadd.s32 $0x2000, v29;
	v32 =	vld.idx.msk [tilespmem:v17+s2+$0x0], $0xffff  }
0x430: {  	v18 =	vadd.s32 $0x2C00, v29;
	v12 =	vadd.s32 $0x3400, v29;
	[tilespmem:s3+$0x2210] =	vst v30;
	v17 =	vadd.s32 $0x3000, v29;
	v29 =	vld.idx.msk [tilespmem:v60+s2+$0x0], $0xffff  }
0x431: {  	s9 =	simm.s32 $0x6;
	s14 =	simm.s32 $0x6;
	s15 =	simm.s32 $0x200;
	v33 =	vadd.s32 $0x2400, v1;
	v30 =	vld.idx.msk [tilespmem:v63+s2+$0x0], $0xffff;
	[tilespmem:s8+$0x100] =	vst v62  }
.LBB2_11:
0x432: {  	s16 =	sshra.s32 s15, $0x2;
	s9 =	sadd.s32 $0x2, s9;
	v27 =	vld.idx.msk [tilespmem:v27+s2+$0x0], $0xffff;
	[tilespmem:s4+$0x380] =	vst v31;
	v31 =	vadd.s32 $0x3800, v0  }
0x433: {  	v36 =	vld [tilespmem:s16+$0x10410];
	p0 =	slt.u32 s9, $0x3E;
	[tilespmem:s3+$0x2180] =	vst v28  }
0x434: {  	v28 =	vld [tilespmem:s16+$0x10400];
	[tilespmem:s8+$0x190] =	vst v34  }
0x435: {  	v34 =	vld.idx.msk [tilespmem:v35+s2+$0x0], $0xffff;
	[tilespmem:s4+$0x2010] =	vst v32  }
0x436: {  	v32 =	vld.idx.msk [tilespmem:v33+s2+$0x0], $0xffff;
	[tilespmem:s3+$0x2290] =	vst v30  }
0x437: {  	v30 =	vadd.s32 $0x1400, v2;
	v31 =	vld.idx.msk [tilespmem:v31+s2+$0x0], $0xffff;
	[tilespmem:s0+$0x2380] =	vst v29;
	s0 =	smov.u32 s3;
	s3 =	smov.u32 s4;
	s4 =	smov.u32 s8  }
0x438: {  	v33 =	vadd.s32 $0x2800, v1;
	[tilespmem:s4+$0x180] =	vst v27;
	v29 =	vld.idx.msk [tilespmem:v19+s2+$0x0], $0xffff;
	v19 =	vmov v25  }
0x439: {  	v39 =	vadd.s32 $0x3C00, v0;
	v0 =	vmovc v1;
	v1 =	vmovc v2;
	v35 =	vadd.s32 $0x400, v28;
	v37 =	vadd.s32 $0x800, v28;
	v38 =	vld.idx.msk [tilespmem:v26+s2+$0x0], $0xffff  }
0x43a: {  	s14 =	sadd.s32 $0x2, s14;
	v2 =	vmovc v36;
	v27 =	vadd.s32 $0xC00, v28;
	v26 =	vadd.s32 $0x1000, v28;
	v40 =	vadd.s32 $0x1400, v28;
	v41 =	vld.idx.msk [tilespmem:v9+s2+$0x0], $0xffff;
	v9 =	vmovc v13  }
0x43b: {  	s8 =	sshrl.u32 s14, $0x3;
	v42 =	vadd.s32 $0x1800, v28;
	v43 =	vadd.s32 $0x1C00, v28;
	v25 =	vadd.s32 $0x2000, v28;
	v13 =	vmovc v17;
	v36 =	vld.idx.msk [tilespmem:v36+s2+$0x0], $0xffff;
	[tilespmem:s4+$0x210] =	vst v34  }
0x43c: {  	s8 =	smul.u32 $0xE00, s8;
	v44 =	vadd.s32 $0x2800, v28;
	v45 =	vadd.s32 $0x2C00, v28;
	v34 =	vadd.s32 $0x2400, v28;
	v30 =	vld.idx.msk [tilespmem:v30+s2+$0x0], $0xffff;
	[tilespmem:s3+$0x2090] =	vst v32  }
0x43d: {  	v46 =	vadd.s32 $0x400, v2;
	v17 =	vadd.s32 $0x3000, v28;
	v32 =	vadd.s32 $0x3400, v28;
	v33 =	vld.idx.msk [tilespmem:v33+s2+$0x0], $0xffff;
	[tilespmem:s0+$0x2310] =	vst v31  }
0x43e: {  	v48 =	vadd.s32 $0x1800, v1;
	v47 =	vadd.s32 $0x3C00, v28;
	s8 =	sshra.s32 s8, $0x2;
	v31 =	vadd.s32 $0x3800, v28;
	[tilespmem:s3+$0x2000] =	vst v29;
	v29 =	vld.idx.msk [tilespmem:v39+s2+$0x0], $0xffff  }
0x43f: {  	s16 =	sadd.s32 s16, s8;
	v28 =	vld.idx.msk [tilespmem:v28+s2+$0x0], $0xffff;
	[tilespmem:s4+$0x200] =	vst v38;
	v38 =	vadd.s32 $0x2C00, v0  }
0x440: {  	s8 =	sadd.s32 $0x11000, s16;
	v39 =	vld.idx.msk [tilespmem:v24+s2+$0x0], $0xffff;
	[tilespmem:s0+$0x2200] =	vst v41;
	v24 =	vmov v40  }
0x441: {  	[tilespmem:s8+$0x10] =	vst v36;
	v36 =	vld.idx.msk [tilespmem:v16+s2+$0x0], $0xffff;
	v16 =	vmov v21;
	v21 =	vmov v34  }
0x442: {  	v34 =	vld.idx.msk [tilespmem:v46+s2+$0x0], $0xffff;
	[tilespmem:s4+$0x290] =	vst v30  }
0x443: {  	v30 =	vld.idx.msk [tilespmem:v48+s2+$0x0], $0xffff;
	[tilespmem:s3+$0x2110] =	vst v33  }
0x444: {  	v33 =	vadd.s32 $0x800, v2;
	v38 =	vld.idx.msk [tilespmem:v38+s2+$0x0], $0xffff;
	[tilespmem:s0+$0x2390] =	vst v29  }
0x445: {  	[tilespmem:s16+$0x11000] =	vst v28;
	v28 =	vadd.s32 $0x1C00, v1;
	v29 =	vld.idx.msk [tilespmem:v6+s2+$0x0], $0xffff;
	v6 =	vmovc v10;
	v10 =	vmov v12;
	v12 =	vmov v32  }
0x446: {  	v32 =	vld.idx.msk [tilespmem:v35+s2+$0x0], $0xffff;
	[tilespmem:s4+$0x280] =	vst v39;
	v35 =	vadd.s32 $0x3000, v0  }
0x447: {  	v39 =	vld.idx.msk [tilespmem:v23+s2+$0x0], $0xffff;
	[tilespmem:s3+$0x2080] =	vst v36;
	v23 =	vmov v42  }
0x448: {  	[tilespmem:s8+$0x90] =	vst v34;
	v34 =	vld.idx.msk [tilespmem:v15+s2+$0x0], $0xffff;
	v15 =	vmov v20;
	v20 =	vmov v44  }
0x449: {  	v33 =	vld.idx.msk [tilespmem:v33+s2+$0x0], $0xffff;
	[tilespmem:s4+$0x310] =	vst v30  }
0x44a: {  	v30 =	vld.idx.msk [tilespmem:v28+s2+$0x0], $0xffff;
	[tilespmem:s3+$0x2190] =	vst v38  }
0x44b: {  	v36 =	vadd.s32 $0xC00, v2;
	v35 =	vld.idx.msk [tilespmem:v35+s2+$0x0], $0xffff;
	[tilespmem:s0+$0x2280] =	vst v29  }
0x44c: {  	v29 =	vadd.s32 $0x2000, v1;
	[tilespmem:s8+$0x80] =	vst v32;
	v38 =	vld.idx.msk [tilespmem:v4+s2+$0x0], $0xffff;
	v4 =	vmovc v7;
	v7 =	vmov v11;
	v11 =	vmov v31  }
0x44d: {  	v37 =	vld.idx.msk [tilespmem:v37+s2+$0x0], $0xffff;
	[tilespmem:s4+$0x300] =	vst v39;
	v39 =	vadd.s32 $0x3400, v0  }
0x44e: {  	v31 =	vld.idx.msk [tilespmem:v22+s2+$0x0], $0xffff;
	[tilespmem:s3+$0x2100] =	vst v34;
	v22 =	vmov v43  }
.Ltmp4:
0x44f: {  	[tilespmem:s8+$0x110] =	vst v33;
	v28 =	vld.idx.msk [tilespmem:v14+s2+$0x0], $0xffff;
	v14 =	vmov v18;
	v18 =	vmov v45;
	(pc) =	sbr.rel @p0 .LBB2_11-.Ltmp4, $4  }
0x450: {  	v34 =	vld.idx.msk [tilespmem:v36+s2+$0x0], $0xffff;
	[tilespmem:s4+$0x390] =	vst v30  }
0x451: {  	v32 =	vld.idx.msk [tilespmem:v29+s2+$0x0], $0xffff;
	[tilespmem:s3+$0x2210] =	vst v35  }
0x452: {  	v35 =	vadd.s32 $0x1000, v2;
	v30 =	vld.idx.msk [tilespmem:v39+s2+$0x0], $0xffff;
	[tilespmem:s0+$0x2300] =	vst v38  }
0x453: {  	s15 =	sadd.s32 $0x80, s15;
	v33 =	vadd.s32 $0x2400, v1;
	[tilespmem:s8+$0x100] =	vst v37;
	v29 =	vld.idx.msk [tilespmem:v3+s2+$0x0], $0xffff;
	v3 =	vmovc v5;
	v5 =	vmov v8;
	v8 =	vmov v47  }
0x454: {  	_ =	sdelay $0x3  }
0x455: {  	v27 =	vld.idx.msk [tilespmem:v27+s2+$0x0], $0xffff;
	_ =	sdelay $0x3  }
0x456: {  	[tilespmem:s8+$0x190] =	vst v34  }
0x457: {  	v34 =	vld.idx.msk [tilespmem:v35+s2+$0x0], $0xffff;
	[tilespmem:s8+$0x180] =	vst v27  }
0x458: {  	v27 =	vadd.s32 $0x1400, v2;
	v26 =	vld.idx.msk [tilespmem:v26+s2+$0x0], $0xffff;
	_ =	sdelay $0x3  }
0x459: {  	[tilespmem:s8+$0x210] =	vst v34  }
0x45a: {  	v27 =	vld.idx.msk [tilespmem:v27+s2+$0x0], $0xffff;
	[tilespmem:s8+$0x200] =	vst v26  }
0x45b: {  	v26 =	vadd.s32 $0x1800, v2;
	v24 =	vld.idx.msk [tilespmem:v24+s2+$0x0], $0xffff;
	_ =	sdelay $0x3  }
0x45c: {  	[tilespmem:s8+$0x290] =	vst v27  }
0x45d: {  	v26 =	vld.idx.msk [tilespmem:v26+s2+$0x0], $0xffff;
	[tilespmem:s8+$0x280] =	vst v24  }
0x45e: {  	v24 =	vadd.s32 $0x1C00, v2;
	v23 =	vld.idx.msk [tilespmem:v23+s2+$0x0], $0xffff;
	_ =	sdelay $0x3  }
0x45f: {  	[tilespmem:s8+$0x310] =	vst v26  }
0x460: {  	v24 =	vld.idx.msk [tilespmem:v24+s2+$0x0], $0xffff;
	[tilespmem:s8+$0x300] =	vst v23  }
0x461: {  	v23 =	vadd.s32 $0x2000, v2;
	v22 =	vld.idx.msk [tilespmem:v22+s2+$0x0], $0xffff;
	_ =	sdelay $0x1  }
0x462: {  	[tilespmem:s4+$0x380] =	vst v31  }
0x463: {  	v19 =	vld.idx.msk [tilespmem:v19+s2+$0x0], $0xffff  }
0x464: {  	[tilespmem:s8+$0x390] =	vst v24  }
0x465: {  	v23 =	vld.idx.msk [tilespmem:v23+s2+$0x0], $0xffff;
	[tilespmem:s8+$0x380] =	vst v22  }
0x466: {  	v22 =	vadd.s32 $0x2400, v2;
	v24 =	vld.idx.msk [tilespmem:v25+s2+$0x0], $0xffff;
	_ =	sdelay $0x1  }
0x467: {  	[tilespmem:s4+$0x2000] =	vst v19  }
0x468: {  	[tilespmem:s4+$0x2010] =	vst v32;
	v16 =	vld.idx.msk [tilespmem:v16+s2+$0x0], $0xffff  }
0x469: {  	v25 =	vld.idx.msk [tilespmem:v33+s2+$0x0], $0xffff;
	[tilespmem:s8+$0x2010] =	vst v23  }
0x46a: {  	v19 =	vadd.s32 $0x2800, v1;
	v22 =	vld.idx.msk [tilespmem:v22+s2+$0x0], $0xffff;
	[tilespmem:s8+$0x2000] =	vst v24  }
0x46b: {  	v23 =	vadd.s32 $0x2800, v2;
	v21 =	vld.idx.msk [tilespmem:v21+s2+$0x0], $0xffff;
	_ =	sdelay $0x1  }
0x46c: {  	[tilespmem:s4+$0x2080] =	vst v16  }
0x46d: {  	v15 =	vld.idx.msk [tilespmem:v15+s2+$0x0], $0xffff;
	[tilespmem:s4+$0x2090] =	vst v25  }
0x46e: {  	v19 =	vld.idx.msk [tilespmem:v19+s2+$0x0], $0xffff;
	[tilespmem:s8+$0x2090] =	vst v22  }
0x46f: {  	v16 =	vadd.s32 $0x2C00, v1;
	v22 =	vld.idx.msk [tilespmem:v23+s2+$0x0], $0xffff;
	[tilespmem:s8+$0x2080] =	vst v21  }
0x470: {  	v21 =	vadd.s32 $0x2C00, v2;
	v20 =	vld.idx.msk [tilespmem:v20+s2+$0x0], $0xffff;
	_ =	sdelay $0x1  }
0x471: {  	[tilespmem:s4+$0x2100] =	vst v15  }
0x472: {  	v14 =	vld.idx.msk [tilespmem:v14+s2+$0x0], $0xffff;
	[tilespmem:s4+$0x2110] =	vst v19  }
0x473: {  	v16 =	vld.idx.msk [tilespmem:v16+s2+$0x0], $0xffff;
	[tilespmem:s8+$0x2110] =	vst v22  }
0x474: {  	v15 =	vadd.s32 $0x3000, v1;
	v19 =	vld.idx.msk [tilespmem:v21+s2+$0x0], $0xffff;
	[tilespmem:s8+$0x2100] =	vst v20  }
0x475: {  	v20 =	vadd.s32 $0x3000, v2;
	v18 =	vld.idx.msk [tilespmem:v18+s2+$0x0], $0xffff  }
0x476: {  	[tilespmem:s3+$0x2180] =	vst v28  }
0x477: {  	v9 =	vld.idx.msk [tilespmem:v9+s2+$0x0], $0xffff;
	[tilespmem:s4+$0x2180] =	vst v14  }
0x478: {  	v13 =	vld.idx.msk [tilespmem:v13+s2+$0x0], $0xffff;
	[tilespmem:s4+$0x2190] =	vst v16  }
0x479: {  	v15 =	vld.idx.msk [tilespmem:v15+s2+$0x0], $0xffff;
	[tilespmem:s8+$0x2190] =	vst v19  }
0x47a: {  	v14 =	vadd.s32 $0x3400, v1;
	v16 =	vld.idx.msk [tilespmem:v20+s2+$0x0], $0xffff;
	[tilespmem:s8+$0x2180] =	vst v18  }
0x47b: {  	[tilespmem:s3+$0x2290] =	vst v30;
	v18 =	vadd.s32 $0x3400, v2;
	v17 =	vld.idx.msk [tilespmem:v17+s2+$0x0], $0xffff  }
0x47c: {  	[tilespmem:s3+$0x2200] =	vst v9  }
0x47d: {  	v9 =	vadd.s32 $0x3800, v0;
	v6 =	vld.idx.msk [tilespmem:v6+s2+$0x0], $0xffff;
	[tilespmem:s4+$0x2200] =	vst v13  }
0x47e: {  	v10 =	vld.idx.msk [tilespmem:v10+s2+$0x0], $0xffff;
	[tilespmem:s4+$0x2210] =	vst v15  }
0x47f: {  	v14 =	vld.idx.msk [tilespmem:v14+s2+$0x0], $0xffff;
	[tilespmem:s8+$0x2210] =	vst v16  }
0x480: {  	v13 =	vadd.s32 $0x3800, v1;
	v15 =	vld.idx.msk [tilespmem:v18+s2+$0x0], $0xffff;
	[tilespmem:s8+$0x2200] =	vst v17  }
0x481: {  	[tilespmem:s0+$0x2380] =	vst v29;
	v16 =	vadd.s32 $0x3800, v2;
	v12 =	vld.idx.msk [tilespmem:v12+s2+$0x0], $0xffff  }
0x482: {  	v9 =	vld.idx.msk [tilespmem:v9+s2+$0x0], $0xffff;
	[tilespmem:s3+$0x2280] =	vst v6  }
0x483: {  	v0 =	vadd.s32 $0x3C00, v0;
	v4 =	vld.idx.msk [tilespmem:v4+s2+$0x0], $0xffff;
	[tilespmem:s4+$0x2280] =	vst v10  }
0x484: {  	v7 =	vld.idx.msk [tilespmem:v7+s2+$0x0], $0xffff;
	[tilespmem:s4+$0x2290] =	vst v14  }
0x485: {  	v6 =	vld.idx.msk [tilespmem:v13+s2+$0x0], $0xffff;
	[tilespmem:s8+$0x2290] =	vst v15  }
0x486: {  	v1 =	vadd.s32 $0x3C00, v1;
	v10 =	vld.idx.msk [tilespmem:v16+s2+$0x0], $0xffff;
	[tilespmem:s8+$0x2280] =	vst v12  }
0x487: {  	[tilespmem:s3+$0x2310] =	vst v9;
	v2 =	vadd.s32 $0x3C00, v2;
	v9 =	vld.idx.msk [tilespmem:v11+s2+$0x0], $0xffff  }
0x488: {  	v0 =	vld.idx.msk [tilespmem:v0+s2+$0x0], $0xffff;
	[tilespmem:s3+$0x2300] =	vst v4  }
0x489: {  	v3 =	vld.idx.msk [tilespmem:v3+s2+$0x0], $0xffff;
	[tilespmem:s4+$0x2300] =	vst v7  }
0x48a: {  	v4 =	vld.idx.msk [tilespmem:v5+s2+$0x0], $0xffff;
	[tilespmem:s4+$0x2310] =	vst v6  }
0x48b: {  	v1 =	vld.idx.msk [tilespmem:v1+s2+$0x0], $0xffff;
	[tilespmem:s8+$0x2310] =	vst v10  }
0x48c: {  	v2 =	vld.idx.msk [tilespmem:v2+s2+$0x0], $0xffff;
	[tilespmem:s8+$0x2300] =	vst v9  }
0x48d: {  	[tilespmem:s3+$0x2390] =	vst v0;
	v0 =	vld.idx.msk [tilespmem:v8+s2+$0x0], $0xffff  }
0x48e: {  	[tilespmem:s3+$0x2380] =	vst v3  }
0x48f: {  	[tilespmem:s4+$0x2380] =	vst v4  }
0x490: {  	[tilespmem:s4+$0x2390] =	vst v1  }
0x491: {  	s28 =	sshll.u32 s28, $0xD;
	[tilespmem:s8+$0x2390] =	vst v2  }
0x492: {  	s15 =	simm.s32 $0x0;
	s14 =	sadd.s32 s1, s28;
	[tilespmem:s8+$0x2380] =	vst v0  }
0x493: {  	[hbm4b:s14+s15] =	stream.linear.scatter [tilespmem:s21], [sflag:$0x2], $0x4000, $0x38;
	[tilespmem:$0x19000] =	vst v63  }
0x494: {  	_ =	swait.ge [sflag:s24], $0x4000  }
0x495: {  	[sflag:s24] =	ssyncset.done $0x0  }
0x496: {  	s16 =	simm.s32 $0x0;
	[sflag:s24] =	ssyncadd.s32 $0xFFFFC000  }
0x497: {  	v4 =	vld [tilespmem:s16+$0x10410];
	_ =	sdelay $0x4  }
0x498: {  	v0 =	vadd.s32 $0x4000, v4;
	_ =	sdelay $0x2  }
0x499: {  	v3 =	vld [tilespmem:s16+$0x10400]  }
0x49a: {  	s17 =	simm.s32 $0x0  }
0x49b: {  	s0 =	smul.u32 $0xE00, s17;
	v0 =	vld.idx.msk [tilespmem:v0+s2+$0x0], $0xffff  }
0x49c: {  	v1 =	vadd.s32 $0x4400, v4  }
0x49d: {  	s0 =	sshra.s32 s0, $0x2  }
0x49e: {  	s0 =	sadd.s32 $0x0, s0;
	v2 =	vadd.s32 $0x4000, v3  }
0x49f: {  	s0 =	sadd.s32 $0x11000, s0  }
0x4a0: {  	[tilespmem:s0+$0x4010] =	vst v0  }
0x4a1: {  	v0 =	vld.idx.msk [tilespmem:v1+s2+$0x0], $0xffff  }
0x4a2: {  	v1 =	vadd.s32 $0x4800, v4  }
0x4a3: {  	v2 =	vld.idx.msk [tilespmem:v2+s2+$0x0], $0xffff  }
0x4a4: {  	v5 =	vadd.s32 $0x4400, v3;
	_ =	sdelay $0x1  }
0x4a5: {  	[tilespmem:s0+$0x4090] =	vst v0  }
0x4a6: {  	v0 =	vld.idx.msk [tilespmem:v1+s2+$0x0], $0xffff  }
0x4a7: {  	[tilespmem:s0+$0x4000] =	vst v2;
	v1 =	vadd.s32 $0x4C00, v4  }
0x4a8: {  	v2 =	vld.idx.msk [tilespmem:v5+s2+$0x0], $0xffff  }
0x4a9: {  	v5 =	vadd.s32 $0x4800, v3;
	_ =	sdelay $0x1  }
0x4aa: {  	[tilespmem:s0+$0x4110] =	vst v0  }
0x4ab: {  	s19 =	simm.s32 $0x20;
	v1 =	vld.idx.msk [tilespmem:v1+s2+$0x0], $0xffff  }
0x4ac: {  	[tilespmem:s0+$0x4080] =	vst v2;
	v2 =	vadd.s32 $0x5000, v4;
	v0 =	vld [tilespmem:s19+$0x10410]  }
0x4ad: {  	v6 =	vld.idx.msk [tilespmem:v5+s2+$0x0], $0xffff  }
0x4ae: {  	v7 =	vadd.s32 $0x4C00, v3;
	_ =	sdelay $0x1  }
0x4af: {  	v5 =	vld [tilespmem:s19+$0x10400];
	[tilespmem:s0+$0x4190] =	vst v1  }
0x4b0: {  	v1 =	vld.idx.msk [tilespmem:v2+s2+$0x0], $0xffff;
	v2 =	vadd.s32 $0x4000, v0  }
0x4b1: {  	[tilespmem:s0+$0x4100] =	vst v6;
	v6 =	vadd.s32 $0x5400, v4  }
0x4b2: {  	v7 =	vld.idx.msk [tilespmem:v7+s2+$0x0], $0xffff  }
0x4b3: {  	v8 =	vadd.s32 $0x5000, v3  }
0x4b4: {  	s20 =	simm.s32 $0x0  }
0x4b5: {  	s3 =	smul.u32 $0xE00, s20;
	v9 =	vadd.s32 $0x4000, v5;
	v2 =	vld.idx.msk [tilespmem:v2+s2+$0x0], $0xffff;
	[tilespmem:s0+$0x4210] =	vst v1  }
0x4b6: {  	v1 =	vld.idx.msk [tilespmem:v6+s2+$0x0], $0xffff;
	v6 =	vadd.s32 $0x4400, v0  }
0x4b7: {  	s3 =	sshra.s32 s3, $0x2;
	[tilespmem:s0+$0x4180] =	vst v7;
	v7 =	vadd.s32 $0x5800, v4  }
0x4b8: {  	s3 =	sadd.s32 $0x20, s3;
	v8 =	vld.idx.msk [tilespmem:v8+s2+$0x0], $0xffff  }
0x4b9: {  	s3 =	sadd.s32 $0x11000, s3;
	v10 =	vadd.s32 $0x5400, v3  }
0x4ba: {  	v9 =	vld.idx.msk [tilespmem:v9+s2+$0x0], $0xffff;
	[tilespmem:s3+$0x4010] =	vst v2  }
0x4bb: {  	v2 =	vadd.s32 $0x4400, v5;
	v6 =	vld.idx.msk [tilespmem:v6+s2+$0x0], $0xffff;
	[tilespmem:s0+$0x4290] =	vst v1  }
0x4bc: {  	v1 =	vld.idx.msk [tilespmem:v7+s2+$0x0], $0xffff;
	v7 =	vadd.s32 $0x4800, v0  }
0x4bd: {  	[tilespmem:s0+$0x4200] =	vst v8;
	v8 =	vadd.s32 $0x5C00, v4  }
0x4be: {  	v10 =	vld.idx.msk [tilespmem:v10+s2+$0x0], $0xffff  }
0x4bf: {  	v11 =	vadd.s32 $0x5800, v3;
	[tilespmem:s3+$0x4000] =	vst v9  }
0x4c0: {  	v2 =	vld.idx.msk [tilespmem:v2+s2+$0x0], $0xffff;
	[tilespmem:s3+$0x4090] =	vst v6  }
0x4c1: {  	v6 =	vadd.s32 $0x4800, v5;
	v7 =	vld.idx.msk [tilespmem:v7+s2+$0x0], $0xffff;
	[tilespmem:s0+$0x4310] =	vst v1  }
0x4c2: {  	v1 =	vld.idx.msk [tilespmem:v8+s2+$0x0], $0xffff;
	v8 =	vadd.s32 $0x4C00, v0  }
0x4c3: {  	[tilespmem:s0+$0x4280] =	vst v10  }
0x4c4: {  	v9 =	vadd.s32 $0x6000, v4;
	v10 =	vld.idx.msk [tilespmem:v11+s2+$0x0], $0xffff  }
0x4c5: {  	v11 =	vadd.s32 $0x5C00, v3;
	[tilespmem:s3+$0x4080] =	vst v2  }
0x4c6: {  	v2 =	vld.idx.msk [tilespmem:v6+s2+$0x0], $0xffff;
	[tilespmem:s3+$0x4110] =	vst v7  }
0x4c7: {  	s25 =	simm.s32 $0x40;
	v6 =	vadd.s32 $0x4C00, v5;
	v7 =	vld.idx.msk [tilespmem:v8+s2+$0x0], $0xffff  }
0x4c8: {  	[tilespmem:s0+$0x4390] =	vst v1;
	v1 =	vld [tilespmem:s25+$0x10410]  }
0x4c9: {  	[tilespmem:s0+$0x4300] =	vst v10;
	v10 =	vadd.s32 $0x5000, v0;
	v8 =	vld.idx.msk [tilespmem:v9+s2+$0x0], $0xffff  }
0x4ca: {  	v12 =	vadd.s32 $0x6400, v4;
	v11 =	vld.idx.msk [tilespmem:v11+s2+$0x0], $0xffff  }
0x4cb: {  	v9 =	vld [tilespmem:s25+$0x10400];
	[tilespmem:s3+$0x4100] =	vst v2  }
0x4cc: {  	v2 =	vadd.s32 $0x6000, v3;
	v6 =	vld.idx.msk [tilespmem:v6+s2+$0x0], $0xffff  }
0x4cd: {  	v13 =	vadd.s32 $0x5000, v5;
	[tilespmem:s3+$0x4190] =	vst v7  }
0x4ce: {  	v7 =	vld.idx.msk [tilespmem:v10+s2+$0x0], $0xffff;
	[tilespmem:s0+$0x6010] =	vst v8;
	v8 =	vadd.s32 $0x4000, v1  }
0x4cf: {  	s30 =	simm.s32 $0x60;
	v10 =	vld.idx.msk [tilespmem:v12+s2+$0x0], $0xffff;
	v12 =	vadd.s32 $0x5400, v0  }
0x4d0: {  	v31 =	vld [tilespmem:s30+$0x10400];
	[tilespmem:s0+$0x4380] =	vst v11;
	v11 =	vadd.s32 $0x6800, v4  }
0x4d1: {  	v14 =	vadd.s32 $0x4000, v9;
	v2 =	vld.idx.msk [tilespmem:v2+s2+$0x0], $0xffff;
	[tilespmem:s3+$0x4180] =	vst v6  }
0x4d2: {  	s29 =	simm.s32 $0x0;
	v6 =	vadd.s32 $0x6400, v3;
	v13 =	vld.idx.msk [tilespmem:v13+s2+$0x0], $0xffff  }
0x4d3: {  	s4 =	smul.u32 $0xE00, s29;
	v15 =	vadd.s32 $0x5400, v5;
	v8 =	vld.idx.msk [tilespmem:v8+s2+$0x0], $0xffff;
	[tilespmem:s3+$0x4210] =	vst v7  }
0x4d4: {  	v7 =	vld.idx.msk [tilespmem:v12+s2+$0x0], $0xffff;
	[tilespmem:s0+$0x6090] =	vst v10;
	v10 =	vadd.s32 $0x4400, v1  }
0x4d5: {  	s4 =	sshra.s32 s4, $0x2;
	v12 =	vadd.s32 $0x5800, v0;
	v11 =	vld.idx.msk [tilespmem:v11+s2+$0x0], $0xffff  }
0x4d6: {  	s4 =	sadd.s32 $0x40, s4;
	[tilespmem:s0+$0x6000] =	vst v2;
	v2 =	vld.idx.msk [tilespmem:v14+s2+$0x0], $0xffff;
	v14 =	vadd.s32 $0x6C00, v4  }
0x4d7: {  	s4 =	sadd.s32 $0x11000, s4;
	v16 =	vadd.s32 $0x4400, v9;
	v6 =	vld.idx.msk [tilespmem:v6+s2+$0x0], $0xffff;
	[tilespmem:s3+$0x4200] =	vst v13  }
0x4d8: {  	v13 =	vadd.s32 $0x6800, v3;
	[tilespmem:s4+$0x4010] =	vst v8;
	v8 =	vld.idx.msk [tilespmem:v15+s2+$0x0], $0xffff  }
0x4d9: {  	v15 =	vadd.s32 $0x5800, v5;
	v10 =	vld.idx.msk [tilespmem:v10+s2+$0x0], $0xffff;
	[tilespmem:s3+$0x4290] =	vst v7  }
0x4da: {  	v7 =	vld.idx.msk [tilespmem:v12+s2+$0x0], $0xffff;
	[tilespmem:s0+$0x6110] =	vst v11;
	v11 =	vadd.s32 $0x4800, v1  }
0x4db: {  	[tilespmem:s4+$0x4000] =	vst v2;
	v2 =	vadd.s32 $0x5C00, v0;
	v12 =	vld.idx.msk [tilespmem:v14+s2+$0x0], $0xffff  }
0x4dc: {  	v14 =	vld.idx.msk [tilespmem:v16+s2+$0x0], $0xffff;
	[tilespmem:s0+$0x6080] =	vst v6;
	v6 =	vadd.s32 $0x7000, v4  }
0x4dd: {  	v16 =	vadd.s32 $0x4800, v9;
	[tilespmem:s3+$0x4280] =	vst v8;
	v8 =	vld.idx.msk [tilespmem:v13+s2+$0x0], $0xffff  }
0x4de: {  	v13 =	vadd.s32 $0x6C00, v3;
	[tilespmem:s4+$0x4090] =	vst v10;
	v10 =	vld.idx.msk [tilespmem:v15+s2+$0x0], $0xffff  }
0x4df: {  	v15 =	vadd.s32 $0x5C00, v5;
	v11 =	vld.idx.msk [tilespmem:v11+s2+$0x0], $0xffff;
	[tilespmem:s3+$0x4310] =	vst v7  }
0x4e0: {  	v7 =	vadd.s32 $0x4C00, v1;
	v2 =	vld.idx.msk [tilespmem:v2+s2+$0x0], $0xffff;
	[tilespmem:s0+$0x6190] =	vst v12  }
0x4e1: {  	[tilespmem:s4+$0x4080] =	vst v14;
	v12 =	vadd.s32 $0x6000, v0;
	v6 =	vld.idx.msk [tilespmem:v6+s2+$0x0], $0xffff  }
0x4e2: {  	v14 =	vld.idx.msk [tilespmem:v16+s2+$0x0], $0xffff;
	[tilespmem:s0+$0x6100] =	vst v8  }
0x4e3: {  	v8 =	vadd.s32 $0x7400, v4;
	[tilespmem:s3+$0x4300] =	vst v10;
	v10 =	vld.idx.msk [tilespmem:v13+s2+$0x0], $0xffff  }
0x4e4: {  	v13 =	vadd.s32 $0x4C00, v9;
	[tilespmem:s4+$0x4110] =	vst v11;
	v11 =	vld.idx.msk [tilespmem:v15+s2+$0x0], $0xffff  }
0x4e5: {  	v15 =	vadd.s32 $0x6000, v5;
	v7 =	vld.idx.msk [tilespmem:v7+s2+$0x0], $0xffff;
	[tilespmem:s3+$0x4390] =	vst v2  }
0x4e6: {  	v12 =	vld.idx.msk [tilespmem:v12+s2+$0x0], $0xffff;
	[tilespmem:s0+$0x6210] =	vst v6;
	v6 =	vadd.s32 $0x5000, v1  }
0x4e7: {  	v16 =	vadd.s32 $0x6400, v0;
	v2 =	vld [tilespmem:s30+$0x10410]  }
0x4e8: {  	v17 =	vadd.s32 $0x7000, v3;
	[tilespmem:s4+$0x4100] =	vst v14;
	v8 =	vld.idx.msk [tilespmem:v8+s2+$0x0], $0xffff  }
0x4e9: {  	v14 =	vadd.s32 $0x7800, v4;
	v13 =	vld.idx.msk [tilespmem:v13+s2+$0x0], $0xffff;
	[tilespmem:s3+$0x4380] =	vst v11  }
0x4ea: {  	[tilespmem:s4+$0x4190] =	vst v7;
	v7 =	vld.idx.msk [tilespmem:v15+s2+$0x0], $0xffff  }
0x4eb: {  	v11 =	vadd.s32 $0x5000, v9;
	v6 =	vld.idx.msk [tilespmem:v6+s2+$0x0], $0xffff;
	[tilespmem:s3+$0x6010] =	vst v12  }
0x4ec: {  	[tilespmem:s0+$0x6180] =	vst v10;
	v12 =	vadd.s32 $0x4000, v2;
	v15 =	vld.idx.msk [tilespmem:v16+s2+$0x0], $0xffff  }
0x4ed: {  	[tilespmem:s0+$0x6290] =	vst v8;
	v8 =	vadd.s32 $0x5400, v1;
	v16 =	vld.idx.msk [tilespmem:v17+s2+$0x0], $0xffff  }
0x4ee: {  	v10 =	vld.idx.msk [tilespmem:v14+s2+$0x0], $0xffff;
	v14 =	vadd.s32 $0x6800, v0  }
0x4ef: {  	[tilespmem:s4+$0x4180] =	vst v13;
	v13 =	vadd.s32 $0x4000, v31  }
0x4f0: {  	v4 =	vadd.s32 $0x7C00, v4;
	v11 =	vld.idx.msk [tilespmem:v11+s2+$0x0], $0xffff  }
0x4f1: {  	s31 =	simm.s32 $0x0;
	v17 =	vadd.s32 $0x6400, v5;
	v12 =	vld.idx.msk [tilespmem:v12+s2+$0x0], $0xffff;
	[tilespmem:s4+$0x4210] =	vst v6  }
0x4f2: {  	s8 =	smul.u32 $0xE00, s31;
	v6 =	vadd.s32 $0x5400, v9;
	v8 =	vld.idx.msk [tilespmem:v8+s2+$0x0], $0xffff;
	[tilespmem:s3+$0x6090] =	vst v15  }
0x4f3: {  	v15 =	vadd.s32 $0x4400, v2;
	[tilespmem:s0+$0x6200] =	vst v16;
	v14 =	vld.idx.msk [tilespmem:v14+s2+$0x0], $0xffff  }
0x4f4: {  	s8 =	sshra.s32 s8, $0x2;
	v16 =	vadd.s32 $0x7400, v3;
	[tilespmem:s0+$0x6310] =	vst v10;
	v10 =	vld.idx.msk [tilespmem:v13+s2+$0x0], $0xffff  }
0x4f5: {  	s8 =	sadd.s32 $0x60, s8;
	[tilespmem:s3+$0x6000] =	vst v7;
	v7 =	vadd.s32 $0x5800, v1;
	v4 =	vld.idx.msk [tilespmem:v4+s2+$0x0], $0xffff  }
0x4f6: {  	s8 =	sadd.s32 $0x11000, s8;
	v13 =	vadd.s32 $0x6C00, v0;
	[tilespmem:s4+$0x4200] =	vst v11;
	v11 =	vld.idx.msk [tilespmem:v17+s2+$0x0], $0xffff  }
0x4f7: {  	v17 =	vadd.s32 $0x4400, v31;
	[tilespmem:s8+$0x4010] =	vst v12;
	v6 =	vld.idx.msk [tilespmem:v6+s2+$0x0], $0xffff  }
0x4f8: {  	v12 =	vadd.s32 $0x6800, v5;
	v15 =	vld.idx.msk [tilespmem:v15+s2+$0x0], $0xffff;
	[tilespmem:s4+$0x4290] =	vst v8  }
0x4f9: {  	v18 =	vadd.s32 $0x5800, v9;
	v21 =	vld.idx.msk [tilespmem:v16+s2+$0x0], $0xffff;
	[tilespmem:s3+$0x6110] =	vst v14  }
0x4fa: {  	v23 =	vadd.s32 $0x7800, v3;
	v24 =	vadd.s32 $0x4800, v31;
	v7 =	vld.idx.msk [tilespmem:v7+s2+$0x0], $0xffff;
	v14 =	vadd.s32 $0x4800, v2;
	[tilespmem:s8+$0x4000] =	vst v10  }
0x4fb: {  	v28 =	vadd.s32 $0x4C00, v31;
	v26 =	vadd.s32 $0x5000, v31;
	v25 =	vadd.s32 $0x5400, v31;
	v13 =	vld.idx.msk [tilespmem:v13+s2+$0x0], $0xffff;
	[tilespmem:s0+$0x6390] =	vst v4  }
0x4fc: {  	v27 =	vadd.s32 $0x6C00, v5;
	v20 =	vadd.s32 $0x5C00, v1;
	v37 =	vadd.s32 $0x6000, v1;
	v22 =	vld.idx.msk [tilespmem:v17+s2+$0x0], $0xffff;
	[tilespmem:s3+$0x6080] =	vst v11  }
0x4fd: {  	v61 =	vadd.s32 $0x5C00, v9;
	v19 =	vadd.s32 $0x6000, v9;
	v11 =	vadd.s32 $0x7000, v0;
	[tilespmem:s4+$0x4280] =	vst v6;
	v12 =	vld.idx.msk [tilespmem:v12+s2+$0x0], $0xffff  }
0x4fe: {  	v63 =	vadd.s32 $0x4C00, v2;
	v8 =	vadd.s32 $0x7C00, v3;
	v3 =	vadd.s32 $0x7C00, v5;
	[tilespmem:s8+$0x4090] =	vst v15;
	v18 =	vld.idx.msk [tilespmem:v18+s2+$0x0], $0xffff  }
0x4ff: {  	v16 =	vadd.s32 $0x6800, v9;
	v10 =	vadd.s32 $0x7000, v5;
	v4 =	vadd.s32 $0x7800, v5;
	[tilespmem:s0+$0x6280] =	vst v21;
	v14 =	vld.idx.msk [tilespmem:v14+s2+$0x0], $0xffff  }
0x500: {  	v17 =	vadd.s32 $0x6400, v9;
	v6 =	vadd.s32 $0x7400, v5;
	v5 =	vadd.s32 $0x7C00, v9;
	[tilespmem:s4+$0x4310] =	vst v7;
	v29 =	vld.idx.msk [tilespmem:v23+s2+$0x0], $0xffff  }
0x501: {  	v15 =	vadd.s32 $0x6C00, v9;
	v21 =	vadd.s32 $0x7000, v31;
	v7 =	vadd.s32 $0x7800, v9;
	v62 =	vld.idx.msk [tilespmem:v20+s2+$0x0], $0xffff;
	[tilespmem:s3+$0x6190] =	vst v13  }
0x502: {  	v23 =	vadd.s32 $0x5C00, v31;
	v13 =	vadd.s32 $0x7000, v9;
	[tilespmem:s8+$0x4080] =	vst v22;
	v22 =	vadd.s32 $0x6400, v31;
	v36 =	vld.idx.msk [tilespmem:v11+s2+$0x0], $0xffff  }
0x503: {  	v20 =	vadd.s32 $0x6800, v31;
	v11 =	vadd.s32 $0x7400, v9;
	v34 =	vld.idx.msk [tilespmem:v24+s2+$0x0], $0xffff;
	v24 =	vadd.s32 $0x5800, v31;
	[tilespmem:s3+$0x6100] =	vst v12  }
0x504: {  	v9 =	vadd.s32 $0x7C00, v31;
	v12 =	vadd.s32 $0x7800, v31;
	[tilespmem:s4+$0x4300] =	vst v18;
	v30 =	vld.idx.msk [tilespmem:v27+s2+$0x0], $0xffff;
	v27 =	vadd.s32 $0x6000, v31  }
0x505: {  	v18 =	vadd.s32 $0x6C00, v31;
	[tilespmem:s8+$0x4110] =	vst v14;
	v14 =	vadd.s32 $0x7400, v31;
	v31 =	vadd.s32 $0x7400, v0;
	_ =	sdelay $0x1  }
0x506: {  	v32 =	vld.idx.msk [tilespmem:v61+s2+$0x0], $0xffff  }
0x507: {  	v35 =	vld.idx.msk [tilespmem:v63+s2+$0x0], $0xffff;
	[tilespmem:s4+$0x4390] =	vst v62  }
0x508: {  	s9 =	simm.s32 $0x6;
	s14 =	simm.s32 $0x6;
	s15 =	simm.s32 $0x200;
	v33 =	vld.idx.msk [tilespmem:v37+s2+$0x0], $0xffff;
	[tilespmem:s3+$0x6210] =	vst v36  }
.LBB2_13:
0x509: {  	s16 =	sshra.s32 s15, $0x2;
	s9 =	sadd.s32 $0x2, s9;
	v36 =	vadd.s32 $0x5000, v2;
	v31 =	vld.idx.msk [tilespmem:v31+s2+$0x0], $0xffff;
	[tilespmem:s0+$0x6300] =	vst v29  }
0x50a: {  	v29 =	vld [tilespmem:s16+$0x10410];
	p0 =	slt.u32 s9, $0x3E;
	[tilespmem:s8+$0x4100] =	vst v34;
	v34 =	vadd.s32 $0x6400, v1  }
0x50b: {  	v37 =	vld [tilespmem:s16+$0x10400];
	[tilespmem:s3+$0x6180] =	vst v30;
	v30 =	vadd.s32 $0x7800, v0  }
0x50c: {  	v38 =	vld.idx.msk [tilespmem:v28+s2+$0x0], $0xffff;
	[tilespmem:s4+$0x4380] =	vst v32  }
0x50d: {  	[tilespmem:s8+$0x4190] =	vst v35;
	v32 =	vld.idx.msk [tilespmem:v19+s2+$0x0], $0xffff;
	v19 =	vmov v27  }
0x50e: {  	v35 =	vld.idx.msk [tilespmem:v36+s2+$0x0], $0xffff;
	[tilespmem:s4+$0x6010] =	vst v33  }
0x50f: {  	v33 =	vadd.s32 $0x4000, v29;
	v34 =	vld.idx.msk [tilespmem:v34+s2+$0x0], $0xffff;
	[tilespmem:s3+$0x6290] =	vst v31  }
0x510: {  	v39 =	vadd.s32 $0x5400, v2;
	v31 =	vadd.s32 $0x4000, v37;
	v36 =	vadd.s32 $0x4400, v37;
	v30 =	vld.idx.msk [tilespmem:v30+s2+$0x0], $0xffff  }
0x511: {  	v41 =	vadd.s32 $0x6800, v1;
	v40 =	vadd.s32 $0x4800, v37;
	v28 =	vadd.s32 $0x4C00, v37;
	v42 =	vld.idx.msk [tilespmem:v10+s2+$0x0], $0xffff;
	v10 =	vmovc v13;
	v13 =	vmovc v21  }
0x512: {  	v43 =	vadd.s32 $0x5400, v37;
	v21 =	vadd.s32 $0x5000, v37;
	[tilespmem:s8+$0x4180] =	vst v38;
	v38 =	vadd.s32 $0x7C00, v0;
	v44 =	vld.idx.msk [tilespmem:v8+s2+$0x0], $0xffff;
	v0 =	vmovc v1;
	v1 =	vmovc v2  }
0x513: {  	s14 =	sadd.s32 $0x2, s14;
	v45 =	vadd.s32 $0x5800, v37;
	v46 =	vadd.s32 $0x5C00, v37;
	v27 =	vadd.s32 $0x6000, v37;
	v2 =	vmovc v29;
	v47 =	vld.idx.msk [tilespmem:v26+s2+$0x0], $0xffff;
	[tilespmem:s4+$0x6000] =	vst v32;
	v26 =	vmovc v21  }
0x514: {  	s17 =	sshrl.u32 s14, $0x3;
	v48 =	vadd.s32 $0x6C00, v37;
	v29 =	vadd.s32 $0x6400, v37;
	v8 =	vmovc v3;
	v3 =	vmovc v5;
	v32 =	vadd.s32 $0x6800, v37;
	v33 =	vld.idx.msk [tilespmem:v33+s2+$0x0], $0xffff;
	[tilespmem:s8+$0x4210] =	vst v35  }
0x515: {  	s17 =	smul.u32 $0xE00, s17;
	v49 =	vadd.s32 $0x7800, v37;
	v5 =	vmovc v9;
	v21 =	vadd.s32 $0x7000, v37;
	v35 =	vadd.s32 $0x7400, v37;
	v39 =	vld.idx.msk [tilespmem:v39+s2+$0x0], $0xffff;
	[tilespmem:s4+$0x6090] =	vst v34  }
0x516: {  	v9 =	vadd.s32 $0x7C00, v37;
	v34 =	vadd.s32 $0x4400, v2;
	v37 =	vld.idx.msk [tilespmem:v41+s2+$0x0], $0xffff;
	[tilespmem:s3+$0x6310] =	vst v30  }
0x517: {  	s17 =	sshra.s32 s17, $0x2;
	v30 =	vadd.s32 $0x5800, v1;
	[tilespmem:s3+$0x6200] =	vst v42;
	v38 =	vld.idx.msk [tilespmem:v38+s2+$0x0], $0xffff  }
0x518: {  	s16 =	sadd.s32 s16, s17;
	v41 =	vadd.s32 $0x6C00, v0;
	v31 =	vld.idx.msk [tilespmem:v31+s2+$0x0], $0xffff;
	[tilespmem:s0+$0x6380] =	vst v44;
	s0 =	smov.u32 s3;
	s3 =	smov.u32 s4  }
0x519: {  	s4 =	smov.u32 s8;
	[tilespmem:s8+$0x4200] =	vst v47;
	v42 =	vld.idx.msk [tilespmem:v17+s2+$0x0], $0xffff;
	v17 =	vmov v22;
	v22 =	vmov v29;
	s8 =	sadd.s32 $0x11000, s16  }
0x51a: {  	[tilespmem:s8+$0x4010] =	vst v33;
	v29 =	vld.idx.msk [tilespmem:v25+s2+$0x0], $0xffff;
	v25 =	vmov v43  }
0x51b: {  	v33 =	vld.idx.msk [tilespmem:v34+s2+$0x0], $0xffff;
	[tilespmem:s4+$0x4290] =	vst v39  }
0x51c: {  	v30 =	vld.idx.msk [tilespmem:v30+s2+$0x0], $0xffff;
	[tilespmem:s3+$0x6110] =	vst v37  }
0x51d: {  	v34 =	vadd.s32 $0x4800, v2;
	v37 =	vld.idx.msk [tilespmem:v41+s2+$0x0], $0xffff;
	[tilespmem:s0+$0x6390] =	vst v38  }
0x51e: {  	[tilespmem:s8+$0x4000] =	vst v31;
	v31 =	vadd.s32 $0x5C00, v1;
	v38 =	vld.idx.msk [tilespmem:v6+s2+$0x0], $0xffff;
	v6 =	vmovc v11;
	v11 =	vmov v14;
	v14 =	vmov v35  }
0x51f: {  	v35 =	vld.idx.msk [tilespmem:v36+s2+$0x0], $0xffff;
	[tilespmem:s3+$0x6080] =	vst v42;
	v36 =	vadd.s32 $0x7000, v0  }
0x520: {  	[tilespmem:s4+$0x4280] =	vst v29;
	v39 =	vld.idx.msk [tilespmem:v16+s2+$0x0], $0xffff;
	v16 =	vmov v20;
	v20 =	vmov v32  }
0x521: {  	[tilespmem:s8+$0x4090] =	vst v33;
	v32 =	vld.idx.msk [tilespmem:v24+s2+$0x0], $0xffff;
	v24 =	vmov v45  }
0x522: {  	v33 =	vld.idx.msk [tilespmem:v34+s2+$0x0], $0xffff;
	[tilespmem:s4+$0x4310] =	vst v30  }
0x523: {  	v41 =	vld.idx.msk [tilespmem:v31+s2+$0x0], $0xffff;
	[tilespmem:s3+$0x6190] =	vst v37  }
0x524: {  	v37 =	vadd.s32 $0x4C00, v2;
	v36 =	vld.idx.msk [tilespmem:v36+s2+$0x0], $0xffff;
	[tilespmem:s0+$0x6280] =	vst v38  }
0x525: {  	v38 =	vadd.s32 $0x6000, v1;
	[tilespmem:s8+$0x4080] =	vst v35;
	v29 =	vld.idx.msk [tilespmem:v4+s2+$0x0], $0xffff;
	v4 =	vmovc v7;
	v7 =	vmov v12;
	v12 =	vmov v49  }
.Ltmp5:
0x526: {  	v31 =	vadd.s32 $0x7400, v0;
	v34 =	vld.idx.msk [tilespmem:v40+s2+$0x0], $0xffff;
	[tilespmem:s3+$0x6100] =	vst v39;
	(pc) =	sbr.rel @p0 .LBB2_13-.Ltmp5, $4  }
0x527: {  	[tilespmem:s4+$0x4300] =	vst v32;
	v30 =	vld.idx.msk [tilespmem:v15+s2+$0x0], $0xffff;
	v15 =	vmov v18;
	v18 =	vmov v48  }
0x528: {  	[tilespmem:s8+$0x4110] =	vst v33;
	v32 =	vld.idx.msk [tilespmem:v23+s2+$0x0], $0xffff;
	v23 =	vmov v46  }
0x529: {  	v35 =	vld.idx.msk [tilespmem:v37+s2+$0x0], $0xffff;
	[tilespmem:s4+$0x4390] =	vst v41  }
0x52a: {  	s15 =	sadd.s32 $0x80, s15;
	v33 =	vld.idx.msk [tilespmem:v38+s2+$0x0], $0xffff;
	[tilespmem:s3+$0x6210] =	vst v36  }
0x52b: {  	_ =	sdelay $0x2  }
0x52c: {  	[tilespmem:s8+$0x4100] =	vst v34  }
0x52d: {  	v60 =	vadd.s32 $0x5000, v2;
	v28 =	vld.idx.msk [tilespmem:v28+s2+$0x0], $0xffff;
	_ =	sdelay $0x3  }
0x52e: {  	[tilespmem:s8+$0x4190] =	vst v35  }
0x52f: {  	v34 =	vld.idx.msk [tilespmem:v60+s2+$0x0], $0xffff;
	[tilespmem:s8+$0x4180] =	vst v28  }
0x530: {  	v28 =	vadd.s32 $0x5400, v2;
	v26 =	vld.idx.msk [tilespmem:v26+s2+$0x0], $0xffff;
	_ =	sdelay $0x3  }
0x531: {  	[tilespmem:s8+$0x4210] =	vst v34  }
0x532: {  	v28 =	vld.idx.msk [tilespmem:v28+s2+$0x0], $0xffff;
	[tilespmem:s8+$0x4200] =	vst v26  }
0x533: {  	v26 =	vadd.s32 $0x5800, v2;
	v25 =	vld.idx.msk [tilespmem:v25+s2+$0x0], $0xffff;
	_ =	sdelay $0x3  }
0x534: {  	[tilespmem:s8+$0x4290] =	vst v28  }
0x535: {  	v26 =	vld.idx.msk [tilespmem:v26+s2+$0x0], $0xffff;
	[tilespmem:s8+$0x4280] =	vst v25  }
0x536: {  	v25 =	vadd.s32 $0x5C00, v2;
	v24 =	vld.idx.msk [tilespmem:v24+s2+$0x0], $0xffff;
	_ =	sdelay $0x3  }
0x537: {  	[tilespmem:s8+$0x4310] =	vst v26  }
0x538: {  	v25 =	vld.idx.msk [tilespmem:v25+s2+$0x0], $0xffff;
	[tilespmem:s8+$0x4300] =	vst v24  }
0x539: {  	v24 =	vadd.s32 $0x6000, v2;
	v23 =	vld.idx.msk [tilespmem:v23+s2+$0x0], $0xffff;
	_ =	sdelay $0x1  }
0x53a: {  	[tilespmem:s4+$0x4380] =	vst v32  }
0x53b: {  	v19 =	vld.idx.msk [tilespmem:v19+s2+$0x0], $0xffff  }
0x53c: {  	[tilespmem:s8+$0x4390] =	vst v25  }
0x53d: {  	v26 =	vadd.s32 $0x6400, v1;
	v24 =	vld.idx.msk [tilespmem:v24+s2+$0x0], $0xffff;
	[tilespmem:s8+$0x4380] =	vst v23  }
0x53e: {  	v23 =	vadd.s32 $0x6400, v2;
	v25 =	vld.idx.msk [tilespmem:v27+s2+$0x0], $0xffff;
	_ =	sdelay $0x1  }
0x53f: {  	[tilespmem:s4+$0x6000] =	vst v19  }
0x540: {  	[tilespmem:s4+$0x6010] =	vst v33;
	v17 =	vld.idx.msk [tilespmem:v17+s2+$0x0], $0xffff  }
0x541: {  	v26 =	vld.idx.msk [tilespmem:v26+s2+$0x0], $0xffff;
	[tilespmem:s8+$0x6010] =	vst v24  }
0x542: {  	v19 =	vadd.s32 $0x6800, v1;
	v23 =	vld.idx.msk [tilespmem:v23+s2+$0x0], $0xffff;
	[tilespmem:s8+$0x6000] =	vst v25  }
0x543: {  	v24 =	vadd.s32 $0x6800, v2;
	v22 =	vld.idx.msk [tilespmem:v22+s2+$0x0], $0xffff;
	_ =	sdelay $0x1  }
0x544: {  	[tilespmem:s4+$0x6080] =	vst v17  }
0x545: {  	v16 =	vld.idx.msk [tilespmem:v16+s2+$0x0], $0xffff;
	[tilespmem:s4+$0x6090] =	vst v26  }
0x546: {  	v19 =	vld.idx.msk [tilespmem:v19+s2+$0x0], $0xffff;
	[tilespmem:s8+$0x6090] =	vst v23  }
0x547: {  	v17 =	vadd.s32 $0x6C00, v1;
	v23 =	vld.idx.msk [tilespmem:v24+s2+$0x0], $0xffff;
	[tilespmem:s8+$0x6080] =	vst v22  }
0x548: {  	v22 =	vadd.s32 $0x6C00, v2;
	v20 =	vld.idx.msk [tilespmem:v20+s2+$0x0], $0xffff;
	_ =	sdelay $0x1  }
0x549: {  	[tilespmem:s4+$0x6100] =	vst v16  }
0x54a: {  	v15 =	vld.idx.msk [tilespmem:v15+s2+$0x0], $0xffff;
	[tilespmem:s4+$0x6110] =	vst v19  }
0x54b: {  	v17 =	vld.idx.msk [tilespmem:v17+s2+$0x0], $0xffff;
	[tilespmem:s8+$0x6110] =	vst v23  }
0x54c: {  	v16 =	vadd.s32 $0x7000, v1;
	v19 =	vld.idx.msk [tilespmem:v22+s2+$0x0], $0xffff;
	[tilespmem:s8+$0x6100] =	vst v20  }
0x54d: {  	[tilespmem:s0+$0x6300] =	vst v29;
	v20 =	vadd.s32 $0x7000, v2;
	v18 =	vld.idx.msk [tilespmem:v18+s2+$0x0], $0xffff  }
0x54e: {  	[tilespmem:s3+$0x6180] =	vst v30;
	v8 =	vld.idx.msk [tilespmem:v8+s2+$0x0], $0xffff  }
0x54f: {  	v10 =	vld.idx.msk [tilespmem:v10+s2+$0x0], $0xffff;
	[tilespmem:s4+$0x6180] =	vst v15  }
0x550: {  	v13 =	vld.idx.msk [tilespmem:v13+s2+$0x0], $0xffff;
	[tilespmem:s4+$0x6190] =	vst v17  }
0x551: {  	v16 =	vld.idx.msk [tilespmem:v16+s2+$0x0], $0xffff;
	[tilespmem:s8+$0x6190] =	vst v19  }
0x552: {  	v15 =	vadd.s32 $0x7400, v1;
	v17 =	vld.idx.msk [tilespmem:v20+s2+$0x0], $0xffff;
	[tilespmem:s8+$0x6180] =	vst v18  }
0x553: {  	[tilespmem:s0+$0x6380] =	vst v8;
	v18 =	vadd.s32 $0x7400, v2;
	v19 =	vld.idx.msk [tilespmem:v21+s2+$0x0], $0xffff  }
0x554: {  	[tilespmem:s3+$0x6200] =	vst v10;
	v22 =	vld.idx.msk [tilespmem:v31+s2+$0x0], $0xffff  }
0x555: {  	v6 =	vld.idx.msk [tilespmem:v6+s2+$0x0], $0xffff;
	[tilespmem:s4+$0x6200] =	vst v13;
	v23 =	vadd.s32 $0x7800, v0  }
0x556: {  	v11 =	vld.idx.msk [tilespmem:v11+s2+$0x0], $0xffff;
	[tilespmem:s4+$0x6210] =	vst v16  }
0x557: {  	v10 =	vld.idx.msk [tilespmem:v15+s2+$0x0], $0xffff;
	[tilespmem:s8+$0x6210] =	vst v17  }
0x558: {  	v13 =	vadd.s32 $0x7800, v1;
	v15 =	vld.idx.msk [tilespmem:v18+s2+$0x0], $0xffff;
	[tilespmem:s8+$0x6200] =	vst v19  }
0x559: {  	v16 =	vadd.s32 $0x7800, v2;
	[tilespmem:s3+$0x6290] =	vst v22;
	v14 =	vld.idx.msk [tilespmem:v14+s2+$0x0], $0xffff  }
0x55a: {  	[tilespmem:s3+$0x6280] =	vst v6;
	v20 =	vld.idx.msk [tilespmem:v23+s2+$0x0], $0xffff  }
0x55b: {  	v4 =	vld.idx.msk [tilespmem:v4+s2+$0x0], $0xffff;
	[tilespmem:s4+$0x6280] =	vst v11;
	v0 =	vadd.s32 $0x7C00, v0  }
0x55c: {  	v7 =	vld.idx.msk [tilespmem:v7+s2+$0x0], $0xffff;
	[tilespmem:s4+$0x6290] =	vst v10  }
0x55d: {  	v6 =	vld.idx.msk [tilespmem:v13+s2+$0x0], $0xffff;
	[tilespmem:s8+$0x6290] =	vst v15  }
0x55e: {  	v1 =	vadd.s32 $0x7C00, v1;
	v10 =	vld.idx.msk [tilespmem:v16+s2+$0x0], $0xffff;
	[tilespmem:s8+$0x6280] =	vst v14  }
0x55f: {  	v2 =	vadd.s32 $0x7C00, v2;
	[tilespmem:s3+$0x6310] =	vst v20;
	v8 =	vld.idx.msk [tilespmem:v12+s2+$0x0], $0xffff  }
0x560: {  	[tilespmem:s3+$0x6300] =	vst v4;
	v0 =	vld.idx.msk [tilespmem:v0+s2+$0x0], $0xffff  }
0x561: {  	v3 =	vld.idx.msk [tilespmem:v3+s2+$0x0], $0xffff;
	[tilespmem:s4+$0x6300] =	vst v7  }
0x562: {  	v4 =	vld.idx.msk [tilespmem:v5+s2+$0x0], $0xffff;
	[tilespmem:s4+$0x6310] =	vst v6  }
0x563: {  	v1 =	vld.idx.msk [tilespmem:v1+s2+$0x0], $0xffff;
	[tilespmem:s8+$0x6310] =	vst v10  }
0x564: {  	v2 =	vld.idx.msk [tilespmem:v2+s2+$0x0], $0xffff;
	[tilespmem:s8+$0x6300] =	vst v8  }
0x565: {  	[tilespmem:s3+$0x6390] =	vst v0;
	v0 =	vld.idx.msk [tilespmem:v9+s2+$0x0], $0xffff  }
0x566: {  	[tilespmem:s3+$0x6380] =	vst v3  }
0x567: {  	[tilespmem:s4+$0x6380] =	vst v4  }
0x568: {  	[tilespmem:s4+$0x6390] =	vst v1  }
0x569: {  	[tilespmem:s8+$0x6390] =	vst v2  }
0x56a: {  	s4 =	sadd.s32 s28, s10;
	[tilespmem:s8+$0x6380] =	vst v0;
	s8 =	simm.s32 $0x0  }
0x56b: {  	[hbm4b:s4+s8] =	stream.linear.scatter [tilespmem:s22], [sflag:$0x3], $0x4000, $0x38;
	[tilespmem:$0x19000] =	vst v63  }
0x56c: {  	_ =	swait.ge [sflag:s23], $0x4000  }
0x56d: {  	[sflag:s23] =	ssyncset.done $0x0  }
0x56e: {  	s9 =	simm.s32 $0x0;
	[sflag:s23] =	ssyncadd.s32 $0xFFFFC000  }
0x56f: {  	v4 =	vld [tilespmem:s9+$0x10410];
	_ =	sdelay $0x4  }
0x570: {  	v0 =	vadd.s32 $0x8000, v4;
	_ =	sdelay $0x2  }
0x571: {  	v3 =	vld [tilespmem:s9+$0x10400]  }
0x572: {  	s14 =	simm.s32 $0x0  }
0x573: {  	s0 =	smul.u32 $0xE00, s14;
	v0 =	vld.idx.msk [tilespmem:v0+s2+$0x0], $0xffff  }
0x574: {  	v1 =	vadd.s32 $0x8400, v4  }
0x575: {  	s0 =	sshra.s32 s0, $0x2  }
0x576: {  	s15 =	sadd.s32 $0x0, s0;
	v2 =	vadd.s32 $0x8000, v3  }
0x577: {  	s0 =	sadd.s32 $0x11000, s15  }
0x578: {  	[tilespmem:s0+$0x10] =	vst v0  }
0x579: {  	v0 =	vld.idx.msk [tilespmem:v1+s2+$0x0], $0xffff  }
0x57a: {  	v1 =	vadd.s32 $0x8800, v4  }
0x57b: {  	v2 =	vld.idx.msk [tilespmem:v2+s2+$0x0], $0xffff  }
0x57c: {  	v5 =	vadd.s32 $0x8400, v3;
	_ =	sdelay $0x1  }
0x57d: {  	[tilespmem:s0+$0x90] =	vst v0  }
0x57e: {  	v0 =	vld.idx.msk [tilespmem:v1+s2+$0x0], $0xffff  }
0x57f: {  	[tilespmem:s15+$0x11000] =	vst v2;
	v1 =	vadd.s32 $0x8C00, v4  }
0x580: {  	v2 =	vld.idx.msk [tilespmem:v5+s2+$0x0], $0xffff  }
0x581: {  	v5 =	vadd.s32 $0x8800, v3;
	_ =	sdelay $0x1  }
0x582: {  	[tilespmem:s0+$0x110] =	vst v0  }
0x583: {  	s16 =	simm.s32 $0x20;
	v1 =	vld.idx.msk [tilespmem:v1+s2+$0x0], $0xffff  }
0x584: {  	[tilespmem:s0+$0x80] =	vst v2;
	v2 =	vadd.s32 $0x9000, v4;
	v0 =	vld [tilespmem:s16+$0x10410]  }
0x585: {  	v6 =	vld.idx.msk [tilespmem:v5+s2+$0x0], $0xffff  }
0x586: {  	v7 =	vadd.s32 $0x8C00, v3;
	_ =	sdelay $0x1  }
0x587: {  	v5 =	vld [tilespmem:s16+$0x10400];
	[tilespmem:s0+$0x190] =	vst v1  }
0x588: {  	v1 =	vld.idx.msk [tilespmem:v2+s2+$0x0], $0xffff;
	v2 =	vadd.s32 $0x8000, v0  }
0x589: {  	[tilespmem:s0+$0x100] =	vst v6;
	v6 =	vadd.s32 $0x9400, v4  }
0x58a: {  	v7 =	vld.idx.msk [tilespmem:v7+s2+$0x0], $0xffff  }
0x58b: {  	v8 =	vadd.s32 $0x9000, v3  }
0x58c: {  	s17 =	simm.s32 $0x0  }
0x58d: {  	s3 =	smul.u32 $0xE00, s17;
	v9 =	vadd.s32 $0x8000, v5;
	v2 =	vld.idx.msk [tilespmem:v2+s2+$0x0], $0xffff;
	[tilespmem:s0+$0x210] =	vst v1  }
0x58e: {  	v1 =	vld.idx.msk [tilespmem:v6+s2+$0x0], $0xffff;
	v6 =	vadd.s32 $0x8400, v0  }
0x58f: {  	s3 =	sshra.s32 s3, $0x2;
	[tilespmem:s0+$0x180] =	vst v7;
	v7 =	vadd.s32 $0x9800, v4  }
0x590: {  	s19 =	sadd.s32 $0x20, s3;
	v8 =	vld.idx.msk [tilespmem:v8+s2+$0x0], $0xffff  }
0x591: {  	s3 =	sadd.s32 $0x11000, s19;
	v10 =	vadd.s32 $0x9400, v3  }
0x592: {  	v9 =	vld.idx.msk [tilespmem:v9+s2+$0x0], $0xffff;
	[tilespmem:s3+$0x10] =	vst v2  }
0x593: {  	v2 =	vadd.s32 $0x8400, v5;
	v6 =	vld.idx.msk [tilespmem:v6+s2+$0x0], $0xffff;
	[tilespmem:s0+$0x290] =	vst v1  }
0x594: {  	v1 =	vld.idx.msk [tilespmem:v7+s2+$0x0], $0xffff;
	v7 =	vadd.s32 $0x8800, v0  }
0x595: {  	[tilespmem:s0+$0x200] =	vst v8;
	v8 =	vadd.s32 $0x9C00, v4  }
0x596: {  	v10 =	vld.idx.msk [tilespmem:v10+s2+$0x0], $0xffff  }
0x597: {  	v11 =	vadd.s32 $0x9800, v3;
	[tilespmem:s19+$0x11000] =	vst v9  }
0x598: {  	v2 =	vld.idx.msk [tilespmem:v2+s2+$0x0], $0xffff;
	[tilespmem:s3+$0x90] =	vst v6  }
0x599: {  	v6 =	vadd.s32 $0x8800, v5;
	v7 =	vld.idx.msk [tilespmem:v7+s2+$0x0], $0xffff;
	[tilespmem:s0+$0x310] =	vst v1  }
0x59a: {  	v1 =	vld.idx.msk [tilespmem:v8+s2+$0x0], $0xffff;
	v8 =	vadd.s32 $0x8C00, v0  }
0x59b: {  	[tilespmem:s0+$0x280] =	vst v10  }
0x59c: {  	v9 =	vadd.s32 $0xA000, v4;
	v10 =	vld.idx.msk [tilespmem:v11+s2+$0x0], $0xffff  }
0x59d: {  	v11 =	vadd.s32 $0x9C00, v3;
	[tilespmem:s3+$0x80] =	vst v2  }
0x59e: {  	v2 =	vld.idx.msk [tilespmem:v6+s2+$0x0], $0xffff;
	[tilespmem:s3+$0x110] =	vst v7  }
0x59f: {  	s20 =	simm.s32 $0x40;
	v6 =	vadd.s32 $0x8C00, v5;
	v7 =	vld.idx.msk [tilespmem:v8+s2+$0x0], $0xffff  }
0x5a0: {  	[tilespmem:s0+$0x390] =	vst v1;
	v1 =	vld [tilespmem:s20+$0x10410]  }
0x5a1: {  	[tilespmem:s0+$0x300] =	vst v10;
	v10 =	vadd.s32 $0x9000, v0;
	v8 =	vld.idx.msk [tilespmem:v9+s2+$0x0], $0xffff  }
0x5a2: {  	v12 =	vadd.s32 $0xA400, v4;
	v11 =	vld.idx.msk [tilespmem:v11+s2+$0x0], $0xffff  }
0x5a3: {  	v9 =	vld [tilespmem:s20+$0x10400];
	[tilespmem:s3+$0x100] =	vst v2  }
0x5a4: {  	v2 =	vadd.s32 $0xA000, v3;
	v6 =	vld.idx.msk [tilespmem:v6+s2+$0x0], $0xffff  }
0x5a5: {  	v13 =	vadd.s32 $0x9000, v5;
	[tilespmem:s3+$0x190] =	vst v7  }
0x5a6: {  	v7 =	vld.idx.msk [tilespmem:v10+s2+$0x0], $0xffff;
	[tilespmem:s0+$0x2010] =	vst v8;
	v8 =	vadd.s32 $0x8000, v1  }
0x5a7: {  	s30 =	simm.s32 $0x60;
	v10 =	vld.idx.msk [tilespmem:v12+s2+$0x0], $0xffff;
	v12 =	vadd.s32 $0x9400, v0  }
0x5a8: {  	v31 =	vld [tilespmem:s30+$0x10400];
	[tilespmem:s0+$0x380] =	vst v11;
	v11 =	vadd.s32 $0xA800, v4  }
0x5a9: {  	v14 =	vadd.s32 $0x8000, v9;
	v2 =	vld.idx.msk [tilespmem:v2+s2+$0x0], $0xffff;
	[tilespmem:s3+$0x180] =	vst v6  }
0x5aa: {  	s25 =	simm.s32 $0x0;
	v6 =	vadd.s32 $0xA400, v3;
	v13 =	vld.idx.msk [tilespmem:v13+s2+$0x0], $0xffff  }
0x5ab: {  	s4 =	smul.u32 $0xE00, s25;
	v15 =	vadd.s32 $0x9400, v5;
	v8 =	vld.idx.msk [tilespmem:v8+s2+$0x0], $0xffff;
	[tilespmem:s3+$0x210] =	vst v7  }
0x5ac: {  	v7 =	vld.idx.msk [tilespmem:v12+s2+$0x0], $0xffff;
	[tilespmem:s0+$0x2090] =	vst v10;
	v10 =	vadd.s32 $0x8400, v1  }
0x5ad: {  	s4 =	sshra.s32 s4, $0x2;
	v12 =	vadd.s32 $0x9800, v0;
	v11 =	vld.idx.msk [tilespmem:v11+s2+$0x0], $0xffff  }
0x5ae: {  	s29 =	sadd.s32 $0x40, s4;
	[tilespmem:s0+$0x2000] =	vst v2;
	v2 =	vld.idx.msk [tilespmem:v14+s2+$0x0], $0xffff;
	v14 =	vadd.s32 $0xAC00, v4  }
0x5af: {  	s4 =	sadd.s32 $0x11000, s29;
	v16 =	vadd.s32 $0x8400, v9;
	v6 =	vld.idx.msk [tilespmem:v6+s2+$0x0], $0xffff;
	[tilespmem:s3+$0x200] =	vst v13  }
0x5b0: {  	v13 =	vadd.s32 $0xA800, v3;
	[tilespmem:s4+$0x10] =	vst v8;
	v8 =	vld.idx.msk [tilespmem:v15+s2+$0x0], $0xffff  }
0x5b1: {  	v15 =	vadd.s32 $0x9800, v5;
	v10 =	vld.idx.msk [tilespmem:v10+s2+$0x0], $0xffff;
	[tilespmem:s3+$0x290] =	vst v7  }
0x5b2: {  	v7 =	vld.idx.msk [tilespmem:v12+s2+$0x0], $0xffff;
	[tilespmem:s0+$0x2110] =	vst v11;
	v11 =	vadd.s32 $0x8800, v1  }
0x5b3: {  	[tilespmem:s29+$0x11000] =	vst v2;
	v2 =	vadd.s32 $0x9C00, v0;
	v12 =	vld.idx.msk [tilespmem:v14+s2+$0x0], $0xffff  }
0x5b4: {  	v14 =	vld.idx.msk [tilespmem:v16+s2+$0x0], $0xffff;
	[tilespmem:s0+$0x2080] =	vst v6;
	v6 =	vadd.s32 $0xB000, v4  }
0x5b5: {  	v16 =	vadd.s32 $0x8800, v9;
	[tilespmem:s3+$0x280] =	vst v8;
	v8 =	vld.idx.msk [tilespmem:v13+s2+$0x0], $0xffff  }
0x5b6: {  	v13 =	vadd.s32 $0xAC00, v3;
	[tilespmem:s4+$0x90] =	vst v10;
	v10 =	vld.idx.msk [tilespmem:v15+s2+$0x0], $0xffff  }
0x5b7: {  	v15 =	vadd.s32 $0x9C00, v5;
	v11 =	vld.idx.msk [tilespmem:v11+s2+$0x0], $0xffff;
	[tilespmem:s3+$0x310] =	vst v7  }
0x5b8: {  	v7 =	vadd.s32 $0x8C00, v1;
	v2 =	vld.idx.msk [tilespmem:v2+s2+$0x0], $0xffff;
	[tilespmem:s0+$0x2190] =	vst v12  }
0x5b9: {  	[tilespmem:s4+$0x80] =	vst v14;
	v12 =	vadd.s32 $0xA000, v0;
	v6 =	vld.idx.msk [tilespmem:v6+s2+$0x0], $0xffff  }
0x5ba: {  	v14 =	vld.idx.msk [tilespmem:v16+s2+$0x0], $0xffff;
	[tilespmem:s0+$0x2100] =	vst v8  }
0x5bb: {  	v8 =	vadd.s32 $0xB400, v4;
	[tilespmem:s3+$0x300] =	vst v10;
	v10 =	vld.idx.msk [tilespmem:v13+s2+$0x0], $0xffff  }
0x5bc: {  	v13 =	vadd.s32 $0x8C00, v9;
	[tilespmem:s4+$0x110] =	vst v11;
	v11 =	vld.idx.msk [tilespmem:v15+s2+$0x0], $0xffff  }
0x5bd: {  	v15 =	vadd.s32 $0xA000, v5;
	v7 =	vld.idx.msk [tilespmem:v7+s2+$0x0], $0xffff;
	[tilespmem:s3+$0x390] =	vst v2  }
0x5be: {  	v12 =	vld.idx.msk [tilespmem:v12+s2+$0x0], $0xffff;
	[tilespmem:s0+$0x2210] =	vst v6;
	v6 =	vadd.s32 $0x9000, v1  }
0x5bf: {  	v16 =	vadd.s32 $0xA400, v0;
	v2 =	vld [tilespmem:s30+$0x10410]  }
0x5c0: {  	v17 =	vadd.s32 $0xB000, v3;
	[tilespmem:s4+$0x100] =	vst v14;
	v8 =	vld.idx.msk [tilespmem:v8+s2+$0x0], $0xffff  }
0x5c1: {  	v14 =	vadd.s32 $0xB800, v4;
	v13 =	vld.idx.msk [tilespmem:v13+s2+$0x0], $0xffff;
	[tilespmem:s3+$0x380] =	vst v11  }
0x5c2: {  	[tilespmem:s4+$0x190] =	vst v7;
	v7 =	vld.idx.msk [tilespmem:v15+s2+$0x0], $0xffff  }
0x5c3: {  	v11 =	vadd.s32 $0x9000, v9;
	v6 =	vld.idx.msk [tilespmem:v6+s2+$0x0], $0xffff;
	[tilespmem:s3+$0x2010] =	vst v12  }
0x5c4: {  	[tilespmem:s0+$0x2180] =	vst v10;
	v12 =	vadd.s32 $0x8000, v2;
	v15 =	vld.idx.msk [tilespmem:v16+s2+$0x0], $0xffff  }
0x5c5: {  	[tilespmem:s0+$0x2290] =	vst v8;
	v8 =	vadd.s32 $0x9400, v1;
	v16 =	vld.idx.msk [tilespmem:v17+s2+$0x0], $0xffff  }
0x5c6: {  	v10 =	vld.idx.msk [tilespmem:v14+s2+$0x0], $0xffff;
	v14 =	vadd.s32 $0xA800, v0  }
0x5c7: {  	[tilespmem:s4+$0x180] =	vst v13;
	v13 =	vadd.s32 $0x8000, v31  }
0x5c8: {  	v4 =	vadd.s32 $0xBC00, v4;
	v11 =	vld.idx.msk [tilespmem:v11+s2+$0x0], $0xffff  }
0x5c9: {  	s31 =	simm.s32 $0x0;
	v17 =	vadd.s32 $0xA400, v5;
	v12 =	vld.idx.msk [tilespmem:v12+s2+$0x0], $0xffff;
	[tilespmem:s4+$0x210] =	vst v6  }
0x5ca: {  	s8 =	smul.u32 $0xE00, s31;
	v6 =	vadd.s32 $0x9400, v9;
	v8 =	vld.idx.msk [tilespmem:v8+s2+$0x0], $0xffff;
	[tilespmem:s3+$0x2090] =	vst v15  }
0x5cb: {  	v15 =	vadd.s32 $0x8400, v2;
	[tilespmem:s0+$0x2200] =	vst v16;
	v14 =	vld.idx.msk [tilespmem:v14+s2+$0x0], $0xffff  }
0x5cc: {  	s8 =	sshra.s32 s8, $0x2;
	v16 =	vadd.s32 $0xB400, v3;
	[tilespmem:s0+$0x2310] =	vst v10;
	v10 =	vld.idx.msk [tilespmem:v13+s2+$0x0], $0xffff  }
0x5cd: {  	s9 =	sadd.s32 $0x60, s8;
	[tilespmem:s3+$0x2000] =	vst v7;
	v7 =	vadd.s32 $0x9800, v1;
	v4 =	vld.idx.msk [tilespmem:v4+s2+$0x0], $0xffff  }
0x5ce: {  	s8 =	sadd.s32 $0x11000, s9;
	v13 =	vadd.s32 $0xAC00, v0;
	[tilespmem:s4+$0x200] =	vst v11;
	v11 =	vld.idx.msk [tilespmem:v17+s2+$0x0], $0xffff  }
0x5cf: {  	v17 =	vadd.s32 $0x8400, v31;
	[tilespmem:s8+$0x10] =	vst v12;
	v6 =	vld.idx.msk [tilespmem:v6+s2+$0x0], $0xffff  }
0x5d0: {  	v12 =	vadd.s32 $0xA800, v5;
	v15 =	vld.idx.msk [tilespmem:v15+s2+$0x0], $0xffff;
	[tilespmem:s4+$0x290] =	vst v8  }
0x5d1: {  	v18 =	vadd.s32 $0x9800, v9;
	v21 =	vld.idx.msk [tilespmem:v16+s2+$0x0], $0xffff;
	[tilespmem:s3+$0x2110] =	vst v14  }
0x5d2: {  	v23 =	vadd.s32 $0xB800, v3;
	v24 =	vadd.s32 $0x8800, v31;
	v7 =	vld.idx.msk [tilespmem:v7+s2+$0x0], $0xffff;
	v14 =	vadd.s32 $0x8800, v2;
	[tilespmem:s9+$0x11000] =	vst v10  }
0x5d3: {  	v28 =	vadd.s32 $0x8C00, v31;
	v26 =	vadd.s32 $0x9000, v31;
	v25 =	vadd.s32 $0x9400, v31;
	v13 =	vld.idx.msk [tilespmem:v13+s2+$0x0], $0xffff;
	[tilespmem:s0+$0x2390] =	vst v4  }
0x5d4: {  	v27 =	vadd.s32 $0xAC00, v5;
	v20 =	vadd.s32 $0x9C00, v1;
	v37 =	vadd.s32 $0xA000, v1;
	v22 =	vld.idx.msk [tilespmem:v17+s2+$0x0], $0xffff;
	[tilespmem:s3+$0x2080] =	vst v11  }
0x5d5: {  	v61 =	vadd.s32 $0x9C00, v9;
	v19 =	vadd.s32 $0xA000, v9;
	v11 =	vadd.s32 $0xB000, v0;
	[tilespmem:s4+$0x280] =	vst v6;
	v12 =	vld.idx.msk [tilespmem:v12+s2+$0x0], $0xffff  }
0x5d6: {  	v63 =	vadd.s32 $0x8C00, v2;
	v8 =	vadd.s32 $0xBC00, v3;
	v3 =	vadd.s32 $0xBC00, v5;
	[tilespmem:s8+$0x90] =	vst v15;
	v18 =	vld.idx.msk [tilespmem:v18+s2+$0x0], $0xffff  }
0x5d7: {  	v16 =	vadd.s32 $0xA800, v9;
	v10 =	vadd.s32 $0xB000, v5;
	v4 =	vadd.s32 $0xB800, v5;
	[tilespmem:s0+$0x2280] =	vst v21;
	v14 =	vld.idx.msk [tilespmem:v14+s2+$0x0], $0xffff  }
0x5d8: {  	v17 =	vadd.s32 $0xA400, v9;
	v6 =	vadd.s32 $0xB400, v5;
	v5 =	vadd.s32 $0xBC00, v9;
	[tilespmem:s4+$0x310] =	vst v7;
	v29 =	vld.idx.msk [tilespmem:v23+s2+$0x0], $0xffff  }
0x5d9: {  	v15 =	vadd.s32 $0xAC00, v9;
	v21 =	vadd.s32 $0xB000, v31;
	v7 =	vadd.s32 $0xB800, v9;
	v62 =	vld.idx.msk [tilespmem:v20+s2+$0x0], $0xffff;
	[tilespmem:s3+$0x2190] =	vst v13  }
0x5da: {  	v23 =	vadd.s32 $0x9C00, v31;
	v13 =	vadd.s32 $0xB000, v9;
	[tilespmem:s8+$0x80] =	vst v22;
	v22 =	vadd.s32 $0xA400, v31;
	v36 =	vld.idx.msk [tilespmem:v11+s2+$0x0], $0xffff  }
0x5db: {  	v20 =	vadd.s32 $0xA800, v31;
	v11 =	vadd.s32 $0xB400, v9;
	v34 =	vld.idx.msk [tilespmem:v24+s2+$0x0], $0xffff;
	v24 =	vadd.s32 $0x9800, v31;
	[tilespmem:s3+$0x2100] =	vst v12  }
0x5dc: {  	v9 =	vadd.s32 $0xBC00, v31;
	v12 =	vadd.s32 $0xB800, v31;
	[tilespmem:s4+$0x300] =	vst v18;
	v30 =	vld.idx.msk [tilespmem:v27+s2+$0x0], $0xffff;
	v27 =	vadd.s32 $0xA000, v31  }
0x5dd: {  	v18 =	vadd.s32 $0xAC00, v31;
	[tilespmem:s8+$0x110] =	vst v14;
	v14 =	vadd.s32 $0xB400, v31;
	v31 =	vadd.s32 $0xB400, v0;
	_ =	sdelay $0x1  }
0x5de: {  	v32 =	vld.idx.msk [tilespmem:v61+s2+$0x0], $0xffff  }
0x5df: {  	v35 =	vld.idx.msk [tilespmem:v63+s2+$0x0], $0xffff;
	[tilespmem:s4+$0x390] =	vst v62  }
0x5e0: {  	s14 =	simm.s32 $0x6;
	s15 =	simm.s32 $0x200;
	s9 =	simm.s32 $0x6;
	v33 =	vld.idx.msk [tilespmem:v37+s2+$0x0], $0xffff;
	[tilespmem:s3+$0x2210] =	vst v36  }
.LBB2_15:
0x5e1: {  	s16 =	sshra.s32 s15, $0x2;
	s9 =	sadd.s32 $0x2, s9;
	v36 =	vadd.s32 $0x9000, v2;
	v31 =	vld.idx.msk [tilespmem:v31+s2+$0x0], $0xffff;
	[tilespmem:s0+$0x2300] =	vst v29  }
0x5e2: {  	v29 =	vld [tilespmem:s16+$0x10410];
	p0 =	slt.u32 s9, $0x3E;
	[tilespmem:s8+$0x100] =	vst v34;
	v34 =	vadd.s32 $0xA400, v1  }
0x5e3: {  	v37 =	vld [tilespmem:s16+$0x10400];
	[tilespmem:s3+$0x2180] =	vst v30;
	v30 =	vadd.s32 $0xB800, v0  }
0x5e4: {  	v38 =	vld.idx.msk [tilespmem:v28+s2+$0x0], $0xffff;
	[tilespmem:s4+$0x380] =	vst v32  }
0x5e5: {  	[tilespmem:s8+$0x190] =	vst v35;
	v32 =	vld.idx.msk [tilespmem:v19+s2+$0x0], $0xffff;
	v19 =	vmov v27  }
0x5e6: {  	v35 =	vld.idx.msk [tilespmem:v36+s2+$0x0], $0xffff;
	[tilespmem:s4+$0x2010] =	vst v33  }
0x5e7: {  	v33 =	vadd.s32 $0x8000, v29;
	v34 =	vld.idx.msk [tilespmem:v34+s2+$0x0], $0xffff;
	[tilespmem:s3+$0x2290] =	vst v31  }
0x5e8: {  	v39 =	vadd.s32 $0x9400, v2;
	v31 =	vadd.s32 $0x8000, v37;
	v36 =	vadd.s32 $0x8400, v37;
	v30 =	vld.idx.msk [tilespmem:v30+s2+$0x0], $0xffff  }
0x5e9: {  	v41 =	vadd.s32 $0xA800, v1;
	v40 =	vadd.s32 $0x8800, v37;
	v28 =	vadd.s32 $0x8C00, v37;
	v42 =	vld.idx.msk [tilespmem:v10+s2+$0x0], $0xffff;
	v10 =	vmovc v13;
	v13 =	vmovc v21  }
0x5ea: {  	v43 =	vadd.s32 $0x9400, v37;
	v21 =	vadd.s32 $0x9000, v37;
	[tilespmem:s8+$0x180] =	vst v38;
	v38 =	vadd.s32 $0xBC00, v0;
	v44 =	vld.idx.msk [tilespmem:v8+s2+$0x0], $0xffff;
	v0 =	vmovc v1;
	v1 =	vmovc v2  }
0x5eb: {  	s14 =	sadd.s32 $0x2, s14;
	v45 =	vadd.s32 $0x9800, v37;
	v46 =	vadd.s32 $0x9C00, v37;
	v27 =	vadd.s32 $0xA000, v37;
	v2 =	vmovc v29;
	v47 =	vld.idx.msk [tilespmem:v26+s2+$0x0], $0xffff;
	[tilespmem:s4+$0x2000] =	vst v32;
	v26 =	vmovc v21  }
0x5ec: {  	s17 =	sshrl.u32 s14, $0x3;
	v48 =	vadd.s32 $0xAC00, v37;
	v29 =	vadd.s32 $0xA400, v37;
	v8 =	vmovc v3;
	v3 =	vmovc v5;
	v32 =	vadd.s32 $0xA800, v37;
	v33 =	vld.idx.msk [tilespmem:v33+s2+$0x0], $0xffff;
	[tilespmem:s8+$0x210] =	vst v35  }
0x5ed: {  	s17 =	smul.u32 $0xE00, s17;
	v49 =	vadd.s32 $0xB800, v37;
	v5 =	vmovc v9;
	v21 =	vadd.s32 $0xB000, v37;
	v35 =	vadd.s32 $0xB400, v37;
	v39 =	vld.idx.msk [tilespmem:v39+s2+$0x0], $0xffff;
	[tilespmem:s4+$0x2090] =	vst v34  }
0x5ee: {  	v9 =	vadd.s32 $0xBC00, v37;
	v34 =	vadd.s32 $0x8400, v2;
	v37 =	vld.idx.msk [tilespmem:v41+s2+$0x0], $0xffff;
	[tilespmem:s3+$0x2310] =	vst v30  }
0x5ef: {  	s17 =	sshra.s32 s17, $0x2;
	v30 =	vadd.s32 $0x9800, v1;
	[tilespmem:s3+$0x2200] =	vst v42;
	v38 =	vld.idx.msk [tilespmem:v38+s2+$0x0], $0xffff  }
0x5f0: {  	s16 =	sadd.s32 s16, s17;
	v41 =	vadd.s32 $0xAC00, v0;
	v31 =	vld.idx.msk [tilespmem:v31+s2+$0x0], $0xffff;
	[tilespmem:s0+$0x2380] =	vst v44;
	s0 =	smov.u32 s3;
	s3 =	smov.u32 s4  }
0x5f1: {  	s4 =	smov.u32 s8;
	[tilespmem:s8+$0x200] =	vst v47;
	v42 =	vld.idx.msk [tilespmem:v17+s2+$0x0], $0xffff;
	v17 =	vmov v22;
	v22 =	vmov v29;
	s8 =	sadd.s32 $0x11000, s16  }
0x5f2: {  	[tilespmem:s8+$0x10] =	vst v33;
	v29 =	vld.idx.msk [tilespmem:v25+s2+$0x0], $0xffff;
	v25 =	vmov v43  }
0x5f3: {  	v33 =	vld.idx.msk [tilespmem:v34+s2+$0x0], $0xffff;
	[tilespmem:s4+$0x290] =	vst v39  }
0x5f4: {  	v30 =	vld.idx.msk [tilespmem:v30+s2+$0x0], $0xffff;
	[tilespmem:s3+$0x2110] =	vst v37  }
0x5f5: {  	v34 =	vadd.s32 $0x8800, v2;
	v37 =	vld.idx.msk [tilespmem:v41+s2+$0x0], $0xffff;
	[tilespmem:s0+$0x2390] =	vst v38  }
0x5f6: {  	[tilespmem:s16+$0x11000] =	vst v31;
	v31 =	vadd.s32 $0x9C00, v1;
	v38 =	vld.idx.msk [tilespmem:v6+s2+$0x0], $0xffff;
	v6 =	vmovc v11;
	v11 =	vmov v14;
	v14 =	vmov v35  }
0x5f7: {  	v35 =	vld.idx.msk [tilespmem:v36+s2+$0x0], $0xffff;
	[tilespmem:s3+$0x2080] =	vst v42;
	v36 =	vadd.s32 $0xB000, v0  }
0x5f8: {  	[tilespmem:s4+$0x280] =	vst v29;
	v39 =	vld.idx.msk [tilespmem:v16+s2+$0x0], $0xffff;
	v16 =	vmov v20;
	v20 =	vmov v32  }
0x5f9: {  	[tilespmem:s8+$0x90] =	vst v33;
	v32 =	vld.idx.msk [tilespmem:v24+s2+$0x0], $0xffff;
	v24 =	vmov v45  }
0x5fa: {  	v33 =	vld.idx.msk [tilespmem:v34+s2+$0x0], $0xffff;
	[tilespmem:s4+$0x310] =	vst v30  }
0x5fb: {  	v41 =	vld.idx.msk [tilespmem:v31+s2+$0x0], $0xffff;
	[tilespmem:s3+$0x2190] =	vst v37  }
0x5fc: {  	v37 =	vadd.s32 $0x8C00, v2;
	v36 =	vld.idx.msk [tilespmem:v36+s2+$0x0], $0xffff;
	[tilespmem:s0+$0x2280] =	vst v38  }
0x5fd: {  	v38 =	vadd.s32 $0xA000, v1;
	[tilespmem:s8+$0x80] =	vst v35;
	v29 =	vld.idx.msk [tilespmem:v4+s2+$0x0], $0xffff;
	v4 =	vmovc v7;
	v7 =	vmov v12;
	v12 =	vmov v49  }
.Ltmp6:
0x5fe: {  	v31 =	vadd.s32 $0xB400, v0;
	v34 =	vld.idx.msk [tilespmem:v40+s2+$0x0], $0xffff;
	[tilespmem:s3+$0x2100] =	vst v39;
	(pc) =	sbr.rel @p0 .LBB2_15-.Ltmp6, $4  }
0x5ff: {  	[tilespmem:s4+$0x300] =	vst v32;
	v30 =	vld.idx.msk [tilespmem:v15+s2+$0x0], $0xffff;
	v15 =	vmov v18;
	v18 =	vmov v48  }
0x600: {  	[tilespmem:s8+$0x110] =	vst v33;
	v32 =	vld.idx.msk [tilespmem:v23+s2+$0x0], $0xffff;
	v23 =	vmov v46  }
0x601: {  	v35 =	vld.idx.msk [tilespmem:v37+s2+$0x0], $0xffff;
	[tilespmem:s4+$0x390] =	vst v41  }
0x602: {  	s15 =	sadd.s32 $0x80, s15;
	v33 =	vld.idx.msk [tilespmem:v38+s2+$0x0], $0xffff;
	[tilespmem:s3+$0x2210] =	vst v36  }
0x603: {  	_ =	sdelay $0x2  }
0x604: {  	[tilespmem:s8+$0x100] =	vst v34  }
0x605: {  	v60 =	vadd.s32 $0x9000, v2;
	v28 =	vld.idx.msk [tilespmem:v28+s2+$0x0], $0xffff;
	_ =	sdelay $0x3  }
0x606: {  	[tilespmem:s8+$0x190] =	vst v35  }
0x607: {  	v34 =	vld.idx.msk [tilespmem:v60+s2+$0x0], $0xffff;
	[tilespmem:s8+$0x180] =	vst v28  }
0x608: {  	v28 =	vadd.s32 $0x9400, v2;
	v26 =	vld.idx.msk [tilespmem:v26+s2+$0x0], $0xffff;
	_ =	sdelay $0x3  }
0x609: {  	[tilespmem:s8+$0x210] =	vst v34  }
0x60a: {  	v28 =	vld.idx.msk [tilespmem:v28+s2+$0x0], $0xffff;
	[tilespmem:s8+$0x200] =	vst v26  }
0x60b: {  	v26 =	vadd.s32 $0x9800, v2;
	v25 =	vld.idx.msk [tilespmem:v25+s2+$0x0], $0xffff;
	_ =	sdelay $0x3  }
0x60c: {  	[tilespmem:s8+$0x290] =	vst v28  }
0x60d: {  	v26 =	vld.idx.msk [tilespmem:v26+s2+$0x0], $0xffff;
	[tilespmem:s8+$0x280] =	vst v25  }
0x60e: {  	v25 =	vadd.s32 $0x9C00, v2;
	v24 =	vld.idx.msk [tilespmem:v24+s2+$0x0], $0xffff;
	_ =	sdelay $0x3  }
0x60f: {  	[tilespmem:s8+$0x310] =	vst v26  }
0x610: {  	v25 =	vld.idx.msk [tilespmem:v25+s2+$0x0], $0xffff;
	[tilespmem:s8+$0x300] =	vst v24  }
0x611: {  	v24 =	vadd.s32 $0xA000, v2;
	v23 =	vld.idx.msk [tilespmem:v23+s2+$0x0], $0xffff;
	_ =	sdelay $0x1  }
0x612: {  	[tilespmem:s4+$0x380] =	vst v32  }
0x613: {  	v19 =	vld.idx.msk [tilespmem:v19+s2+$0x0], $0xffff  }
0x614: {  	[tilespmem:s8+$0x390] =	vst v25  }
0x615: {  	v26 =	vadd.s32 $0xA400, v1;
	v24 =	vld.idx.msk [tilespmem:v24+s2+$0x0], $0xffff;
	[tilespmem:s8+$0x380] =	vst v23  }
0x616: {  	v23 =	vadd.s32 $0xA400, v2;
	v25 =	vld.idx.msk [tilespmem:v27+s2+$0x0], $0xffff;
	_ =	sdelay $0x1  }
0x617: {  	[tilespmem:s4+$0x2000] =	vst v19  }
0x618: {  	[tilespmem:s4+$0x2010] =	vst v33;
	v17 =	vld.idx.msk [tilespmem:v17+s2+$0x0], $0xffff  }
0x619: {  	v26 =	vld.idx.msk [tilespmem:v26+s2+$0x0], $0xffff;
	[tilespmem:s8+$0x2010] =	vst v24  }
0x61a: {  	v19 =	vadd.s32 $0xA800, v1;
	v23 =	vld.idx.msk [tilespmem:v23+s2+$0x0], $0xffff;
	[tilespmem:s8+$0x2000] =	vst v25  }
0x61b: {  	v24 =	vadd.s32 $0xA800, v2;
	v22 =	vld.idx.msk [tilespmem:v22+s2+$0x0], $0xffff;
	_ =	sdelay $0x1  }
0x61c: {  	[tilespmem:s4+$0x2080] =	vst v17  }
0x61d: {  	v16 =	vld.idx.msk [tilespmem:v16+s2+$0x0], $0xffff;
	[tilespmem:s4+$0x2090] =	vst v26  }
0x61e: {  	v19 =	vld.idx.msk [tilespmem:v19+s2+$0x0], $0xffff;
	[tilespmem:s8+$0x2090] =	vst v23  }
0x61f: {  	v17 =	vadd.s32 $0xAC00, v1;
	v23 =	vld.idx.msk [tilespmem:v24+s2+$0x0], $0xffff;
	[tilespmem:s8+$0x2080] =	vst v22  }
0x620: {  	v22 =	vadd.s32 $0xAC00, v2;
	v20 =	vld.idx.msk [tilespmem:v20+s2+$0x0], $0xffff;
	_ =	sdelay $0x1  }
0x621: {  	[tilespmem:s4+$0x2100] =	vst v16  }
0x622: {  	v15 =	vld.idx.msk [tilespmem:v15+s2+$0x0], $0xffff;
	[tilespmem:s4+$0x2110] =	vst v19  }
0x623: {  	v17 =	vld.idx.msk [tilespmem:v17+s2+$0x0], $0xffff;
	[tilespmem:s8+$0x2110] =	vst v23  }
0x624: {  	v16 =	vadd.s32 $0xB000, v1;
	v19 =	vld.idx.msk [tilespmem:v22+s2+$0x0], $0xffff;
	[tilespmem:s8+$0x2100] =	vst v20  }
0x625: {  	[tilespmem:s0+$0x2300] =	vst v29;
	v20 =	vadd.s32 $0xB000, v2;
	v18 =	vld.idx.msk [tilespmem:v18+s2+$0x0], $0xffff  }
0x626: {  	[tilespmem:s3+$0x2180] =	vst v30;
	v8 =	vld.idx.msk [tilespmem:v8+s2+$0x0], $0xffff  }
0x627: {  	v10 =	vld.idx.msk [tilespmem:v10+s2+$0x0], $0xffff;
	[tilespmem:s4+$0x2180] =	vst v15  }
0x628: {  	v13 =	vld.idx.msk [tilespmem:v13+s2+$0x0], $0xffff;
	[tilespmem:s4+$0x2190] =	vst v17  }
0x629: {  	v16 =	vld.idx.msk [tilespmem:v16+s2+$0x0], $0xffff;
	[tilespmem:s8+$0x2190] =	vst v19  }
0x62a: {  	v15 =	vadd.s32 $0xB400, v1;
	v17 =	vld.idx.msk [tilespmem:v20+s2+$0x0], $0xffff;
	[tilespmem:s8+$0x2180] =	vst v18  }
0x62b: {  	[tilespmem:s0+$0x2380] =	vst v8;
	v18 =	vadd.s32 $0xB400, v2;
	v19 =	vld.idx.msk [tilespmem:v21+s2+$0x0], $0xffff  }
0x62c: {  	[tilespmem:s3+$0x2200] =	vst v10;
	v22 =	vld.idx.msk [tilespmem:v31+s2+$0x0], $0xffff  }
0x62d: {  	v6 =	vld.idx.msk [tilespmem:v6+s2+$0x0], $0xffff;
	[tilespmem:s4+$0x2200] =	vst v13;
	v23 =	vadd.s32 $0xB800, v0  }
0x62e: {  	v11 =	vld.idx.msk [tilespmem:v11+s2+$0x0], $0xffff;
	[tilespmem:s4+$0x2210] =	vst v16  }
0x62f: {  	v10 =	vld.idx.msk [tilespmem:v15+s2+$0x0], $0xffff;
	[tilespmem:s8+$0x2210] =	vst v17  }
0x630: {  	v13 =	vadd.s32 $0xB800, v1;
	v15 =	vld.idx.msk [tilespmem:v18+s2+$0x0], $0xffff;
	[tilespmem:s8+$0x2200] =	vst v19  }
0x631: {  	v16 =	vadd.s32 $0xB800, v2;
	[tilespmem:s3+$0x2290] =	vst v22;
	v14 =	vld.idx.msk [tilespmem:v14+s2+$0x0], $0xffff  }
0x632: {  	[tilespmem:s3+$0x2280] =	vst v6;
	v20 =	vld.idx.msk [tilespmem:v23+s2+$0x0], $0xffff  }
0x633: {  	v4 =	vld.idx.msk [tilespmem:v4+s2+$0x0], $0xffff;
	[tilespmem:s4+$0x2280] =	vst v11;
	v0 =	vadd.s32 $0xBC00, v0  }
0x634: {  	v7 =	vld.idx.msk [tilespmem:v7+s2+$0x0], $0xffff;
	[tilespmem:s4+$0x2290] =	vst v10  }
0x635: {  	v6 =	vld.idx.msk [tilespmem:v13+s2+$0x0], $0xffff;
	[tilespmem:s8+$0x2290] =	vst v15  }
0x636: {  	v1 =	vadd.s32 $0xBC00, v1;
	v10 =	vld.idx.msk [tilespmem:v16+s2+$0x0], $0xffff;
	[tilespmem:s8+$0x2280] =	vst v14  }
0x637: {  	v2 =	vadd.s32 $0xBC00, v2;
	[tilespmem:s3+$0x2310] =	vst v20;
	v8 =	vld.idx.msk [tilespmem:v12+s2+$0x0], $0xffff  }
0x638: {  	[tilespmem:s3+$0x2300] =	vst v4;
	v0 =	vld.idx.msk [tilespmem:v0+s2+$0x0], $0xffff  }
0x639: {  	v3 =	vld.idx.msk [tilespmem:v3+s2+$0x0], $0xffff;
	[tilespmem:s4+$0x2300] =	vst v7  }
0x63a: {  	v4 =	vld.idx.msk [tilespmem:v5+s2+$0x0], $0xffff;
	[tilespmem:s4+$0x2310] =	vst v6  }
0x63b: {  	v1 =	vld.idx.msk [tilespmem:v1+s2+$0x0], $0xffff;
	[tilespmem:s8+$0x2310] =	vst v10  }
0x63c: {  	v2 =	vld.idx.msk [tilespmem:v2+s2+$0x0], $0xffff;
	[tilespmem:s8+$0x2300] =	vst v8  }
0x63d: {  	[tilespmem:s3+$0x2390] =	vst v0;
	v0 =	vld.idx.msk [tilespmem:v9+s2+$0x0], $0xffff  }
0x63e: {  	[tilespmem:s3+$0x2380] =	vst v3  }
0x63f: {  	[tilespmem:s4+$0x2380] =	vst v4  }
0x640: {  	[tilespmem:s4+$0x2390] =	vst v1  }
0x641: {  	[tilespmem:s8+$0x2390] =	vst v2  }
0x642: {  	s17 =	sadd.s32 s28, s11;
	s19 =	simm.s32 $0x0;
	[tilespmem:s8+$0x2380] =	vst v0  }
0x643: {  	[hbm4b:s17+s19] =	stream.linear.scatter [tilespmem:s21], [sflag:$0x2], $0x4000, $0x38;
	[tilespmem:$0x19000] =	vst v63  }
0x644: {  	_ =	swait.ge [sflag:s24], $0x4000  }
0x645: {  	[sflag:s24] =	ssyncset.done $0x0  }
0x646: {  	s15 =	simm.s32 $0x0;
	[sflag:s24] =	ssyncadd.s32 $0xFFFFC000  }
0x647: {  	v2 =	vld [tilespmem:s15+$0x10410];
	_ =	sdelay $0x2  }
0x648: {  	v4 =	vld [tilespmem:s15+$0x10400];
	_ =	sdelay $0x1  }
0x649: {  	v0 =	vadd.s32 $0xC000, v2;
	_ =	sdelay $0x2  }
0x64a: {  	v3 =	vadd.s32 $0xC000, v4  }
0x64b: {  	s20 =	simm.s32 $0x0  }
0x64c: {  	s0 =	smul.u32 $0xE00, s20;
	v0 =	vld.idx.msk [tilespmem:v0+s2+$0x0], $0xffff  }
0x64d: {  	v1 =	vadd.s32 $0xC400, v2  }
0x64e: {  	s0 =	sshra.s32 s0, $0x2  }
0x64f: {  	s0 =	sadd.s32 $0x0, s0;
	v3 =	vld.idx.msk [tilespmem:v3+s2+$0x0], $0xffff  }
0x650: {  	s29 =	sadd.s32 $0x11000, s0;
	v5 =	vadd.s32 $0xC400, v4  }
0x651: {  	[tilespmem:s29+$0x4010] =	vst v0  }
0x652: {  	v0 =	vld.idx.msk [tilespmem:v1+s2+$0x0], $0xffff  }
0x653: {  	v1 =	vadd.s32 $0xC800, v2  }
0x654: {  	[tilespmem:s29+$0x4000] =	vst v3  }
0x655: {  	v3 =	vld.idx.msk [tilespmem:v5+s2+$0x0], $0xffff  }
0x656: {  	v6 =	vadd.s32 $0xC800, v4  }
0x657: {  	[tilespmem:s29+$0x4090] =	vst v0  }
0x658: {  	v0 =	vld.idx.msk [tilespmem:v1+s2+$0x0], $0xffff  }
0x659: {  	v1 =	vadd.s32 $0xCC00, v2  }
0x65a: {  	[tilespmem:s29+$0x4080] =	vst v3  }
0x65b: {  	v6 =	vld.idx.msk [tilespmem:v6+s2+$0x0], $0xffff  }
0x65c: {  	s3 =	simm.s32 $0x20;
	v7 =	vadd.s32 $0xCC00, v4  }
0x65d: {  	v3 =	vld [tilespmem:s3+$0x10400];
	[tilespmem:s29+$0x4110] =	vst v0  }
0x65e: {  	v0 =	vld.idx.msk [tilespmem:v1+s2+$0x0], $0xffff  }
0x65f: {  	v5 =	vld [tilespmem:s3+$0x10410];
	v1 =	vadd.s32 $0xD000, v2  }
0x660: {  	[tilespmem:s29+$0x4100] =	vst v6  }
0x661: {  	v7 =	vld.idx.msk [tilespmem:v7+s2+$0x0], $0xffff  }
0x662: {  	v8 =	vadd.s32 $0xD000, v4  }
0x663: {  	v9 =	vadd.s32 $0xC000, v3;
	[tilespmem:s29+$0x4190] =	vst v0  }
0x664: {  	v0 =	vld.idx.msk [tilespmem:v1+s2+$0x0], $0xffff;
	v1 =	vadd.s32 $0xC000, v5  }
0x665: {  	v6 =	vadd.s32 $0xD400, v2  }
0x666: {  	[tilespmem:s29+$0x4180] =	vst v7  }
0x667: {  	s25 =	simm.s32 $0x0;
	v8 =	vld.idx.msk [tilespmem:v8+s2+$0x0], $0xffff  }
0x668: {  	s0 =	smul.u32 $0xE00, s25;
	v10 =	vadd.s32 $0xD400, v4;
	v9 =	vld.idx.msk [tilespmem:v9+s2+$0x0], $0xffff  }
0x669: {  	v11 =	vadd.s32 $0xC400, v3;
	v1 =	vld.idx.msk [tilespmem:v1+s2+$0x0], $0xffff;
	[tilespmem:s29+$0x4210] =	vst v0  }
0x66a: {  	s0 =	sshra.s32 s0, $0x2;
	v0 =	vld.idx.msk [tilespmem:v6+s2+$0x0], $0xffff;
	v6 =	vadd.s32 $0xC400, v5  }
0x66b: {  	s0 =	sadd.s32 $0x20, s0  }
0x66c: {  	s0 =	sadd.s32 $0x11000, s0;
	v7 =	vadd.s32 $0xD800, v2;
	[tilespmem:s29+$0x4200] =	vst v8  }
0x66d: {  	[tilespmem:s0+$0x4000] =	vst v9;
	v8 =	vld.idx.msk [tilespmem:v10+s2+$0x0], $0xffff  }
0x66e: {  	v10 =	vld.idx.msk [tilespmem:v11+s2+$0x0], $0xffff;
	[tilespmem:s0+$0x4010] =	vst v1  }
0x66f: {  	v11 =	vadd.s32 $0xC800, v3;
	v1 =	vld.idx.msk [tilespmem:v6+s2+$0x0], $0xffff  }
0x670: {  	[tilespmem:s29+$0x4290] =	vst v0;
	v6 =	vadd.s32 $0xC800, v5  }
0x671: {  	v0 =	vld.idx.msk [tilespmem:v7+s2+$0x0], $0xffff  }
0x672: {  	v7 =	vadd.s32 $0xDC00, v2  }
0x673: {  	v9 =	vadd.s32 $0xD800, v4;
	[tilespmem:s0+$0x4080] =	vst v10  }
0x674: {  	v10 =	vld.idx.msk [tilespmem:v11+s2+$0x0], $0xffff;
	[tilespmem:s0+$0x4090] =	vst v1  }
0x675: {  	v11 =	vadd.s32 $0xCC00, v3;
	v1 =	vld.idx.msk [tilespmem:v6+s2+$0x0], $0xffff  }
0x676: {  	[tilespmem:s29+$0x4310] =	vst v0;
	v6 =	vadd.s32 $0xCC00, v5  }
0x677: {  	[tilespmem:s29+$0x4280] =	vst v8;
	v0 =	vld.idx.msk [tilespmem:v7+s2+$0x0], $0xffff  }
0x678: {  	v8 =	vld.idx.msk [tilespmem:v9+s2+$0x0], $0xffff;
	v7 =	vadd.s32 $0xE000, v2  }
0x679: {  	v9 =	vadd.s32 $0xDC00, v4;
	[tilespmem:s0+$0x4100] =	vst v10  }
0x67a: {  	v11 =	vld.idx.msk [tilespmem:v11+s2+$0x0], $0xffff;
	[tilespmem:s0+$0x4110] =	vst v1  }
0x67b: {  	s16 =	simm.s32 $0x40;
	v12 =	vadd.s32 $0xD000, v3;
	v1 =	vld.idx.msk [tilespmem:v6+s2+$0x0], $0xffff  }
0x67c: {  	[tilespmem:s29+$0x4390] =	vst v0;
	v0 =	vld [tilespmem:s16+$0x10410]  }
0x67d: {  	[tilespmem:s29+$0x4300] =	vst v8;
	v8 =	vadd.s32 $0xD000, v5;
	v7 =	vld.idx.msk [tilespmem:v7+s2+$0x0], $0xffff  }
0x67e: {  	v10 =	vadd.s32 $0xE400, v2;
	v9 =	vld.idx.msk [tilespmem:v9+s2+$0x0], $0xffff  }
0x67f: {  	v6 =	vld [tilespmem:s16+$0x10400];
	[tilespmem:s0+$0x4180] =	vst v11  }
0x680: {  	v13 =	vadd.s32 $0xE000, v4;
	v11 =	vld.idx.msk [tilespmem:v12+s2+$0x0], $0xffff  }
0x681: {  	v12 =	vadd.s32 $0xD400, v3;
	[tilespmem:s0+$0x4190] =	vst v1  }
0x682: {  	v1 =	vld.idx.msk [tilespmem:v8+s2+$0x0], $0xffff;
	[tilespmem:s29+$0x6010] =	vst v7;
	v7 =	vadd.s32 $0xC000, v0  }
0x683: {  	v8 =	vld.idx.msk [tilespmem:v10+s2+$0x0], $0xffff;
	v10 =	vadd.s32 $0xD400, v5  }
0x684: {  	v14 =	vadd.s32 $0xE800, v2;
	[tilespmem:s29+$0x4380] =	vst v9  }
0x685: {  	v13 =	vld.idx.msk [tilespmem:v13+s2+$0x0], $0xffff;
	v9 =	vadd.s32 $0xC000, v6;
	[tilespmem:s0+$0x4200] =	vst v11  }
0x686: {  	s30 =	simm.s32 $0x0;
	v15 =	vadd.s32 $0xE400, v4;
	v12 =	vld.idx.msk [tilespmem:v12+s2+$0x0], $0xffff  }
0x687: {  	s4 =	smul.u32 $0xE00, s30;
	v7 =	vld.idx.msk [tilespmem:v7+s2+$0x0], $0xffff;
	[tilespmem:s0+$0x4210] =	vst v1  }
0x688: {  	v1 =	vld.idx.msk [tilespmem:v10+s2+$0x0], $0xffff;
	[tilespmem:s29+$0x6090] =	vst v8;
	v8 =	vadd.s32 $0xC400, v0  }
0x689: {  	s4 =	sshra.s32 s4, $0x2;
	v10 =	vld.idx.msk [tilespmem:v14+s2+$0x0], $0xffff;
	v14 =	vadd.s32 $0xD800, v5  }
0x68a: {  	s4 =	sadd.s32 $0x40, s4;
	[tilespmem:s29+$0x6000] =	vst v13;
	v13 =	vadd.s32 $0xD800, v3;
	v9 =	vld.idx.msk [tilespmem:v9+s2+$0x0], $0xffff  }
0x68b: {  	s9 =	simm.s32 $0x80;
	s17 =	sadd.s32 $0x11000, s4;
	v11 =	vadd.s32 $0xEC00, v2;
	v15 =	vld.idx.msk [tilespmem:v15+s2+$0x0], $0xffff;
	[tilespmem:s0+$0x4280] =	vst v12  }
0x68c: {  	v28 =	vld [tilespmem:s9+$0x10400];
	v16 =	vadd.s32 $0xC400, v6;
	[tilespmem:s17+$0x4010] =	vst v7  }
0x68d: {  	v7 =	vadd.s32 $0xE800, v4;
	v8 =	vld.idx.msk [tilespmem:v8+s2+$0x0], $0xffff;
	[tilespmem:s0+$0x4290] =	vst v1  }
0x68e: {  	v1 =	vld.idx.msk [tilespmem:v14+s2+$0x0], $0xffff;
	[tilespmem:s29+$0x6110] =	vst v10;
	v10 =	vadd.s32 $0xC800, v0  }
0x68f: {  	v13 =	vld.idx.msk [tilespmem:v13+s2+$0x0], $0xffff;
	[tilespmem:s17+$0x4000] =	vst v9;
	v9 =	vadd.s32 $0xDC00, v5  }
0x690: {  	[tilespmem:s29+$0x6080] =	vst v15;
	v15 =	vadd.s32 $0xDC00, v3;
	v11 =	vld.idx.msk [tilespmem:v11+s2+$0x0], $0xffff  }
0x691: {  	v12 =	vadd.s32 $0xF000, v2;
	v14 =	vld.idx.msk [tilespmem:v16+s2+$0x0], $0xffff  }
0x692: {  	v16 =	vadd.s32 $0xC800, v6;
	v7 =	vld.idx.msk [tilespmem:v7+s2+$0x0], $0xffff;
	[tilespmem:s17+$0x4090] =	vst v8  }
0x693: {  	v8 =	vadd.s32 $0xEC00, v4;
	v10 =	vld.idx.msk [tilespmem:v10+s2+$0x0], $0xffff;
	[tilespmem:s0+$0x4310] =	vst v1  }
0x694: {  	[tilespmem:s0+$0x4300] =	vst v13;
	v1 =	vld.idx.msk [tilespmem:v9+s2+$0x0], $0xffff;
	v9 =	vadd.s32 $0xCC00, v0  }
0x695: {  	v15 =	vld.idx.msk [tilespmem:v15+s2+$0x0], $0xffff;
	[tilespmem:s29+$0x6190] =	vst v11  }
0x696: {  	[tilespmem:s17+$0x4080] =	vst v14;
	v11 =	vld.idx.msk [tilespmem:v12+s2+$0x0], $0xffff;
	v12 =	vadd.s32 $0xE000, v5  }
0x697: {  	v13 =	vadd.s32 $0xF400, v2;
	v14 =	vld.idx.msk [tilespmem:v16+s2+$0x0], $0xffff;
	[tilespmem:s29+$0x6100] =	vst v7  }
0x698: {  	v7 =	vld.idx.msk [tilespmem:v8+s2+$0x0], $0xffff;
	[tilespmem:s17+$0x4110] =	vst v10  }
0x699: {  	s4 =	simm.s32 $0x60;
	v8 =	vadd.s32 $0xCC00, v6;
	v10 =	vld.idx.msk [tilespmem:v9+s2+$0x0], $0xffff  }
0x69a: {  	v16 =	vadd.s32 $0xE000, v3;
	[tilespmem:s0+$0x4390] =	vst v1;
	v1 =	vld [tilespmem:s4+$0x10410]  }
0x69b: {  	v12 =	vld.idx.msk [tilespmem:v12+s2+$0x0], $0xffff;
	[tilespmem:s29+$0x6210] =	vst v11;
	v11 =	vadd.s32 $0xD000, v0  }
0x69c: {  	v17 =	vadd.s32 $0xE400, v5;
	v13 =	vld.idx.msk [tilespmem:v13+s2+$0x0], $0xffff  }
0x69d: {  	[tilespmem:s17+$0x4100] =	vst v14;
	v9 =	vld [tilespmem:s4+$0x10400];
	v14 =	vadd.s32 $0xF800, v2  }
0x69e: {  	v18 =	vadd.s32 $0xF000, v4;
	[tilespmem:s0+$0x4380] =	vst v15;
	v8 =	vld.idx.msk [tilespmem:v8+s2+$0x0], $0xffff  }
0x69f: {  	v15 =	vadd.s32 $0xD000, v6;
	[tilespmem:s17+$0x4190] =	vst v10;
	v10 =	vld.idx.msk [tilespmem:v16+s2+$0x0], $0xffff  }
0x6a0: {  	v11 =	vld.idx.msk [tilespmem:v11+s2+$0x0], $0xffff;
	[tilespmem:s0+$0x6010] =	vst v12;
	v12 =	vadd.s32 $0xC000, v1  }
0x6a1: {  	v16 =	vld.idx.msk [tilespmem:v17+s2+$0x0], $0xffff;
	[tilespmem:s29+$0x6290] =	vst v13;
	v13 =	vadd.s32 $0xD400, v0  }
0x6a2: {  	[tilespmem:s29+$0x6180] =	vst v7;
	v7 =	vld.idx.msk [tilespmem:v14+s2+$0x0], $0xffff;
	v14 =	vadd.s32 $0xE800, v5  }
0x6a3: {  	v2 =	vadd.s32 $0xFC00, v2;
	v17 =	vld.idx.msk [tilespmem:v18+s2+$0x0], $0xffff;
	[tilespmem:s17+$0x4180] =	vst v8  }
0x6a4: {  	v8 =	vld.idx.msk [tilespmem:v15+s2+$0x0], $0xffff  }
0x6a5: {  	v15 =	vadd.s32 $0xC000, v9;
	v12 =	vld.idx.msk [tilespmem:v12+s2+$0x0], $0xffff;
	[tilespmem:s17+$0x4210] =	vst v11  }
0x6a6: {  	s31 =	simm.s32 $0x0;
	v11 =	vadd.s32 $0xD400, v6;
	v13 =	vld.idx.msk [tilespmem:v13+s2+$0x0], $0xffff;
	[tilespmem:s0+$0x6090] =	vst v16  }
0x6a7: {  	s8 =	smul.u32 $0xE00, s31;
	v16 =	vadd.s32 $0xE400, v3;
	v14 =	vld.idx.msk [tilespmem:v14+s2+$0x0], $0xffff;
	[tilespmem:s29+$0x6310] =	vst v7  }
0x6a8: {  	v7 =	vadd.s32 $0xF400, v4;
	v18 =	vld.idx.msk [tilespmem:v2+s2+$0x0], $0xffff  }
0x6a9: {  	s8 =	sshra.s32 s8, $0x2;
	[tilespmem:s0+$0x6000] =	vst v10;
	v2 =	vadd.s32 $0xC400, v1;
	v19 =	vld [tilespmem:s15+$0x10C10]  }
0x6aa: {  	s8 =	sadd.s32 $0x60, s8;
	v15 =	vld.idx.msk [tilespmem:v15+s2+$0x0], $0xffff;
	[tilespmem:s17+$0x4200] =	vst v8;
	v8 =	vadd.s32 $0xD800, v0  }
0x6ab: {  	s8 =	sadd.s32 $0x11000, s8;
	v20 =	vadd.s32 $0xC400, v9;
	[tilespmem:s29+$0x6200] =	vst v17;
	v10 =	vld.idx.msk [tilespmem:v11+s2+$0x0], $0xffff  }
0x6ac: {  	v11 =	vadd.s32 $0xEC00, v5;
	[tilespmem:s8+$0x4010] =	vst v12;
	v16 =	vld.idx.msk [tilespmem:v16+s2+$0x0], $0xffff  }
0x6ad: {  	v17 =	vadd.s32 $0xD800, v6;
	[tilespmem:s17+$0x4290] =	vst v13;
	v7 =	vld.idx.msk [tilespmem:v7+s2+$0x0], $0xffff  }
0x6ae: {  	v12 =	vadd.s32 $0xE800, v3;
	[tilespmem:s0+$0x6110] =	vst v14;
	v2 =	vld.idx.msk [tilespmem:v2+s2+$0x0], $0xffff  }
0x6af: {  	v13 =	vadd.s32 $0xC800, v1;
	v8 =	vld.idx.msk [tilespmem:v8+s2+$0x0], $0xffff;
	[tilespmem:s8+$0x4000] =	vst v15  }
0x6b0: {  	v14 =	vadd.s32 $0xDC00, v0;
	v15 =	vld.idx.msk [tilespmem:v20+s2+$0x0], $0xffff;
	[tilespmem:s17+$0x4280] =	vst v10  }
0x6b1: {  	v20 =	vadd.s32 $0xF800, v4;
	v11 =	vld.idx.msk [tilespmem:v11+s2+$0x0], $0xffff;
	[tilespmem:s0+$0x6080] =	vst v16  }
0x6b2: {  	v10 =	vadd.s32 $0xF000, v5;
	v17 =	vld.idx.msk [tilespmem:v17+s2+$0x0], $0xffff;
	[tilespmem:s29+$0x6280] =	vst v7  }
0x6b3: {  	v16 =	vadd.s32 $0xC800, v9;
	[tilespmem:s8+$0x4090] =	vst v2;
	v2 =	vld.idx.msk [tilespmem:v12+s2+$0x0], $0xffff  }
0x6b4: {  	v12 =	vadd.s32 $0xDC00, v6;
	[tilespmem:s17+$0x4310] =	vst v8;
	v13 =	vld.idx.msk [tilespmem:v13+s2+$0x0], $0xffff  }
0x6b5: {  	v14 =	vld.idx.msk [tilespmem:v14+s2+$0x0], $0xffff;
	[tilespmem:s8+$0x4080] =	vst v15  }
0x6b6: {  	v8 =	vadd.s32 $0xEC00, v3;
	v15 =	vld.idx.msk [tilespmem:v20+s2+$0x0], $0xffff;
	[tilespmem:s0+$0x6190] =	vst v11  }
0x6b7: {  	v11 =	vadd.s32 $0xCC00, v1;
	v10 =	vld.idx.msk [tilespmem:v10+s2+$0x0], $0xffff  }
0x6b8: {  	v7 =	vadd.s32 $0xE000, v0;
	v16 =	vld.idx.msk [tilespmem:v16+s2+$0x0], $0xffff;
	[tilespmem:s17+$0x4300] =	vst v17  }
0x6b9: {  	v4 =	vadd.s32 $0xFC00, v4;
	v12 =	vld.idx.msk [tilespmem:v12+s2+$0x0], $0xffff  }
0x6ba: {  	v17 =	vadd.s32 $0xF400, v5;
	[tilespmem:s0+$0x6100] =	vst v2;
	v2 =	vld [tilespmem:s9+$0x10410]  }
0x6bb: {  	[tilespmem:s8+$0x4110] =	vst v13;
	v8 =	vld.idx.msk [tilespmem:v8+s2+$0x0], $0xffff  }
0x6bc: {  	v13 =	vadd.s32 $0xCC00, v9;
	[tilespmem:s17+$0x4390] =	vst v14;
	v11 =	vld.idx.msk [tilespmem:v11+s2+$0x0], $0xffff  }
0x6bd: {  	v14 =	vadd.s32 $0xE000, v6;
	[tilespmem:s29+$0x6300] =	vst v15;
	v7 =	vld.idx.msk [tilespmem:v7+s2+$0x0], $0xffff  }
0x6be: {  	v61 =	vld.idx.msk [tilespmem:v4+s2+$0x0], $0xffff;
	[tilespmem:s0+$0x6210] =	vst v10;
	v10 =	vadd.s32 $0xD000, v1  }
0x6bf: {  	v20 =	vadd.s32 $0xE400, v0;
	[tilespmem:s8+$0x4100] =	vst v16;
	v17 =	vld.idx.msk [tilespmem:v17+s2+$0x0], $0xffff  }
0x6c0: {  	v62 =	vld [tilespmem:s15+$0x10C00];
	v16 =	vadd.s32 $0xF800, v5;
	[tilespmem:s17+$0x4380] =	vst v12  }
0x6c1: {  	v21 =	vadd.s32 $0xF000, v3;
	v12 =	vld.idx.msk [tilespmem:v13+s2+$0x0], $0xffff;
	[tilespmem:s0+$0x6180] =	vst v8  }
0x6c2: {  	v13 =	vadd.s32 $0xD000, v9;
	[tilespmem:s8+$0x4190] =	vst v11;
	v11 =	vld.idx.msk [tilespmem:v14+s2+$0x0], $0xffff  }
0x6c3: {  	[tilespmem:s17+$0x6010] =	vst v7;
	v7 =	vadd.s32 $0xC000, v2;
	v10 =	vld.idx.msk [tilespmem:v10+s2+$0x0], $0xffff  }
0x6c4: {  	v8 =	vadd.s32 $0xD400, v1;
	v14 =	vld.idx.msk [tilespmem:v20+s2+$0x0], $0xffff;
	[tilespmem:s0+$0x6290] =	vst v17  }
0x6c5: {  	v15 =	vadd.s32 $0xE800, v0;
	v16 =	vld.idx.msk [tilespmem:v16+s2+$0x0], $0xffff  }
0x6c6: {  	v5 =	vadd.s32 $0xFC00, v5;
	v17 =	vld.idx.msk [tilespmem:v21+s2+$0x0], $0xffff;
	[tilespmem:s8+$0x4180] =	vst v12  }
0x6c7: {  	v4 =	vld.idx.msk [tilespmem:v13+s2+$0x0], $0xffff  }
0x6c8: {  	v12 =	vadd.s32 $0xC000, v28;
	v7 =	vld.idx.msk [tilespmem:v7+s2+$0x0], $0xffff;
	[tilespmem:s8+$0x4210] =	vst v10  }
0x6c9: {  	s14 =	simm.s32 $0x1;
	v13 =	vadd.s32 $0xE400, v6;
	[tilespmem:s17+$0x6090] =	vst v14;
	v8 =	vld.idx.msk [tilespmem:v8+s2+$0x0], $0xffff  }
0x6ca: {  	s14 =	smul.u32 $0xE00, s14;
	v10 =	vadd.s32 $0xD400, v9;
	v14 =	vadd.f32 v19, v18;
	v15 =	vld.idx.msk [tilespmem:v15+s2+$0x0], $0xffff;
	[tilespmem:s0+$0x6310] =	vst v16  }
0x6cb: {  	[tilespmem:s17+$0x6000] =	vst v11;
	v16 =	vadd.s32 $0xF400, v3;
	v5 =	vld.idx.msk [tilespmem:v5+s2+$0x0], $0xffff  }
0x6cc: {  	s14 =	sshra.s32 s14, $0x2;
	[tilespmem:s29+$0x6390] =	vst v14;
	v14 =	vadd.s32 $0xC400, v2;
	v18 =	vld [tilespmem:s3+$0x10C10]  }
0x6cd: {  	s14 =	sadd.s32 $0x80, s14;
	v11 =	vadd.s32 $0xEC00, v0;
	[tilespmem:s0+$0x6200] =	vst v17;
	v12 =	vld.idx.msk [tilespmem:v12+s2+$0x0], $0xffff  }
0x6ce: {  	s14 =	sadd.s32 $0x11000, s14;
	[tilespmem:s8+$0x4200] =	vst v4;
	v4 =	vadd.s32 $0xD800, v1;
	v17 =	vld.idx.msk [tilespmem:v13+s2+$0x0], $0xffff  }
0x6cf: {  	v13 =	vadd.s32 $0xC400, v28;
	[tilespmem:s14+$0x4010] =	vst v7;
	v10 =	vld.idx.msk [tilespmem:v10+s2+$0x0], $0xffff  }
0x6d0: {  	v7 =	vadd.s32 $0xD800, v9;
	[tilespmem:s8+$0x4290] =	vst v8;
	v19 =	vld.idx.msk [tilespmem:v16+s2+$0x0], $0xffff  }
0x6d1: {  	v8 =	vadd.s32 $0xE800, v6;
	[tilespmem:s17+$0x6110] =	vst v15;
	v14 =	vld.idx.msk [tilespmem:v14+s2+$0x0], $0xffff;
	v5 =	vadd.f32 v18, v5  }
0x6d2: {  	v11 =	vld.idx.msk [tilespmem:v11+s2+$0x0], $0xffff;
	v18 =	vadd.s32 $0xC800, v2;
	[tilespmem:s14+$0x4000] =	vst v12  }
0x6d3: {  	v12 =	vadd.s32 $0xF800, v3;
	v16 =	vld.idx.msk [tilespmem:v4+s2+$0x0], $0xffff;
	[tilespmem:s0+$0x6390] =	vst v5  }
0x6d4: {  	v29 =	vadd.s32 $0xCC00, v28;
	v20 =	vld.idx.msk [tilespmem:v13+s2+$0x0], $0xffff;
	v5 =	vadd.s32 $0xDC00, v1;
	[tilespmem:s8+$0x4280] =	vst v10  }
0x6d5: {  	v26 =	vadd.s32 $0xD000, v28;
	v25 =	vadd.s32 $0xD400, v28;
	[tilespmem:s17+$0x6080] =	vst v17;
	v10 =	vadd.s32 $0xF000, v0;
	v22 =	vld.idx.msk [tilespmem:v7+s2+$0x0], $0xffff  }
0x6d6: {  	v24 =	vadd.s32 $0xD800, v28;
	v23 =	vadd.s32 $0xDC00, v28;
	v17 =	vadd.s32 $0xC800, v28;
	v36 =	vld.idx.msk [tilespmem:v8+s2+$0x0], $0xffff;
	[tilespmem:s14+$0x4090] =	vst v14  }
0x6d7: {  	v27 =	vadd.s32 $0xE000, v28;
	v31 =	vadd.s32 $0xEC00, v6;
	v63 =	vadd.s32 $0xDC00, v9;
	[tilespmem:s0+$0x6280] =	vst v19;
	v37 =	vld.idx.msk [tilespmem:v18+s2+$0x0], $0xffff  }
0x6d8: {  	v33 =	vadd.s32 $0xF400, v0;
	v41 =	vadd.s32 $0xE000, v1;
	v39 =	vadd.s32 $0xCC00, v2;
	v30 =	vld.idx.msk [tilespmem:v12+s2+$0x0], $0xffff;
	[tilespmem:s8+$0x4310] =	vst v16  }
0x6d9: {  	v21 =	vadd.s32 $0xE000, v9;
	v15 =	vadd.s32 $0xFC00, v3;
	v3 =	vadd.s32 $0xFC00, v6;
	[tilespmem:s17+$0x6190] =	vst v11;
	v38 =	vld.idx.msk [tilespmem:v5+s2+$0x0], $0xffff  }
0x6da: {  	v13 =	vadd.s32 $0xF000, v6;
	v4 =	vadd.s32 $0xF800, v6;
	v7 =	vadd.s32 $0xF400, v6;
	[tilespmem:s14+$0x4080] =	vst v20;
	v40 =	vld.idx.msk [tilespmem:v10+s2+$0x0], $0xffff  }
0x6db: {  	v8 =	vadd.s32 $0xF400, v9;
	v6 =	vadd.s32 $0xF800, v9;
	v14 =	vadd.s32 $0xEC00, v9;
	v35 =	vld.idx.msk [tilespmem:v17+s2+$0x0], $0xffff;
	[tilespmem:s8+$0x4300] =	vst v22  }
0x6dc: {  	v11 =	vadd.s32 $0xF000, v9;
	v19 =	vadd.s32 $0xE800, v28;
	v18 =	vadd.s32 $0xE400, v9;
	[tilespmem:s17+$0x6100] =	vst v36;
	v32 =	vld.idx.msk [tilespmem:v63+s2+$0x0], $0xffff  }
0x6dd: {  	v12 =	vadd.s32 $0xF400, v28;
	v16 =	vadd.s32 $0xE800, v9;
	v20 =	vadd.s32 $0xF000, v28;
	v31 =	vld.idx.msk [tilespmem:v31+s2+$0x0], $0xffff;
	[tilespmem:s14+$0x4110] =	vst v37  }
0x6de: {  	v5 =	vadd.s32 $0xFC00, v9;
	v17 =	vadd.s32 $0xEC00, v28;
	v10 =	vadd.s32 $0xF800, v28;
	v36 =	vld.idx.msk [tilespmem:v39+s2+$0x0], $0xffff;
	[tilespmem:s8+$0x4390] =	vst v38  }
0x6df: {  	s25 =	simm.s32 $0x8;
	s19 =	simm.s32 $0x280;
	s15 =	simm.s32 $0x8;
	v9 =	vadd.s32 $0xFC00, v28;
	v22 =	vadd.s32 $0xE400, v28;
	v28 =	vadd.f32 v62, v61;
	[tilespmem:s17+$0x6210] =	vst v40;
	v34 =	vld.idx.msk [tilespmem:v41+s2+$0x0], $0xffff  }
.LBB2_17:
0x6e0: {  	s20 =	sshra.s32 s19, $0x2;
	v37 =	vadd.s32 $0xD000, v2;
	v33 =	vld.idx.msk [tilespmem:v33+s2+$0x0], $0xffff;
	[tilespmem:s0+$0x6300] =	vst v30  }
0x6e1: {  	v30 =	vld [tilespmem:s20+$0x10410];
	[tilespmem:s14+$0x4100] =	vst v35;
	v35 =	vadd.s32 $0xE400, v1  }
0x6e2: {  	v38 =	vld [tilespmem:s20+$0x10400];
	[tilespmem:s8+$0x4380] =	vst v32;
	v32 =	vadd.s32 $0xF800, v0  }
0x6e3: {  	v39 =	vld.idx.msk [tilespmem:v29+s2+$0x0], $0xffff;
	[tilespmem:s17+$0x6180] =	vst v31  }
0x6e4: {  	[tilespmem:s14+$0x4190] =	vst v36;
	v31 =	vld.idx.msk [tilespmem:v21+s2+$0x0], $0xffff;
	v21 =	vmov v27  }
0x6e5: {  	v36 =	vld.idx.msk [tilespmem:v37+s2+$0x0], $0xffff;
	[tilespmem:s8+$0x6010] =	vst v34  }
0x6e6: {  	s15 =	sadd.s32 $0x2, s15;
	v34 =	vadd.s32 $0xC000, v30;
	v35 =	vld.idx.msk [tilespmem:v35+s2+$0x0], $0xffff;
	[tilespmem:s17+$0x6290] =	vst v33  }
0x6e7: {  	v40 =	vadd.s32 $0xD400, v2;
	p0 =	slt.u32 s15, $0x3E;
	v33 =	vadd.s32 $0xC000, v38;
	v37 =	vadd.s32 $0xC400, v38;
	v32 =	vld.idx.msk [tilespmem:v32+s2+$0x0], $0xffff;
	[tilespmem:s29+$0x6380] =	vst v28;
	s29 =	smov.u32 s0;
	s0 =	smov.u32 s17  }
0x6e8: {  	v41 =	vadd.s32 $0xC800, v38;
	v29 =	vadd.s32 $0xCC00, v38;
	v28 =	vadd.s32 $0xE800, v1;
	s17 =	smov.u32 s8;
	s8 =	smov.u32 s14;
	v42 =	vld.idx.msk [tilespmem:v13+s2+$0x0], $0xffff;
	v13 =	vmovc v11;
	v11 =	vmovc v20  }
0x6e9: {  	v43 =	vadd.s32 $0xD400, v38;
	v20 =	vadd.s32 $0xD000, v38;
	[tilespmem:s8+$0x4180] =	vst v39;
	v39 =	vadd.s32 $0xFC00, v0;
	v44 =	vld.idx.msk [tilespmem:v15+s2+$0x0], $0xffff;
	v0 =	vmovc v1;
	v1 =	vmovc v2  }
0x6ea: {  	v45 =	vadd.s32 $0xD800, v38;
	v46 =	vadd.s32 $0xDC00, v38;
	v27 =	vadd.s32 $0xE000, v38;
	v2 =	vmovc v30;
	v47 =	vld.idx.msk [tilespmem:v26+s2+$0x0], $0xffff;
	[tilespmem:s17+$0x6000] =	vst v31;
	v26 =	vmovc v20  }
0x6eb: {  	v48 =	vadd.s32 $0xEC00, v38;
	v30 =	vadd.s32 $0xE400, v38;
	v15 =	vmovc v3;
	v3 =	vmovc v5;
	v31 =	vadd.s32 $0xE800, v38;
	v34 =	vld.idx.msk [tilespmem:v34+s2+$0x0], $0xffff;
	[tilespmem:s8+$0x4210] =	vst v36  }
0x6ec: {  	s25 =	sadd.s32 $0x2, s25;
	v49 =	vadd.s32 $0xF800, v38;
	v5 =	vmovc v9;
	v20 =	vadd.s32 $0xF000, v38;
	v36 =	vadd.s32 $0xF400, v38;
	v40 =	vld.idx.msk [tilespmem:v40+s2+$0x0], $0xffff;
	[tilespmem:s17+$0x6090] =	vst v35  }
0x6ed: {  	s14 =	sshrl.u32 s25, $0x3;
	v9 =	vadd.s32 $0xFC00, v38;
	v28 =	vld.idx.msk [tilespmem:v28+s2+$0x0], $0xffff;
	[tilespmem:s0+$0x6310] =	vst v32  }
0x6ee: {  	s14 =	smul.u32 $0xE00, s14;
	[tilespmem:s0+$0x6200] =	vst v42;
	v32 =	vld.idx.msk [tilespmem:v39+s2+$0x0], $0xffff  }
0x6ef: {  	v35 =	vadd.s32 $0xC400, v2;
	v38 =	vld [tilespmem:s16+$0x10C10]  }
0x6f0: {  	s14 =	sshra.s32 s14, $0x2;
	v39 =	vadd.s32 $0xD800, v1;
	v33 =	vld.idx.msk [tilespmem:v33+s2+$0x0], $0xffff;
	[tilespmem:s8+$0x4200] =	vst v47  }
0x6f1: {  	s14 =	sadd.s32 s14, s20;
	v47 =	vadd.s32 $0xEC00, v0;
	v42 =	vld.idx.msk [tilespmem:v25+s2+$0x0], $0xffff;
	v25 =	vmov v43  }
0x6f2: {  	s14 =	sadd.s32 $0x11000, s14;
	v43 =	vld.idx.msk [tilespmem:v18+s2+$0x0], $0xffff;
	v18 =	vmov v22;
	v22 =	vmov v30  }
0x6f3: {  	[tilespmem:s14+$0x4010] =	vst v34;
	v30 =	vld.idx.msk [tilespmem:v7+s2+$0x0], $0xffff;
	v7 =	vmov v8;
	v8 =	vmov v12;
	v12 =	vmov v36  }
0x6f4: {  	v34 =	vld.idx.msk [tilespmem:v35+s2+$0x0], $0xffff;
	[tilespmem:s8+$0x4290] =	vst v40;
	v32 =	vadd.f32 v38, v32  }
0x6f5: {  	v35 =	vld.idx.msk [tilespmem:v39+s2+$0x0], $0xffff;
	[tilespmem:s17+$0x6110] =	vst v28  }
0x6f6: {  	v28 =	vadd.s32 $0xC800, v2;
	v36 =	vld.idx.msk [tilespmem:v47+s2+$0x0], $0xffff;
	[tilespmem:s0+$0x6390] =	vst v32  }
0x6f7: {  	v32 =	vadd.s32 $0xDC00, v1;
	[tilespmem:s14+$0x4000] =	vst v33;
	v33 =	vld [tilespmem:s3+$0x10C00];
	s3 =	smov.u32 s16;
	s16 =	smov.u32 s4;
	s4 =	smov.u32 s9  }
0x6f8: {  	v38 =	vadd.s32 $0xF000, v0;
	s9 =	smov.u32 s20;
	v37 =	vld.idx.msk [tilespmem:v37+s2+$0x0], $0xffff;
	[tilespmem:s8+$0x4280] =	vst v42  }
0x6f9: {  	v39 =	vld.idx.msk [tilespmem:v24+s2+$0x0], $0xffff;
	[tilespmem:s17+$0x6080] =	vst v43;
	v24 =	vmov v45  }
0x6fa: {  	[tilespmem:s14+$0x4090] =	vst v34;
	v34 =	vld.idx.msk [tilespmem:v16+s2+$0x0], $0xffff;
	v16 =	vmov v19;
	v19 =	vmov v31  }
0x6fb: {  	v31 =	vld.idx.msk [tilespmem:v28+s2+$0x0], $0xffff;
	[tilespmem:s8+$0x4310] =	vst v35  }
0x6fc: {  	v40 =	vld.idx.msk [tilespmem:v32+s2+$0x0], $0xffff;
	[tilespmem:s17+$0x6190] =	vst v36;
	v28 =	vadd.f32 v33, v44  }
0x6fd: {  	v36 =	vadd.s32 $0xCC00, v2;
	v38 =	vld.idx.msk [tilespmem:v38+s2+$0x0], $0xffff;
	[tilespmem:s0+$0x6280] =	vst v30  }
0x6fe: {  	[tilespmem:s14+$0x4080] =	vst v37;
	v37 =	vadd.s32 $0xE000, v1;
	v30 =	vld.idx.msk [tilespmem:v4+s2+$0x0], $0xffff;
	v4 =	vmovc v6;
	v6 =	vmov v10;
	v10 =	vmov v49  }
.Ltmp7:
0x6ff: {  	v33 =	vadd.s32 $0xF400, v0;
	v35 =	vld.idx.msk [tilespmem:v41+s2+$0x0], $0xffff;
	[tilespmem:s8+$0x4300] =	vst v39;
	(pc) =	sbr.rel @p0 .LBB2_17-.Ltmp7, $4  }
0x700: {  	v32 =	vld.idx.msk [tilespmem:v23+s2+$0x0], $0xffff;
	[tilespmem:s17+$0x6100] =	vst v34;
	v23 =	vmov v46  }
0x701: {  	[tilespmem:s14+$0x4110] =	vst v31;
	v31 =	vld.idx.msk [tilespmem:v14+s2+$0x0], $0xffff;
	v14 =	vmov v17;
	v17 =	vmov v48  }
0x702: {  	v36 =	vld.idx.msk [tilespmem:v36+s2+$0x0], $0xffff;
	[tilespmem:s8+$0x4390] =	vst v40  }
0x703: {  	s19 =	sadd.s32 $0x80, s19;
	v34 =	vld.idx.msk [tilespmem:v37+s2+$0x0], $0xffff;
	[tilespmem:s17+$0x6210] =	vst v38  }
0x704: {  	_ =	sdelay $0x2  }
0x705: {  	v37 =	vadd.s32 $0xD000, v2;
	[tilespmem:s14+$0x4100] =	vst v35  }
0x706: {  	v29 =	vld.idx.msk [tilespmem:v29+s2+$0x0], $0xffff;
	_ =	sdelay $0x2  }
0x707: {  	[tilespmem:s14+$0x4190] =	vst v36  }
0x708: {  	v46 =	vld.idx.msk [tilespmem:v37+s2+$0x0], $0xffff  }
0x709: {  	v47 =	vadd.s32 $0xD400, v2;
	[tilespmem:s14+$0x4180] =	vst v29  }
0x70a: {  	v26 =	vld.idx.msk [tilespmem:v26+s2+$0x0], $0xffff;
	_ =	sdelay $0x2  }
0x70b: {  	[tilespmem:s14+$0x4210] =	vst v46  }
0x70c: {  	v48 =	vld.idx.msk [tilespmem:v47+s2+$0x0], $0xffff  }
0x70d: {  	v49 =	vadd.s32 $0xD800, v2;
	[tilespmem:s14+$0x4200] =	vst v26  }
0x70e: {  	v25 =	vld.idx.msk [tilespmem:v25+s2+$0x0], $0xffff;
	_ =	sdelay $0x2  }
0x70f: {  	[tilespmem:s14+$0x4290] =	vst v48  }
0x710: {  	v50 =	vld.idx.msk [tilespmem:v49+s2+$0x0], $0xffff  }
0x711: {  	v51 =	vadd.s32 $0xDC00, v2;
	[tilespmem:s14+$0x4280] =	vst v25  }
0x712: {  	v24 =	vld.idx.msk [tilespmem:v24+s2+$0x0], $0xffff;
	_ =	sdelay $0x2  }
0x713: {  	[tilespmem:s14+$0x4310] =	vst v50  }
0x714: {  	[tilespmem:s8+$0x4380] =	vst v32;
	v52 =	vld.idx.msk [tilespmem:v51+s2+$0x0], $0xffff  }
0x715: {  	v53 =	vadd.s32 $0xE000, v2;
	v21 =	vld.idx.msk [tilespmem:v21+s2+$0x0], $0xffff;
	[tilespmem:s14+$0x4300] =	vst v24  }
0x716: {  	v23 =	vld.idx.msk [tilespmem:v23+s2+$0x0], $0xffff;
	_ =	sdelay $0x2  }
0x717: {  	v54 =	vadd.s32 $0xE400, v1;
	[tilespmem:s14+$0x4390] =	vst v52  }
0x718: {  	[tilespmem:s8+$0x6000] =	vst v21;
	v55 =	vld.idx.msk [tilespmem:v53+s2+$0x0], $0xffff  }
0x719: {  	v57 =	vadd.s32 $0xE400, v2;
	v18 =	vld.idx.msk [tilespmem:v18+s2+$0x0], $0xffff;
	[tilespmem:s14+$0x4380] =	vst v23  }
0x71a: {  	v23 =	vld.idx.msk [tilespmem:v27+s2+$0x0], $0xffff  }
0x71b: {  	[tilespmem:s8+$0x6010] =	vst v34  }
0x71c: {  	v56 =	vld.idx.msk [tilespmem:v54+s2+$0x0], $0xffff  }
0x71d: {  	v58 =	vadd.s32 $0xE800, v1;
	v59 =	vld.idx.msk [tilespmem:v33+s2+$0x0], $0xffff;
	[tilespmem:s14+$0x6010] =	vst v55  }
0x71e: {  	[tilespmem:s8+$0x6080] =	vst v18;
	v24 =	vld.idx.msk [tilespmem:v57+s2+$0x0], $0xffff  }
0x71f: {  	v61 =	vadd.s32 $0xE800, v2;
	v16 =	vld.idx.msk [tilespmem:v16+s2+$0x0], $0xffff;
	[tilespmem:s14+$0x6000] =	vst v23  }
0x720: {  	[tilespmem:s0+$0x6300] =	vst v30;
	v22 =	vld.idx.msk [tilespmem:v22+s2+$0x0], $0xffff  }
0x721: {  	v15 =	vld.idx.msk [tilespmem:v15+s2+$0x0], $0xffff;
	[tilespmem:s8+$0x6090] =	vst v56  }
0x722: {  	v60 =	vadd.s32 $0xF800, v0;
	[tilespmem:s17+$0x6180] =	vst v31;
	v25 =	vld.idx.msk [tilespmem:v58+s2+$0x0], $0xffff  }
0x723: {  	v62 =	vadd.s32 $0xEC00, v1;
	v13 =	vld.idx.msk [tilespmem:v13+s2+$0x0], $0xffff;
	[tilespmem:s14+$0x6090] =	vst v24  }
0x724: {  	[tilespmem:s8+$0x6100] =	vst v16;
	v63 =	vld.idx.msk [tilespmem:v61+s2+$0x0], $0xffff  }
0x725: {  	v31 =	vadd.s32 $0xEC00, v2;
	v14 =	vld.idx.msk [tilespmem:v14+s2+$0x0], $0xffff;
	[tilespmem:s14+$0x6080] =	vst v22  }
0x726: {  	[tilespmem:s17+$0x6290] =	vst v59;
	v19 =	vld.idx.msk [tilespmem:v19+s2+$0x0], $0xffff  }
0x727: {  	v21 =	vld.idx.msk [tilespmem:v60+s2+$0x0], $0xffff;
	[tilespmem:s8+$0x6110] =	vst v25  }
0x728: {  	v33 =	vadd.s32 $0xFC00, v0;
	[tilespmem:s17+$0x6200] =	vst v13;
	v29 =	vld.idx.msk [tilespmem:v62+s2+$0x0], $0xffff  }
0x729: {  	v32 =	vadd.s32 $0xF000, v1;
	v7 =	vld.idx.msk [tilespmem:v7+s2+$0x0], $0xffff;
	[tilespmem:s14+$0x6110] =	vst v63  }
0x72a: {  	[tilespmem:s8+$0x6180] =	vst v14;
	v34 =	vld.idx.msk [tilespmem:v31+s2+$0x0], $0xffff  }
0x72b: {  	v36 =	vadd.s32 $0xF000, v2;
	v11 =	vld.idx.msk [tilespmem:v11+s2+$0x0], $0xffff;
	[tilespmem:s14+$0x6100] =	vst v19  }
0x72c: {  	[tilespmem:s17+$0x6310] =	vst v21;
	v38 =	vld.idx.msk [tilespmem:v17+s2+$0x0], $0xffff  }
0x72d: {  	v0 =	vld.idx.msk [tilespmem:v33+s2+$0x0], $0xffff;
	[tilespmem:s8+$0x6190] =	vst v29  }
0x72e: {  	v35 =	vld.idx.msk [tilespmem:v32+s2+$0x0], $0xffff  }
0x72f: {  	v37 =	vadd.s32 $0xF400, v1;
	v42 =	vld [tilespmem:s16+$0x10C10];
	[tilespmem:s14+$0x6190] =	vst v34  }
0x730: {  	[tilespmem:s8+$0x6200] =	vst v11;
	v39 =	vld.idx.msk [tilespmem:v36+s2+$0x0], $0xffff  }
0x731: {  	v41 =	vadd.s32 $0xF400, v2;
	v8 =	vld.idx.msk [tilespmem:v8+s2+$0x0], $0xffff;
	[tilespmem:s14+$0x6180] =	vst v38  }
0x732: {  	[tilespmem:s17+$0x6280] =	vst v7;
	v44 =	vld.idx.msk [tilespmem:v20+s2+$0x0], $0xffff  }
0x733: {  	v4 =	vld.idx.msk [tilespmem:v4+s2+$0x0], $0xffff;
	[tilespmem:s8+$0x6210] =	vst v35  }
0x734: {  	v40 =	vld.idx.msk [tilespmem:v37+s2+$0x0], $0xffff  }
0x735: {  	v43 =	vadd.s32 $0xF800, v1;
	v48 =	vld [tilespmem:s3+$0x10C00];
	[tilespmem:s14+$0x6210] =	vst v39  }
0x736: {  	[tilespmem:s8+$0x6280] =	vst v8;
	v45 =	vld.idx.msk [tilespmem:v41+s2+$0x0], $0xffff  }
0x737: {  	v47 =	vadd.s32 $0xF800, v2;
	v6 =	vld.idx.msk [tilespmem:v6+s2+$0x0], $0xffff;
	[tilespmem:s14+$0x6200] =	vst v44  }
0x738: {  	[tilespmem:s17+$0x6300] =	vst v4;
	v50 =	vld.idx.msk [tilespmem:v12+s2+$0x0], $0xffff  }
0x739: {  	v3 =	vld.idx.msk [tilespmem:v3+s2+$0x0], $0xffff;
	[tilespmem:s8+$0x6290] =	vst v40  }
0x73a: {  	v46 =	vld.idx.msk [tilespmem:v43+s2+$0x0], $0xffff  }
0x73b: {  	v49 =	vadd.s32 $0xFC00, v1;
	v54 =	vld [tilespmem:s16+$0x10C00];
	[tilespmem:s14+$0x6290] =	vst v45  }
0x73c: {  	[tilespmem:s8+$0x6300] =	vst v6;
	v51 =	vld.idx.msk [tilespmem:v47+s2+$0x0], $0xffff  }
0x73d: {  	v52 =	vadd.s32 $0xFC00, v2;
	v5 =	vld.idx.msk [tilespmem:v5+s2+$0x0], $0xffff;
	[tilespmem:s14+$0x6280] =	vst v50  }
0x73e: {  	v4 =	vld.idx.msk [tilespmem:v10+s2+$0x0], $0xffff  }
0x73f: {  	v56 =	vld [tilespmem:s4+$0x10C00];
	[tilespmem:s8+$0x6310] =	vst v46  }
0x740: {  	v1 =	vld.idx.msk [tilespmem:v49+s2+$0x0], $0xffff  }
0x741: {  	v53 =	vld [tilespmem:s4+$0x10C10];
	[tilespmem:s14+$0x6310] =	vst v51  }
0x742: {  	v2 =	vld.idx.msk [tilespmem:v52+s2+$0x0], $0xffff  }
0x743: {  	v55 =	vld [tilespmem:s9+$0x10C10];
	[tilespmem:s14+$0x6300] =	vst v4  }
0x744: {  	v0 =	vadd.f32 v42, v0;
	v4 =	vld.idx.msk [tilespmem:v9+s2+$0x0], $0xffff  }
0x745: {  	[tilespmem:s29+$0x6380] =	vst v28;
	v60 =	vadd.f32 v54, v3;
	v58 =	vld [tilespmem:s9+$0x10C00]  }
0x746: {  	[tilespmem:s17+$0x6390] =	vst v0;
	v57 =	vadd.f32 v48, v15  }
0x747: {  	s26 =	sadd.s32 $0x1, s26;
	[tilespmem:s17+$0x6380] =	vst v60;
	v62 =	vadd.f32 v56, v5  }
0x748: {  	p0 =	sne.s32 s26, $0x10;
	[tilespmem:s0+$0x6380] =	vst v57;
	v59 =	vadd.f32 v53, v1  }
.Ltmp8:
0x749: {  	[tilespmem:s8+$0x6380] =	vst v62;
	v61 =	vadd.f32 v55, v2;
	(pc) =	sbr.rel @p0 .LBB2_2-.Ltmp8, $4  }
0x74a: {  	[tilespmem:s8+$0x6390] =	vst v59;
	v63 =	vadd.f32 v58, v4  }
0x74b: {  	[tilespmem:s14+$0x6390] =	vst v61  }
0x74c: {  	s31 =	sadd.s32 s28, s12;
	[tilespmem:s14+$0x6380] =	vst v63  }
0x74d: {  	[hbm4b:s31+s2] =	stream.linear.scatter [tilespmem:s22], [sflag:$0x3], $0x4000, $0x38;
	[tilespmem:$0x19000] =	vst v63  }
0x74e: {  	_ =	swait.ge [sflag:s23], $0x4000  }
0x74f: {  	[sflag:s23] =	ssyncset.done $0x0  }
0x750: {  	[sflag:s23] =	ssyncadd.s32 $0xFFFFC000  }
0x751: {  	_ =	swait.ge [sflag:s24], $0x4000  }
0x752: {  	s3 =	rddreg [dreg:$0x7]  }
0x753: {  	s0 =	rddreg [dreg:$0x6];
	s3 =	sadd.s32 $0x1, s3  }
0x754: {  	p0 =	sne.s32 s3, s0  }
.Ltmp9:
0x755: {  	_ = 	snop;
	(pc) =	sbr.rel @p0 .LBB2_1-.Ltmp9, $3  }
0x756: {  	_ =	sdelay $0x1  }
0x757: {  	[sflag:s24] =	ssyncset.done $0x0  }
0x758: {  	[sflag:s24] =	ssyncadd.s32 $0xFFFFC000  }
0x759: {  	_ =	sfence.sel $0x180000  }
0x75a: {  	[bflag:$0x0] =	sbarrier.arrive $0xFFFF  }
0x75b: {  	_ =	strace $0x90000047  }
0x75c: {  	s0 =	stileid.u32;
	[bflag:$0x2] =	sbarrier.arrive $0xFFFF  }
0x75d: {  	p0 =	sne.s32 s0, $0x0;
	s0 =	rddreg [dreg:$0x2]  }
0x75e: {  	s0 =	sadd.s32 @!p0 $0x100000, s0  }
0x75f: {  	[sflag:s0] =	ssyncadd.tile.s32 @!p0 $0x1;
	_ =	shalt  }
.Lfunc_end2:
_tile_overlayer_lowered:
.L_overlay_start_2:
0x760: {  	(tag) =	ssettag $0x2  }
0x761: {  	s0 =	rddreg [dreg:$0x0];
	s2 =	stileid.u32  }
0x762: {  	s1 =	rddreg [dreg:$0x1];
	p0 =	sne.s32 s2, $0x0  }
0x763: {  	s3 =	rddreg [dreg:$0x2];
	[bflag:$0x3] =	sbarrier.arrive $0xFFFF;
	s2 =	simm.s32 @!p0 $0x1C04  }
0x764: {  	[timem:s3], [sflag:s2] =	dma.local @!p0 [hbm:s0], s1  }
0x765: {  	s0 =	simm.s32 @!p0 $0x4  }
0x766: {  	_ =	swait.ge @!p0 [sflag:s0], s1  }
0x767: {  	s1 =	ssub.s32 @!p0 $0x0, s1;
	[sflag:s0] =	ssyncset.done @!p0 $0x0  }
0x768: {  	[sflag:s0] =	ssyncadd.s32 @!p0 s1  }
0x769: {  	[bflag:$0x3] =	sbarrier.arrive $0xFFFF  }
0x76a: {  	_ =	shalt  }

</sc_bundles>
